<compile_context>
chip_gen: v7x
topology: tpu7x:2x2x1
jax: 0.10.2.dev20260603
libtpu: 0.0.44.dev20260713+nightly
codegen_flags: <defaults>
</compile_context>

<pallas_src>
import functools

import jax
import jax.numpy as jnp
from jax import lax
from jax.experimental import pallas as pl
from jax.experimental.pallas import tpu as pltpu
from jax.experimental.pallas import tpu_sc as plsc

N = 100000
D = 128
GRID = 5
BLK = N // GRID

_NT = (((1,), (1,)), ((), ()))

NSUB = 16
CHUNK = 6400
LAST_LEN = N - (NSUB - 1) * CHUNK
NEG = float("-inf")
BIG = 2**31 - 1


def _cos_kernel(e_ref, col_ref, cos_ref):
    e = e_ref[...]
    qn = e / jnp.sqrt(jnp.sum(e * e) + 1e-12)
    x = col_ref[...]
    ones = jnp.ones((1, D), jnp.float32)
    ss = lax.dot_general(ones, x * x, _NT,
                         preferred_element_type=jnp.float32)
    dp = lax.dot_general(qn, x, _NT,
                         preferred_element_type=jnp.float32)
    cos_ref[...] = (dp / jnp.sqrt(ss + 1e-12))[None]


def _lanes():
    return lax.iota(jnp.int32, 16)


def _permute(x, perm):
    return lax.gather(
        x, perm[:, None],
        lax.GatherDimensionNumbers(offset_dims=(), collapsed_slice_dims=(0,),
                                   start_index_map=(0,)),
        slice_sizes=(1,),
        mode=lax.GatherScatterMode.PROMISE_IN_BOUNDS)


def _bfly_argmax(m, pi):
    lanes = _lanes()
    for k in (1, 2, 4, 8):
        perm = jnp.bitwise_xor(lanes, k)
        gm = _permute(m, perm)
        gp = _permute(pi, perm)
        better = (gm > m) | ((gm == m) & (gp < pi))
        m = jnp.where(better, gm, m)
        pi = jnp.where(better, gp, pi)
    return m, pi


def _bfly_max(v):
    lanes = _lanes()
    for k in (1, 2, 4, 8):
        v = jnp.maximum(v, _permute(v, jnp.bitwise_xor(lanes, k)))
    return v


def _bfly_min(v):
    lanes = _lanes()
    for k in (1, 2, 4, 8):
        v = jnp.minimum(v, _permute(v, jnp.bitwise_xor(lanes, k)))
    return v


def _sc_vote(cos_hbm, lab_hbm, pred_hbm, conf_hbm, nconf_hbm,
             cos_v, vec_f, vec_i, cand_v, cpos_v, idx_v, lab_v,
             sh_vals, sh_pos, sem):
    core = lax.axis_index("c")
    sub = lax.axis_index("s")
    lanes = _lanes()
    lane0 = lanes == 0

    @pl.when(core == 0)
    def _worker():
        base = sub * CHUNK

        @pl.when(sub == NSUB - 1)
        def _pad_tail():
            def fill(i, _):
                cos_v[pl.ds(LAST_LEN + i * 16, 16)] = (
                    jnp.full((16,), NEG, jnp.float32))
                return 0
            lax.fori_loop(0, (CHUNK - LAST_LEN) // 16, fill, 0)

        pltpu.sync_copy(cos_hbm.at[pl.ds(base, LAST_LEN)],
                        cos_v.at[pl.ds(0, LAST_LEN)])

        @pl.when(sub < NSUB - 1)
        def _rest():
            pltpu.sync_copy(cos_hbm.at[pl.ds(base + LAST_LEN,
                                             CHUNK - LAST_LEN)],
                            cos_v.at[pl.ds(LAST_LEN, CHUNK - LAST_LEN)])

        acc_v = jnp.full((16,), NEG, jnp.float32)
        acc_p = jnp.zeros((16,), jnp.int32)
        for t in range(10):
            def body(i, carry):
                m, pi, idx = carry
                v = cos_v[pl.ds(i * 16, 16)]
                gt = v > m
                return (jnp.where(gt, v, m), jnp.where(gt, idx, pi),
                        idx + 16)
            m, pi, _ = lax.fori_loop(
                0, CHUNK // 16, body,
                (jnp.full((16,), NEG, jnp.float32),
                 jnp.zeros((16,), jnp.int32), lanes))
            mx, pmin = _bfly_argmax(m, pi)
            acc_v = jnp.where(lanes == t, mx, acc_v)
            acc_p = jnp.where(lanes == t, pmin, acc_p)
            plsc.store_scatter(cos_v, [pmin],
                               jnp.full((16,), NEG, jnp.float32), mask=lane0)
        vec_f[...] = acc_v
        vec_i[...] = acc_p
        pltpu.touch(vec_f)
        pltpu.touch(vec_i)
        pl.delay(200)
        pltpu.sync_copy(vec_f, sh_vals.at[pl.ds(sub * 16, 16)])
        pltpu.sync_copy(vec_i, sh_pos.at[pl.ds(sub * 16, 16)])

    plsc.subcore_barrier()

    @pl.when((core == 0) & (sub == 0))
    def _merge():
        for w in range(NSUB):
            pltpu.sync_copy(sh_vals.at[pl.ds(w * 16, 16)],
                            cand_v.at[pl.ds(w * 16, 16)])
            pltpu.sync_copy(sh_pos.at[pl.ds(w * 16, 16)],
                            cpos_v.at[pl.ds(w * 16, 16)])
        nb_v = jnp.full((16,), NEG, jnp.float32)
        nb_g = jnp.zeros((16,), jnp.int32)
        for t in range(10):
            m = jnp.full((16,), NEG, jnp.float32)
            pi = jnp.zeros((16,), jnp.int32)
            for w in range(NSUB):
                v = cand_v[pl.ds(w * 16, 16)]
                gt = v > m
                m = jnp.where(gt, v, m)
                pi = jnp.where(gt, lanes + (w * 16), pi)
            mx, pmin = _bfly_argmax(m, pi)
            lp = plsc.load_gather(cpos_v, [pmin])
            gpos = lp + (pmin // 16) * CHUNK
            if t >= 1:
                nb_v = jnp.where(lanes == t - 1, mx, nb_v)
                nb_g = jnp.where(lanes == t - 1, gpos, nb_g)
            plsc.store_scatter(cand_v, [pmin],
                               jnp.full((16,), NEG, jnp.float32), mask=lane0)
        idx_v[...] = nb_g
        pltpu.async_copy(lab_hbm.at[idx_v], lab_v, sem).wait()
        lv = lab_v[...]
        valid = lanes < 9
        cnts = jnp.zeros((16,), jnp.int32)
        for k in range(9):
            bk = _permute(lv, jnp.full((16,), k, jnp.int32))
            cnts = cnts + jnp.where(lv == bk, 1, 0)
        cnts = jnp.where(valid, cnts, 0)
        best = _bfly_max(cnts)
        winner = _bfly_min(jnp.where((cnts == best) & valid, lv, BIG))
        firstj = _bfly_min(jnp.where((lv == winner) & valid, lanes, BIG))
        conf = _bfly_max(jnp.where(lanes == firstj, nb_v, NEG))
        nconf = best.astype(jnp.float32) / jnp.float32(9.0)
        vec_i[...] = winner
        pltpu.touch(vec_i)
        pl.delay(200)
        pltpu.sync_copy(vec_i, pred_hbm)
        vec_f[...] = conf
        pltpu.touch(vec_f)
        pl.delay(200)
        pltpu.sync_copy(vec_f, conf_hbm)
        vec_f[...] = nconf
        pltpu.touch(vec_f)
        pl.delay(200)
        pltpu.sync_copy(vec_f, nconf_hbm)


_vote_call = functools.partial(
    pl.kernel,
    out_type=[
        jax.ShapeDtypeStruct((16,), jnp.int32),
        jax.ShapeDtypeStruct((16,), jnp.float32),
        jax.ShapeDtypeStruct((16,), jnp.float32),
    ],
    mesh=plsc.VectorSubcoreMesh(core_axis_name="c", subcore_axis_name="s",
                                num_cores=2, num_subcores=NSUB),
    compiler_params=pltpu.CompilerParams(needs_layout_passes=False),
    scratch_types=[
        pltpu.VMEM((CHUNK,), jnp.float32),
        pltpu.VMEM((16,), jnp.float32),
        pltpu.VMEM((16,), jnp.int32),
        pltpu.VMEM((NSUB * 16,), jnp.float32),
        pltpu.VMEM((NSUB * 16,), jnp.int32),
        pltpu.VMEM((16,), jnp.int32),
        pltpu.VMEM((16,), jnp.int32),
        pltpu.VMEM_SHARED((NSUB * 16,), jnp.float32),
        pltpu.VMEM_SHARED((NSUB * 16,), jnp.int32),
        pltpu.SemaphoreType.DMA,
    ],
)(_sc_vote)


def kernel(embedding, embedding_collection, labels_int):
    cos = pl.pallas_call(
        _cos_kernel,
        grid=(GRID,),
        in_specs=[
            pl.BlockSpec((1, D), lambda i: (0, 0)),
            pl.BlockSpec((BLK, D), lambda i: (i, 0)),
        ],
        out_specs=pl.BlockSpec((1, 1, BLK), lambda i: (i, 0, 0)),
        out_shape=jax.ShapeDtypeStruct((GRID, 1, BLK), jnp.float32),
    )(embedding, embedding_collection)
    pred, conf, nconf = _vote_call(cos.reshape(N), labels_int)
    return (pred[0], conf[0], nconf[0])

# --- scband reference (transcript-rebuilt; emitter-appended) ---
"""Pipeline reference for scband-knearest-neigbors-58617713656403 (READ-ONLY COPY).

The authoritative reference and input builder live on the scoring server;
editing this copy changes nothing except your own understanding.
"""

import jax, jax.numpy as jnp
import numpy as np

K = 10
NUM_CLASSES = 1000
N = 100000
D = 128

def l2_norm(x):
    normp = jnp.sum(jnp.power(x, 2), axis=1) + 1e-12
    norm = jnp.sqrt(normp)
    return x / norm[:, None]

def setup_inputs(seed: int = 0) -> dict:
    key = jax.random.key(seed)
    k1, k2, k3 = jax.random.split(key, 3)
    embedding = jax.random.normal(k1, (1, D), dtype=jnp.float32)
    embedding_collection = jax.random.normal(k2, (N, D), dtype=jnp.float32)
    labels_int = jax.random.randint(k3, (N,), 0, NUM_CLASSES, dtype=jnp.int32)
    return {"embedding": embedding, "embedding_collection": embedding_collection, "labels_int": labels_int}

def reference(embedding, embedding_collection, labels_int):
    # cos_sim = linear(l2_norm(collection), l2_norm(embedding)[0]) -> [N]
    q = l2_norm(embedding)[0]
    cos_sim = l2_norm(embedding_collection) @ q
    vals, idx = jax.lax.top_k(cos_sim, 1 + K)
    # torch slicing [1:K] keeps K-1 neighbours (faithful to original code)
    indexes = idx[1:K]
    probs = vals[1:K]
    preds_int = labels_int[indexes]
    # unique + counts argmax == bincount argmax (lowest label wins ties in both)
    counts = jnp.bincount(preds_int, length=NUM_CLASSES)
    pred_single_int = jnp.argmax(counts)
    neighbour_confidence = jnp.max(counts) / jnp.sum(counts)
    index_cond = preds_int == pred_single_int
    first = jnp.argmax(index_cond)
    confidence = probs[first]
    return (pred_single_int, confidence, neighbour_confidence)

if __name__ == "__main__":
    import jax
    _d = setup_inputs()
    print(jax.jit(kernel)(*tuple(_d.values())))

</pallas_src>

<mosaic_0001>
#map = affine_map<(d0, d1) -> (0)>
module attributes {stable_mosaic.version = 14 : i64} {
  func.func @_sc_vote(%arg0: i32, %arg1: i32, %arg2: memref<100000xf32, #tpu.memory_space<hbm>>, %arg3: memref<100000xi32, #tpu.memory_space<hbm>>, %arg4: memref<16xi32, #tpu.memory_space<hbm>>, %arg5: memref<16xf32, #tpu.memory_space<hbm>>, %arg6: memref<16xf32, #tpu.memory_space<hbm>>, %arg7: memref<6400xf32, #tpu.memory_space<vmem>>, %arg8: memref<16xf32, #tpu.memory_space<vmem>>, %arg9: memref<16xi32, #tpu.memory_space<vmem>>, %arg10: memref<256xf32, #tpu.memory_space<vmem>>, %arg11: memref<256xi32, #tpu.memory_space<vmem>>, %arg12: memref<16xi32, #tpu.memory_space<vmem>>, %arg13: memref<16xi32, #tpu.memory_space<vmem>>, %arg14: memref<256xf32, #tpu.memory_space<vmem_shared>>, %arg15: memref<256xi32, #tpu.memory_space<vmem_shared>>, %arg16: memref<!tpu.dma_semaphore, #tpu.memory_space<semaphore_mem>>) attributes {dimension_semantics = [#tpu.dimension_semantics<core_parallel>, #tpu.dimension_semantics<subcore_parallel>], iteration_bounds = array<i64: 2, 16>, scalar_prefetch = 0 : i64, scratch_operands = 10 : i64, tpu.core_type = #tpu.core_type<sc_vector_subcore>, window_params = [{transform_indices = #map}, {transform_indices = #map}, {transform_indices = #map}, {transform_indices = #map}, {transform_indices = #map}]} {
    %iota3A = tpu.iota {dimensions = array<i32: 0>} : vector<16xi32>
    %eq3A = arith.constant 0 : i32
    %eq3A_0 = vector.broadcast %eq3A : i32 to vector<16xi32>
    %eq3A_1 = arith.cmpi eq, %iota3A, %eq3A_0 : vector<16xi32>
    %eq3A_2 = arith.constant 0 : i32
    %eq3A_3 = arith.cmpi eq, %arg0, %eq3A_2 : i32
    %convert_element_type3A = arith.extui %eq3A_3 : i1 to i32
    %cond3A = arith.constant 0 : i32
    %cond3A_4 = arith.cmpi ne, %convert_element_type3A, %cond3A : i32
    scf.if %cond3A_4 {
      %mul3A = arith.constant 6400 : i32
      %mul3A_12 = arith.muli %arg1, %mul3A : i32
      %eq3A_13 = arith.constant 15 : i32
      %eq3A_14 = arith.cmpi eq, %arg1, %eq3A_13 : i32
      %convert_element_type3A_15 = arith.extui %eq3A_14 : i1 to i32
      %cond3A_16 = arith.constant 0 : i32
      %cond3A_17 = arith.cmpi ne, %convert_element_type3A_15, %cond3A_16 : i32
      scf.if %cond3A_17 {
        %scan3A_876 = arith.constant 0 : i32
        %scan3A_877 = arith.constant 0 : i32
        %scan3A_878 = arith.constant 150 : i32
        %scan3A_879 = arith.addi %scan3A_877, %scan3A_878 : i32
        %scan3A_880 = arith.constant 1 : i32
        %scan3A_881 = scf.for %scan3A_883 = %scan3A_877 to %scan3A_879 step %scan3A_880 iter_args(%scan3A_884 = %scan3A_876) -> (i32)  : i32 {
          %broadcast_in_dim3A_885 = arith.constant 0xFF800000 : f32
          %broadcast_in_dim3A_886 = vector.broadcast %broadcast_in_dim3A_885 : f32 to vector<16xf32>
          %mul3A_887 = arith.constant 16 : i32
          %mul3A_888 = arith.muli %scan3A_883, %mul3A_887 : i32
          %add3A = arith.constant 4000 : i32
          %add3A_889 = arith.addi %add3A, %mul3A_888 : i32
          %swap3A_890 = arith.index_cast %add3A_889 : i32 to index
          %swap3A_891 = tpu.vector_load %arg7[%swap3A_890] {strides = array<i32>} : memref<6400xf32, #tpu.memory_space<vmem>>, vector<16xf32>,
          tpu.vector_store %arg7[%swap3A_890], %broadcast_in_dim3A_886 {strides = array<i32>} : memref<6400xf32, #tpu.memory_space<vmem>>, vector<16xf32>,
          %scan3A_892 = arith.constant 0 : i32
          scf.yield %scan3A_892 : i32
        }
        %scan3A_882 = arith.constant 150 : i32
      } else {
      }
      "tpu.region"() ({
        %run_scoped3A = tpu.sem_alloc : memref<!tpu.dma_semaphore, #tpu.memory_space<semaphore_mem>>
        %dma_start3A = arith.constant 0 : i32
        %dma_start3A_876 = tpu.memref_slice %arg7[%dma_start3A] : memref<6400xf32, #tpu.memory_space<vmem>> -> memref<4000xf32, #tpu.memory_space<vmem>>
        %dma_start3A_877 = tpu.memref_slice %arg2[%mul3A_12] : memref<100000xf32, #tpu.memory_space<hbm>> -> memref<4000xf32, #tpu.memory_space<hbm>>
        %dma_start3A_878 = arith.constant 0 : i32
        %dma_start3A_879 = tpu.memref_slice %arg7[%dma_start3A_878] : memref<6400xf32, #tpu.memory_space<vmem>> -> memref<4000xf32, #tpu.memory_space<vmem>>
        %dma_start3A_880 = tpu.memref_slice %arg2[%mul3A_12] : memref<100000xf32, #tpu.memory_space<hbm>> -> memref<4000xf32, #tpu.memory_space<hbm>>
        tpu.enqueue_dma source(%dma_start3A_880 : memref<4000xf32, #tpu.memory_space<hbm>>) target(%dma_start3A_879 : memref<4000xf32, #tpu.memory_space<vmem>>) target_semaphore(%run_scoped3A : memref<!tpu.dma_semaphore, #tpu.memory_space<semaphore_mem>>)
        %dma_wait3A = arith.constant 0 : i32
        %dma_wait3A_881 = tpu.memref_slice %arg7[%dma_wait3A] : memref<6400xf32, #tpu.memory_space<vmem>> -> memref<4000xf32, #tpu.memory_space<vmem>>
        %dma_wait3A_882 = tpu.memref_slice %arg2[%mul3A_12] : memref<100000xf32, #tpu.memory_space<hbm>> -> memref<4000xf32, #tpu.memory_space<hbm>>
        %dma_wait3A_883 = arith.constant 0 : i32
        %dma_wait3A_884 = tpu.memref_slice %arg7[%dma_wait3A_883] : memref<6400xf32, #tpu.memory_space<vmem>> -> memref<4000xf32, #tpu.memory_space<vmem>>
        %dma_wait3A_885 = tpu.memref_slice %arg2[%mul3A_12] : memref<100000xf32, #tpu.memory_space<hbm>> -> memref<4000xf32, #tpu.memory_space<hbm>>
        tpu.wait_dma2 semaphore(%run_scoped3A : memref<!tpu.dma_semaphore, #tpu.memory_space<semaphore_mem>>) src(%dma_wait3A_885 : memref<4000xf32, #tpu.memory_space<hbm>>) dst(%dma_wait3A_884 : memref<4000xf32, #tpu.memory_space<vmem>>)
        tpu.yield
      }) : () -> ()
      %lt3A = arith.constant 15 : i32
      %lt3A_18 = arith.cmpi slt, %arg1, %lt3A : i32
      %convert_element_type3A_19 = arith.extui %lt3A_18 : i1 to i32
      %cond3A_20 = arith.constant 0 : i32
      %cond3A_21 = arith.cmpi ne, %convert_element_type3A_19, %cond3A_20 : i32
      scf.if %cond3A_21 {
        %add3A = arith.constant 4000 : i32
        %add3A_876 = arith.addi %mul3A_12, %add3A : i32
        "tpu.region"() ({
          %run_scoped3A = tpu.sem_alloc : memref<!tpu.dma_semaphore, #tpu.memory_space<semaphore_mem>>
          %dma_start3A = arith.constant 4000 : i32
          %dma_start3A_877 = tpu.memref_slice %arg7[%dma_start3A] : memref<6400xf32, #tpu.memory_space<vmem>> -> memref<2400xf32, #tpu.memory_space<vmem>>
          %dma_start3A_878 = tpu.memref_slice %arg2[%add3A_876] : memref<100000xf32, #tpu.memory_space<hbm>> -> memref<2400xf32, #tpu.memory_space<hbm>>
          %dma_start3A_879 = arith.constant 4000 : i32
          %dma_start3A_880 = tpu.memref_slice %arg7[%dma_start3A_879] : memref<6400xf32, #tpu.memory_space<vmem>> -> memref<2400xf32, #tpu.memory_space<vmem>>
          %dma_start3A_881 = tpu.memref_slice %arg2[%add3A_876] : memref<100000xf32, #tpu.memory_space<hbm>> -> memref<2400xf32, #tpu.memory_space<hbm>>
          tpu.enqueue_dma source(%dma_start3A_881 : memref<2400xf32, #tpu.memory_space<hbm>>) target(%dma_start3A_880 : memref<2400xf32, #tpu.memory_space<vmem>>) target_semaphore(%run_scoped3A : memref<!tpu.dma_semaphore, #tpu.memory_space<semaphore_mem>>)
          %dma_wait3A = arith.constant 4000 : i32
          %dma_wait3A_882 = tpu.memref_slice %arg7[%dma_wait3A] : memref<6400xf32, #tpu.memory_space<vmem>> -> memref<2400xf32, #tpu.memory_space<vmem>>
          %dma_wait3A_883 = tpu.memref_slice %arg2[%add3A_876] : memref<100000xf32, #tpu.memory_space<hbm>> -> memref<2400xf32, #tpu.memory_space<hbm>>
          %dma_wait3A_884 = arith.constant 4000 : i32
          %dma_wait3A_885 = tpu.memref_slice %arg7[%dma_wait3A_884] : memref<6400xf32, #tpu.memory_space<vmem>> -> memref<2400xf32, #tpu.memory_space<vmem>>
          %dma_wait3A_886 = tpu.memref_slice %arg2[%add3A_876] : memref<100000xf32, #tpu.memory_space<hbm>> -> memref<2400xf32, #tpu.memory_space<hbm>>
          tpu.wait_dma2 semaphore(%run_scoped3A : memref<!tpu.dma_semaphore, #tpu.memory_space<semaphore_mem>>) src(%dma_wait3A_886 : memref<2400xf32, #tpu.memory_space<hbm>>) dst(%dma_wait3A_885 : memref<2400xf32, #tpu.memory_space<vmem>>)
          tpu.yield
        }) : () -> ()
      } else {
      }
      %broadcast_in_dim3A = arith.constant 0xFF800000 : f32
      %broadcast_in_dim3A_22 = vector.broadcast %broadcast_in_dim3A : f32 to vector<16xf32>
      %broadcast_in_dim3A_23 = arith.constant 0 : i32
      %broadcast_in_dim3A_24 = vector.broadcast %broadcast_in_dim3A_23 : i32 to vector<16xi32>
      %broadcast_in_dim3A_25 = arith.constant 0xFF800000 : f32
      %broadcast_in_dim3A_26 = vector.broadcast %broadcast_in_dim3A_25 : f32 to vector<16xf32>
      %broadcast_in_dim3A_27 = arith.constant 0 : i32
      %broadcast_in_dim3A_28 = vector.broadcast %broadcast_in_dim3A_27 : i32 to vector<16xi32>
      %scan3A = arith.constant 0 : i32
      %scan3A_29 = arith.constant 400 : i32
      %scan3A_30 = arith.addi %scan3A, %scan3A_29 : i32
      %scan3A_31 = arith.constant 1 : i32
      %scan3A_32:3 = scf.for %scan3A_876 = %scan3A to %scan3A_30 step %scan3A_31 iter_args(%scan3A_877 = %broadcast_in_dim3A_26, %scan3A_878 = %broadcast_in_dim3A_28, %scan3A_879 = %iota3A) -> (vector<16xf32>, vector<16xi32>, vector<16xi32>)  : i32 {
        %mul3A_880 = arith.constant 16 : i32
        %mul3A_881 = arith.muli %scan3A_876, %mul3A_880 : i32
        %get3A = arith.index_cast %mul3A_881 : i32 to index
        %get3A_882 = tpu.vector_load %arg7[%get3A] {strides = array<i32>} : memref<6400xf32, #tpu.memory_space<vmem>>, vector<16xf32>,
        %gt3A_883 = arith.cmpf ogt, %get3A_882, %scan3A_877 : vector<16xf32>
        %select_n3A_884 = arith.select %gt3A_883, %get3A_882, %scan3A_877 : vector<16xi1>, vector<16xf32>
        %select_n3A_885 = arith.select %gt3A_883, %scan3A_879, %scan3A_878 : vector<16xi1>, vector<16xi32>
        %add3A = arith.constant 16 : i32
        %add3A_886 = vector.broadcast %add3A : i32 to vector<16xi32>
        %add3A_887 = arith.addi %scan3A_879, %add3A_886 : vector<16xi32>
        scf.yield %select_n3A_884, %select_n3A_885, %add3A_887 : vector<16xf32>, vector<16xi32>, vector<16xi32>
      }
      %scan3A_33 = arith.constant 400 : i32
      %iota3A_34 = tpu.iota {dimensions = array<i32: 0>} : vector<16xi32>
      %xor3A = arith.constant 1 : i32
      %xor3A_35 = vector.broadcast %xor3A : i32 to vector<16xi32>
      %xor3A_36 = arith.xori %iota3A_34, %xor3A_35 : vector<16xi32>
      %broadcast_in_dim3A_37 = vector.shape_cast %xor3A_36 : vector<16xi32> to vector<16x1xi32>
      %gather3A = vector.shape_cast %broadcast_in_dim3A_37 : vector<16x1xi32> to vector<16xi32>
      %gather3A_38 = tpu.dynamic_gather %scan3A_32#0[%gather3A] in [0] : vector<16xf32>, vector<16xi32> -> vector<16xf32>
      %broadcast_in_dim3A_39 = vector.shape_cast %xor3A_36 : vector<16xi32> to vector<16x1xi32>
      %gather3A_40 = vector.shape_cast %broadcast_in_dim3A_39 : vector<16x1xi32> to vector<16xi32>
      %gather3A_41 = tpu.dynamic_gather %scan3A_32#1[%gather3A_40] in [0] : vector<16xi32>, vector<16xi32> -> vector<16xi32>
      %gt3A = arith.cmpf ogt, %gather3A_38, %scan3A_32#0 : vector<16xf32>
      %eq3A_42 = arith.cmpf oeq, %gather3A_38, %scan3A_32#0 : vector<16xf32>
      %lt3A_43 = arith.cmpi slt, %gather3A_41, %scan3A_32#1 : vector<16xi32>
      %and3A_44 = arith.andi %eq3A_42, %lt3A_43 : vector<16xi1>
      %or3A = arith.ori %gt3A, %and3A_44 : vector<16xi1>
      %select_n3A = arith.select %or3A, %gather3A_38, %scan3A_32#0 : vector<16xi1>, vector<16xf32>
      %select_n3A_45 = arith.select %or3A, %gather3A_41, %scan3A_32#1 : vector<16xi1>, vector<16xi32>
      %xor3A_46 = arith.constant 2 : i32
      %xor3A_47 = vector.broadcast %xor3A_46 : i32 to vector<16xi32>
      %xor3A_48 = arith.xori %iota3A_34, %xor3A_47 : vector<16xi32>
      %broadcast_in_dim3A_49 = vector.shape_cast %xor3A_48 : vector<16xi32> to vector<16x1xi32>
      %gather3A_50 = vector.shape_cast %broadcast_in_dim3A_49 : vector<16x1xi32> to vector<16xi32>
      %gather3A_51 = tpu.dynamic_gather %select_n3A[%gather3A_50] in [0] : vector<16xf32>, vector<16xi32> -> vector<16xf32>
      %broadcast_in_dim3A_52 = vector.shape_cast %xor3A_48 : vector<16xi32> to vector<16x1xi32>
      %gather3A_53 = vector.shape_cast %broadcast_in_dim3A_52 : vector<16x1xi32> to vector<16xi32>
      %gather3A_54 = tpu.dynamic_gather %select_n3A_45[%gather3A_53] in [0] : vector<16xi32>, vector<16xi32> -> vector<16xi32>
      %gt3A_55 = arith.cmpf ogt, %gather3A_51, %select_n3A : vector<16xf32>
      %eq3A_56 = arith.cmpf oeq, %gather3A_51, %select_n3A : vector<16xf32>
      %lt3A_57 = arith.cmpi slt, %gather3A_54, %select_n3A_45 : vector<16xi32>
      %and3A_58 = arith.andi %eq3A_56, %lt3A_57 : vector<16xi1>
      %or3A_59 = arith.ori %gt3A_55, %and3A_58 : vector<16xi1>
      %select_n3A_60 = arith.select %or3A_59, %gather3A_51, %select_n3A : vector<16xi1>, vector<16xf32>
      %select_n3A_61 = arith.select %or3A_59, %gather3A_54, %select_n3A_45 : vector<16xi1>, vector<16xi32>
      %xor3A_62 = arith.constant 4 : i32
      %xor3A_63 = vector.broadcast %xor3A_62 : i32 to vector<16xi32>
      %xor3A_64 = arith.xori %iota3A_34, %xor3A_63 : vector<16xi32>
      %broadcast_in_dim3A_65 = vector.shape_cast %xor3A_64 : vector<16xi32> to vector<16x1xi32>
      %gather3A_66 = vector.shape_cast %broadcast_in_dim3A_65 : vector<16x1xi32> to vector<16xi32>
      %gather3A_67 = tpu.dynamic_gather %select_n3A_60[%gather3A_66] in [0] : vector<16xf32>, vector<16xi32> -> vector<16xf32>
      %broadcast_in_dim3A_68 = vector.shape_cast %xor3A_64 : vector<16xi32> to vector<16x1xi32>
      %gather3A_69 = vector.shape_cast %broadcast_in_dim3A_68 : vector<16x1xi32> to vector<16xi32>
      %gather3A_70 = tpu.dynamic_gather %select_n3A_61[%gather3A_69] in [0] : vector<16xi32>, vector<16xi32> -> vector<16xi32>
      %gt3A_71 = arith.cmpf ogt, %gather3A_67, %select_n3A_60 : vector<16xf32>
      %eq3A_72 = arith.cmpf oeq, %gather3A_67, %select_n3A_60 : vector<16xf32>
      %lt3A_73 = arith.cmpi slt, %gather3A_70, %select_n3A_61 : vector<16xi32>
      %and3A_74 = arith.andi %eq3A_72, %lt3A_73 : vector<16xi1>
      %or3A_75 = arith.ori %gt3A_71, %and3A_74 : vector<16xi1>
      %select_n3A_76 = arith.select %or3A_75, %gather3A_67, %select_n3A_60 : vector<16xi1>, vector<16xf32>
      %select_n3A_77 = arith.select %or3A_75, %gather3A_70, %select_n3A_61 : vector<16xi1>, vector<16xi32>
      %xor3A_78 = arith.constant 8 : i32
      %xor3A_79 = vector.broadcast %xor3A_78 : i32 to vector<16xi32>
      %xor3A_80 = arith.xori %iota3A_34, %xor3A_79 : vector<16xi32>
      %broadcast_in_dim3A_81 = vector.shape_cast %xor3A_80 : vector<16xi32> to vector<16x1xi32>
      %gather3A_82 = vector.shape_cast %broadcast_in_dim3A_81 : vector<16x1xi32> to vector<16xi32>
      %gather3A_83 = tpu.dynamic_gather %select_n3A_76[%gather3A_82] in [0] : vector<16xf32>, vector<16xi32> -> vector<16xf32>
      %broadcast_in_dim3A_84 = vector.shape_cast %xor3A_80 : vector<16xi32> to vector<16x1xi32>
      %gather3A_85 = vector.shape_cast %broadcast_in_dim3A_84 : vector<16x1xi32> to vector<16xi32>
      %gather3A_86 = tpu.dynamic_gather %select_n3A_77[%gather3A_85] in [0] : vector<16xi32>, vector<16xi32> -> vector<16xi32>
      %gt3A_87 = arith.cmpf ogt, %gather3A_83, %select_n3A_76 : vector<16xf32>
      %eq3A_88 = arith.cmpf oeq, %gather3A_83, %select_n3A_76 : vector<16xf32>
      %lt3A_89 = arith.cmpi slt, %gather3A_86, %select_n3A_77 : vector<16xi32>
      %and3A_90 = arith.andi %eq3A_88, %lt3A_89 : vector<16xi1>
      %or3A_91 = arith.ori %gt3A_87, %and3A_90 : vector<16xi1>
      %select_n3A_92 = arith.select %or3A_91, %gather3A_83, %select_n3A_76 : vector<16xi1>, vector<16xf32>
      %select_n3A_93 = arith.select %or3A_91, %gather3A_86, %select_n3A_77 : vector<16xi1>, vector<16xi32>
      %eq3A_94 = arith.constant 0 : i32
      %eq3A_95 = vector.broadcast %eq3A_94 : i32 to vector<16xi32>
      %eq3A_96 = arith.cmpi eq, %iota3A, %eq3A_95 : vector<16xi32>
      %select_n3A_97 = arith.select %eq3A_96, %select_n3A_92, %broadcast_in_dim3A_22 : vector<16xi1>, vector<16xf32>
      %eq3A_98 = arith.constant 0 : i32
      %eq3A_99 = vector.broadcast %eq3A_98 : i32 to vector<16xi32>
      %eq3A_100 = arith.cmpi eq, %iota3A, %eq3A_99 : vector<16xi32>
      %select_n3A_101 = arith.select %eq3A_100, %select_n3A_93, %broadcast_in_dim3A_24 : vector<16xi1>, vector<16xi32>
      %broadcast_in_dim3A_102 = arith.constant 0xFF800000 : f32
      %broadcast_in_dim3A_103 = vector.broadcast %broadcast_in_dim3A_102 : f32 to vector<16xf32>
      tpu.vector_store_idx %arg7[%select_n3A_93], %broadcast_in_dim3A_103 masked %eq3A_1 : memref<6400xf32, #tpu.memory_space<vmem>>[vector<16xi32>], vector<16xf32>, vector<16xi1>
      %broadcast_in_dim3A_104 = arith.constant 0xFF800000 : f32
      %broadcast_in_dim3A_105 = vector.broadcast %broadcast_in_dim3A_104 : f32 to vector<16xf32>
      %broadcast_in_dim3A_106 = arith.constant 0 : i32
      %broadcast_in_dim3A_107 = vector.broadcast %broadcast_in_dim3A_106 : i32 to vector<16xi32>
      %scan3A_108 = arith.constant 0 : i32
      %scan3A_109 = arith.constant 400 : i32
      %scan3A_110 = arith.addi %scan3A_108, %scan3A_109 : i32
      %scan3A_111 = arith.constant 1 : i32
      %scan3A_112:3 = scf.for %scan3A_876 = %scan3A_108 to %scan3A_110 step %scan3A_111 iter_args(%scan3A_877 = %broadcast_in_dim3A_105, %scan3A_878 = %broadcast_in_dim3A_107, %scan3A_879 = %iota3A) -> (vector<16xf32>, vector<16xi32>, vector<16xi32>)  : i32 {
        %mul3A_880 = arith.constant 16 : i32
        %mul3A_881 = arith.muli %scan3A_876, %mul3A_880 : i32
        %get3A = arith.index_cast %mul3A_881 : i32 to index
        %get3A_882 = tpu.vector_load %arg7[%get3A] {strides = array<i32>} : memref<6400xf32, #tpu.memory_space<vmem>>, vector<16xf32>,
        %gt3A_883 = arith.cmpf ogt, %get3A_882, %scan3A_877 : vector<16xf32>
        %select_n3A_884 = arith.select %gt3A_883, %get3A_882, %scan3A_877 : vector<16xi1>, vector<16xf32>
        %select_n3A_885 = arith.select %gt3A_883, %scan3A_879, %scan3A_878 : vector<16xi1>, vector<16xi32>
        %add3A = arith.constant 16 : i32
        %add3A_886 = vector.broadcast %add3A : i32 to vector<16xi32>
        %add3A_887 = arith.addi %scan3A_879, %add3A_886 : vector<16xi32>
        scf.yield %select_n3A_884, %select_n3A_885, %add3A_887 : vector<16xf32>, vector<16xi32>, vector<16xi32>
      }
      %scan3A_113 = arith.constant 400 : i32
      %iota3A_114 = tpu.iota {dimensions = array<i32: 0>} : vector<16xi32>
      %xor3A_115 = arith.constant 1 : i32
      %xor3A_116 = vector.broadcast %xor3A_115 : i32 to vector<16xi32>
      %xor3A_117 = arith.xori %iota3A_114, %xor3A_116 : vector<16xi32>
      %broadcast_in_dim3A_118 = vector.shape_cast %xor3A_117 : vector<16xi32> to vector<16x1xi32>
      %gather3A_119 = vector.shape_cast %broadcast_in_dim3A_118 : vector<16x1xi32> to vector<16xi32>
      %gather3A_120 = tpu.dynamic_gather %scan3A_112#0[%gather3A_119] in [0] : vector<16xf32>, vector<16xi32> -> vector<16xf32>
      %broadcast_in_dim3A_121 = vector.shape_cast %xor3A_117 : vector<16xi32> to vector<16x1xi32>
      %gather3A_122 = vector.shape_cast %broadcast_in_dim3A_121 : vector<16x1xi32> to vector<16xi32>
      %gather3A_123 = tpu.dynamic_gather %scan3A_112#1[%gather3A_122] in [0] : vector<16xi32>, vector<16xi32> -> vector<16xi32>
      %gt3A_124 = arith.cmpf ogt, %gather3A_120, %scan3A_112#0 : vector<16xf32>
      %eq3A_125 = arith.cmpf oeq, %gather3A_120, %scan3A_112#0 : vector<16xf32>
      %lt3A_126 = arith.cmpi slt, %gather3A_123, %scan3A_112#1 : vector<16xi32>
      %and3A_127 = arith.andi %eq3A_125, %lt3A_126 : vector<16xi1>
      %or3A_128 = arith.ori %gt3A_124, %and3A_127 : vector<16xi1>
      %select_n3A_129 = arith.select %or3A_128, %gather3A_120, %scan3A_112#0 : vector<16xi1>, vector<16xf32>
      %select_n3A_130 = arith.select %or3A_128, %gather3A_123, %scan3A_112#1 : vector<16xi1>, vector<16xi32>
      %xor3A_131 = arith.constant 2 : i32
      %xor3A_132 = vector.broadcast %xor3A_131 : i32 to vector<16xi32>
      %xor3A_133 = arith.xori %iota3A_114, %xor3A_132 : vector<16xi32>
      %broadcast_in_dim3A_134 = vector.shape_cast %xor3A_133 : vector<16xi32> to vector<16x1xi32>
      %gather3A_135 = vector.shape_cast %broadcast_in_dim3A_134 : vector<16x1xi32> to vector<16xi32>
      %gather3A_136 = tpu.dynamic_gather %select_n3A_129[%gather3A_135] in [0] : vector<16xf32>, vector<16xi32> -> vector<16xf32>
      %broadcast_in_dim3A_137 = vector.shape_cast %xor3A_133 : vector<16xi32> to vector<16x1xi32>
      %gather3A_138 = vector.shape_cast %broadcast_in_dim3A_137 : vector<16x1xi32> to vector<16xi32>
      %gather3A_139 = tpu.dynamic_gather %select_n3A_130[%gather3A_138] in [0] : vector<16xi32>, vector<16xi32> -> vector<16xi32>
      %gt3A_140 = arith.cmpf ogt, %gather3A_136, %select_n3A_129 : vector<16xf32>
      %eq3A_141 = arith.cmpf oeq, %gather3A_136, %select_n3A_129 : vector<16xf32>
      %lt3A_142 = arith.cmpi slt, %gather3A_139, %select_n3A_130 : vector<16xi32>
      %and3A_143 = arith.andi %eq3A_141, %lt3A_142 : vector<16xi1>
      %or3A_144 = arith.ori %gt3A_140, %and3A_143 : vector<16xi1>
      %select_n3A_145 = arith.select %or3A_144, %gather3A_136, %select_n3A_129 : vector<16xi1>, vector<16xf32>
      %select_n3A_146 = arith.select %or3A_144, %gather3A_139, %select_n3A_130 : vector<16xi1>, vector<16xi32>
      %xor3A_147 = arith.constant 4 : i32
      %xor3A_148 = vector.broadcast %xor3A_147 : i32 to vector<16xi32>
      %xor3A_149 = arith.xori %iota3A_114, %xor3A_148 : vector<16xi32>
      %broadcast_in_dim3A_150 = vector.shape_cast %xor3A_149 : vector<16xi32> to vector<16x1xi32>
      %gather3A_151 = vector.shape_cast %broadcast_in_dim3A_150 : vector<16x1xi32> to vector<16xi32>
      %gather3A_152 = tpu.dynamic_gather %select_n3A_145[%gather3A_151] in [0] : vector<16xf32>, vector<16xi32> -> vector<16xf32>
      %broadcast_in_dim3A_153 = vector.shape_cast %xor3A_149 : vector<16xi32> to vector<16x1xi32>
      %gather3A_154 = vector.shape_cast %broadcast_in_dim3A_153 : vector<16x1xi32> to vector<16xi32>
      %gather3A_155 = tpu.dynamic_gather %select_n3A_146[%gather3A_154] in [0] : vector<16xi32>, vector<16xi32> -> vector<16xi32>
      %gt3A_156 = arith.cmpf ogt, %gather3A_152, %select_n3A_145 : vector<16xf32>
      %eq3A_157 = arith.cmpf oeq, %gather3A_152, %select_n3A_145 : vector<16xf32>
      %lt3A_158 = arith.cmpi slt, %gather3A_155, %select_n3A_146 : vector<16xi32>
      %and3A_159 = arith.andi %eq3A_157, %lt3A_158 : vector<16xi1>
      %or3A_160 = arith.ori %gt3A_156, %and3A_159 : vector<16xi1>
      %select_n3A_161 = arith.select %or3A_160, %gather3A_152, %select_n3A_145 : vector<16xi1>, vector<16xf32>
      %select_n3A_162 = arith.select %or3A_160, %gather3A_155, %select_n3A_146 : vector<16xi1>, vector<16xi32>
      %xor3A_163 = arith.constant 8 : i32
      %xor3A_164 = vector.broadcast %xor3A_163 : i32 to vector<16xi32>
      %xor3A_165 = arith.xori %iota3A_114, %xor3A_164 : vector<16xi32>
      %broadcast_in_dim3A_166 = vector.shape_cast %xor3A_165 : vector<16xi32> to vector<16x1xi32>
      %gather3A_167 = vector.shape_cast %broadcast_in_dim3A_166 : vector<16x1xi32> to vector<16xi32>
      %gather3A_168 = tpu.dynamic_gather %select_n3A_161[%gather3A_167] in [0] : vector<16xf32>, vector<16xi32> -> vector<16xf32>
      %broadcast_in_dim3A_169 = vector.shape_cast %xor3A_165 : vector<16xi32> to vector<16x1xi32>
      %gather3A_170 = vector.shape_cast %broadcast_in_dim3A_169 : vector<16x1xi32> to vector<16xi32>
      %gather3A_171 = tpu.dynamic_gather %select_n3A_162[%gather3A_170] in [0] : vector<16xi32>, vector<16xi32> -> vector<16xi32>
      %gt3A_172 = arith.cmpf ogt, %gather3A_168, %select_n3A_161 : vector<16xf32>
      %eq3A_173 = arith.cmpf oeq, %gather3A_168, %select_n3A_161 : vector<16xf32>
      %lt3A_174 = arith.cmpi slt, %gather3A_171, %select_n3A_162 : vector<16xi32>
      %and3A_175 = arith.andi %eq3A_173, %lt3A_174 : vector<16xi1>
      %or3A_176 = arith.ori %gt3A_172, %and3A_175 : vector<16xi1>
      %select_n3A_177 = arith.select %or3A_176, %gather3A_168, %select_n3A_161 : vector<16xi1>, vector<16xf32>
      %select_n3A_178 = arith.select %or3A_176, %gather3A_171, %select_n3A_162 : vector<16xi1>, vector<16xi32>
      %eq3A_179 = arith.constant 1 : i32
      %eq3A_180 = vector.broadcast %eq3A_179 : i32 to vector<16xi32>
      %eq3A_181 = arith.cmpi eq, %iota3A, %eq3A_180 : vector<16xi32>
      %select_n3A_182 = arith.select %eq3A_181, %select_n3A_177, %select_n3A_97 : vector<16xi1>, vector<16xf32>
      %eq3A_183 = arith.constant 1 : i32
      %eq3A_184 = vector.broadcast %eq3A_183 : i32 to vector<16xi32>
      %eq3A_185 = arith.cmpi eq, %iota3A, %eq3A_184 : vector<16xi32>
      %select_n3A_186 = arith.select %eq3A_185, %select_n3A_178, %select_n3A_101 : vector<16xi1>, vector<16xi32>
      %broadcast_in_dim3A_187 = arith.constant 0xFF800000 : f32
      %broadcast_in_dim3A_188 = vector.broadcast %broadcast_in_dim3A_187 : f32 to vector<16xf32>
      tpu.vector_store_idx %arg7[%select_n3A_178], %broadcast_in_dim3A_188 masked %eq3A_1 : memref<6400xf32, #tpu.memory_space<vmem>>[vector<16xi32>], vector<16xf32>, vector<16xi1>
      %broadcast_in_dim3A_189 = arith.constant 0xFF800000 : f32
      %broadcast_in_dim3A_190 = vector.broadcast %broadcast_in_dim3A_189 : f32 to vector<16xf32>
      %broadcast_in_dim3A_191 = arith.constant 0 : i32
      %broadcast_in_dim3A_192 = vector.broadcast %broadcast_in_dim3A_191 : i32 to vector<16xi32>
      %scan3A_193 = arith.constant 0 : i32
      %scan3A_194 = arith.constant 400 : i32
      %scan3A_195 = arith.addi %scan3A_193, %scan3A_194 : i32
      %scan3A_196 = arith.constant 1 : i32
      %scan3A_197:3 = scf.for %scan3A_876 = %scan3A_193 to %scan3A_195 step %scan3A_196 iter_args(%scan3A_877 = %broadcast_in_dim3A_190, %scan3A_878 = %broadcast_in_dim3A_192, %scan3A_879 = %iota3A) -> (vector<16xf32>, vector<16xi32>, vector<16xi32>)  : i32 {
        %mul3A_880 = arith.constant 16 : i32
        %mul3A_881 = arith.muli %scan3A_876, %mul3A_880 : i32
        %get3A = arith.index_cast %mul3A_881 : i32 to index
        %get3A_882 = tpu.vector_load %arg7[%get3A] {strides = array<i32>} : memref<6400xf32, #tpu.memory_space<vmem>>, vector<16xf32>,
        %gt3A_883 = arith.cmpf ogt, %get3A_882, %scan3A_877 : vector<16xf32>
        %select_n3A_884 = arith.select %gt3A_883, %get3A_882, %scan3A_877 : vector<16xi1>, vector<16xf32>
        %select_n3A_885 = arith.select %gt3A_883, %scan3A_879, %scan3A_878 : vector<16xi1>, vector<16xi32>
        %add3A = arith.constant 16 : i32
        %add3A_886 = vector.broadcast %add3A : i32 to vector<16xi32>
        %add3A_887 = arith.addi %scan3A_879, %add3A_886 : vector<16xi32>
        scf.yield %select_n3A_884, %select_n3A_885, %add3A_887 : vector<16xf32>, vector<16xi32>, vector<16xi32>
      }
      %scan3A_198 = arith.constant 400 : i32
      %iota3A_199 = tpu.iota {dimensions = array<i32: 0>} : vector<16xi32>
      %xor3A_200 = arith.constant 1 : i32
      %xor3A_201 = vector.broadcast %xor3A_200 : i32 to vector<16xi32>
      %xor3A_202 = arith.xori %iota3A_199, %xor3A_201 : vector<16xi32>
      %broadcast_in_dim3A_203 = vector.shape_cast %xor3A_202 : vector<16xi32> to vector<16x1xi32>
      %gather3A_204 = vector.shape_cast %broadcast_in_dim3A_203 : vector<16x1xi32> to vector<16xi32>
      %gather3A_205 = tpu.dynamic_gather %scan3A_197#0[%gather3A_204] in [0] : vector<16xf32>, vector<16xi32> -> vector<16xf32>
      %broadcast_in_dim3A_206 = vector.shape_cast %xor3A_202 : vector<16xi32> to vector<16x1xi32>
      %gather3A_207 = vector.shape_cast %broadcast_in_dim3A_206 : vector<16x1xi32> to vector<16xi32>
      %gather3A_208 = tpu.dynamic_gather %scan3A_197#1[%gather3A_207] in [0] : vector<16xi32>, vector<16xi32> -> vector<16xi32>
      %gt3A_209 = arith.cmpf ogt, %gather3A_205, %scan3A_197#0 : vector<16xf32>
      %eq3A_210 = arith.cmpf oeq, %gather3A_205, %scan3A_197#0 : vector<16xf32>
      %lt3A_211 = arith.cmpi slt, %gather3A_208, %scan3A_197#1 : vector<16xi32>
      %and3A_212 = arith.andi %eq3A_210, %lt3A_211 : vector<16xi1>
      %or3A_213 = arith.ori %gt3A_209, %and3A_212 : vector<16xi1>
      %select_n3A_214 = arith.select %or3A_213, %gather3A_205, %scan3A_197#0 : vector<16xi1>, vector<16xf32>
      %select_n3A_215 = arith.select %or3A_213, %gather3A_208, %scan3A_197#1 : vector<16xi1>, vector<16xi32>
      %xor3A_216 = arith.constant 2 : i32
      %xor3A_217 = vector.broadcast %xor3A_216 : i32 to vector<16xi32>
      %xor3A_218 = arith.xori %iota3A_199, %xor3A_217 : vector<16xi32>
      %broadcast_in_dim3A_219 = vector.shape_cast %xor3A_218 : vector<16xi32> to vector<16x1xi32>
      %gather3A_220 = vector.shape_cast %broadcast_in_dim3A_219 : vector<16x1xi32> to vector<16xi32>
      %gather3A_221 = tpu.dynamic_gather %select_n3A_214[%gather3A_220] in [0] : vector<16xf32>, vector<16xi32> -> vector<16xf32>
      %broadcast_in_dim3A_222 = vector.shape_cast %xor3A_218 : vector<16xi32> to vector<16x1xi32>
      %gather3A_223 = vector.shape_cast %broadcast_in_dim3A_222 : vector<16x1xi32> to vector<16xi32>
      %gather3A_224 = tpu.dynamic_gather %select_n3A_215[%gather3A_223] in [0] : vector<16xi32>, vector<16xi32> -> vector<16xi32>
      %gt3A_225 = arith.cmpf ogt, %gather3A_221, %select_n3A_214 : vector<16xf32>
      %eq3A_226 = arith.cmpf oeq, %gather3A_221, %select_n3A_214 : vector<16xf32>
      %lt3A_227 = arith.cmpi slt, %gather3A_224, %select_n3A_215 : vector<16xi32>
      %and3A_228 = arith.andi %eq3A_226, %lt3A_227 : vector<16xi1>
      %or3A_229 = arith.ori %gt3A_225, %and3A_228 : vector<16xi1>
      %select_n3A_230 = arith.select %or3A_229, %gather3A_221, %select_n3A_214 : vector<16xi1>, vector<16xf32>
      %select_n3A_231 = arith.select %or3A_229, %gather3A_224, %select_n3A_215 : vector<16xi1>, vector<16xi32>
      %xor3A_232 = arith.constant 4 : i32
      %xor3A_233 = vector.broadcast %xor3A_232 : i32 to vector<16xi32>
      %xor3A_234 = arith.xori %iota3A_199, %xor3A_233 : vector<16xi32>
      %broadcast_in_dim3A_235 = vector.shape_cast %xor3A_234 : vector<16xi32> to vector<16x1xi32>
      %gather3A_236 = vector.shape_cast %broadcast_in_dim3A_235 : vector<16x1xi32> to vector<16xi32>
      %gather3A_237 = tpu.dynamic_gather %select_n3A_230[%gather3A_236] in [0] : vector<16xf32>, vector<16xi32> -> vector<16xf32>
      %broadcast_in_dim3A_238 = vector.shape_cast %xor3A_234 : vector<16xi32> to vector<16x1xi32>
      %gather3A_239 = vector.shape_cast %broadcast_in_dim3A_238 : vector<16x1xi32> to vector<16xi32>
      %gather3A_240 = tpu.dynamic_gather %select_n3A_231[%gather3A_239] in [0] : vector<16xi32>, vector<16xi32> -> vector<16xi32>
      %gt3A_241 = arith.cmpf ogt, %gather3A_237, %select_n3A_230 : vector<16xf32>
      %eq3A_242 = arith.cmpf oeq, %gather3A_237, %select_n3A_230 : vector<16xf32>
      %lt3A_243 = arith.cmpi slt, %gather3A_240, %select_n3A_231 : vector<16xi32>
      %and3A_244 = arith.andi %eq3A_242, %lt3A_243 : vector<16xi1>
      %or3A_245 = arith.ori %gt3A_241, %and3A_244 : vector<16xi1>
      %select_n3A_246 = arith.select %or3A_245, %gather3A_237, %select_n3A_230 : vector<16xi1>, vector<16xf32>
      %select_n3A_247 = arith.select %or3A_245, %gather3A_240, %select_n3A_231 : vector<16xi1>, vector<16xi32>
      %xor3A_248 = arith.constant 8 : i32
      %xor3A_249 = vector.broadcast %xor3A_248 : i32 to vector<16xi32>
      %xor3A_250 = arith.xori %iota3A_199, %xor3A_249 : vector<16xi32>
      %broadcast_in_dim3A_251 = vector.shape_cast %xor3A_250 : vector<16xi32> to vector<16x1xi32>
      %gather3A_252 = vector.shape_cast %broadcast_in_dim3A_251 : vector<16x1xi32> to vector<16xi32>
      %gather3A_253 = tpu.dynamic_gather %select_n3A_246[%gather3A_252] in [0] : vector<16xf32>, vector<16xi32> -> vector<16xf32>
      %broadcast_in_dim3A_254 = vector.shape_cast %xor3A_250 : vector<16xi32> to vector<16x1xi32>
      %gather3A_255 = vector.shape_cast %broadcast_in_dim3A_254 : vector<16x1xi32> to vector<16xi32>
      %gather3A_256 = tpu.dynamic_gather %select_n3A_247[%gather3A_255] in [0] : vector<16xi32>, vector<16xi32> -> vector<16xi32>
      %gt3A_257 = arith.cmpf ogt, %gather3A_253, %select_n3A_246 : vector<16xf32>
      %eq3A_258 = arith.cmpf oeq, %gather3A_253, %select_n3A_246 : vector<16xf32>
      %lt3A_259 = arith.cmpi slt, %gather3A_256, %select_n3A_247 : vector<16xi32>
      %and3A_260 = arith.andi %eq3A_258, %lt3A_259 : vector<16xi1>
      %or3A_261 = arith.ori %gt3A_257, %and3A_260 : vector<16xi1>
      %select_n3A_262 = arith.select %or3A_261, %gather3A_253, %select_n3A_246 : vector<16xi1>, vector<16xf32>
      %select_n3A_263 = arith.select %or3A_261, %gather3A_256, %select_n3A_247 : vector<16xi1>, vector<16xi32>
      %eq3A_264 = arith.constant 2 : i32
      %eq3A_265 = vector.broadcast %eq3A_264 : i32 to vector<16xi32>
      %eq3A_266 = arith.cmpi eq, %iota3A, %eq3A_265 : vector<16xi32>
      %select_n3A_267 = arith.select %eq3A_266, %select_n3A_262, %select_n3A_182 : vector<16xi1>, vector<16xf32>
      %eq3A_268 = arith.constant 2 : i32
      %eq3A_269 = vector.broadcast %eq3A_268 : i32 to vector<16xi32>
      %eq3A_270 = arith.cmpi eq, %iota3A, %eq3A_269 : vector<16xi32>
      %select_n3A_271 = arith.select %eq3A_270, %select_n3A_263, %select_n3A_186 : vector<16xi1>, vector<16xi32>
      %broadcast_in_dim3A_272 = arith.constant 0xFF800000 : f32
      %broadcast_in_dim3A_273 = vector.broadcast %broadcast_in_dim3A_272 : f32 to vector<16xf32>
      tpu.vector_store_idx %arg7[%select_n3A_263], %broadcast_in_dim3A_273 masked %eq3A_1 : memref<6400xf32, #tpu.memory_space<vmem>>[vector<16xi32>], vector<16xf32>, vector<16xi1>
      %broadcast_in_dim3A_274 = arith.constant 0xFF800000 : f32
      %broadcast_in_dim3A_275 = vector.broadcast %broadcast_in_dim3A_274 : f32 to vector<16xf32>
      %broadcast_in_dim3A_276 = arith.constant 0 : i32
      %broadcast_in_dim3A_277 = vector.broadcast %broadcast_in_dim3A_276 : i32 to vector<16xi32>
      %scan3A_278 = arith.constant 0 : i32
      %scan3A_279 = arith.constant 400 : i32
      %scan3A_280 = arith.addi %scan3A_278, %scan3A_279 : i32
      %scan3A_281 = arith.constant 1 : i32
      %scan3A_282:3 = scf.for %scan3A_876 = %scan3A_278 to %scan3A_280 step %scan3A_281 iter_args(%scan3A_877 = %broadcast_in_dim3A_275, %scan3A_878 = %broadcast_in_dim3A_277, %scan3A_879 = %iota3A) -> (vector<16xf32>, vector<16xi32>, vector<16xi32>)  : i32 {
        %mul3A_880 = arith.constant 16 : i32
        %mul3A_881 = arith.muli %scan3A_876, %mul3A_880 : i32
        %get3A = arith.index_cast %mul3A_881 : i32 to index
        %get3A_882 = tpu.vector_load %arg7[%get3A] {strides = array<i32>} : memref<6400xf32, #tpu.memory_space<vmem>>, vector<16xf32>,
        %gt3A_883 = arith.cmpf ogt, %get3A_882, %scan3A_877 : vector<16xf32>
        %select_n3A_884 = arith.select %gt3A_883, %get3A_882, %scan3A_877 : vector<16xi1>, vector<16xf32>
        %select_n3A_885 = arith.select %gt3A_883, %scan3A_879, %scan3A_878 : vector<16xi1>, vector<16xi32>
        %add3A = arith.constant 16 : i32
        %add3A_886 = vector.broadcast %add3A : i32 to vector<16xi32>
        %add3A_887 = arith.addi %scan3A_879, %add3A_886 : vector<16xi32>
        scf.yield %select_n3A_884, %select_n3A_885, %add3A_887 : vector<16xf32>, vector<16xi32>, vector<16xi32>
      }
      %scan3A_283 = arith.constant 400 : i32
      %iota3A_284 = tpu.iota {dimensions = array<i32: 0>} : vector<16xi32>
      %xor3A_285 = arith.constant 1 : i32
      %xor3A_286 = vector.broadcast %xor3A_285 : i32 to vector<16xi32>
      %xor3A_287 = arith.xori %iota3A_284, %xor3A_286 : vector<16xi32>
      %broadcast_in_dim3A_288 = vector.shape_cast %xor3A_287 : vector<16xi32> to vector<16x1xi32>
      %gather3A_289 = vector.shape_cast %broadcast_in_dim3A_288 : vector<16x1xi32> to vector<16xi32>
      %gather3A_290 = tpu.dynamic_gather %scan3A_282#0[%gather3A_289] in [0] : vector<16xf32>, vector<16xi32> -> vector<16xf32>
      %broadcast_in_dim3A_291 = vector.shape_cast %xor3A_287 : vector<16xi32> to vector<16x1xi32>
      %gather3A_292 = vector.shape_cast %broadcast_in_dim3A_291 : vector<16x1xi32> to vector<16xi32>
      %gather3A_293 = tpu.dynamic_gather %scan3A_282#1[%gather3A_292] in [0] : vector<16xi32>, vector<16xi32> -> vector<16xi32>
      %gt3A_294 = arith.cmpf ogt, %gather3A_290, %scan3A_282#0 : vector<16xf32>
      %eq3A_295 = arith.cmpf oeq, %gather3A_290, %scan3A_282#0 : vector<16xf32>
      %lt3A_296 = arith.cmpi slt, %gather3A_293, %scan3A_282#1 : vector<16xi32>
      %and3A_297 = arith.andi %eq3A_295, %lt3A_296 : vector<16xi1>
      %or3A_298 = arith.ori %gt3A_294, %and3A_297 : vector<16xi1>
      %select_n3A_299 = arith.select %or3A_298, %gather3A_290, %scan3A_282#0 : vector<16xi1>, vector<16xf32>
      %select_n3A_300 = arith.select %or3A_298, %gather3A_293, %scan3A_282#1 : vector<16xi1>, vector<16xi32>
      %xor3A_301 = arith.constant 2 : i32
      %xor3A_302 = vector.broadcast %xor3A_301 : i32 to vector<16xi32>
      %xor3A_303 = arith.xori %iota3A_284, %xor3A_302 : vector<16xi32>
      %broadcast_in_dim3A_304 = vector.shape_cast %xor3A_303 : vector<16xi32> to vector<16x1xi32>
      %gather3A_305 = vector.shape_cast %broadcast_in_dim3A_304 : vector<16x1xi32> to vector<16xi32>
      %gather3A_306 = tpu.dynamic_gather %select_n3A_299[%gather3A_305] in [0] : vector<16xf32>, vector<16xi32> -> vector<16xf32>
      %broadcast_in_dim3A_307 = vector.shape_cast %xor3A_303 : vector<16xi32> to vector<16x1xi32>
      %gather3A_308 = vector.shape_cast %broadcast_in_dim3A_307 : vector<16x1xi32> to vector<16xi32>
      %gather3A_309 = tpu.dynamic_gather %select_n3A_300[%gather3A_308] in [0] : vector<16xi32>, vector<16xi32> -> vector<16xi32>
      %gt3A_310 = arith.cmpf ogt, %gather3A_306, %select_n3A_299 : vector<16xf32>
      %eq3A_311 = arith.cmpf oeq, %gather3A_306, %select_n3A_299 : vector<16xf32>
      %lt3A_312 = arith.cmpi slt, %gather3A_309, %select_n3A_300 : vector<16xi32>
      %and3A_313 = arith.andi %eq3A_311, %lt3A_312 : vector<16xi1>
      %or3A_314 = arith.ori %gt3A_310, %and3A_313 : vector<16xi1>
      %select_n3A_315 = arith.select %or3A_314, %gather3A_306, %select_n3A_299 : vector<16xi1>, vector<16xf32>
      %select_n3A_316 = arith.select %or3A_314, %gather3A_309, %select_n3A_300 : vector<16xi1>, vector<16xi32>
      %xor3A_317 = arith.constant 4 : i32
      %xor3A_318 = vector.broadcast %xor3A_317 : i32 to vector<16xi32>
      %xor3A_319 = arith.xori %iota3A_284, %xor3A_318 : vector<16xi32>
      %broadcast_in_dim3A_320 = vector.shape_cast %xor3A_319 : vector<16xi32> to vector<16x1xi32>
      %gather3A_321 = vector.shape_cast %broadcast_in_dim3A_320 : vector<16x1xi32> to vector<16xi32>
      %gather3A_322 = tpu.dynamic_gather %select_n3A_315[%gather3A_321] in [0] : vector<16xf32>, vector<16xi32> -> vector<16xf32>
      %broadcast_in_dim3A_323 = vector.shape_cast %xor3A_319 : vector<16xi32> to vector<16x1xi32>
      %gather3A_324 = vector.shape_cast %broadcast_in_dim3A_323 : vector<16x1xi32> to vector<16xi32>
      %gather3A_325 = tpu.dynamic_gather %select_n3A_316[%gather3A_324] in [0] : vector<16xi32>, vector<16xi32> -> vector<16xi32>
      %gt3A_326 = arith.cmpf ogt, %gather3A_322, %select_n3A_315 : vector<16xf32>
      %eq3A_327 = arith.cmpf oeq, %gather3A_322, %select_n3A_315 : vector<16xf32>
      %lt3A_328 = arith.cmpi slt, %gather3A_325, %select_n3A_316 : vector<16xi32>
      %and3A_329 = arith.andi %eq3A_327, %lt3A_328 : vector<16xi1>
      %or3A_330 = arith.ori %gt3A_326, %and3A_329 : vector<16xi1>
      %select_n3A_331 = arith.select %or3A_330, %gather3A_322, %select_n3A_315 : vector<16xi1>, vector<16xf32>
      %select_n3A_332 = arith.select %or3A_330, %gather3A_325, %select_n3A_316 : vector<16xi1>, vector<16xi32>
      %xor3A_333 = arith.constant 8 : i32
      %xor3A_334 = vector.broadcast %xor3A_333 : i32 to vector<16xi32>
      %xor3A_335 = arith.xori %iota3A_284, %xor3A_334 : vector<16xi32>
      %broadcast_in_dim3A_336 = vector.shape_cast %xor3A_335 : vector<16xi32> to vector<16x1xi32>
      %gather3A_337 = vector.shape_cast %broadcast_in_dim3A_336 : vector<16x1xi32> to vector<16xi32>
      %gather3A_338 = tpu.dynamic_gather %select_n3A_331[%gather3A_337] in [0] : vector<16xf32>, vector<16xi32> -> vector<16xf32>
      %broadcast_in_dim3A_339 = vector.shape_cast %xor3A_335 : vector<16xi32> to vector<16x1xi32>
      %gather3A_340 = vector.shape_cast %broadcast_in_dim3A_339 : vector<16x1xi32> to vector<16xi32>
      %gather3A_341 = tpu.dynamic_gather %select_n3A_332[%gather3A_340] in [0] : vector<16xi32>, vector<16xi32> -> vector<16xi32>
      %gt3A_342 = arith.cmpf ogt, %gather3A_338, %select_n3A_331 : vector<16xf32>
      %eq3A_343 = arith.cmpf oeq, %gather3A_338, %select_n3A_331 : vector<16xf32>
      %lt3A_344 = arith.cmpi slt, %gather3A_341, %select_n3A_332 : vector<16xi32>
      %and3A_345 = arith.andi %eq3A_343, %lt3A_344 : vector<16xi1>
      %or3A_346 = arith.ori %gt3A_342, %and3A_345 : vector<16xi1>
      %select_n3A_347 = arith.select %or3A_346, %gather3A_338, %select_n3A_331 : vector<16xi1>, vector<16xf32>
      %select_n3A_348 = arith.select %or3A_346, %gather3A_341, %select_n3A_332 : vector<16xi1>, vector<16xi32>
      %eq3A_349 = arith.constant 3 : i32
      %eq3A_350 = vector.broadcast %eq3A_349 : i32 to vector<16xi32>
      %eq3A_351 = arith.cmpi eq, %iota3A, %eq3A_350 : vector<16xi32>
      %select_n3A_352 = arith.select %eq3A_351, %select_n3A_347, %select_n3A_267 : vector<16xi1>, vector<16xf32>
      %eq3A_353 = arith.constant 3 : i32
      %eq3A_354 = vector.broadcast %eq3A_353 : i32 to vector<16xi32>
      %eq3A_355 = arith.cmpi eq, %iota3A, %eq3A_354 : vector<16xi32>
      %select_n3A_356 = arith.select %eq3A_355, %select_n3A_348, %select_n3A_271 : vector<16xi1>, vector<16xi32>
      %broadcast_in_dim3A_357 = arith.constant 0xFF800000 : f32
      %broadcast_in_dim3A_358 = vector.broadcast %broadcast_in_dim3A_357 : f32 to vector<16xf32>
      tpu.vector_store_idx %arg7[%select_n3A_348], %broadcast_in_dim3A_358 masked %eq3A_1 : memref<6400xf32, #tpu.memory_space<vmem>>[vector<16xi32>], vector<16xf32>, vector<16xi1>
      %broadcast_in_dim3A_359 = arith.constant 0xFF800000 : f32
      %broadcast_in_dim3A_360 = vector.broadcast %broadcast_in_dim3A_359 : f32 to vector<16xf32>
      %broadcast_in_dim3A_361 = arith.constant 0 : i32
      %broadcast_in_dim3A_362 = vector.broadcast %broadcast_in_dim3A_361 : i32 to vector<16xi32>
      %scan3A_363 = arith.constant 0 : i32
      %scan3A_364 = arith.constant 400 : i32
      %scan3A_365 = arith.addi %scan3A_363, %scan3A_364 : i32
      %scan3A_366 = arith.constant 1 : i32
      %scan3A_367:3 = scf.for %scan3A_876 = %scan3A_363 to %scan3A_365 step %scan3A_366 iter_args(%scan3A_877 = %broadcast_in_dim3A_360, %scan3A_878 = %broadcast_in_dim3A_362, %scan3A_879 = %iota3A) -> (vector<16xf32>, vector<16xi32>, vector<16xi32>)  : i32 {
        %mul3A_880 = arith.constant 16 : i32
        %mul3A_881 = arith.muli %scan3A_876, %mul3A_880 : i32
        %get3A = arith.index_cast %mul3A_881 : i32 to index
        %get3A_882 = tpu.vector_load %arg7[%get3A] {strides = array<i32>} : memref<6400xf32, #tpu.memory_space<vmem>>, vector<16xf32>,
        %gt3A_883 = arith.cmpf ogt, %get3A_882, %scan3A_877 : vector<16xf32>
        %select_n3A_884 = arith.select %gt3A_883, %get3A_882, %scan3A_877 : vector<16xi1>, vector<16xf32>
        %select_n3A_885 = arith.select %gt3A_883, %scan3A_879, %scan3A_878 : vector<16xi1>, vector<16xi32>
        %add3A = arith.constant 16 : i32
        %add3A_886 = vector.broadcast %add3A : i32 to vector<16xi32>
        %add3A_887 = arith.addi %scan3A_879, %add3A_886 : vector<16xi32>
        scf.yield %select_n3A_884, %select_n3A_885, %add3A_887 : vector<16xf32>, vector<16xi32>, vector<16xi32>
      }
      %scan3A_368 = arith.constant 400 : i32
      %iota3A_369 = tpu.iota {dimensions = array<i32: 0>} : vector<16xi32>
      %xor3A_370 = arith.constant 1 : i32
      %xor3A_371 = vector.broadcast %xor3A_370 : i32 to vector<16xi32>
      %xor3A_372 = arith.xori %iota3A_369, %xor3A_371 : vector<16xi32>
      %broadcast_in_dim3A_373 = vector.shape_cast %xor3A_372 : vector<16xi32> to vector<16x1xi32>
      %gather3A_374 = vector.shape_cast %broadcast_in_dim3A_373 : vector<16x1xi32> to vector<16xi32>
      %gather3A_375 = tpu.dynamic_gather %scan3A_367#0[%gather3A_374] in [0] : vector<16xf32>, vector<16xi32> -> vector<16xf32>
      %broadcast_in_dim3A_376 = vector.shape_cast %xor3A_372 : vector<16xi32> to vector<16x1xi32>
      %gather3A_377 = vector.shape_cast %broadcast_in_dim3A_376 : vector<16x1xi32> to vector<16xi32>
      %gather3A_378 = tpu.dynamic_gather %scan3A_367#1[%gather3A_377] in [0] : vector<16xi32>, vector<16xi32> -> vector<16xi32>
      %gt3A_379 = arith.cmpf ogt, %gather3A_375, %scan3A_367#0 : vector<16xf32>
      %eq3A_380 = arith.cmpf oeq, %gather3A_375, %scan3A_367#0 : vector<16xf32>
      %lt3A_381 = arith.cmpi slt, %gather3A_378, %scan3A_367#1 : vector<16xi32>
      %and3A_382 = arith.andi %eq3A_380, %lt3A_381 : vector<16xi1>
      %or3A_383 = arith.ori %gt3A_379, %and3A_382 : vector<16xi1>
      %select_n3A_384 = arith.select %or3A_383, %gather3A_375, %scan3A_367#0 : vector<16xi1>, vector<16xf32>
      %select_n3A_385 = arith.select %or3A_383, %gather3A_378, %scan3A_367#1 : vector<16xi1>, vector<16xi32>
      %xor3A_386 = arith.constant 2 : i32
      %xor3A_387 = vector.broadcast %xor3A_386 : i32 to vector<16xi32>
      %xor3A_388 = arith.xori %iota3A_369, %xor3A_387 : vector<16xi32>
      %broadcast_in_dim3A_389 = vector.shape_cast %xor3A_388 : vector<16xi32> to vector<16x1xi32>
      %gather3A_390 = vector.shape_cast %broadcast_in_dim3A_389 : vector<16x1xi32> to vector<16xi32>
      %gather3A_391 = tpu.dynamic_gather %select_n3A_384[%gather3A_390] in [0] : vector<16xf32>, vector<16xi32> -> vector<16xf32>
      %broadcast_in_dim3A_392 = vector.shape_cast %xor3A_388 : vector<16xi32> to vector<16x1xi32>
      %gather3A_393 = vector.shape_cast %broadcast_in_dim3A_392 : vector<16x1xi32> to vector<16xi32>
      %gather3A_394 = tpu.dynamic_gather %select_n3A_385[%gather3A_393] in [0] : vector<16xi32>, vector<16xi32> -> vector<16xi32>
      %gt3A_395 = arith.cmpf ogt, %gather3A_391, %select_n3A_384 : vector<16xf32>
      %eq3A_396 = arith.cmpf oeq, %gather3A_391, %select_n3A_384 : vector<16xf32>
      %lt3A_397 = arith.cmpi slt, %gather3A_394, %select_n3A_385 : vector<16xi32>
      %and3A_398 = arith.andi %eq3A_396, %lt3A_397 : vector<16xi1>
      %or3A_399 = arith.ori %gt3A_395, %and3A_398 : vector<16xi1>
      %select_n3A_400 = arith.select %or3A_399, %gather3A_391, %select_n3A_384 : vector<16xi1>, vector<16xf32>
      %select_n3A_401 = arith.select %or3A_399, %gather3A_394, %select_n3A_385 : vector<16xi1>, vector<16xi32>
      %xor3A_402 = arith.constant 4 : i32
      %xor3A_403 = vector.broadcast %xor3A_402 : i32 to vector<16xi32>
      %xor3A_404 = arith.xori %iota3A_369, %xor3A_403 : vector<16xi32>
      %broadcast_in_dim3A_405 = vector.shape_cast %xor3A_404 : vector<16xi32> to vector<16x1xi32>
      %gather3A_406 = vector.shape_cast %broadcast_in_dim3A_405 : vector<16x1xi32> to vector<16xi32>
      %gather3A_407 = tpu.dynamic_gather %select_n3A_400[%gather3A_406] in [0] : vector<16xf32>, vector<16xi32> -> vector<16xf32>
      %broadcast_in_dim3A_408 = vector.shape_cast %xor3A_404 : vector<16xi32> to vector<16x1xi32>
      %gather3A_409 = vector.shape_cast %broadcast_in_dim3A_408 : vector<16x1xi32> to vector<16xi32>
      %gather3A_410 = tpu.dynamic_gather %select_n3A_401[%gather3A_409] in [0] : vector<16xi32>, vector<16xi32> -> vector<16xi32>
      %gt3A_411 = arith.cmpf ogt, %gather3A_407, %select_n3A_400 : vector<16xf32>
      %eq3A_412 = arith.cmpf oeq, %gather3A_407, %select_n3A_400 : vector<16xf32>
      %lt3A_413 = arith.cmpi slt, %gather3A_410, %select_n3A_401 : vector<16xi32>
      %and3A_414 = arith.andi %eq3A_412, %lt3A_413 : vector<16xi1>
      %or3A_415 = arith.ori %gt3A_411, %and3A_414 : vector<16xi1>
      %select_n3A_416 = arith.select %or3A_415, %gather3A_407, %select_n3A_400 : vector<16xi1>, vector<16xf32>
      %select_n3A_417 = arith.select %or3A_415, %gather3A_410, %select_n3A_401 : vector<16xi1>, vector<16xi32>
      %xor3A_418 = arith.constant 8 : i32
      %xor3A_419 = vector.broadcast %xor3A_418 : i32 to vector<16xi32>
      %xor3A_420 = arith.xori %iota3A_369, %xor3A_419 : vector<16xi32>
      %broadcast_in_dim3A_421 = vector.shape_cast %xor3A_420 : vector<16xi32> to vector<16x1xi32>
      %gather3A_422 = vector.shape_cast %broadcast_in_dim3A_421 : vector<16x1xi32> to vector<16xi32>
      %gather3A_423 = tpu.dynamic_gather %select_n3A_416[%gather3A_422] in [0] : vector<16xf32>, vector<16xi32> -> vector<16xf32>
      %broadcast_in_dim3A_424 = vector.shape_cast %xor3A_420 : vector<16xi32> to vector<16x1xi32>
      %gather3A_425 = vector.shape_cast %broadcast_in_dim3A_424 : vector<16x1xi32> to vector<16xi32>
      %gather3A_426 = tpu.dynamic_gather %select_n3A_417[%gather3A_425] in [0] : vector<16xi32>, vector<16xi32> -> vector<16xi32>
      %gt3A_427 = arith.cmpf ogt, %gather3A_423, %select_n3A_416 : vector<16xf32>
      %eq3A_428 = arith.cmpf oeq, %gather3A_423, %select_n3A_416 : vector<16xf32>
      %lt3A_429 = arith.cmpi slt, %gather3A_426, %select_n3A_417 : vector<16xi32>
      %and3A_430 = arith.andi %eq3A_428, %lt3A_429 : vector<16xi1>
      %or3A_431 = arith.ori %gt3A_427, %and3A_430 : vector<16xi1>
      %select_n3A_432 = arith.select %or3A_431, %gather3A_423, %select_n3A_416 : vector<16xi1>, vector<16xf32>
      %select_n3A_433 = arith.select %or3A_431, %gather3A_426, %select_n3A_417 : vector<16xi1>, vector<16xi32>
      %eq3A_434 = arith.constant 4 : i32
      %eq3A_435 = vector.broadcast %eq3A_434 : i32 to vector<16xi32>
      %eq3A_436 = arith.cmpi eq, %iota3A, %eq3A_435 : vector<16xi32>
      %select_n3A_437 = arith.select %eq3A_436, %select_n3A_432, %select_n3A_352 : vector<16xi1>, vector<16xf32>
      %eq3A_438 = arith.constant 4 : i32
      %eq3A_439 = vector.broadcast %eq3A_438 : i32 to vector<16xi32>
      %eq3A_440 = arith.cmpi eq, %iota3A, %eq3A_439 : vector<16xi32>
      %select_n3A_441 = arith.select %eq3A_440, %select_n3A_433, %select_n3A_356 : vector<16xi1>, vector<16xi32>
      %broadcast_in_dim3A_442 = arith.constant 0xFF800000 : f32
      %broadcast_in_dim3A_443 = vector.broadcast %broadcast_in_dim3A_442 : f32 to vector<16xf32>
      tpu.vector_store_idx %arg7[%select_n3A_433], %broadcast_in_dim3A_443 masked %eq3A_1 : memref<6400xf32, #tpu.memory_space<vmem>>[vector<16xi32>], vector<16xf32>, vector<16xi1>
      %broadcast_in_dim3A_444 = arith.constant 0xFF800000 : f32
      %broadcast_in_dim3A_445 = vector.broadcast %broadcast_in_dim3A_444 : f32 to vector<16xf32>
      %broadcast_in_dim3A_446 = arith.constant 0 : i32
      %broadcast_in_dim3A_447 = vector.broadcast %broadcast_in_dim3A_446 : i32 to vector<16xi32>
      %scan3A_448 = arith.constant 0 : i32
      %scan3A_449 = arith.constant 400 : i32
      %scan3A_450 = arith.addi %scan3A_448, %scan3A_449 : i32
      %scan3A_451 = arith.constant 1 : i32
      %scan3A_452:3 = scf.for %scan3A_876 = %scan3A_448 to %scan3A_450 step %scan3A_451 iter_args(%scan3A_877 = %broadcast_in_dim3A_445, %scan3A_878 = %broadcast_in_dim3A_447, %scan3A_879 = %iota3A) -> (vector<16xf32>, vector<16xi32>, vector<16xi32>)  : i32 {
        %mul3A_880 = arith.constant 16 : i32
        %mul3A_881 = arith.muli %scan3A_876, %mul3A_880 : i32
        %get3A = arith.index_cast %mul3A_881 : i32 to index
        %get3A_882 = tpu.vector_load %arg7[%get3A] {strides = array<i32>} : memref<6400xf32, #tpu.memory_space<vmem>>, vector<16xf32>,
        %gt3A_883 = arith.cmpf ogt, %get3A_882, %scan3A_877 : vector<16xf32>
        %select_n3A_884 = arith.select %gt3A_883, %get3A_882, %scan3A_877 : vector<16xi1>, vector<16xf32>
        %select_n3A_885 = arith.select %gt3A_883, %scan3A_879, %scan3A_878 : vector<16xi1>, vector<16xi32>
        %add3A = arith.constant 16 : i32
        %add3A_886 = vector.broadcast %add3A : i32 to vector<16xi32>
        %add3A_887 = arith.addi %scan3A_879, %add3A_886 : vector<16xi32>
        scf.yield %select_n3A_884, %select_n3A_885, %add3A_887 : vector<16xf32>, vector<16xi32>, vector<16xi32>
      }
      %scan3A_453 = arith.constant 400 : i32
      %iota3A_454 = tpu.iota {dimensions = array<i32: 0>} : vector<16xi32>
      %xor3A_455 = arith.constant 1 : i32
      %xor3A_456 = vector.broadcast %xor3A_455 : i32 to vector<16xi32>
      %xor3A_457 = arith.xori %iota3A_454, %xor3A_456 : vector<16xi32>
      %broadcast_in_dim3A_458 = vector.shape_cast %xor3A_457 : vector<16xi32> to vector<16x1xi32>
      %gather3A_459 = vector.shape_cast %broadcast_in_dim3A_458 : vector<16x1xi32> to vector<16xi32>
      %gather3A_460 = tpu.dynamic_gather %scan3A_452#0[%gather3A_459] in [0] : vector<16xf32>, vector<16xi32> -> vector<16xf32>
      %broadcast_in_dim3A_461 = vector.shape_cast %xor3A_457 : vector<16xi32> to vector<16x1xi32>
      %gather3A_462 = vector.shape_cast %broadcast_in_dim3A_461 : vector<16x1xi32> to vector<16xi32>
      %gather3A_463 = tpu.dynamic_gather %scan3A_452#1[%gather3A_462] in [0] : vector<16xi32>, vector<16xi32> -> vector<16xi32>
      %gt3A_464 = arith.cmpf ogt, %gather3A_460, %scan3A_452#0 : vector<16xf32>
      %eq3A_465 = arith.cmpf oeq, %gather3A_460, %scan3A_452#0 : vector<16xf32>
      %lt3A_466 = arith.cmpi slt, %gather3A_463, %scan3A_452#1 : vector<16xi32>
      %and3A_467 = arith.andi %eq3A_465, %lt3A_466 : vector<16xi1>
      %or3A_468 = arith.ori %gt3A_464, %and3A_467 : vector<16xi1>
      %select_n3A_469 = arith.select %or3A_468, %gather3A_460, %scan3A_452#0 : vector<16xi1>, vector<16xf32>
      %select_n3A_470 = arith.select %or3A_468, %gather3A_463, %scan3A_452#1 : vector<16xi1>, vector<16xi32>
      %xor3A_471 = arith.constant 2 : i32
      %xor3A_472 = vector.broadcast %xor3A_471 : i32 to vector<16xi32>
      %xor3A_473 = arith.xori %iota3A_454, %xor3A_472 : vector<16xi32>
      %broadcast_in_dim3A_474 = vector.shape_cast %xor3A_473 : vector<16xi32> to vector<16x1xi32>
      %gather3A_475 = vector.shape_cast %broadcast_in_dim3A_474 : vector<16x1xi32> to vector<16xi32>
      %gather3A_476 = tpu.dynamic_gather %select_n3A_469[%gather3A_475] in [0] : vector<16xf32>, vector<16xi32> -> vector<16xf32>
      %broadcast_in_dim3A_477 = vector.shape_cast %xor3A_473 : vector<16xi32> to vector<16x1xi32>
      %gather3A_478 = vector.shape_cast %broadcast_in_dim3A_477 : vector<16x1xi32> to vector<16xi32>
      %gather3A_479 = tpu.dynamic_gather %select_n3A_470[%gather3A_478] in [0] : vector<16xi32>, vector<16xi32> -> vector<16xi32>
      %gt3A_480 = arith.cmpf ogt, %gather3A_476, %select_n3A_469 : vector<16xf32>
      %eq3A_481 = arith.cmpf oeq, %gather3A_476, %select_n3A_469 : vector<16xf32>
      %lt3A_482 = arith.cmpi slt, %gather3A_479, %select_n3A_470 : vector<16xi32>
      %and3A_483 = arith.andi %eq3A_481, %lt3A_482 : vector<16xi1>
      %or3A_484 = arith.ori %gt3A_480, %and3A_483 : vector<16xi1>
      %select_n3A_485 = arith.select %or3A_484, %gather3A_476, %select_n3A_469 : vector<16xi1>, vector<16xf32>
      %select_n3A_486 = arith.select %or3A_484, %gather3A_479, %select_n3A_470 : vector<16xi1>, vector<16xi32>
      %xor3A_487 = arith.constant 4 : i32
      %xor3A_488 = vector.broadcast %xor3A_487 : i32 to vector<16xi32>
      %xor3A_489 = arith.xori %iota3A_454, %xor3A_488 : vector<16xi32>
      %broadcast_in_dim3A_490 = vector.shape_cast %xor3A_489 : vector<16xi32> to vector<16x1xi32>
      %gather3A_491 = vector.shape_cast %broadcast_in_dim3A_490 : vector<16x1xi32> to vector<16xi32>
      %gather3A_492 = tpu.dynamic_gather %select_n3A_485[%gather3A_491] in [0] : vector<16xf32>, vector<16xi32> -> vector<16xf32>
      %broadcast_in_dim3A_493 = vector.shape_cast %xor3A_489 : vector<16xi32> to vector<16x1xi32>
      %gather3A_494 = vector.shape_cast %broadcast_in_dim3A_493 : vector<16x1xi32> to vector<16xi32>
      %gather3A_495 = tpu.dynamic_gather %select_n3A_486[%gather3A_494] in [0] : vector<16xi32>, vector<16xi32> -> vector<16xi32>
      %gt3A_496 = arith.cmpf ogt, %gather3A_492, %select_n3A_485 : vector<16xf32>
      %eq3A_497 = arith.cmpf oeq, %gather3A_492, %select_n3A_485 : vector<16xf32>
      %lt3A_498 = arith.cmpi slt, %gather3A_495, %select_n3A_486 : vector<16xi32>
      %and3A_499 = arith.andi %eq3A_497, %lt3A_498 : vector<16xi1>
      %or3A_500 = arith.ori %gt3A_496, %and3A_499 : vector<16xi1>
      %select_n3A_501 = arith.select %or3A_500, %gather3A_492, %select_n3A_485 : vector<16xi1>, vector<16xf32>
      %select_n3A_502 = arith.select %or3A_500, %gather3A_495, %select_n3A_486 : vector<16xi1>, vector<16xi32>
      %xor3A_503 = arith.constant 8 : i32
      %xor3A_504 = vector.broadcast %xor3A_503 : i32 to vector<16xi32>
      %xor3A_505 = arith.xori %iota3A_454, %xor3A_504 : vector<16xi32>
      %broadcast_in_dim3A_506 = vector.shape_cast %xor3A_505 : vector<16xi32> to vector<16x1xi32>
      %gather3A_507 = vector.shape_cast %broadcast_in_dim3A_506 : vector<16x1xi32> to vector<16xi32>
      %gather3A_508 = tpu.dynamic_gather %select_n3A_501[%gather3A_507] in [0] : vector<16xf32>, vector<16xi32> -> vector<16xf32>
      %broadcast_in_dim3A_509 = vector.shape_cast %xor3A_505 : vector<16xi32> to vector<16x1xi32>
      %gather3A_510 = vector.shape_cast %broadcast_in_dim3A_509 : vector<16x1xi32> to vector<16xi32>
      %gather3A_511 = tpu.dynamic_gather %select_n3A_502[%gather3A_510] in [0] : vector<16xi32>, vector<16xi32> -> vector<16xi32>
      %gt3A_512 = arith.cmpf ogt, %gather3A_508, %select_n3A_501 : vector<16xf32>
      %eq3A_513 = arith.cmpf oeq, %gather3A_508, %select_n3A_501 : vector<16xf32>
      %lt3A_514 = arith.cmpi slt, %gather3A_511, %select_n3A_502 : vector<16xi32>
      %and3A_515 = arith.andi %eq3A_513, %lt3A_514 : vector<16xi1>
      %or3A_516 = arith.ori %gt3A_512, %and3A_515 : vector<16xi1>
      %select_n3A_517 = arith.select %or3A_516, %gather3A_508, %select_n3A_501 : vector<16xi1>, vector<16xf32>
      %select_n3A_518 = arith.select %or3A_516, %gather3A_511, %select_n3A_502 : vector<16xi1>, vector<16xi32>
      %eq3A_519 = arith.constant 5 : i32
      %eq3A_520 = vector.broadcast %eq3A_519 : i32 to vector<16xi32>
      %eq3A_521 = arith.cmpi eq, %iota3A, %eq3A_520 : vector<16xi32>
      %select_n3A_522 = arith.select %eq3A_521, %select_n3A_517, %select_n3A_437 : vector<16xi1>, vector<16xf32>
      %eq3A_523 = arith.constant 5 : i32
      %eq3A_524 = vector.broadcast %eq3A_523 : i32 to vector<16xi32>
      %eq3A_525 = arith.cmpi eq, %iota3A, %eq3A_524 : vector<16xi32>
      %select_n3A_526 = arith.select %eq3A_525, %select_n3A_518, %select_n3A_441 : vector<16xi1>, vector<16xi32>
      %broadcast_in_dim3A_527 = arith.constant 0xFF800000 : f32
      %broadcast_in_dim3A_528 = vector.broadcast %broadcast_in_dim3A_527 : f32 to vector<16xf32>
      tpu.vector_store_idx %arg7[%select_n3A_518], %broadcast_in_dim3A_528 masked %eq3A_1 : memref<6400xf32, #tpu.memory_space<vmem>>[vector<16xi32>], vector<16xf32>, vector<16xi1>
      %broadcast_in_dim3A_529 = arith.constant 0xFF800000 : f32
      %broadcast_in_dim3A_530 = vector.broadcast %broadcast_in_dim3A_529 : f32 to vector<16xf32>
      %broadcast_in_dim3A_531 = arith.constant 0 : i32
      %broadcast_in_dim3A_532 = vector.broadcast %broadcast_in_dim3A_531 : i32 to vector<16xi32>
      %scan3A_533 = arith.constant 0 : i32
      %scan3A_534 = arith.constant 400 : i32
      %scan3A_535 = arith.addi %scan3A_533, %scan3A_534 : i32
      %scan3A_536 = arith.constant 1 : i32
      %scan3A_537:3 = scf.for %scan3A_876 = %scan3A_533 to %scan3A_535 step %scan3A_536 iter_args(%scan3A_877 = %broadcast_in_dim3A_530, %scan3A_878 = %broadcast_in_dim3A_532, %scan3A_879 = %iota3A) -> (vector<16xf32>, vector<16xi32>, vector<16xi32>)  : i32 {
        %mul3A_880 = arith.constant 16 : i32
        %mul3A_881 = arith.muli %scan3A_876, %mul3A_880 : i32
        %get3A = arith.index_cast %mul3A_881 : i32 to index
        %get3A_882 = tpu.vector_load %arg7[%get3A] {strides = array<i32>} : memref<6400xf32, #tpu.memory_space<vmem>>, vector<16xf32>,
        %gt3A_883 = arith.cmpf ogt, %get3A_882, %scan3A_877 : vector<16xf32>
        %select_n3A_884 = arith.select %gt3A_883, %get3A_882, %scan3A_877 : vector<16xi1>, vector<16xf32>
        %select_n3A_885 = arith.select %gt3A_883, %scan3A_879, %scan3A_878 : vector<16xi1>, vector<16xi32>
        %add3A = arith.constant 16 : i32
        %add3A_886 = vector.broadcast %add3A : i32 to vector<16xi32>
        %add3A_887 = arith.addi %scan3A_879, %add3A_886 : vector<16xi32>
        scf.yield %select_n3A_884, %select_n3A_885, %add3A_887 : vector<16xf32>, vector<16xi32>, vector<16xi32>
      }
      %scan3A_538 = arith.constant 400 : i32
      %iota3A_539 = tpu.iota {dimensions = array<i32: 0>} : vector<16xi32>
      %xor3A_540 = arith.constant 1 : i32
      %xor3A_541 = vector.broadcast %xor3A_540 : i32 to vector<16xi32>
      %xor3A_542 = arith.xori %iota3A_539, %xor3A_541 : vector<16xi32>
      %broadcast_in_dim3A_543 = vector.shape_cast %xor3A_542 : vector<16xi32> to vector<16x1xi32>
      %gather3A_544 = vector.shape_cast %broadcast_in_dim3A_543 : vector<16x1xi32> to vector<16xi32>
      %gather3A_545 = tpu.dynamic_gather %scan3A_537#0[%gather3A_544] in [0] : vector<16xf32>, vector<16xi32> -> vector<16xf32>
      %broadcast_in_dim3A_546 = vector.shape_cast %xor3A_542 : vector<16xi32> to vector<16x1xi32>
      %gather3A_547 = vector.shape_cast %broadcast_in_dim3A_546 : vector<16x1xi32> to vector<16xi32>
      %gather3A_548 = tpu.dynamic_gather %scan3A_537#1[%gather3A_547] in [0] : vector<16xi32>, vector<16xi32> -> vector<16xi32>
      %gt3A_549 = arith.cmpf ogt, %gather3A_545, %scan3A_537#0 : vector<16xf32>
      %eq3A_550 = arith.cmpf oeq, %gather3A_545, %scan3A_537#0 : vector<16xf32>
      %lt3A_551 = arith.cmpi slt, %gather3A_548, %scan3A_537#1 : vector<16xi32>
      %and3A_552 = arith.andi %eq3A_550, %lt3A_551 : vector<16xi1>
      %or3A_553 = arith.ori %gt3A_549, %and3A_552 : vector<16xi1>
      %select_n3A_554 = arith.select %or3A_553, %gather3A_545, %scan3A_537#0 : vector<16xi1>, vector<16xf32>
      %select_n3A_555 = arith.select %or3A_553, %gather3A_548, %scan3A_537#1 : vector<16xi1>, vector<16xi32>
      %xor3A_556 = arith.constant 2 : i32
      %xor3A_557 = vector.broadcast %xor3A_556 : i32 to vector<16xi32>
      %xor3A_558 = arith.xori %iota3A_539, %xor3A_557 : vector<16xi32>
      %broadcast_in_dim3A_559 = vector.shape_cast %xor3A_558 : vector<16xi32> to vector<16x1xi32>
      %gather3A_560 = vector.shape_cast %broadcast_in_dim3A_559 : vector<16x1xi32> to vector<16xi32>
      %gather3A_561 = tpu.dynamic_gather %select_n3A_554[%gather3A_560] in [0] : vector<16xf32>, vector<16xi32> -> vector<16xf32>
      %broadcast_in_dim3A_562 = vector.shape_cast %xor3A_558 : vector<16xi32> to vector<16x1xi32>
      %gather3A_563 = vector.shape_cast %broadcast_in_dim3A_562 : vector<16x1xi32> to vector<16xi32>
      %gather3A_564 = tpu.dynamic_gather %select_n3A_555[%gather3A_563] in [0] : vector<16xi32>, vector<16xi32> -> vector<16xi32>
      %gt3A_565 = arith.cmpf ogt, %gather3A_561, %select_n3A_554 : vector<16xf32>
      %eq3A_566 = arith.cmpf oeq, %gather3A_561, %select_n3A_554 : vector<16xf32>
      %lt3A_567 = arith.cmpi slt, %gather3A_564, %select_n3A_555 : vector<16xi32>
      %and3A_568 = arith.andi %eq3A_566, %lt3A_567 : vector<16xi1>
      %or3A_569 = arith.ori %gt3A_565, %and3A_568 : vector<16xi1>
      %select_n3A_570 = arith.select %or3A_569, %gather3A_561, %select_n3A_554 : vector<16xi1>, vector<16xf32>
      %select_n3A_571 = arith.select %or3A_569, %gather3A_564, %select_n3A_555 : vector<16xi1>, vector<16xi32>
      %xor3A_572 = arith.constant 4 : i32
      %xor3A_573 = vector.broadcast %xor3A_572 : i32 to vector<16xi32>
      %xor3A_574 = arith.xori %iota3A_539, %xor3A_573 : vector<16xi32>
      %broadcast_in_dim3A_575 = vector.shape_cast %xor3A_574 : vector<16xi32> to vector<16x1xi32>
      %gather3A_576 = vector.shape_cast %broadcast_in_dim3A_575 : vector<16x1xi32> to vector<16xi32>
      %gather3A_577 = tpu.dynamic_gather %select_n3A_570[%gather3A_576] in [0] : vector<16xf32>, vector<16xi32> -> vector<16xf32>
      %broadcast_in_dim3A_578 = vector.shape_cast %xor3A_574 : vector<16xi32> to vector<16x1xi32>
      %gather3A_579 = vector.shape_cast %broadcast_in_dim3A_578 : vector<16x1xi32> to vector<16xi32>
      %gather3A_580 = tpu.dynamic_gather %select_n3A_571[%gather3A_579] in [0] : vector<16xi32>, vector<16xi32> -> vector<16xi32>
      %gt3A_581 = arith.cmpf ogt, %gather3A_577, %select_n3A_570 : vector<16xf32>
      %eq3A_582 = arith.cmpf oeq, %gather3A_577, %select_n3A_570 : vector<16xf32>
      %lt3A_583 = arith.cmpi slt, %gather3A_580, %select_n3A_571 : vector<16xi32>
      %and3A_584 = arith.andi %eq3A_582, %lt3A_583 : vector<16xi1>
      %or3A_585 = arith.ori %gt3A_581, %and3A_584 : vector<16xi1>
      %select_n3A_586 = arith.select %or3A_585, %gather3A_577, %select_n3A_570 : vector<16xi1>, vector<16xf32>
      %select_n3A_587 = arith.select %or3A_585, %gather3A_580, %select_n3A_571 : vector<16xi1>, vector<16xi32>
      %xor3A_588 = arith.constant 8 : i32
      %xor3A_589 = vector.broadcast %xor3A_588 : i32 to vector<16xi32>
      %xor3A_590 = arith.xori %iota3A_539, %xor3A_589 : vector<16xi32>
      %broadcast_in_dim3A_591 = vector.shape_cast %xor3A_590 : vector<16xi32> to vector<16x1xi32>
      %gather3A_592 = vector.shape_cast %broadcast_in_dim3A_591 : vector<16x1xi32> to vector<16xi32>
      %gather3A_593 = tpu.dynamic_gather %select_n3A_586[%gather3A_592] in [0] : vector<16xf32>, vector<16xi32> -> vector<16xf32>
      %broadcast_in_dim3A_594 = vector.shape_cast %xor3A_590 : vector<16xi32> to vector<16x1xi32>
      %gather3A_595 = vector.shape_cast %broadcast_in_dim3A_594 : vector<16x1xi32> to vector<16xi32>
      %gather3A_596 = tpu.dynamic_gather %select_n3A_587[%gather3A_595] in [0] : vector<16xi32>, vector<16xi32> -> vector<16xi32>
      %gt3A_597 = arith.cmpf ogt, %gather3A_593, %select_n3A_586 : vector<16xf32>
      %eq3A_598 = arith.cmpf oeq, %gather3A_593, %select_n3A_586 : vector<16xf32>
      %lt3A_599 = arith.cmpi slt, %gather3A_596, %select_n3A_587 : vector<16xi32>
      %and3A_600 = arith.andi %eq3A_598, %lt3A_599 : vector<16xi1>
      %or3A_601 = arith.ori %gt3A_597, %and3A_600 : vector<16xi1>
      %select_n3A_602 = arith.select %or3A_601, %gather3A_593, %select_n3A_586 : vector<16xi1>, vector<16xf32>
      %select_n3A_603 = arith.select %or3A_601, %gather3A_596, %select_n3A_587 : vector<16xi1>, vector<16xi32>
      %eq3A_604 = arith.constant 6 : i32
      %eq3A_605 = vector.broadcast %eq3A_604 : i32 to vector<16xi32>
      %eq3A_606 = arith.cmpi eq, %iota3A, %eq3A_605 : vector<16xi32>
      %select_n3A_607 = arith.select %eq3A_606, %select_n3A_602, %select_n3A_522 : vector<16xi1>, vector<16xf32>
      %eq3A_608 = arith.constant 6 : i32
      %eq3A_609 = vector.broadcast %eq3A_608 : i32 to vector<16xi32>
      %eq3A_610 = arith.cmpi eq, %iota3A, %eq3A_609 : vector<16xi32>
      %select_n3A_611 = arith.select %eq3A_610, %select_n3A_603, %select_n3A_526 : vector<16xi1>, vector<16xi32>
      %broadcast_in_dim3A_612 = arith.constant 0xFF800000 : f32
      %broadcast_in_dim3A_613 = vector.broadcast %broadcast_in_dim3A_612 : f32 to vector<16xf32>
      tpu.vector_store_idx %arg7[%select_n3A_603], %broadcast_in_dim3A_613 masked %eq3A_1 : memref<6400xf32, #tpu.memory_space<vmem>>[vector<16xi32>], vector<16xf32>, vector<16xi1>
      %broadcast_in_dim3A_614 = arith.constant 0xFF800000 : f32
      %broadcast_in_dim3A_615 = vector.broadcast %broadcast_in_dim3A_614 : f32 to vector<16xf32>
      %broadcast_in_dim3A_616 = arith.constant 0 : i32
      %broadcast_in_dim3A_617 = vector.broadcast %broadcast_in_dim3A_616 : i32 to vector<16xi32>
      %scan3A_618 = arith.constant 0 : i32
      %scan3A_619 = arith.constant 400 : i32
      %scan3A_620 = arith.addi %scan3A_618, %scan3A_619 : i32
      %scan3A_621 = arith.constant 1 : i32
      %scan3A_622:3 = scf.for %scan3A_876 = %scan3A_618 to %scan3A_620 step %scan3A_621 iter_args(%scan3A_877 = %broadcast_in_dim3A_615, %scan3A_878 = %broadcast_in_dim3A_617, %scan3A_879 = %iota3A) -> (vector<16xf32>, vector<16xi32>, vector<16xi32>)  : i32 {
        %mul3A_880 = arith.constant 16 : i32
        %mul3A_881 = arith.muli %scan3A_876, %mul3A_880 : i32
        %get3A = arith.index_cast %mul3A_881 : i32 to index
        %get3A_882 = tpu.vector_load %arg7[%get3A] {strides = array<i32>} : memref<6400xf32, #tpu.memory_space<vmem>>, vector<16xf32>,
        %gt3A_883 = arith.cmpf ogt, %get3A_882, %scan3A_877 : vector<16xf32>
        %select_n3A_884 = arith.select %gt3A_883, %get3A_882, %scan3A_877 : vector<16xi1>, vector<16xf32>
        %select_n3A_885 = arith.select %gt3A_883, %scan3A_879, %scan3A_878 : vector<16xi1>, vector<16xi32>
        %add3A = arith.constant 16 : i32
        %add3A_886 = vector.broadcast %add3A : i32 to vector<16xi32>
        %add3A_887 = arith.addi %scan3A_879, %add3A_886 : vector<16xi32>
        scf.yield %select_n3A_884, %select_n3A_885, %add3A_887 : vector<16xf32>, vector<16xi32>, vector<16xi32>
      }
      %scan3A_623 = arith.constant 400 : i32
      %iota3A_624 = tpu.iota {dimensions = array<i32: 0>} : vector<16xi32>
      %xor3A_625 = arith.constant 1 : i32
      %xor3A_626 = vector.broadcast %xor3A_625 : i32 to vector<16xi32>
      %xor3A_627 = arith.xori %iota3A_624, %xor3A_626 : vector<16xi32>
      %broadcast_in_dim3A_628 = vector.shape_cast %xor3A_627 : vector<16xi32> to vector<16x1xi32>
      %gather3A_629 = vector.shape_cast %broadcast_in_dim3A_628 : vector<16x1xi32> to vector<16xi32>
      %gather3A_630 = tpu.dynamic_gather %scan3A_622#0[%gather3A_629] in [0] : vector<16xf32>, vector<16xi32> -> vector<16xf32>
      %broadcast_in_dim3A_631 = vector.shape_cast %xor3A_627 : vector<16xi32> to vector<16x1xi32>
      %gather3A_632 = vector.shape_cast %broadcast_in_dim3A_631 : vector<16x1xi32> to vector<16xi32>
      %gather3A_633 = tpu.dynamic_gather %scan3A_622#1[%gather3A_632] in [0] : vector<16xi32>, vector<16xi32> -> vector<16xi32>
      %gt3A_634 = arith.cmpf ogt, %gather3A_630, %scan3A_622#0 : vector<16xf32>
      %eq3A_635 = arith.cmpf oeq, %gather3A_630, %scan3A_622#0 : vector<16xf32>
      %lt3A_636 = arith.cmpi slt, %gather3A_633, %scan3A_622#1 : vector<16xi32>
      %and3A_637 = arith.andi %eq3A_635, %lt3A_636 : vector<16xi1>
      %or3A_638 = arith.ori %gt3A_634, %and3A_637 : vector<16xi1>
      %select_n3A_639 = arith.select %or3A_638, %gather3A_630, %scan3A_622#0 : vector<16xi1>, vector<16xf32>
      %select_n3A_640 = arith.select %or3A_638, %gather3A_633, %scan3A_622#1 : vector<16xi1>, vector<16xi32>
      %xor3A_641 = arith.constant 2 : i32
      %xor3A_642 = vector.broadcast %xor3A_641 : i32 to vector<16xi32>
      %xor3A_643 = arith.xori %iota3A_624, %xor3A_642 : vector<16xi32>
      %broadcast_in_dim3A_644 = vector.shape_cast %xor3A_643 : vector<16xi32> to vector<16x1xi32>
      %gather3A_645 = vector.shape_cast %broadcast_in_dim3A_644 : vector<16x1xi32> to vector<16xi32>
      %gather3A_646 = tpu.dynamic_gather %select_n3A_639[%gather3A_645] in [0] : vector<16xf32>, vector<16xi32> -> vector<16xf32>
      %broadcast_in_dim3A_647 = vector.shape_cast %xor3A_643 : vector<16xi32> to vector<16x1xi32>
      %gather3A_648 = vector.shape_cast %broadcast_in_dim3A_647 : vector<16x1xi32> to vector<16xi32>
      %gather3A_649 = tpu.dynamic_gather %select_n3A_640[%gather3A_648] in [0] : vector<16xi32>, vector<16xi32> -> vector<16xi32>
      %gt3A_650 = arith.cmpf ogt, %gather3A_646, %select_n3A_639 : vector<16xf32>
      %eq3A_651 = arith.cmpf oeq, %gather3A_646, %select_n3A_639 : vector<16xf32>
      %lt3A_652 = arith.cmpi slt, %gather3A_649, %select_n3A_640 : vector<16xi32>
      %and3A_653 = arith.andi %eq3A_651, %lt3A_652 : vector<16xi1>
      %or3A_654 = arith.ori %gt3A_650, %and3A_653 : vector<16xi1>
      %select_n3A_655 = arith.select %or3A_654, %gather3A_646, %select_n3A_639 : vector<16xi1>, vector<16xf32>
      %select_n3A_656 = arith.select %or3A_654, %gather3A_649, %select_n3A_640 : vector<16xi1>, vector<16xi32>
      %xor3A_657 = arith.constant 4 : i32
      %xor3A_658 = vector.broadcast %xor3A_657 : i32 to vector<16xi32>
      %xor3A_659 = arith.xori %iota3A_624, %xor3A_658 : vector<16xi32>
      %broadcast_in_dim3A_660 = vector.shape_cast %xor3A_659 : vector<16xi32> to vector<16x1xi32>
      %gather3A_661 = vector.shape_cast %broadcast_in_dim3A_660 : vector<16x1xi32> to vector<16xi32>
      %gather3A_662 = tpu.dynamic_gather %select_n3A_655[%gather3A_661] in [0] : vector<16xf32>, vector<16xi32> -> vector<16xf32>
      %broadcast_in_dim3A_663 = vector.shape_cast %xor3A_659 : vector<16xi32> to vector<16x1xi32>
      %gather3A_664 = vector.shape_cast %broadcast_in_dim3A_663 : vector<16x1xi32> to vector<16xi32>
      %gather3A_665 = tpu.dynamic_gather %select_n3A_656[%gather3A_664] in [0] : vector<16xi32>, vector<16xi32> -> vector<16xi32>
      %gt3A_666 = arith.cmpf ogt, %gather3A_662, %select_n3A_655 : vector<16xf32>
      %eq3A_667 = arith.cmpf oeq, %gather3A_662, %select_n3A_655 : vector<16xf32>
      %lt3A_668 = arith.cmpi slt, %gather3A_665, %select_n3A_656 : vector<16xi32>
      %and3A_669 = arith.andi %eq3A_667, %lt3A_668 : vector<16xi1>
      %or3A_670 = arith.ori %gt3A_666, %and3A_669 : vector<16xi1>
      %select_n3A_671 = arith.select %or3A_670, %gather3A_662, %select_n3A_655 : vector<16xi1>, vector<16xf32>
      %select_n3A_672 = arith.select %or3A_670, %gather3A_665, %select_n3A_656 : vector<16xi1>, vector<16xi32>
      %xor3A_673 = arith.constant 8 : i32
      %xor3A_674 = vector.broadcast %xor3A_673 : i32 to vector<16xi32>
      %xor3A_675 = arith.xori %iota3A_624, %xor3A_674 : vector<16xi32>
      %broadcast_in_dim3A_676 = vector.shape_cast %xor3A_675 : vector<16xi32> to vector<16x1xi32>
      %gather3A_677 = vector.shape_cast %broadcast_in_dim3A_676 : vector<16x1xi32> to vector<16xi32>
      %gather3A_678 = tpu.dynamic_gather %select_n3A_671[%gather3A_677] in [0] : vector<16xf32>, vector<16xi32> -> vector<16xf32>
      %broadcast_in_dim3A_679 = vector.shape_cast %xor3A_675 : vector<16xi32> to vector<16x1xi32>
      %gather3A_680 = vector.shape_cast %broadcast_in_dim3A_679 : vector<16x1xi32> to vector<16xi32>
      %gather3A_681 = tpu.dynamic_gather %select_n3A_672[%gather3A_680] in [0] : vector<16xi32>, vector<16xi32> -> vector<16xi32>
      %gt3A_682 = arith.cmpf ogt, %gather3A_678, %select_n3A_671 : vector<16xf32>
      %eq3A_683 = arith.cmpf oeq, %gather3A_678, %select_n3A_671 : vector<16xf32>
      %lt3A_684 = arith.cmpi slt, %gather3A_681, %select_n3A_672 : vector<16xi32>
      %and3A_685 = arith.andi %eq3A_683, %lt3A_684 : vector<16xi1>
      %or3A_686 = arith.ori %gt3A_682, %and3A_685 : vector<16xi1>
      %select_n3A_687 = arith.select %or3A_686, %gather3A_678, %select_n3A_671 : vector<16xi1>, vector<16xf32>
      %select_n3A_688 = arith.select %or3A_686, %gather3A_681, %select_n3A_672 : vector<16xi1>, vector<16xi32>
      %eq3A_689 = arith.constant 7 : i32
      %eq3A_690 = vector.broadcast %eq3A_689 : i32 to vector<16xi32>
      %eq3A_691 = arith.cmpi eq, %iota3A, %eq3A_690 : vector<16xi32>
      %select_n3A_692 = arith.select %eq3A_691, %select_n3A_687, %select_n3A_607 : vector<16xi1>, vector<16xf32>
      %eq3A_693 = arith.constant 7 : i32
      %eq3A_694 = vector.broadcast %eq3A_693 : i32 to vector<16xi32>
      %eq3A_695 = arith.cmpi eq, %iota3A, %eq3A_694 : vector<16xi32>
      %select_n3A_696 = arith.select %eq3A_695, %select_n3A_688, %select_n3A_611 : vector<16xi1>, vector<16xi32>
      %broadcast_in_dim3A_697 = arith.constant 0xFF800000 : f32
      %broadcast_in_dim3A_698 = vector.broadcast %broadcast_in_dim3A_697 : f32 to vector<16xf32>
      tpu.vector_store_idx %arg7[%select_n3A_688], %broadcast_in_dim3A_698 masked %eq3A_1 : memref<6400xf32, #tpu.memory_space<vmem>>[vector<16xi32>], vector<16xf32>, vector<16xi1>
      %broadcast_in_dim3A_699 = arith.constant 0xFF800000 : f32
      %broadcast_in_dim3A_700 = vector.broadcast %broadcast_in_dim3A_699 : f32 to vector<16xf32>
      %broadcast_in_dim3A_701 = arith.constant 0 : i32
      %broadcast_in_dim3A_702 = vector.broadcast %broadcast_in_dim3A_701 : i32 to vector<16xi32>
      %scan3A_703 = arith.constant 0 : i32
      %scan3A_704 = arith.constant 400 : i32
      %scan3A_705 = arith.addi %scan3A_703, %scan3A_704 : i32
      %scan3A_706 = arith.constant 1 : i32
      %scan3A_707:3 = scf.for %scan3A_876 = %scan3A_703 to %scan3A_705 step %scan3A_706 iter_args(%scan3A_877 = %broadcast_in_dim3A_700, %scan3A_878 = %broadcast_in_dim3A_702, %scan3A_879 = %iota3A) -> (vector<16xf32>, vector<16xi32>, vector<16xi32>)  : i32 {
        %mul3A_880 = arith.constant 16 : i32
        %mul3A_881 = arith.muli %scan3A_876, %mul3A_880 : i32
        %get3A = arith.index_cast %mul3A_881 : i32 to index
        %get3A_882 = tpu.vector_load %arg7[%get3A] {strides = array<i32>} : memref<6400xf32, #tpu.memory_space<vmem>>, vector<16xf32>,
        %gt3A_883 = arith.cmpf ogt, %get3A_882, %scan3A_877 : vector<16xf32>
        %select_n3A_884 = arith.select %gt3A_883, %get3A_882, %scan3A_877 : vector<16xi1>, vector<16xf32>
        %select_n3A_885 = arith.select %gt3A_883, %scan3A_879, %scan3A_878 : vector<16xi1>, vector<16xi32>
        %add3A = arith.constant 16 : i32
        %add3A_886 = vector.broadcast %add3A : i32 to vector<16xi32>
        %add3A_887 = arith.addi %scan3A_879, %add3A_886 : vector<16xi32>
        scf.yield %select_n3A_884, %select_n3A_885, %add3A_887 : vector<16xf32>, vector<16xi32>, vector<16xi32>
      }
      %scan3A_708 = arith.constant 400 : i32
      %iota3A_709 = tpu.iota {dimensions = array<i32: 0>} : vector<16xi32>
      %xor3A_710 = arith.constant 1 : i32
      %xor3A_711 = vector.broadcast %xor3A_710 : i32 to vector<16xi32>
      %xor3A_712 = arith.xori %iota3A_709, %xor3A_711 : vector<16xi32>
      %broadcast_in_dim3A_713 = vector.shape_cast %xor3A_712 : vector<16xi32> to vector<16x1xi32>
      %gather3A_714 = vector.shape_cast %broadcast_in_dim3A_713 : vector<16x1xi32> to vector<16xi32>
      %gather3A_715 = tpu.dynamic_gather %scan3A_707#0[%gather3A_714] in [0] : vector<16xf32>, vector<16xi32> -> vector<16xf32>
      %broadcast_in_dim3A_716 = vector.shape_cast %xor3A_712 : vector<16xi32> to vector<16x1xi32>
      %gather3A_717 = vector.shape_cast %broadcast_in_dim3A_716 : vector<16x1xi32> to vector<16xi32>
      %gather3A_718 = tpu.dynamic_gather %scan3A_707#1[%gather3A_717] in [0] : vector<16xi32>, vector<16xi32> -> vector<16xi32>
      %gt3A_719 = arith.cmpf ogt, %gather3A_715, %scan3A_707#0 : vector<16xf32>
      %eq3A_720 = arith.cmpf oeq, %gather3A_715, %scan3A_707#0 : vector<16xf32>
      %lt3A_721 = arith.cmpi slt, %gather3A_718, %scan3A_707#1 : vector<16xi32>
      %and3A_722 = arith.andi %eq3A_720, %lt3A_721 : vector<16xi1>
      %or3A_723 = arith.ori %gt3A_719, %and3A_722 : vector<16xi1>
      %select_n3A_724 = arith.select %or3A_723, %gather3A_715, %scan3A_707#0 : vector<16xi1>, vector<16xf32>
      %select_n3A_725 = arith.select %or3A_723, %gather3A_718, %scan3A_707#1 : vector<16xi1>, vector<16xi32>
      %xor3A_726 = arith.constant 2 : i32
      %xor3A_727 = vector.broadcast %xor3A_726 : i32 to vector<16xi32>
      %xor3A_728 = arith.xori %iota3A_709, %xor3A_727 : vector<16xi32>
      %broadcast_in_dim3A_729 = vector.shape_cast %xor3A_728 : vector<16xi32> to vector<16x1xi32>
      %gather3A_730 = vector.shape_cast %broadcast_in_dim3A_729 : vector<16x1xi32> to vector<16xi32>
      %gather3A_731 = tpu.dynamic_gather %select_n3A_724[%gather3A_730] in [0] : vector<16xf32>, vector<16xi32> -> vector<16xf32>
      %broadcast_in_dim3A_732 = vector.shape_cast %xor3A_728 : vector<16xi32> to vector<16x1xi32>
      %gather3A_733 = vector.shape_cast %broadcast_in_dim3A_732 : vector<16x1xi32> to vector<16xi32>
      %gather3A_734 = tpu.dynamic_gather %select_n3A_725[%gather3A_733] in [0] : vector<16xi32>, vector<16xi32> -> vector<16xi32>
      %gt3A_735 = arith.cmpf ogt, %gather3A_731, %select_n3A_724 : vector<16xf32>
      %eq3A_736 = arith.cmpf oeq, %gather3A_731, %select_n3A_724 : vector<16xf32>
      %lt3A_737 = arith.cmpi slt, %gather3A_734, %select_n3A_725 : vector<16xi32>
      %and3A_738 = arith.andi %eq3A_736, %lt3A_737 : vector<16xi1>
      %or3A_739 = arith.ori %gt3A_735, %and3A_738 : vector<16xi1>
      %select_n3A_740 = arith.select %or3A_739, %gather3A_731, %select_n3A_724 : vector<16xi1>, vector<16xf32>
      %select_n3A_741 = arith.select %or3A_739, %gather3A_734, %select_n3A_725 : vector<16xi1>, vector<16xi32>
      %xor3A_742 = arith.constant 4 : i32
      %xor3A_743 = vector.broadcast %xor3A_742 : i32 to vector<16xi32>
      %xor3A_744 = arith.xori %iota3A_709, %xor3A_743 : vector<16xi32>
      %broadcast_in_dim3A_745 = vector.shape_cast %xor3A_744 : vector<16xi32> to vector<16x1xi32>
      %gather3A_746 = vector.shape_cast %broadcast_in_dim3A_745 : vector<16x1xi32> to vector<16xi32>
      %gather3A_747 = tpu.dynamic_gather %select_n3A_740[%gather3A_746] in [0] : vector<16xf32>, vector<16xi32> -> vector<16xf32>
      %broadcast_in_dim3A_748 = vector.shape_cast %xor3A_744 : vector<16xi32> to vector<16x1xi32>
      %gather3A_749 = vector.shape_cast %broadcast_in_dim3A_748 : vector<16x1xi32> to vector<16xi32>
      %gather3A_750 = tpu.dynamic_gather %select_n3A_741[%gather3A_749] in [0] : vector<16xi32>, vector<16xi32> -> vector<16xi32>
      %gt3A_751 = arith.cmpf ogt, %gather3A_747, %select_n3A_740 : vector<16xf32>
      %eq3A_752 = arith.cmpf oeq, %gather3A_747, %select_n3A_740 : vector<16xf32>
      %lt3A_753 = arith.cmpi slt, %gather3A_750, %select_n3A_741 : vector<16xi32>
      %and3A_754 = arith.andi %eq3A_752, %lt3A_753 : vector<16xi1>
      %or3A_755 = arith.ori %gt3A_751, %and3A_754 : vector<16xi1>
      %select_n3A_756 = arith.select %or3A_755, %gather3A_747, %select_n3A_740 : vector<16xi1>, vector<16xf32>
      %select_n3A_757 = arith.select %or3A_755, %gather3A_750, %select_n3A_741 : vector<16xi1>, vector<16xi32>
      %xor3A_758 = arith.constant 8 : i32
      %xor3A_759 = vector.broadcast %xor3A_758 : i32 to vector<16xi32>
      %xor3A_760 = arith.xori %iota3A_709, %xor3A_759 : vector<16xi32>
      %broadcast_in_dim3A_761 = vector.shape_cast %xor3A_760 : vector<16xi32> to vector<16x1xi32>
      %gather3A_762 = vector.shape_cast %broadcast_in_dim3A_761 : vector<16x1xi32> to vector<16xi32>
      %gather3A_763 = tpu.dynamic_gather %select_n3A_756[%gather3A_762] in [0] : vector<16xf32>, vector<16xi32> -> vector<16xf32>
      %broadcast_in_dim3A_764 = vector.shape_cast %xor3A_760 : vector<16xi32> to vector<16x1xi32>
      %gather3A_765 = vector.shape_cast %broadcast_in_dim3A_764 : vector<16x1xi32> to vector<16xi32>
      %gather3A_766 = tpu.dynamic_gather %select_n3A_757[%gather3A_765] in [0] : vector<16xi32>, vector<16xi32> -> vector<16xi32>
      %gt3A_767 = arith.cmpf ogt, %gather3A_763, %select_n3A_756 : vector<16xf32>
      %eq3A_768 = arith.cmpf oeq, %gather3A_763, %select_n3A_756 : vector<16xf32>
      %lt3A_769 = arith.cmpi slt, %gather3A_766, %select_n3A_757 : vector<16xi32>
      %and3A_770 = arith.andi %eq3A_768, %lt3A_769 : vector<16xi1>
      %or3A_771 = arith.ori %gt3A_767, %and3A_770 : vector<16xi1>
      %select_n3A_772 = arith.select %or3A_771, %gather3A_763, %select_n3A_756 : vector<16xi1>, vector<16xf32>
      %select_n3A_773 = arith.select %or3A_771, %gather3A_766, %select_n3A_757 : vector<16xi1>, vector<16xi32>
      %eq3A_774 = arith.constant 8 : i32
      %eq3A_775 = vector.broadcast %eq3A_774 : i32 to vector<16xi32>
      %eq3A_776 = arith.cmpi eq, %iota3A, %eq3A_775 : vector<16xi32>
      %select_n3A_777 = arith.select %eq3A_776, %select_n3A_772, %select_n3A_692 : vector<16xi1>, vector<16xf32>
      %eq3A_778 = arith.constant 8 : i32
      %eq3A_779 = vector.broadcast %eq3A_778 : i32 to vector<16xi32>
      %eq3A_780 = arith.cmpi eq, %iota3A, %eq3A_779 : vector<16xi32>
      %select_n3A_781 = arith.select %eq3A_780, %select_n3A_773, %select_n3A_696 : vector<16xi1>, vector<16xi32>
      %broadcast_in_dim3A_782 = arith.constant 0xFF800000 : f32
      %broadcast_in_dim3A_783 = vector.broadcast %broadcast_in_dim3A_782 : f32 to vector<16xf32>
      tpu.vector_store_idx %arg7[%select_n3A_773], %broadcast_in_dim3A_783 masked %eq3A_1 : memref<6400xf32, #tpu.memory_space<vmem>>[vector<16xi32>], vector<16xf32>, vector<16xi1>
      %broadcast_in_dim3A_784 = arith.constant 0xFF800000 : f32
      %broadcast_in_dim3A_785 = vector.broadcast %broadcast_in_dim3A_784 : f32 to vector<16xf32>
      %broadcast_in_dim3A_786 = arith.constant 0 : i32
      %broadcast_in_dim3A_787 = vector.broadcast %broadcast_in_dim3A_786 : i32 to vector<16xi32>
      %scan3A_788 = arith.constant 0 : i32
      %scan3A_789 = arith.constant 400 : i32
      %scan3A_790 = arith.addi %scan3A_788, %scan3A_789 : i32
      %scan3A_791 = arith.constant 1 : i32
      %scan3A_792:3 = scf.for %scan3A_876 = %scan3A_788 to %scan3A_790 step %scan3A_791 iter_args(%scan3A_877 = %broadcast_in_dim3A_785, %scan3A_878 = %broadcast_in_dim3A_787, %scan3A_879 = %iota3A) -> (vector<16xf32>, vector<16xi32>, vector<16xi32>)  : i32 {
        %mul3A_880 = arith.constant 16 : i32
        %mul3A_881 = arith.muli %scan3A_876, %mul3A_880 : i32
        %get3A = arith.index_cast %mul3A_881 : i32 to index
        %get3A_882 = tpu.vector_load %arg7[%get3A] {strides = array<i32>} : memref<6400xf32, #tpu.memory_space<vmem>>, vector<16xf32>,
        %gt3A_883 = arith.cmpf ogt, %get3A_882, %scan3A_877 : vector<16xf32>
        %select_n3A_884 = arith.select %gt3A_883, %get3A_882, %scan3A_877 : vector<16xi1>, vector<16xf32>
        %select_n3A_885 = arith.select %gt3A_883, %scan3A_879, %scan3A_878 : vector<16xi1>, vector<16xi32>
        %add3A = arith.constant 16 : i32
        %add3A_886 = vector.broadcast %add3A : i32 to vector<16xi32>
        %add3A_887 = arith.addi %scan3A_879, %add3A_886 : vector<16xi32>
        scf.yield %select_n3A_884, %select_n3A_885, %add3A_887 : vector<16xf32>, vector<16xi32>, vector<16xi32>
      }
      %scan3A_793 = arith.constant 400 : i32
      %iota3A_794 = tpu.iota {dimensions = array<i32: 0>} : vector<16xi32>
      %xor3A_795 = arith.constant 1 : i32
      %xor3A_796 = vector.broadcast %xor3A_795 : i32 to vector<16xi32>
      %xor3A_797 = arith.xori %iota3A_794, %xor3A_796 : vector<16xi32>
      %broadcast_in_dim3A_798 = vector.shape_cast %xor3A_797 : vector<16xi32> to vector<16x1xi32>
      %gather3A_799 = vector.shape_cast %broadcast_in_dim3A_798 : vector<16x1xi32> to vector<16xi32>
      %gather3A_800 = tpu.dynamic_gather %scan3A_792#0[%gather3A_799] in [0] : vector<16xf32>, vector<16xi32> -> vector<16xf32>
      %broadcast_in_dim3A_801 = vector.shape_cast %xor3A_797 : vector<16xi32> to vector<16x1xi32>
      %gather3A_802 = vector.shape_cast %broadcast_in_dim3A_801 : vector<16x1xi32> to vector<16xi32>
      %gather3A_803 = tpu.dynamic_gather %scan3A_792#1[%gather3A_802] in [0] : vector<16xi32>, vector<16xi32> -> vector<16xi32>
      %gt3A_804 = arith.cmpf ogt, %gather3A_800, %scan3A_792#0 : vector<16xf32>
      %eq3A_805 = arith.cmpf oeq, %gather3A_800, %scan3A_792#0 : vector<16xf32>
      %lt3A_806 = arith.cmpi slt, %gather3A_803, %scan3A_792#1 : vector<16xi32>
      %and3A_807 = arith.andi %eq3A_805, %lt3A_806 : vector<16xi1>
      %or3A_808 = arith.ori %gt3A_804, %and3A_807 : vector<16xi1>
      %select_n3A_809 = arith.select %or3A_808, %gather3A_800, %scan3A_792#0 : vector<16xi1>, vector<16xf32>
      %select_n3A_810 = arith.select %or3A_808, %gather3A_803, %scan3A_792#1 : vector<16xi1>, vector<16xi32>
      %xor3A_811 = arith.constant 2 : i32
      %xor3A_812 = vector.broadcast %xor3A_811 : i32 to vector<16xi32>
      %xor3A_813 = arith.xori %iota3A_794, %xor3A_812 : vector<16xi32>
      %broadcast_in_dim3A_814 = vector.shape_cast %xor3A_813 : vector<16xi32> to vector<16x1xi32>
      %gather3A_815 = vector.shape_cast %broadcast_in_dim3A_814 : vector<16x1xi32> to vector<16xi32>
      %gather3A_816 = tpu.dynamic_gather %select_n3A_809[%gather3A_815] in [0] : vector<16xf32>, vector<16xi32> -> vector<16xf32>
      %broadcast_in_dim3A_817 = vector.shape_cast %xor3A_813 : vector<16xi32> to vector<16x1xi32>
      %gather3A_818 = vector.shape_cast %broadcast_in_dim3A_817 : vector<16x1xi32> to vector<16xi32>
      %gather3A_819 = tpu.dynamic_gather %select_n3A_810[%gather3A_818] in [0] : vector<16xi32>, vector<16xi32> -> vector<16xi32>
      %gt3A_820 = arith.cmpf ogt, %gather3A_816, %select_n3A_809 : vector<16xf32>
      %eq3A_821 = arith.cmpf oeq, %gather3A_816, %select_n3A_809 : vector<16xf32>
      %lt3A_822 = arith.cmpi slt, %gather3A_819, %select_n3A_810 : vector<16xi32>
      %and3A_823 = arith.andi %eq3A_821, %lt3A_822 : vector<16xi1>
      %or3A_824 = arith.ori %gt3A_820, %and3A_823 : vector<16xi1>
      %select_n3A_825 = arith.select %or3A_824, %gather3A_816, %select_n3A_809 : vector<16xi1>, vector<16xf32>
      %select_n3A_826 = arith.select %or3A_824, %gather3A_819, %select_n3A_810 : vector<16xi1>, vector<16xi32>
      %xor3A_827 = arith.constant 4 : i32
      %xor3A_828 = vector.broadcast %xor3A_827 : i32 to vector<16xi32>
      %xor3A_829 = arith.xori %iota3A_794, %xor3A_828 : vector<16xi32>
      %broadcast_in_dim3A_830 = vector.shape_cast %xor3A_829 : vector<16xi32> to vector<16x1xi32>
      %gather3A_831 = vector.shape_cast %broadcast_in_dim3A_830 : vector<16x1xi32> to vector<16xi32>
      %gather3A_832 = tpu.dynamic_gather %select_n3A_825[%gather3A_831] in [0] : vector<16xf32>, vector<16xi32> -> vector<16xf32>
      %broadcast_in_dim3A_833 = vector.shape_cast %xor3A_829 : vector<16xi32> to vector<16x1xi32>
      %gather3A_834 = vector.shape_cast %broadcast_in_dim3A_833 : vector<16x1xi32> to vector<16xi32>
      %gather3A_835 = tpu.dynamic_gather %select_n3A_826[%gather3A_834] in [0] : vector<16xi32>, vector<16xi32> -> vector<16xi32>
      %gt3A_836 = arith.cmpf ogt, %gather3A_832, %select_n3A_825 : vector<16xf32>
      %eq3A_837 = arith.cmpf oeq, %gather3A_832, %select_n3A_825 : vector<16xf32>
      %lt3A_838 = arith.cmpi slt, %gather3A_835, %select_n3A_826 : vector<16xi32>
      %and3A_839 = arith.andi %eq3A_837, %lt3A_838 : vector<16xi1>
      %or3A_840 = arith.ori %gt3A_836, %and3A_839 : vector<16xi1>
      %select_n3A_841 = arith.select %or3A_840, %gather3A_832, %select_n3A_825 : vector<16xi1>, vector<16xf32>
      %select_n3A_842 = arith.select %or3A_840, %gather3A_835, %select_n3A_826 : vector<16xi1>, vector<16xi32>
      %xor3A_843 = arith.constant 8 : i32
      %xor3A_844 = vector.broadcast %xor3A_843 : i32 to vector<16xi32>
      %xor3A_845 = arith.xori %iota3A_794, %xor3A_844 : vector<16xi32>
      %broadcast_in_dim3A_846 = vector.shape_cast %xor3A_845 : vector<16xi32> to vector<16x1xi32>
      %gather3A_847 = vector.shape_cast %broadcast_in_dim3A_846 : vector<16x1xi32> to vector<16xi32>
      %gather3A_848 = tpu.dynamic_gather %select_n3A_841[%gather3A_847] in [0] : vector<16xf32>, vector<16xi32> -> vector<16xf32>
      %broadcast_in_dim3A_849 = vector.shape_cast %xor3A_845 : vector<16xi32> to vector<16x1xi32>
      %gather3A_850 = vector.shape_cast %broadcast_in_dim3A_849 : vector<16x1xi32> to vector<16xi32>
      %gather3A_851 = tpu.dynamic_gather %select_n3A_842[%gather3A_850] in [0] : vector<16xi32>, vector<16xi32> -> vector<16xi32>
      %gt3A_852 = arith.cmpf ogt, %gather3A_848, %select_n3A_841 : vector<16xf32>
      %eq3A_853 = arith.cmpf oeq, %gather3A_848, %select_n3A_841 : vector<16xf32>
      %lt3A_854 = arith.cmpi slt, %gather3A_851, %select_n3A_842 : vector<16xi32>
      %and3A_855 = arith.andi %eq3A_853, %lt3A_854 : vector<16xi1>
      %or3A_856 = arith.ori %gt3A_852, %and3A_855 : vector<16xi1>
      %select_n3A_857 = arith.select %or3A_856, %gather3A_848, %select_n3A_841 : vector<16xi1>, vector<16xf32>
      %select_n3A_858 = arith.select %or3A_856, %gather3A_851, %select_n3A_842 : vector<16xi1>, vector<16xi32>
      %eq3A_859 = arith.constant 9 : i32
      %eq3A_860 = vector.broadcast %eq3A_859 : i32 to vector<16xi32>
      %eq3A_861 = arith.cmpi eq, %iota3A, %eq3A_860 : vector<16xi32>
      %select_n3A_862 = arith.select %eq3A_861, %select_n3A_857, %select_n3A_777 : vector<16xi1>, vector<16xf32>
      %eq3A_863 = arith.constant 9 : i32
      %eq3A_864 = vector.broadcast %eq3A_863 : i32 to vector<16xi32>
      %eq3A_865 = arith.cmpi eq, %iota3A, %eq3A_864 : vector<16xi32>
      %select_n3A_866 = arith.select %eq3A_865, %select_n3A_858, %select_n3A_781 : vector<16xi1>, vector<16xi32>
      %broadcast_in_dim3A_867 = arith.constant 0xFF800000 : f32
      %broadcast_in_dim3A_868 = vector.broadcast %broadcast_in_dim3A_867 : f32 to vector<16xf32>
      tpu.vector_store_idx %arg7[%select_n3A_858], %broadcast_in_dim3A_868 masked %eq3A_1 : memref<6400xf32, #tpu.memory_space<vmem>>[vector<16xi32>], vector<16xf32>, vector<16xi1>
      %swap3A = arith.constant 0 : index
      %swap3A_869 = tpu.vector_load %arg8[%swap3A] {strides = array<i32>} : memref<16xf32, #tpu.memory_space<vmem>>, vector<16xf32>,
      tpu.vector_store %arg8[%swap3A], %select_n3A_862 {strides = array<i32>} : memref<16xf32, #tpu.memory_space<vmem>>, vector<16xf32>,
      %swap3A_870 = arith.constant 0 : index
      %swap3A_871 = tpu.vector_load %arg9[%swap3A_870] {strides = array<i32>} : memref<16xi32, #tpu.memory_space<vmem>>, vector<16xi32>,
      tpu.vector_store %arg9[%swap3A_870], %select_n3A_866 {strides = array<i32>} : memref<16xi32, #tpu.memory_space<vmem>>, vector<16xi32>,
      %delay3A = arith.constant 200 : i32
      tpu.delay %delay3A
      %mul3A_872 = arith.constant 16 : i32
      %mul3A_873 = arith.muli %arg1, %mul3A_872 : i32
      "tpu.region"() ({
        %run_scoped3A = tpu.sem_alloc : memref<!tpu.dma_semaphore, #tpu.memory_space<semaphore_mem>>
        %dma_start3A = tpu.memref_slice %arg14[%mul3A_873] : memref<256xf32, #tpu.memory_space<vmem_shared>> -> memref<16xf32, #tpu.memory_space<vmem_shared>>
        %dma_start3A_876 = tpu.memref_slice %arg14[%mul3A_873] : memref<256xf32, #tpu.memory_space<vmem_shared>> -> memref<16xf32, #tpu.memory_space<vmem_shared>>
        tpu.enqueue_dma source(%arg8 : memref<16xf32, #tpu.memory_space<vmem>>) target(%dma_start3A_876 : memref<16xf32, #tpu.memory_space<vmem_shared>>) target_semaphore(%run_scoped3A : memref<!tpu.dma_semaphore, #tpu.memory_space<semaphore_mem>>)
        %dma_wait3A = tpu.memref_slice %arg14[%mul3A_873] : memref<256xf32, #tpu.memory_space<vmem_shared>> -> memref<16xf32, #tpu.memory_space<vmem_shared>>
        %dma_wait3A_877 = tpu.memref_slice %arg14[%mul3A_873] : memref<256xf32, #tpu.memory_space<vmem_shared>> -> memref<16xf32, #tpu.memory_space<vmem_shared>>
        tpu.wait_dma2 semaphore(%run_scoped3A : memref<!tpu.dma_semaphore, #tpu.memory_space<semaphore_mem>>) src(%arg8 : memref<16xf32, #tpu.memory_space<vmem>>) dst(%dma_wait3A_877 : memref<16xf32, #tpu.memory_space<vmem_shared>>)
        tpu.yield
      }) : () -> ()
      %mul3A_874 = arith.constant 16 : i32
      %mul3A_875 = arith.muli %arg1, %mul3A_874 : i32
      "tpu.region"() ({
        %run_scoped3A = tpu.sem_alloc : memref<!tpu.dma_semaphore, #tpu.memory_space<semaphore_mem>>
        %dma_start3A = tpu.memref_slice %arg15[%mul3A_875] : memref<256xi32, #tpu.memory_space<vmem_shared>> -> memref<16xi32, #tpu.memory_space<vmem_shared>>
        %dma_start3A_876 = tpu.memref_slice %arg15[%mul3A_875] : memref<256xi32, #tpu.memory_space<vmem_shared>> -> memref<16xi32, #tpu.memory_space<vmem_shared>>
        tpu.enqueue_dma source(%arg9 : memref<16xi32, #tpu.memory_space<vmem>>) target(%dma_start3A_876 : memref<16xi32, #tpu.memory_space<vmem_shared>>) target_semaphore(%run_scoped3A : memref<!tpu.dma_semaphore, #tpu.memory_space<semaphore_mem>>)
        %dma_wait3A = tpu.memref_slice %arg15[%mul3A_875] : memref<256xi32, #tpu.memory_space<vmem_shared>> -> memref<16xi32, #tpu.memory_space<vmem_shared>>
        %dma_wait3A_877 = tpu.memref_slice %arg15[%mul3A_875] : memref<256xi32, #tpu.memory_space<vmem_shared>> -> memref<16xi32, #tpu.memory_space<vmem_shared>>
        tpu.wait_dma2 semaphore(%run_scoped3A : memref<!tpu.dma_semaphore, #tpu.memory_space<semaphore_mem>>) src(%arg9 : memref<16xi32, #tpu.memory_space<vmem>>) dst(%dma_wait3A_877 : memref<16xi32, #tpu.memory_space<vmem_shared>>)
        tpu.yield
      }) : () -> ()
    } else {
    }
    %barrier3A = arith.constant 0 : index
    tpu.barrier barrier_id(%barrier3A)
    %eq3A_5 = arith.constant 0 : i32
    %eq3A_6 = arith.cmpi eq, %arg0, %eq3A_5 : i32
    %eq3A_7 = arith.constant 0 : i32
    %eq3A_8 = arith.cmpi eq, %arg1, %eq3A_7 : i32
    %and3A = arith.andi %eq3A_6, %eq3A_8 : i1
    %convert_element_type3A_9 = arith.extui %and3A : i1 to i32
    %cond3A_10 = arith.constant 0 : i32
    %cond3A_11 = arith.cmpi ne, %convert_element_type3A_9, %cond3A_10 : i32
    scf.if %cond3A_11 {
      "tpu.region"() ({
        %run_scoped3A = tpu.sem_alloc : memref<!tpu.dma_semaphore, #tpu.memory_space<semaphore_mem>>
        %dma_start3A_2683 = arith.constant 0 : i32
        %dma_start3A_2684 = tpu.memref_slice %arg10[%dma_start3A_2683] : memref<256xf32, #tpu.memory_space<vmem>> -> memref<16xf32, #tpu.memory_space<vmem>>
        %dma_start3A_2685 = arith.constant 0 : i32
        %dma_start3A_2686 = tpu.memref_slice %arg14[%dma_start3A_2685] : memref<256xf32, #tpu.memory_space<vmem_shared>> -> memref<16xf32, #tpu.memory_space<vmem_shared>>
        %dma_start3A_2687 = arith.constant 0 : i32
        %dma_start3A_2688 = tpu.memref_slice %arg10[%dma_start3A_2687] : memref<256xf32, #tpu.memory_space<vmem>> -> memref<16xf32, #tpu.memory_space<vmem>>
        %dma_start3A_2689 = arith.constant 0 : i32
        %dma_start3A_2690 = tpu.memref_slice %arg14[%dma_start3A_2689] : memref<256xf32, #tpu.memory_space<vmem_shared>> -> memref<16xf32, #tpu.memory_space<vmem_shared>>
        tpu.enqueue_dma source(%dma_start3A_2690 : memref<16xf32, #tpu.memory_space<vmem_shared>>) target(%dma_start3A_2688 : memref<16xf32, #tpu.memory_space<vmem>>) target_semaphore(%run_scoped3A : memref<!tpu.dma_semaphore, #tpu.memory_space<semaphore_mem>>)
        %dma_wait3A_2691 = arith.constant 0 : i32
        %dma_wait3A_2692 = tpu.memref_slice %arg10[%dma_wait3A_2691] : memref<256xf32, #tpu.memory_space<vmem>> -> memref<16xf32, #tpu.memory_space<vmem>>
        %dma_wait3A_2693 = arith.constant 0 : i32
        %dma_wait3A_2694 = tpu.memref_slice %arg14[%dma_wait3A_2693] : memref<256xf32, #tpu.memory_space<vmem_shared>> -> memref<16xf32, #tpu.memory_space<vmem_shared>>
        %dma_wait3A_2695 = arith.constant 0 : i32
        %dma_wait3A_2696 = tpu.memref_slice %arg10[%dma_wait3A_2695] : memref<256xf32, #tpu.memory_space<vmem>> -> memref<16xf32, #tpu.memory_space<vmem>>
        %dma_wait3A_2697 = arith.constant 0 : i32
        %dma_wait3A_2698 = tpu.memref_slice %arg14[%dma_wait3A_2697] : memref<256xf32, #tpu.memory_space<vmem_shared>> -> memref<16xf32, #tpu.memory_space<vmem_shared>>
        tpu.wait_dma2 semaphore(%run_scoped3A : memref<!tpu.dma_semaphore, #tpu.memory_space<semaphore_mem>>) src(%dma_wait3A_2698 : memref<16xf32, #tpu.memory_space<vmem_shared>>) dst(%dma_wait3A_2696 : memref<16xf32, #tpu.memory_space<vmem>>)
        tpu.yield
      }) : () -> ()
      "tpu.region"() ({
        %run_scoped3A = tpu.sem_alloc : memref<!tpu.dma_semaphore, #tpu.memory_space<semaphore_mem>>
        %dma_start3A_2683 = arith.constant 0 : i32
        %dma_start3A_2684 = tpu.memref_slice %arg11[%dma_start3A_2683] : memref<256xi32, #tpu.memory_space<vmem>> -> memref<16xi32, #tpu.memory_space<vmem>>
        %dma_start3A_2685 = arith.constant 0 : i32
        %dma_start3A_2686 = tpu.memref_slice %arg15[%dma_start3A_2685] : memref<256xi32, #tpu.memory_space<vmem_shared>> -> memref<16xi32, #tpu.memory_space<vmem_shared>>
        %dma_start3A_2687 = arith.constant 0 : i32
        %dma_start3A_2688 = tpu.memref_slice %arg11[%dma_start3A_2687] : memref<256xi32, #tpu.memory_space<vmem>> -> memref<16xi32, #tpu.memory_space<vmem>>
        %dma_start3A_2689 = arith.constant 0 : i32
        %dma_start3A_2690 = tpu.memref_slice %arg15[%dma_start3A_2689] : memref<256xi32, #tpu.memory_space<vmem_shared>> -> memref<16xi32, #tpu.memory_space<vmem_shared>>
        tpu.enqueue_dma source(%dma_start3A_2690 : memref<16xi32, #tpu.memory_space<vmem_shared>>) target(%dma_start3A_2688 : memref<16xi32, #tpu.memory_space<vmem>>) target_semaphore(%run_scoped3A : memref<!tpu.dma_semaphore, #tpu.memory_space<semaphore_mem>>)
        %dma_wait3A_2691 = arith.constant 0 : i32
        %dma_wait3A_2692 = tpu.memref_slice %arg11[%dma_wait3A_2691] : memref<256xi32, #tpu.memory_space<vmem>> -> memref<16xi32, #tpu.memory_space<vmem>>
        %dma_wait3A_2693 = arith.constant 0 : i32
        %dma_wait3A_2694 = tpu.memref_slice %arg15[%dma_wait3A_2693] : memref<256xi32, #tpu.memory_space<vmem_shared>> -> memref<16xi32, #tpu.memory_space<vmem_shared>>
        %dma_wait3A_2695 = arith.constant 0 : i32
        %dma_wait3A_2696 = tpu.memref_slice %arg11[%dma_wait3A_2695] : memref<256xi32, #tpu.memory_space<vmem>> -> memref<16xi32, #tpu.memory_space<vmem>>
        %dma_wait3A_2697 = arith.constant 0 : i32
        %dma_wait3A_2698 = tpu.memref_slice %arg15[%dma_wait3A_2697] : memref<256xi32, #tpu.memory_space<vmem_shared>> -> memref<16xi32, #tpu.memory_space<vmem_shared>>
        tpu.wait_dma2 semaphore(%run_scoped3A : memref<!tpu.dma_semaphore, #tpu.memory_space<semaphore_mem>>) src(%dma_wait3A_2698 : memref<16xi32, #tpu.memory_space<vmem_shared>>) dst(%dma_wait3A_2696 : memref<16xi32, #tpu.memory_space<vmem>>)
        tpu.yield
      }) : () -> ()
      "tpu.region"() ({
        %run_scoped3A = tpu.sem_alloc : memref<!tpu.dma_semaphore, #tpu.memory_space<semaphore_mem>>
        %dma_start3A_2683 = arith.constant 16 : i32
        %dma_start3A_2684 = tpu.memref_slice %arg10[%dma_start3A_2683] : memref<256xf32, #tpu.memory_space<vmem>> -> memref<16xf32, #tpu.memory_space<vmem>>
        %dma_start3A_2685 = arith.constant 16 : i32
        %dma_start3A_2686 = tpu.memref_slice %arg14[%dma_start3A_2685] : memref<256xf32, #tpu.memory_space<vmem_shared>> -> memref<16xf32, #tpu.memory_space<vmem_shared>>
        %dma_start3A_2687 = arith.constant 16 : i32
        %dma_start3A_2688 = tpu.memref_slice %arg10[%dma_start3A_2687] : memref<256xf32, #tpu.memory_space<vmem>> -> memref<16xf32, #tpu.memory_space<vmem>>
        %dma_start3A_2689 = arith.constant 16 : i32
        %dma_start3A_2690 = tpu.memref_slice %arg14[%dma_start3A_2689] : memref<256xf32, #tpu.memory_space<vmem_shared>> -> memref<16xf32, #tpu.memory_space<vmem_shared>>
        tpu.enqueue_dma source(%dma_start3A_2690 : memref<16xf32, #tpu.memory_space<vmem_shared>>) target(%dma_start3A_2688 : memref<16xf32, #tpu.memory_space<vmem>>) target_semaphore(%run_scoped3A : memref<!tpu.dma_semaphore, #tpu.memory_space<semaphore_mem>>)
        %dma_wait3A_2691 = arith.constant 16 : i32
        %dma_wait3A_2692 = tpu.memref_slice %arg10[%dma_wait3A_2691] : memref<256xf32, #tpu.memory_space<vmem>> -> memref<16xf32, #tpu.memory_space<vmem>>
        %dma_wait3A_2693 = arith.constant 16 : i32
        %dma_wait3A_2694 = tpu.memref_slice %arg14[%dma_wait3A_2693] : memref<256xf32, #tpu.memory_space<vmem_shared>> -> memref<16xf32, #tpu.memory_space<vmem_shared>>
        %dma_wait3A_2695 = arith.constant 16 : i32
        %dma_wait3A_2696 = tpu.memref_slice %arg10[%dma_wait3A_2695] : memref<256xf32, #tpu.memory_space<vmem>> -> memref<16xf32, #tpu.memory_space<vmem>>
        %dma_wait3A_2697 = arith.constant 16 : i32
        %dma_wait3A_2698 = tpu.memref_slice %arg14[%dma_wait3A_2697] : memref<256xf32, #tpu.memory_space<vmem_shared>> -> memref<16xf32, #tpu.memory_space<vmem_shared>>
        tpu.wait_dma2 semaphore(%run_scoped3A : memref<!tpu.dma_semaphore, #tpu.memory_space<semaphore_mem>>) src(%dma_wait3A_2698 : memref<16xf32, #tpu.memory_space<vmem_shared>>) dst(%dma_wait3A_2696 : memref<16xf32, #tpu.memory_space<vmem>>)
        tpu.yield
      }) : () -> ()
      "tpu.region"() ({
        %run_scoped3A = tpu.sem_alloc : memref<!tpu.dma_semaphore, #tpu.memory_space<semaphore_mem>>
        %dma_start3A_2683 = arith.constant 16 : i32
        %dma_start3A_2684 = tpu.memref_slice %arg11[%dma_start3A_2683] : memref<256xi32, #tpu.memory_space<vmem>> -> memref<16xi32, #tpu.memory_space<vmem>>
        %dma_start3A_2685 = arith.constant 16 : i32
        %dma_start3A_2686 = tpu.memref_slice %arg15[%dma_start3A_2685] : memref<256xi32, #tpu.memory_space<vmem_shared>> -> memref<16xi32, #tpu.memory_space<vmem_shared>>
        %dma_start3A_2687 = arith.constant 16 : i32
        %dma_start3A_2688 = tpu.memref_slice %arg11[%dma_start3A_2687] : memref<256xi32, #tpu.memory_space<vmem>> -> memref<16xi32, #tpu.memory_space<vmem>>
        %dma_start3A_2689 = arith.constant 16 : i32
        %dma_start3A_2690 = tpu.memref_slice %arg15[%dma_start3A_2689] : memref<256xi32, #tpu.memory_space<vmem_shared>> -> memref<16xi32, #tpu.memory_space<vmem_shared>>
        tpu.enqueue_dma source(%dma_start3A_2690 : memref<16xi32, #tpu.memory_space<vmem_shared>>) target(%dma_start3A_2688 : memref<16xi32, #tpu.memory_space<vmem>>) target_semaphore(%run_scoped3A : memref<!tpu.dma_semaphore, #tpu.memory_space<semaphore_mem>>)
        %dma_wait3A_2691 = arith.constant 16 : i32
        %dma_wait3A_2692 = tpu.memref_slice %arg11[%dma_wait3A_2691] : memref<256xi32, #tpu.memory_space<vmem>> -> memref<16xi32, #tpu.memory_space<vmem>>
        %dma_wait3A_2693 = arith.constant 16 : i32
        %dma_wait3A_2694 = tpu.memref_slice %arg15[%dma_wait3A_2693] : memref<256xi32, #tpu.memory_space<vmem_shared>> -> memref<16xi32, #tpu.memory_space<vmem_shared>>
        %dma_wait3A_2695 = arith.constant 16 : i32
        %dma_wait3A_2696 = tpu.memref_slice %arg11[%dma_wait3A_2695] : memref<256xi32, #tpu.memory_space<vmem>> -> memref<16xi32, #tpu.memory_space<vmem>>
        %dma_wait3A_2697 = arith.constant 16 : i32
        %dma_wait3A_2698 = tpu.memref_slice %arg15[%dma_wait3A_2697] : memref<256xi32, #tpu.memory_space<vmem_shared>> -> memref<16xi32, #tpu.memory_space<vmem_shared>>
        tpu.wait_dma2 semaphore(%run_scoped3A : memref<!tpu.dma_semaphore, #tpu.memory_space<semaphore_mem>>) src(%dma_wait3A_2698 : memref<16xi32, #tpu.memory_space<vmem_shared>>) dst(%dma_wait3A_2696 : memref<16xi32, #tpu.memory_space<vmem>>)
        tpu.yield
      }) : () -> ()
      "tpu.region"() ({
        %run_scoped3A = tpu.sem_alloc : memref<!tpu.dma_semaphore, #tpu.memory_space<semaphore_mem>>
        %dma_start3A_2683 = arith.constant 32 : i32
        %dma_start3A_2684 = tpu.memref_slice %arg10[%dma_start3A_2683] : memref<256xf32, #tpu.memory_space<vmem>> -> memref<16xf32, #tpu.memory_space<vmem>>
        %dma_start3A_2685 = arith.constant 32 : i32
        %dma_start3A_2686 = tpu.memref_slice %arg14[%dma_start3A_2685] : memref<256xf32, #tpu.memory_space<vmem_shared>> -> memref<16xf32, #tpu.memory_space<vmem_shared>>
        %dma_start3A_2687 = arith.constant 32 : i32
        %dma_start3A_2688 = tpu.memref_slice %arg10[%dma_start3A_2687] : memref<256xf32, #tpu.memory_space<vmem>> -> memref<16xf32, #tpu.memory_space<vmem>>
        %dma_start3A_2689 = arith.constant 32 : i32
        %dma_start3A_2690 = tpu.memref_slice %arg14[%dma_start3A_2689] : memref<256xf32, #tpu.memory_space<vmem_shared>> -> memref<16xf32, #tpu.memory_space<vmem_shared>>
        tpu.enqueue_dma source(%dma_start3A_2690 : memref<16xf32, #tpu.memory_space<vmem_shared>>) target(%dma_start3A_2688 : memref<16xf32, #tpu.memory_space<vmem>>) target_semaphore(%run_scoped3A : memref<!tpu.dma_semaphore, #tpu.memory_space<semaphore_mem>>)
        %dma_wait3A_2691 = arith.constant 32 : i32
        %dma_wait3A_2692 = tpu.memref_slice %arg10[%dma_wait3A_2691] : memref<256xf32, #tpu.memory_space<vmem>> -> memref<16xf32, #tpu.memory_space<vmem>>
        %dma_wait3A_2693 = arith.constant 32 : i32
        %dma_wait3A_2694 = tpu.memref_slice %arg14[%dma_wait3A_2693] : memref<256xf32, #tpu.memory_space<vmem_shared>> -> memref<16xf32, #tpu.memory_space<vmem_shared>>
        %dma_wait3A_2695 = arith.constant 32 : i32
        %dma_wait3A_2696 = tpu.memref_slice %arg10[%dma_wait3A_2695] : memref<256xf32, #tpu.memory_space<vmem>> -> memref<16xf32, #tpu.memory_space<vmem>>
        %dma_wait3A_2697 = arith.constant 32 : i32
        %dma_wait3A_2698 = tpu.memref_slice %arg14[%dma_wait3A_2697] : memref<256xf32, #tpu.memory_space<vmem_shared>> -> memref<16xf32, #tpu.memory_space<vmem_shared>>
        tpu.wait_dma2 semaphore(%run_scoped3A : memref<!tpu.dma_semaphore, #tpu.memory_space<semaphore_mem>>) src(%dma_wait3A_2698 : memref<16xf32, #tpu.memory_space<vmem_shared>>) dst(%dma_wait3A_2696 : memref<16xf32, #tpu.memory_space<vmem>>)
        tpu.yield
      }) : () -> ()
      "tpu.region"() ({
        %run_scoped3A = tpu.sem_alloc : memref<!tpu.dma_semaphore, #tpu.memory_space<semaphore_mem>>
        %dma_start3A_2683 = arith.constant 32 : i32
        %dma_start3A_2684 = tpu.memref_slice %arg11[%dma_start3A_2683] : memref<256xi32, #tpu.memory_space<vmem>> -> memref<16xi32, #tpu.memory_space<vmem>>
        %dma_start3A_2685 = arith.constant 32 : i32
        %dma_start3A_2686 = tpu.memref_slice %arg15[%dma_start3A_2685] : memref<256xi32, #tpu.memory_space<vmem_shared>> -> memref<16xi32, #tpu.memory_space<vmem_shared>>
        %dma_start3A_2687 = arith.constant 32 : i32
        %dma_start3A_2688 = tpu.memref_slice %arg11[%dma_start3A_2687] : memref<256xi32, #tpu.memory_space<vmem>> -> memref<16xi32, #tpu.memory_space<vmem>>
        %dma_start3A_2689 = arith.constant 32 : i32
        %dma_start3A_2690 = tpu.memref_slice %arg15[%dma_start3A_2689] : memref<256xi32, #tpu.memory_space<vmem_shared>> -> memref<16xi32, #tpu.memory_space<vmem_shared>>
        tpu.enqueue_dma source(%dma_start3A_2690 : memref<16xi32, #tpu.memory_space<vmem_shared>>) target(%dma_start3A_2688 : memref<16xi32, #tpu.memory_space<vmem>>) target_semaphore(%run_scoped3A : memref<!tpu.dma_semaphore, #tpu.memory_space<semaphore_mem>>)
        %dma_wait3A_2691 = arith.constant 32 : i32
        %dma_wait3A_2692 = tpu.memref_slice %arg11[%dma_wait3A_2691] : memref<256xi32, #tpu.memory_space<vmem>> -> memref<16xi32, #tpu.memory_space<vmem>>
        %dma_wait3A_2693 = arith.constant 32 : i32
        %dma_wait3A_2694 = tpu.memref_slice %arg15[%dma_wait3A_2693] : memref<256xi32, #tpu.memory_space<vmem_shared>> -> memref<16xi32, #tpu.memory_space<vmem_shared>>
        %dma_wait3A_2695 = arith.constant 32 : i32
        %dma_wait3A_2696 = tpu.memref_slice %arg11[%dma_wait3A_2695] : memref<256xi32, #tpu.memory_space<vmem>> -> memref<16xi32, #tpu.memory_space<vmem>>
        %dma_wait3A_2697 = arith.constant 32 : i32
        %dma_wait3A_2698 = tpu.memref_slice %arg15[%dma_wait3A_2697] : memref<256xi32, #tpu.memory_space<vmem_shared>> -> memref<16xi32, #tpu.memory_space<vmem_shared>>
        tpu.wait_dma2 semaphore(%run_scoped3A : memref<!tpu.dma_semaphore, #tpu.memory_space<semaphore_mem>>) src(%dma_wait3A_2698 : memref<16xi32, #tpu.memory_space<vmem_shared>>) dst(%dma_wait3A_2696 : memref<16xi32, #tpu.memory_space<vmem>>)
        tpu.yield
      }) : () -> ()
      "tpu.region"() ({
        %run_scoped3A = tpu.sem_alloc : memref<!tpu.dma_semaphore, #tpu.memory_space<semaphore_mem>>
        %dma_start3A_2683 = arith.constant 48 : i32
        %dma_start3A_2684 = tpu.memref_slice %arg10[%dma_start3A_2683] : memref<256xf32, #tpu.memory_space<vmem>> -> memref<16xf32, #tpu.memory_space<vmem>>
        %dma_start3A_2685 = arith.constant 48 : i32
        %dma_start3A_2686 = tpu.memref_slice %arg14[%dma_start3A_2685] : memref<256xf32, #tpu.memory_space<vmem_shared>> -> memref<16xf32, #tpu.memory_space<vmem_shared>>
        %dma_start3A_2687 = arith.constant 48 : i32
        %dma_start3A_2688 = tpu.memref_slice %arg10[%dma_start3A_2687] : memref<256xf32, #tpu.memory_space<vmem>> -> memref<16xf32, #tpu.memory_space<vmem>>
        %dma_start3A_2689 = arith.constant 48 : i32
        %dma_start3A_2690 = tpu.memref_slice %arg14[%dma_start3A_2689] : memref<256xf32, #tpu.memory_space<vmem_shared>> -> memref<16xf32, #tpu.memory_space<vmem_shared>>
        tpu.enqueue_dma source(%dma_start3A_2690 : memref<16xf32, #tpu.memory_space<vmem_shared>>) target(%dma_start3A_2688 : memref<16xf32, #tpu.memory_space<vmem>>) target_semaphore(%run_scoped3A : memref<!tpu.dma_semaphore, #tpu.memory_space<semaphore_mem>>)
        %dma_wait3A_2691 = arith.constant 48 : i32
        %dma_wait3A_2692 = tpu.memref_slice %arg10[%dma_wait3A_2691] : memref<256xf32, #tpu.memory_space<vmem>> -> memref<16xf32, #tpu.memory_space<vmem>>
        %dma_wait3A_2693 = arith.constant 48 : i32
        %dma_wait3A_2694 = tpu.memref_slice %arg14[%dma_wait3A_2693] : memref<256xf32, #tpu.memory_space<vmem_shared>> -> memref<16xf32, #tpu.memory_space<vmem_shared>>
        %dma_wait3A_2695 = arith.constant 48 : i32
        %dma_wait3A_2696 = tpu.memref_slice %arg10[%dma_wait3A_2695] : memref<256xf32, #tpu.memory_space<vmem>> -> memref<16xf32, #tpu.memory_space<vmem>>
        %dma_wait3A_2697 = arith.constant 48 : i32
        %dma_wait3A_2698 = tpu.memref_slice %arg14[%dma_wait3A_2697] : memref<256xf32, #tpu.memory_space<vmem_shared>> -> memref<16xf32, #tpu.memory_space<vmem_shared>>
        tpu.wait_dma2 semaphore(%run_scoped3A : memref<!tpu.dma_semaphore, #tpu.memory_space<semaphore_mem>>) src(%dma_wait3A_2698 : memref<16xf32, #tpu.memory_space<vmem_shared>>) dst(%dma_wait3A_2696 : memref<16xf32, #tpu.memory_space<vmem>>)
        tpu.yield
      }) : () -> ()
      "tpu.region"() ({
        %run_scoped3A = tpu.sem_alloc : memref<!tpu.dma_semaphore, #tpu.memory_space<semaphore_mem>>
        %dma_start3A_2683 = arith.constant 48 : i32
        %dma_start3A_2684 = tpu.memref_slice %arg11[%dma_start3A_2683] : memref<256xi32, #tpu.memory_space<vmem>> -> memref<16xi32, #tpu.memory_space<vmem>>
        %dma_start3A_2685 = arith.constant 48 : i32
        %dma_start3A_2686 = tpu.memref_slice %arg15[%dma_start3A_2685] : memref<256xi32, #tpu.memory_space<vmem_shared>> -> memref<16xi32, #tpu.memory_space<vmem_shared>>
        %dma_start3A_2687 = arith.constant 48 : i32
        %dma_start3A_2688 = tpu.memref_slice %arg11[%dma_start3A_2687] : memref<256xi32, #tpu.memory_space<vmem>> -> memref<16xi32, #tpu.memory_space<vmem>>
        %dma_start3A_2689 = arith.constant 48 : i32
        %dma_start3A_2690 = tpu.memref_slice %arg15[%dma_start3A_2689] : memref<256xi32, #tpu.memory_space<vmem_shared>> -> memref<16xi32, #tpu.memory_space<vmem_shared>>
        tpu.enqueue_dma source(%dma_start3A_2690 : memref<16xi32, #tpu.memory_space<vmem_shared>>) target(%dma_start3A_2688 : memref<16xi32, #tpu.memory_space<vmem>>) target_semaphore(%run_scoped3A : memref<!tpu.dma_semaphore, #tpu.memory_space<semaphore_mem>>)
        %dma_wait3A_2691 = arith.constant 48 : i32
        %dma_wait3A_2692 = tpu.memref_slice %arg11[%dma_wait3A_2691] : memref<256xi32, #tpu.memory_space<vmem>> -> memref<16xi32, #tpu.memory_space<vmem>>
        %dma_wait3A_2693 = arith.constant 48 : i32
        %dma_wait3A_2694 = tpu.memref_slice %arg15[%dma_wait3A_2693] : memref<256xi32, #tpu.memory_space<vmem_shared>> -> memref<16xi32, #tpu.memory_space<vmem_shared>>
        %dma_wait3A_2695 = arith.constant 48 : i32
        %dma_wait3A_2696 = tpu.memref_slice %arg11[%dma_wait3A_2695] : memref<256xi32, #tpu.memory_space<vmem>> -> memref<16xi32, #tpu.memory_space<vmem>>
        %dma_wait3A_2697 = arith.constant 48 : i32
        %dma_wait3A_2698 = tpu.memref_slice %arg15[%dma_wait3A_2697] : memref<256xi32, #tpu.memory_space<vmem_shared>> -> memref<16xi32, #tpu.memory_space<vmem_shared>>
        tpu.wait_dma2 semaphore(%run_scoped3A : memref<!tpu.dma_semaphore, #tpu.memory_space<semaphore_mem>>) src(%dma_wait3A_2698 : memref<16xi32, #tpu.memory_space<vmem_shared>>) dst(%dma_wait3A_2696 : memref<16xi32, #tpu.memory_space<vmem>>)
        tpu.yield
      }) : () -> ()
      "tpu.region"() ({
        %run_scoped3A = tpu.sem_alloc : memref<!tpu.dma_semaphore, #tpu.memory_space<semaphore_mem>>
        %dma_start3A_2683 = arith.constant 64 : i32
        %dma_start3A_2684 = tpu.memref_slice %arg10[%dma_start3A_2683] : memref<256xf32, #tpu.memory_space<vmem>> -> memref<16xf32, #tpu.memory_space<vmem>>
        %dma_start3A_2685 = arith.constant 64 : i32
        %dma_start3A_2686 = tpu.memref_slice %arg14[%dma_start3A_2685] : memref<256xf32, #tpu.memory_space<vmem_shared>> -> memref<16xf32, #tpu.memory_space<vmem_shared>>
        %dma_start3A_2687 = arith.constant 64 : i32
        %dma_start3A_2688 = tpu.memref_slice %arg10[%dma_start3A_2687] : memref<256xf32, #tpu.memory_space<vmem>> -> memref<16xf32, #tpu.memory_space<vmem>>
        %dma_start3A_2689 = arith.constant 64 : i32
        %dma_start3A_2690 = tpu.memref_slice %arg14[%dma_start3A_2689] : memref<256xf32, #tpu.memory_space<vmem_shared>> -> memref<16xf32, #tpu.memory_space<vmem_shared>>
        tpu.enqueue_dma source(%dma_start3A_2690 : memref<16xf32, #tpu.memory_space<vmem_shared>>) target(%dma_start3A_2688 : memref<16xf32, #tpu.memory_space<vmem>>) target_semaphore(%run_scoped3A : memref<!tpu.dma_semaphore, #tpu.memory_space<semaphore_mem>>)
        %dma_wait3A_2691 = arith.constant 64 : i32
        %dma_wait3A_2692 = tpu.memref_slice %arg10[%dma_wait3A_2691] : memref<256xf32, #tpu.memory_space<vmem>> -> memref<16xf32, #tpu.memory_space<vmem>>
        %dma_wait3A_2693 = arith.constant 64 : i32
        %dma_wait3A_2694 = tpu.memref_slice %arg14[%dma_wait3A_2693] : memref<256xf32, #tpu.memory_space<vmem_shared>> -> memref<16xf32, #tpu.memory_space<vmem_shared>>
        %dma_wait3A_2695 = arith.constant 64 : i32
        %dma_wait3A_2696 = tpu.memref_slice %arg10[%dma_wait3A_2695] : memref<256xf32, #tpu.memory_space<vmem>> -> memref<16xf32, #tpu.memory_space<vmem>>
        %dma_wait3A_2697 = arith.constant 64 : i32
        %dma_wait3A_2698 = tpu.memref_slice %arg14[%dma_wait3A_2697] : memref<256xf32, #tpu.memory_space<vmem_shared>> -> memref<16xf32, #tpu.memory_space<vmem_shared>>
        tpu.wait_dma2 semaphore(%run_scoped3A : memref<!tpu.dma_semaphore, #tpu.memory_space<semaphore_mem>>) src(%dma_wait3A_2698 : memref<16xf32, #tpu.memory_space<vmem_shared>>) dst(%dma_wait3A_2696 : memref<16xf32, #tpu.memory_space<vmem>>)
        tpu.yield
      }) : () -> ()
      "tpu.region"() ({
        %run_scoped3A = tpu.sem_alloc : memref<!tpu.dma_semaphore, #tpu.memory_space<semaphore_mem>>
        %dma_start3A_2683 = arith.constant 64 : i32
        %dma_start3A_2684 = tpu.memref_slice %arg11[%dma_start3A_2683] : memref<256xi32, #tpu.memory_space<vmem>> -> memref<16xi32, #tpu.memory_space<vmem>>
        %dma_start3A_2685 = arith.constant 64 : i32
        %dma_start3A_2686 = tpu.memref_slice %arg15[%dma_start3A_2685] : memref<256xi32, #tpu.memory_space<vmem_shared>> -> memref<16xi32, #tpu.memory_space<vmem_shared>>
        %dma_start3A_2687 = arith.constant 64 : i32
        %dma_start3A_2688 = tpu.memref_slice %arg11[%dma_start3A_2687] : memref<256xi32, #tpu.memory_space<vmem>> -> memref<16xi32, #tpu.memory_space<vmem>>
        %dma_start3A_2689 = arith.constant 64 : i32
        %dma_start3A_2690 = tpu.memref_slice %arg15[%dma_start3A_2689] : memref<256xi32, #tpu.memory_space<vmem_shared>> -> memref<16xi32, #tpu.memory_space<vmem_shared>>
        tpu.enqueue_dma source(%dma_start3A_2690 : memref<16xi32, #tpu.memory_space<vmem_shared>>) target(%dma_start3A_2688 : memref<16xi32, #tpu.memory_space<vmem>>) target_semaphore(%run_scoped3A : memref<!tpu.dma_semaphore, #tpu.memory_space<semaphore_mem>>)
        %dma_wait3A_2691 = arith.constant 64 : i32
        %dma_wait3A_2692 = tpu.memref_slice %arg11[%dma_wait3A_2691] : memref<256xi32, #tpu.memory_space<vmem>> -> memref<16xi32, #tpu.memory_space<vmem>>
        %dma_wait3A_2693 = arith.constant 64 : i32
        %dma_wait3A_2694 = tpu.memref_slice %arg15[%dma_wait3A_2693] : memref<256xi32, #tpu.memory_space<vmem_shared>> -> memref<16xi32, #tpu.memory_space<vmem_shared>>
        %dma_wait3A_2695 = arith.constant 64 : i32
        %dma_wait3A_2696 = tpu.memref_slice %arg11[%dma_wait3A_2695] : memref<256xi32, #tpu.memory_space<vmem>> -> memref<16xi32, #tpu.memory_space<vmem>>
        %dma_wait3A_2697 = arith.constant 64 : i32
        %dma_wait3A_2698 = tpu.memref_slice %arg15[%dma_wait3A_2697] : memref<256xi32, #tpu.memory_space<vmem_shared>> -> memref<16xi32, #tpu.memory_space<vmem_shared>>
        tpu.wait_dma2 semaphore(%run_scoped3A : memref<!tpu.dma_semaphore, #tpu.memory_space<semaphore_mem>>) src(%dma_wait3A_2698 : memref<16xi32, #tpu.memory_space<vmem_shared>>) dst(%dma_wait3A_2696 : memref<16xi32, #tpu.memory_space<vmem>>)
        tpu.yield
      }) : () -> ()
      "tpu.region"() ({
        %run_scoped3A = tpu.sem_alloc : memref<!tpu.dma_semaphore, #tpu.memory_space<semaphore_mem>>
        %dma_start3A_2683 = arith.constant 80 : i32
        %dma_start3A_2684 = tpu.memref_slice %arg10[%dma_start3A_2683] : memref<256xf32, #tpu.memory_space<vmem>> -> memref<16xf32, #tpu.memory_space<vmem>>
        %dma_start3A_2685 = arith.constant 80 : i32
        %dma_start3A_2686 = tpu.memref_slice %arg14[%dma_start3A_2685] : memref<256xf32, #tpu.memory_space<vmem_shared>> -> memref<16xf32, #tpu.memory_space<vmem_shared>>
        %dma_start3A_2687 = arith.constant 80 : i32
        %dma_start3A_2688 = tpu.memref_slice %arg10[%dma_start3A_2687] : memref<256xf32, #tpu.memory_space<vmem>> -> memref<16xf32, #tpu.memory_space<vmem>>
        %dma_start3A_2689 = arith.constant 80 : i32
        %dma_start3A_2690 = tpu.memref_slice %arg14[%dma_start3A_2689] : memref<256xf32, #tpu.memory_space<vmem_shared>> -> memref<16xf32, #tpu.memory_space<vmem_shared>>
        tpu.enqueue_dma source(%dma_start3A_2690 : memref<16xf32, #tpu.memory_space<vmem_shared>>) target(%dma_start3A_2688 : memref<16xf32, #tpu.memory_space<vmem>>) target_semaphore(%run_scoped3A : memref<!tpu.dma_semaphore, #tpu.memory_space<semaphore_mem>>)
        %dma_wait3A_2691 = arith.constant 80 : i32
        %dma_wait3A_2692 = tpu.memref_slice %arg10[%dma_wait3A_2691] : memref<256xf32, #tpu.memory_space<vmem>> -> memref<16xf32, #tpu.memory_space<vmem>>
        %dma_wait3A_2693 = arith.constant 80 : i32
        %dma_wait3A_2694 = tpu.memref_slice %arg14[%dma_wait3A_2693] : memref<256xf32, #tpu.memory_space<vmem_shared>> -> memref<16xf32, #tpu.memory_space<vmem_shared>>
        %dma_wait3A_2695 = arith.constant 80 : i32
        %dma_wait3A_2696 = tpu.memref_slice %arg10[%dma_wait3A_2695] : memref<256xf32, #tpu.memory_space<vmem>> -> memref<16xf32, #tpu.memory_space<vmem>>
        %dma_wait3A_2697 = arith.constant 80 : i32
        %dma_wait3A_2698 = tpu.memref_slice %arg14[%dma_wait3A_2697] : memref<256xf32, #tpu.memory_space<vmem_shared>> -> memref<16xf32, #tpu.memory_space<vmem_shared>>
        tpu.wait_dma2 semaphore(%run_scoped3A : memref<!tpu.dma_semaphore, #tpu.memory_space<semaphore_mem>>) src(%dma_wait3A_2698 : memref<16xf32, #tpu.memory_space<vmem_shared>>) dst(%dma_wait3A_2696 : memref<16xf32, #tpu.memory_space<vmem>>)
        tpu.yield
      }) : () -> ()
      "tpu.region"() ({
        %run_scoped3A = tpu.sem_alloc : memref<!tpu.dma_semaphore, #tpu.memory_space<semaphore_mem>>
        %dma_start3A_2683 = arith.constant 80 : i32
        %dma_start3A_2684 = tpu.memref_slice %arg11[%dma_start3A_2683] : memref<256xi32, #tpu.memory_space<vmem>> -> memref<16xi32, #tpu.memory_space<vmem>>
        %dma_start3A_2685 = arith.constant 80 : i32
        %dma_start3A_2686 = tpu.memref_slice %arg15[%dma_start3A_2685] : memref<256xi32, #tpu.memory_space<vmem_shared>> -> memref<16xi32, #tpu.memory_space<vmem_shared>>
        %dma_start3A_2687 = arith.constant 80 : i32
        %dma_start3A_2688 = tpu.memref_slice %arg11[%dma_start3A_2687] : memref<256xi32, #tpu.memory_space<vmem>> -> memref<16xi32, #tpu.memory_space<vmem>>
        %dma_start3A_2689 = arith.constant 80 : i32
        %dma_start3A_2690 = tpu.memref_slice %arg15[%dma_start3A_2689] : memref<256xi32, #tpu.memory_space<vmem_shared>> -> memref<16xi32, #tpu.memory_space<vmem_shared>>
        tpu.enqueue_dma source(%dma_start3A_2690 : memref<16xi32, #tpu.memory_space<vmem_shared>>) target(%dma_start3A_2688 : memref<16xi32, #tpu.memory_space<vmem>>) target_semaphore(%run_scoped3A : memref<!tpu.dma_semaphore, #tpu.memory_space<semaphore_mem>>)
        %dma_wait3A_2691 = arith.constant 80 : i32
        %dma_wait3A_2692 = tpu.memref_slice %arg11[%dma_wait3A_2691] : memref<256xi32, #tpu.memory_space<vmem>> -> memref<16xi32, #tpu.memory_space<vmem>>
        %dma_wait3A_2693 = arith.constant 80 : i32
        %dma_wait3A_2694 = tpu.memref_slice %arg15[%dma_wait3A_2693] : memref<256xi32, #tpu.memory_space<vmem_shared>> -> memref<16xi32, #tpu.memory_space<vmem_shared>>
        %dma_wait3A_2695 = arith.constant 80 : i32
        %dma_wait3A_2696 = tpu.memref_slice %arg11[%dma_wait3A_2695] : memref<256xi32, #tpu.memory_space<vmem>> -> memref<16xi32, #tpu.memory_space<vmem>>
        %dma_wait3A_2697 = arith.constant 80 : i32
        %dma_wait3A_2698 = tpu.memref_slice %arg15[%dma_wait3A_2697] : memref<256xi32, #tpu.memory_space<vmem_shared>> -> memref<16xi32, #tpu.memory_space<vmem_shared>>
        tpu.wait_dma2 semaphore(%run_scoped3A : memref<!tpu.dma_semaphore, #tpu.memory_space<semaphore_mem>>) src(%dma_wait3A_2698 : memref<16xi32, #tpu.memory_space<vmem_shared>>) dst(%dma_wait3A_2696 : memref<16xi32, #tpu.memory_space<vmem>>)
        tpu.yield
      }) : () -> ()
      "tpu.region"() ({
        %run_scoped3A = tpu.sem_alloc : memref<!tpu.dma_semaphore, #tpu.memory_space<semaphore_mem>>
        %dma_start3A_2683 = arith.constant 96 : i32
        %dma_start3A_2684 = tpu.memref_slice %arg10[%dma_start3A_2683] : memref<256xf32, #tpu.memory_space<vmem>> -> memref<16xf32, #tpu.memory_space<vmem>>
        %dma_start3A_2685 = arith.constant 96 : i32
        %dma_start3A_2686 = tpu.memref_slice %arg14[%dma_start3A_2685] : memref<256xf32, #tpu.memory_space<vmem_shared>> -> memref<16xf32, #tpu.memory_space<vmem_shared>>
        %dma_start3A_2687 = arith.constant 96 : i32
        %dma_start3A_2688 = tpu.memref_slice %arg10[%dma_start3A_2687] : memref<256xf32, #tpu.memory_space<vmem>> -> memref<16xf32, #tpu.memory_space<vmem>>
        %dma_start3A_2689 = arith.constant 96 : i32
        %dma_start3A_2690 = tpu.memref_slice %arg14[%dma_start3A_2689] : memref<256xf32, #tpu.memory_space<vmem_shared>> -> memref<16xf32, #tpu.memory_space<vmem_shared>>
        tpu.enqueue_dma source(%dma_start3A_2690 : memref<16xf32, #tpu.memory_space<vmem_shared>>) target(%dma_start3A_2688 : memref<16xf32, #tpu.memory_space<vmem>>) target_semaphore(%run_scoped3A : memref<!tpu.dma_semaphore, #tpu.memory_space<semaphore_mem>>)
        %dma_wait3A_2691 = arith.constant 96 : i32
        %dma_wait3A_2692 = tpu.memref_slice %arg10[%dma_wait3A_2691] : memref<256xf32, #tpu.memory_space<vmem>> -> memref<16xf32, #tpu.memory_space<vmem>>
        %dma_wait3A_2693 = arith.constant 96 : i32
        %dma_wait3A_2694 = tpu.memref_slice %arg14[%dma_wait3A_2693] : memref<256xf32, #tpu.memory_space<vmem_shared>> -> memref<16xf32, #tpu.memory_space<vmem_shared>>
        %dma_wait3A_2695 = arith.constant 96 : i32
        %dma_wait3A_2696 = tpu.memref_slice %arg10[%dma_wait3A_2695] : memref<256xf32, #tpu.memory_space<vmem>> -> memref<16xf32, #tpu.memory_space<vmem>>
        %dma_wait3A_2697 = arith.constant 96 : i32
        %dma_wait3A_2698 = tpu.memref_slice %arg14[%dma_wait3A_2697] : memref<256xf32, #tpu.memory_space<vmem_shared>> -> memref<16xf32, #tpu.memory_space<vmem_shared>>
        tpu.wait_dma2 semaphore(%run_scoped3A : memref<!tpu.dma_semaphore, #tpu.memory_space<semaphore_mem>>) src(%dma_wait3A_2698 : memref<16xf32, #tpu.memory_space<vmem_shared>>) dst(%dma_wait3A_2696 : memref<16xf32, #tpu.memory_space<vmem>>)
        tpu.yield
      }) : () -> ()
      "tpu.region"() ({
        %run_scoped3A = tpu.sem_alloc : memref<!tpu.dma_semaphore, #tpu.memory_space<semaphore_mem>>
        %dma_start3A_2683 = arith.constant 96 : i32
        %dma_start3A_2684 = tpu.memref_slice %arg11[%dma_start3A_2683] : memref<256xi32, #tpu.memory_space<vmem>> -> memref<16xi32, #tpu.memory_space<vmem>>
        %dma_start3A_2685 = arith.constant 96 : i32
        %dma_start3A_2686 = tpu.memref_slice %arg15[%dma_start3A_2685] : memref<256xi32, #tpu.memory_space<vmem_shared>> -> memref<16xi32, #tpu.memory_space<vmem_shared>>
        %dma_start3A_2687 = arith.constant 96 : i32
        %dma_start3A_2688 = tpu.memref_slice %arg11[%dma_start3A_2687] : memref<256xi32, #tpu.memory_space<vmem>> -> memref<16xi32, #tpu.memory_space<vmem>>
        %dma_start3A_2689 = arith.constant 96 : i32
        %dma_start3A_2690 = tpu.memref_slice %arg15[%dma_start3A_2689] : memref<256xi32, #tpu.memory_space<vmem_shared>> -> memref<16xi32, #tpu.memory_space<vmem_shared>>
        tpu.enqueue_dma source(%dma_start3A_2690 : memref<16xi32, #tpu.memory_space<vmem_shared>>) target(%dma_start3A_2688 : memref<16xi32, #tpu.memory_space<vmem>>) target_semaphore(%run_scoped3A : memref<!tpu.dma_semaphore, #tpu.memory_space<semaphore_mem>>)
        %dma_wait3A_2691 = arith.constant 96 : i32
        %dma_wait3A_2692 = tpu.memref_slice %arg11[%dma_wait3A_2691] : memref<256xi32, #tpu.memory_space<vmem>> -> memref<16xi32, #tpu.memory_space<vmem>>
        %dma_wait3A_2693 = arith.constant 96 : i32
        %dma_wait3A_2694 = tpu.memref_slice %arg15[%dma_wait3A_2693] : memref<256xi32, #tpu.memory_space<vmem_shared>> -> memref<16xi32, #tpu.memory_space<vmem_shared>>
        %dma_wait3A_2695 = arith.constant 96 : i32
        %dma_wait3A_2696 = tpu.memref_slice %arg11[%dma_wait3A_2695] : memref<256xi32, #tpu.memory_space<vmem>> -> memref<16xi32, #tpu.memory_space<vmem>>
        %dma_wait3A_2697 = arith.constant 96 : i32
        %dma_wait3A_2698 = tpu.memref_slice %arg15[%dma_wait3A_2697] : memref<256xi32, #tpu.memory_space<vmem_shared>> -> memref<16xi32, #tpu.memory_space<vmem_shared>>
        tpu.wait_dma2 semaphore(%run_scoped3A : memref<!tpu.dma_semaphore, #tpu.memory_space<semaphore_mem>>) src(%dma_wait3A_2698 : memref<16xi32, #tpu.memory_space<vmem_shared>>) dst(%dma_wait3A_2696 : memref<16xi32, #tpu.memory_space<vmem>>)
        tpu.yield
      }) : () -> ()
      "tpu.region"() ({
        %run_scoped3A = tpu.sem_alloc : memref<!tpu.dma_semaphore, #tpu.memory_space<semaphore_mem>>
        %dma_start3A_2683 = arith.constant 112 : i32
        %dma_start3A_2684 = tpu.memref_slice %arg10[%dma_start3A_2683] : memref<256xf32, #tpu.memory_space<vmem>> -> memref<16xf32, #tpu.memory_space<vmem>>
        %dma_start3A_2685 = arith.constant 112 : i32
        %dma_start3A_2686 = tpu.memref_slice %arg14[%dma_start3A_2685] : memref<256xf32, #tpu.memory_space<vmem_shared>> -> memref<16xf32, #tpu.memory_space<vmem_shared>>
        %dma_start3A_2687 = arith.constant 112 : i32
        %dma_start3A_2688 = tpu.memref_slice %arg10[%dma_start3A_2687] : memref<256xf32, #tpu.memory_space<vmem>> -> memref<16xf32, #tpu.memory_space<vmem>>
        %dma_start3A_2689 = arith.constant 112 : i32
        %dma_start3A_2690 = tpu.memref_slice %arg14[%dma_start3A_2689] : memref<256xf32, #tpu.memory_space<vmem_shared>> -> memref<16xf32, #tpu.memory_space<vmem_shared>>
        tpu.enqueue_dma source(%dma_start3A_2690 : memref<16xf32, #tpu.memory_space<vmem_shared>>) target(%dma_start3A_2688 : memref<16xf32, #tpu.memory_space<vmem>>) target_semaphore(%run_scoped3A : memref<!tpu.dma_semaphore, #tpu.memory_space<semaphore_mem>>)
        %dma_wait3A_2691 = arith.constant 112 : i32
        %dma_wait3A_2692 = tpu.memref_slice %arg10[%dma_wait3A_2691] : memref<256xf32, #tpu.memory_space<vmem>> -> memref<16xf32, #tpu.memory_space<vmem>>
        %dma_wait3A_2693 = arith.constant 112 : i32
        %dma_wait3A_2694 = tpu.memref_slice %arg14[%dma_wait3A_2693] : memref<256xf32, #tpu.memory_space<vmem_shared>> -> memref<16xf32, #tpu.memory_space<vmem_shared>>
        %dma_wait3A_2695 = arith.constant 112 : i32
        %dma_wait3A_2696 = tpu.memref_slice %arg10[%dma_wait3A_2695] : memref<256xf32, #tpu.memory_space<vmem>> -> memref<16xf32, #tpu.memory_space<vmem>>
        %dma_wait3A_2697 = arith.constant 112 : i32
        %dma_wait3A_2698 = tpu.memref_slice %arg14[%dma_wait3A_2697] : memref<256xf32, #tpu.memory_space<vmem_shared>> -> memref<16xf32, #tpu.memory_space<vmem_shared>>
        tpu.wait_dma2 semaphore(%run_scoped3A : memref<!tpu.dma_semaphore, #tpu.memory_space<semaphore_mem>>) src(%dma_wait3A_2698 : memref<16xf32, #tpu.memory_space<vmem_shared>>) dst(%dma_wait3A_2696 : memref<16xf32, #tpu.memory_space<vmem>>)
        tpu.yield
      }) : () -> ()
      "tpu.region"() ({
        %run_scoped3A = tpu.sem_alloc : memref<!tpu.dma_semaphore, #tpu.memory_space<semaphore_mem>>
        %dma_start3A_2683 = arith.constant 112 : i32
        %dma_start3A_2684 = tpu.memref_slice %arg11[%dma_start3A_2683] : memref<256xi32, #tpu.memory_space<vmem>> -> memref<16xi32, #tpu.memory_space<vmem>>
        %dma_start3A_2685 = arith.constant 112 : i32
        %dma_start3A_2686 = tpu.memref_slice %arg15[%dma_start3A_2685] : memref<256xi32, #tpu.memory_space<vmem_shared>> -> memref<16xi32, #tpu.memory_space<vmem_shared>>
        %dma_start3A_2687 = arith.constant 112 : i32
        %dma_start3A_2688 = tpu.memref_slice %arg11[%dma_start3A_2687] : memref<256xi32, #tpu.memory_space<vmem>> -> memref<16xi32, #tpu.memory_space<vmem>>
        %dma_start3A_2689 = arith.constant 112 : i32
        %dma_start3A_2690 = tpu.memref_slice %arg15[%dma_start3A_2689] : memref<256xi32, #tpu.memory_space<vmem_shared>> -> memref<16xi32, #tpu.memory_space<vmem_shared>>
        tpu.enqueue_dma source(%dma_start3A_2690 : memref<16xi32, #tpu.memory_space<vmem_shared>>) target(%dma_start3A_2688 : memref<16xi32, #tpu.memory_space<vmem>>) target_semaphore(%run_scoped3A : memref<!tpu.dma_semaphore, #tpu.memory_space<semaphore_mem>>)
        %dma_wait3A_2691 = arith.constant 112 : i32
        %dma_wait3A_2692 = tpu.memref_slice %arg11[%dma_wait3A_2691] : memref<256xi32, #tpu.memory_space<vmem>> -> memref<16xi32, #tpu.memory_space<vmem>>
        %dma_wait3A_2693 = arith.constant 112 : i32
        %dma_wait3A_2694 = tpu.memref_slice %arg15[%dma_wait3A_2693] : memref<256xi32, #tpu.memory_space<vmem_shared>> -> memref<16xi32, #tpu.memory_space<vmem_shared>>
        %dma_wait3A_2695 = arith.constant 112 : i32
        %dma_wait3A_2696 = tpu.memref_slice %arg11[%dma_wait3A_2695] : memref<256xi32, #tpu.memory_space<vmem>> -> memref<16xi32, #tpu.memory_space<vmem>>
        %dma_wait3A_2697 = arith.constant 112 : i32
        %dma_wait3A_2698 = tpu.memref_slice %arg15[%dma_wait3A_2697] : memref<256xi32, #tpu.memory_space<vmem_shared>> -> memref<16xi32, #tpu.memory_space<vmem_shared>>
        tpu.wait_dma2 semaphore(%run_scoped3A : memref<!tpu.dma_semaphore, #tpu.memory_space<semaphore_mem>>) src(%dma_wait3A_2698 : memref<16xi32, #tpu.memory_space<vmem_shared>>) dst(%dma_wait3A_2696 : memref<16xi32, #tpu.memory_space<vmem>>)
        tpu.yield
      }) : () -> ()
      "tpu.region"() ({
        %run_scoped3A = tpu.sem_alloc : memref<!tpu.dma_semaphore, #tpu.memory_space<semaphore_mem>>
        %dma_start3A_2683 = arith.constant 128 : i32
        %dma_start3A_2684 = tpu.memref_slice %arg10[%dma_start3A_2683] : memref<256xf32, #tpu.memory_space<vmem>> -> memref<16xf32, #tpu.memory_space<vmem>>
        %dma_start3A_2685 = arith.constant 128 : i32
        %dma_start3A_2686 = tpu.memref_slice %arg14[%dma_start3A_2685] : memref<256xf32, #tpu.memory_space<vmem_shared>> -> memref<16xf32, #tpu.memory_space<vmem_shared>>
        %dma_start3A_2687 = arith.constant 128 : i32
        %dma_start3A_2688 = tpu.memref_slice %arg10[%dma_start3A_2687] : memref<256xf32, #tpu.memory_space<vmem>> -> memref<16xf32, #tpu.memory_space<vmem>>
        %dma_start3A_2689 = arith.constant 128 : i32
        %dma_start3A_2690 = tpu.memref_slice %arg14[%dma_start3A_2689] : memref<256xf32, #tpu.memory_space<vmem_shared>> -> memref<16xf32, #tpu.memory_space<vmem_shared>>
        tpu.enqueue_dma source(%dma_start3A_2690 : memref<16xf32, #tpu.memory_space<vmem_shared>>) target(%dma_start3A_2688 : memref<16xf32, #tpu.memory_space<vmem>>) target_semaphore(%run_scoped3A : memref<!tpu.dma_semaphore, #tpu.memory_space<semaphore_mem>>)
        %dma_wait3A_2691 = arith.constant 128 : i32
        %dma_wait3A_2692 = tpu.memref_slice %arg10[%dma_wait3A_2691] : memref<256xf32, #tpu.memory_space<vmem>> -> memref<16xf32, #tpu.memory_space<vmem>>
        %dma_wait3A_2693 = arith.constant 128 : i32
        %dma_wait3A_2694 = tpu.memref_slice %arg14[%dma_wait3A_2693] : memref<256xf32, #tpu.memory_space<vmem_shared>> -> memref<16xf32, #tpu.memory_space<vmem_shared>>
        %dma_wait3A_2695 = arith.constant 128 : i32
        %dma_wait3A_2696 = tpu.memref_slice %arg10[%dma_wait3A_2695] : memref<256xf32, #tpu.memory_space<vmem>> -> memref<16xf32, #tpu.memory_space<vmem>>
        %dma_wait3A_2697 = arith.constant 128 : i32
        %dma_wait3A_2698 = tpu.memref_slice %arg14[%dma_wait3A_2697] : memref<256xf32, #tpu.memory_space<vmem_shared>> -> memref<16xf32, #tpu.memory_space<vmem_shared>>
        tpu.wait_dma2 semaphore(%run_scoped3A : memref<!tpu.dma_semaphore, #tpu.memory_space<semaphore_mem>>) src(%dma_wait3A_2698 : memref<16xf32, #tpu.memory_space<vmem_shared>>) dst(%dma_wait3A_2696 : memref<16xf32, #tpu.memory_space<vmem>>)
        tpu.yield
      }) : () -> ()
      "tpu.region"() ({
        %run_scoped3A = tpu.sem_alloc : memref<!tpu.dma_semaphore, #tpu.memory_space<semaphore_mem>>
        %dma_start3A_2683 = arith.constant 128 : i32
        %dma_start3A_2684 = tpu.memref_slice %arg11[%dma_start3A_2683] : memref<256xi32, #tpu.memory_space<vmem>> -> memref<16xi32, #tpu.memory_space<vmem>>
        %dma_start3A_2685 = arith.constant 128 : i32
        %dma_start3A_2686 = tpu.memref_slice %arg15[%dma_start3A_2685] : memref<256xi32, #tpu.memory_space<vmem_shared>> -> memref<16xi32, #tpu.memory_space<vmem_shared>>
        %dma_start3A_2687 = arith.constant 128 : i32
        %dma_start3A_2688 = tpu.memref_slice %arg11[%dma_start3A_2687] : memref<256xi32, #tpu.memory_space<vmem>> -> memref<16xi32, #tpu.memory_space<vmem>>
        %dma_start3A_2689 = arith.constant 128 : i32
        %dma_start3A_2690 = tpu.memref_slice %arg15[%dma_start3A_2689] : memref<256xi32, #tpu.memory_space<vmem_shared>> -> memref<16xi32, #tpu.memory_space<vmem_shared>>
        tpu.enqueue_dma source(%dma_start3A_2690 : memref<16xi32, #tpu.memory_space<vmem_shared>>) target(%dma_start3A_2688 : memref<16xi32, #tpu.memory_space<vmem>>) target_semaphore(%run_scoped3A : memref<!tpu.dma_semaphore, #tpu.memory_space<semaphore_mem>>)
        %dma_wait3A_2691 = arith.constant 128 : i32
        %dma_wait3A_2692 = tpu.memref_slice %arg11[%dma_wait3A_2691] : memref<256xi32, #tpu.memory_space<vmem>> -> memref<16xi32, #tpu.memory_space<vmem>>
        %dma_wait3A_2693 = arith.constant 128 : i32
        %dma_wait3A_2694 = tpu.memref_slice %arg15[%dma_wait3A_2693] : memref<256xi32, #tpu.memory_space<vmem_shared>> -> memref<16xi32, #tpu.memory_space<vmem_shared>>
        %dma_wait3A_2695 = arith.constant 128 : i32
        %dma_wait3A_2696 = tpu.memref_slice %arg11[%dma_wait3A_2695] : memref<256xi32, #tpu.memory_space<vmem>> -> memref<16xi32, #tpu.memory_space<vmem>>
        %dma_wait3A_2697 = arith.constant 128 : i32
        %dma_wait3A_2698 = tpu.memref_slice %arg15[%dma_wait3A_2697] : memref<256xi32, #tpu.memory_space<vmem_shared>> -> memref<16xi32, #tpu.memory_space<vmem_shared>>
        tpu.wait_dma2 semaphore(%run_scoped3A : memref<!tpu.dma_semaphore, #tpu.memory_space<semaphore_mem>>) src(%dma_wait3A_2698 : memref<16xi32, #tpu.memory_space<vmem_shared>>) dst(%dma_wait3A_2696 : memref<16xi32, #tpu.memory_space<vmem>>)
        tpu.yield
      }) : () -> ()
      "tpu.region"() ({
        %run_scoped3A = tpu.sem_alloc : memref<!tpu.dma_semaphore, #tpu.memory_space<semaphore_mem>>
        %dma_start3A_2683 = arith.constant 144 : i32
        %dma_start3A_2684 = tpu.memref_slice %arg10[%dma_start3A_2683] : memref<256xf32, #tpu.memory_space<vmem>> -> memref<16xf32, #tpu.memory_space<vmem>>
        %dma_start3A_2685 = arith.constant 144 : i32
        %dma_start3A_2686 = tpu.memref_slice %arg14[%dma_start3A_2685] : memref<256xf32, #tpu.memory_space<vmem_shared>> -> memref<16xf32, #tpu.memory_space<vmem_shared>>
        %dma_start3A_2687 = arith.constant 144 : i32
        %dma_start3A_2688 = tpu.memref_slice %arg10[%dma_start3A_2687] : memref<256xf32, #tpu.memory_space<vmem>> -> memref<16xf32, #tpu.memory_space<vmem>>
        %dma_start3A_2689 = arith.constant 144 : i32
        %dma_start3A_2690 = tpu.memref_slice %arg14[%dma_start3A_2689] : memref<256xf32, #tpu.memory_space<vmem_shared>> -> memref<16xf32, #tpu.memory_space<vmem_shared>>
        tpu.enqueue_dma source(%dma_start3A_2690 : memref<16xf32, #tpu.memory_space<vmem_shared>>) target(%dma_start3A_2688 : memref<16xf32, #tpu.memory_space<vmem>>) target_semaphore(%run_scoped3A : memref<!tpu.dma_semaphore, #tpu.memory_space<semaphore_mem>>)
        %dma_wait3A_2691 = arith.constant 144 : i32
        %dma_wait3A_2692 = tpu.memref_slice %arg10[%dma_wait3A_2691] : memref<256xf32, #tpu.memory_space<vmem>> -> memref<16xf32, #tpu.memory_space<vmem>>
        %dma_wait3A_2693 = arith.constant 144 : i32
        %dma_wait3A_2694 = tpu.memref_slice %arg14[%dma_wait3A_2693] : memref<256xf32, #tpu.memory_space<vmem_shared>> -> memref<16xf32, #tpu.memory_space<vmem_shared>>
        %dma_wait3A_2695 = arith.constant 144 : i32
        %dma_wait3A_2696 = tpu.memref_slice %arg10[%dma_wait3A_2695] : memref<256xf32, #tpu.memory_space<vmem>> -> memref<16xf32, #tpu.memory_space<vmem>>
        %dma_wait3A_2697 = arith.constant 144 : i32
        %dma_wait3A_2698 = tpu.memref_slice %arg14[%dma_wait3A_2697] : memref<256xf32, #tpu.memory_space<vmem_shared>> -> memref<16xf32, #tpu.memory_space<vmem_shared>>
        tpu.wait_dma2 semaphore(%run_scoped3A : memref<!tpu.dma_semaphore, #tpu.memory_space<semaphore_mem>>) src(%dma_wait3A_2698 : memref<16xf32, #tpu.memory_space<vmem_shared>>) dst(%dma_wait3A_2696 : memref<16xf32, #tpu.memory_space<vmem>>)
        tpu.yield
      }) : () -> ()
      "tpu.region"() ({
        %run_scoped3A = tpu.sem_alloc : memref<!tpu.dma_semaphore, #tpu.memory_space<semaphore_mem>>
        %dma_start3A_2683 = arith.constant 144 : i32
        %dma_start3A_2684 = tpu.memref_slice %arg11[%dma_start3A_2683] : memref<256xi32, #tpu.memory_space<vmem>> -> memref<16xi32, #tpu.memory_space<vmem>>
        %dma_start3A_2685 = arith.constant 144 : i32
        %dma_start3A_2686 = tpu.memref_slice %arg15[%dma_start3A_2685] : memref<256xi32, #tpu.memory_space<vmem_shared>> -> memref<16xi32, #tpu.memory_space<vmem_shared>>
        %dma_start3A_2687 = arith.constant 144 : i32
        %dma_start3A_2688 = tpu.memref_slice %arg11[%dma_start3A_2687] : memref<256xi32, #tpu.memory_space<vmem>> -> memref<16xi32, #tpu.memory_space<vmem>>
        %dma_start3A_2689 = arith.constant 144 : i32
        %dma_start3A_2690 = tpu.memref_slice %arg15[%dma_start3A_2689] : memref<256xi32, #tpu.memory_space<vmem_shared>> -> memref<16xi32, #tpu.memory_space<vmem_shared>>
        tpu.enqueue_dma source(%dma_start3A_2690 : memref<16xi32, #tpu.memory_space<vmem_shared>>) target(%dma_start3A_2688 : memref<16xi32, #tpu.memory_space<vmem>>) target_semaphore(%run_scoped3A : memref<!tpu.dma_semaphore, #tpu.memory_space<semaphore_mem>>)
        %dma_wait3A_2691 = arith.constant 144 : i32
        %dma_wait3A_2692 = tpu.memref_slice %arg11[%dma_wait3A_2691] : memref<256xi32, #tpu.memory_space<vmem>> -> memref<16xi32, #tpu.memory_space<vmem>>
        %dma_wait3A_2693 = arith.constant 144 : i32
        %dma_wait3A_2694 = tpu.memref_slice %arg15[%dma_wait3A_2693] : memref<256xi32, #tpu.memory_space<vmem_shared>> -> memref<16xi32, #tpu.memory_space<vmem_shared>>
        %dma_wait3A_2695 = arith.constant 144 : i32
        %dma_wait3A_2696 = tpu.memref_slice %arg11[%dma_wait3A_2695] : memref<256xi32, #tpu.memory_space<vmem>> -> memref<16xi32, #tpu.memory_space<vmem>>
        %dma_wait3A_2697 = arith.constant 144 : i32
        %dma_wait3A_2698 = tpu.memref_slice %arg15[%dma_wait3A_2697] : memref<256xi32, #tpu.memory_space<vmem_shared>> -> memref<16xi32, #tpu.memory_space<vmem_shared>>
        tpu.wait_dma2 semaphore(%run_scoped3A : memref<!tpu.dma_semaphore, #tpu.memory_space<semaphore_mem>>) src(%dma_wait3A_2698 : memref<16xi32, #tpu.memory_space<vmem_shared>>) dst(%dma_wait3A_2696 : memref<16xi32, #tpu.memory_space<vmem>>)
        tpu.yield
      }) : () -> ()
      "tpu.region"() ({
        %run_scoped3A = tpu.sem_alloc : memref<!tpu.dma_semaphore, #tpu.memory_space<semaphore_mem>>
        %dma_start3A_2683 = arith.constant 160 : i32
        %dma_start3A_2684 = tpu.memref_slice %arg10[%dma_start3A_2683] : memref<256xf32, #tpu.memory_space<vmem>> -> memref<16xf32, #tpu.memory_space<vmem>>
        %dma_start3A_2685 = arith.constant 160 : i32
        %dma_start3A_2686 = tpu.memref_slice %arg14[%dma_start3A_2685] : memref<256xf32, #tpu.memory_space<vmem_shared>> -> memref<16xf32, #tpu.memory_space<vmem_shared>>
        %dma_start3A_2687 = arith.constant 160 : i32
        %dma_start3A_2688 = tpu.memref_slice %arg10[%dma_start3A_2687] : memref<256xf32, #tpu.memory_space<vmem>> -> memref<16xf32, #tpu.memory_space<vmem>>
        %dma_start3A_2689 = arith.constant 160 : i32
        %dma_start3A_2690 = tpu.memref_slice %arg14[%dma_start3A_2689] : memref<256xf32, #tpu.memory_space<vmem_shared>> -> memref<16xf32, #tpu.memory_space<vmem_shared>>
        tpu.enqueue_dma source(%dma_start3A_2690 : memref<16xf32, #tpu.memory_space<vmem_shared>>) target(%dma_start3A_2688 : memref<16xf32, #tpu.memory_space<vmem>>) target_semaphore(%run_scoped3A : memref<!tpu.dma_semaphore, #tpu.memory_space<semaphore_mem>>)
        %dma_wait3A_2691 = arith.constant 160 : i32
        %dma_wait3A_2692 = tpu.memref_slice %arg10[%dma_wait3A_2691] : memref<256xf32, #tpu.memory_space<vmem>> -> memref<16xf32, #tpu.memory_space<vmem>>
        %dma_wait3A_2693 = arith.constant 160 : i32
        %dma_wait3A_2694 = tpu.memref_slice %arg14[%dma_wait3A_2693] : memref<256xf32, #tpu.memory_space<vmem_shared>> -> memref<16xf32, #tpu.memory_space<vmem_shared>>
        %dma_wait3A_2695 = arith.constant 160 : i32
        %dma_wait3A_2696 = tpu.memref_slice %arg10[%dma_wait3A_2695] : memref<256xf32, #tpu.memory_space<vmem>> -> memref<16xf32, #tpu.memory_space<vmem>>
        %dma_wait3A_2697 = arith.constant 160 : i32
        %dma_wait3A_2698 = tpu.memref_slice %arg14[%dma_wait3A_2697] : memref<256xf32, #tpu.memory_space<vmem_shared>> -> memref<16xf32, #tpu.memory_space<vmem_shared>>
        tpu.wait_dma2 semaphore(%run_scoped3A : memref<!tpu.dma_semaphore, #tpu.memory_space<semaphore_mem>>) src(%dma_wait3A_2698 : memref<16xf32, #tpu.memory_space<vmem_shared>>) dst(%dma_wait3A_2696 : memref<16xf32, #tpu.memory_space<vmem>>)
        tpu.yield
      }) : () -> ()
      "tpu.region"() ({
        %run_scoped3A = tpu.sem_alloc : memref<!tpu.dma_semaphore, #tpu.memory_space<semaphore_mem>>
        %dma_start3A_2683 = arith.constant 160 : i32
        %dma_start3A_2684 = tpu.memref_slice %arg11[%dma_start3A_2683] : memref<256xi32, #tpu.memory_space<vmem>> -> memref<16xi32, #tpu.memory_space<vmem>>
        %dma_start3A_2685 = arith.constant 160 : i32
        %dma_start3A_2686 = tpu.memref_slice %arg15[%dma_start3A_2685] : memref<256xi32, #tpu.memory_space<vmem_shared>> -> memref<16xi32, #tpu.memory_space<vmem_shared>>
        %dma_start3A_2687 = arith.constant 160 : i32
        %dma_start3A_2688 = tpu.memref_slice %arg11[%dma_start3A_2687] : memref<256xi32, #tpu.memory_space<vmem>> -> memref<16xi32, #tpu.memory_space<vmem>>
        %dma_start3A_2689 = arith.constant 160 : i32
        %dma_start3A_2690 = tpu.memref_slice %arg15[%dma_start3A_2689] : memref<256xi32, #tpu.memory_space<vmem_shared>> -> memref<16xi32, #tpu.memory_space<vmem_shared>>
        tpu.enqueue_dma source(%dma_start3A_2690 : memref<16xi32, #tpu.memory_space<vmem_shared>>) target(%dma_start3A_2688 : memref<16xi32, #tpu.memory_space<vmem>>) target_semaphore(%run_scoped3A : memref<!tpu.dma_semaphore, #tpu.memory_space<semaphore_mem>>)
        %dma_wait3A_2691 = arith.constant 160 : i32
        %dma_wait3A_2692 = tpu.memref_slice %arg11[%dma_wait3A_2691] : memref<256xi32, #tpu.memory_space<vmem>> -> memref<16xi32, #tpu.memory_space<vmem>>
        %dma_wait3A_2693 = arith.constant 160 : i32
        %dma_wait3A_2694 = tpu.memref_slice %arg15[%dma_wait3A_2693] : memref<256xi32, #tpu.memory_space<vmem_shared>> -> memref<16xi32, #tpu.memory_space<vmem_shared>>
        %dma_wait3A_2695 = arith.constant 160 : i32
        %dma_wait3A_2696 = tpu.memref_slice %arg11[%dma_wait3A_2695] : memref<256xi32, #tpu.memory_space<vmem>> -> memref<16xi32, #tpu.memory_space<vmem>>
        %dma_wait3A_2697 = arith.constant 160 : i32
        %dma_wait3A_2698 = tpu.memref_slice %arg15[%dma_wait3A_2697] : memref<256xi32, #tpu.memory_space<vmem_shared>> -> memref<16xi32, #tpu.memory_space<vmem_shared>>
        tpu.wait_dma2 semaphore(%run_scoped3A : memref<!tpu.dma_semaphore, #tpu.memory_space<semaphore_mem>>) src(%dma_wait3A_2698 : memref<16xi32, #tpu.memory_space<vmem_shared>>) dst(%dma_wait3A_2696 : memref<16xi32, #tpu.memory_space<vmem>>)
        tpu.yield
      }) : () -> ()
      "tpu.region"() ({
        %run_scoped3A = tpu.sem_alloc : memref<!tpu.dma_semaphore, #tpu.memory_space<semaphore_mem>>
        %dma_start3A_2683 = arith.constant 176 : i32
        %dma_start3A_2684 = tpu.memref_slice %arg10[%dma_start3A_2683] : memref<256xf32, #tpu.memory_space<vmem>> -> memref<16xf32, #tpu.memory_space<vmem>>
        %dma_start3A_2685 = arith.constant 176 : i32
        %dma_start3A_2686 = tpu.memref_slice %arg14[%dma_start3A_2685] : memref<256xf32, #tpu.memory_space<vmem_shared>> -> memref<16xf32, #tpu.memory_space<vmem_shared>>
        %dma_start3A_2687 = arith.constant 176 : i32
        %dma_start3A_2688 = tpu.memref_slice %arg10[%dma_start3A_2687] : memref<256xf32, #tpu.memory_space<vmem>> -> memref<16xf32, #tpu.memory_space<vmem>>
        %dma_start3A_2689 = arith.constant 176 : i32
        %dma_start3A_2690 = tpu.memref_slice %arg14[%dma_start3A_2689] : memref<256xf32, #tpu.memory_space<vmem_shared>> -> memref<16xf32, #tpu.memory_space<vmem_shared>>
        tpu.enqueue_dma source(%dma_start3A_2690 : memref<16xf32, #tpu.memory_space<vmem_shared>>) target(%dma_start3A_2688 : memref<16xf32, #tpu.memory_space<vmem>>) target_semaphore(%run_scoped3A : memref<!tpu.dma_semaphore, #tpu.memory_space<semaphore_mem>>)
        %dma_wait3A_2691 = arith.constant 176 : i32
        %dma_wait3A_2692 = tpu.memref_slice %arg10[%dma_wait3A_2691] : memref<256xf32, #tpu.memory_space<vmem>> -> memref<16xf32, #tpu.memory_space<vmem>>
        %dma_wait3A_2693 = arith.constant 176 : i32
        %dma_wait3A_2694 = tpu.memref_slice %arg14[%dma_wait3A_2693] : memref<256xf32, #tpu.memory_space<vmem_shared>> -> memref<16xf32, #tpu.memory_space<vmem_shared>>
        %dma_wait3A_2695 = arith.constant 176 : i32
        %dma_wait3A_2696 = tpu.memref_slice %arg10[%dma_wait3A_2695] : memref<256xf32, #tpu.memory_space<vmem>> -> memref<16xf32, #tpu.memory_space<vmem>>
        %dma_wait3A_2697 = arith.constant 176 : i32
        %dma_wait3A_2698 = tpu.memref_slice %arg14[%dma_wait3A_2697] : memref<256xf32, #tpu.memory_space<vmem_shared>> -> memref<16xf32, #tpu.memory_space<vmem_shared>>
        tpu.wait_dma2 semaphore(%run_scoped3A : memref<!tpu.dma_semaphore, #tpu.memory_space<semaphore_mem>>) src(%dma_wait3A_2698 : memref<16xf32, #tpu.memory_space<vmem_shared>>) dst(%dma_wait3A_2696 : memref<16xf32, #tpu.memory_space<vmem>>)
        tpu.yield
      }) : () -> ()
      "tpu.region"() ({
        %run_scoped3A = tpu.sem_alloc : memref<!tpu.dma_semaphore, #tpu.memory_space<semaphore_mem>>
        %dma_start3A_2683 = arith.constant 176 : i32
        %dma_start3A_2684 = tpu.memref_slice %arg11[%dma_start3A_2683] : memref<256xi32, #tpu.memory_space<vmem>> -> memref<16xi32, #tpu.memory_space<vmem>>
        %dma_start3A_2685 = arith.constant 176 : i32
        %dma_start3A_2686 = tpu.memref_slice %arg15[%dma_start3A_2685] : memref<256xi32, #tpu.memory_space<vmem_shared>> -> memref<16xi32, #tpu.memory_space<vmem_shared>>
        %dma_start3A_2687 = arith.constant 176 : i32
        %dma_start3A_2688 = tpu.memref_slice %arg11[%dma_start3A_2687] : memref<256xi32, #tpu.memory_space<vmem>> -> memref<16xi32, #tpu.memory_space<vmem>>
        %dma_start3A_2689 = arith.constant 176 : i32
        %dma_start3A_2690 = tpu.memref_slice %arg15[%dma_start3A_2689] : memref<256xi32, #tpu.memory_space<vmem_shared>> -> memref<16xi32, #tpu.memory_space<vmem_shared>>
        tpu.enqueue_dma source(%dma_start3A_2690 : memref<16xi32, #tpu.memory_space<vmem_shared>>) target(%dma_start3A_2688 : memref<16xi32, #tpu.memory_space<vmem>>) target_semaphore(%run_scoped3A : memref<!tpu.dma_semaphore, #tpu.memory_space<semaphore_mem>>)
        %dma_wait3A_2691 = arith.constant 176 : i32
        %dma_wait3A_2692 = tpu.memref_slice %arg11[%dma_wait3A_2691] : memref<256xi32, #tpu.memory_space<vmem>> -> memref<16xi32, #tpu.memory_space<vmem>>
        %dma_wait3A_2693 = arith.constant 176 : i32
        %dma_wait3A_2694 = tpu.memref_slice %arg15[%dma_wait3A_2693] : memref<256xi32, #tpu.memory_space<vmem_shared>> -> memref<16xi32, #tpu.memory_space<vmem_shared>>
        %dma_wait3A_2695 = arith.constant 176 : i32
        %dma_wait3A_2696 = tpu.memref_slice %arg11[%dma_wait3A_2695] : memref<256xi32, #tpu.memory_space<vmem>> -> memref<16xi32, #tpu.memory_space<vmem>>
        %dma_wait3A_2697 = arith.constant 176 : i32
        %dma_wait3A_2698 = tpu.memref_slice %arg15[%dma_wait3A_2697] : memref<256xi32, #tpu.memory_space<vmem_shared>> -> memref<16xi32, #tpu.memory_space<vmem_shared>>
        tpu.wait_dma2 semaphore(%run_scoped3A : memref<!tpu.dma_semaphore, #tpu.memory_space<semaphore_mem>>) src(%dma_wait3A_2698 : memref<16xi32, #tpu.memory_space<vmem_shared>>) dst(%dma_wait3A_2696 : memref<16xi32, #tpu.memory_space<vmem>>)
        tpu.yield
      }) : () -> ()
      "tpu.region"() ({
        %run_scoped3A = tpu.sem_alloc : memref<!tpu.dma_semaphore, #tpu.memory_space<semaphore_mem>>
        %dma_start3A_2683 = arith.constant 192 : i32
        %dma_start3A_2684 = tpu.memref_slice %arg10[%dma_start3A_2683] : memref<256xf32, #tpu.memory_space<vmem>> -> memref<16xf32, #tpu.memory_space<vmem>>
        %dma_start3A_2685 = arith.constant 192 : i32
        %dma_start3A_2686 = tpu.memref_slice %arg14[%dma_start3A_2685] : memref<256xf32, #tpu.memory_space<vmem_shared>> -> memref<16xf32, #tpu.memory_space<vmem_shared>>
        %dma_start3A_2687 = arith.constant 192 : i32
        %dma_start3A_2688 = tpu.memref_slice %arg10[%dma_start3A_2687] : memref<256xf32, #tpu.memory_space<vmem>> -> memref<16xf32, #tpu.memory_space<vmem>>
        %dma_start3A_2689 = arith.constant 192 : i32
        %dma_start3A_2690 = tpu.memref_slice %arg14[%dma_start3A_2689] : memref<256xf32, #tpu.memory_space<vmem_shared>> -> memref<16xf32, #tpu.memory_space<vmem_shared>>
        tpu.enqueue_dma source(%dma_start3A_2690 : memref<16xf32, #tpu.memory_space<vmem_shared>>) target(%dma_start3A_2688 : memref<16xf32, #tpu.memory_space<vmem>>) target_semaphore(%run_scoped3A : memref<!tpu.dma_semaphore, #tpu.memory_space<semaphore_mem>>)
        %dma_wait3A_2691 = arith.constant 192 : i32
        %dma_wait3A_2692 = tpu.memref_slice %arg10[%dma_wait3A_2691] : memref<256xf32, #tpu.memory_space<vmem>> -> memref<16xf32, #tpu.memory_space<vmem>>
        %dma_wait3A_2693 = arith.constant 192 : i32
        %dma_wait3A_2694 = tpu.memref_slice %arg14[%dma_wait3A_2693] : memref<256xf32, #tpu.memory_space<vmem_shared>> -> memref<16xf32, #tpu.memory_space<vmem_shared>>
        %dma_wait3A_2695 = arith.constant 192 : i32
        %dma_wait3A_2696 = tpu.memref_slice %arg10[%dma_wait3A_2695] : memref<256xf32, #tpu.memory_space<vmem>> -> memref<16xf32, #tpu.memory_space<vmem>>
        %dma_wait3A_2697 = arith.constant 192 : i32
        %dma_wait3A_2698 = tpu.memref_slice %arg14[%dma_wait3A_2697] : memref<256xf32, #tpu.memory_space<vmem_shared>> -> memref<16xf32, #tpu.memory_space<vmem_shared>>
        tpu.wait_dma2 semaphore(%run_scoped3A : memref<!tpu.dma_semaphore, #tpu.memory_space<semaphore_mem>>) src(%dma_wait3A_2698 : memref<16xf32, #tpu.memory_space<vmem_shared>>) dst(%dma_wait3A_2696 : memref<16xf32, #tpu.memory_space<vmem>>)
        tpu.yield
      }) : () -> ()
      "tpu.region"() ({
        %run_scoped3A = tpu.sem_alloc : memref<!tpu.dma_semaphore, #tpu.memory_space<semaphore_mem>>
        %dma_start3A_2683 = arith.constant 192 : i32
        %dma_start3A_2684 = tpu.memref_slice %arg11[%dma_start3A_2683] : memref<256xi32, #tpu.memory_space<vmem>> -> memref<16xi32, #tpu.memory_space<vmem>>
        %dma_start3A_2685 = arith.constant 192 : i32
        %dma_start3A_2686 = tpu.memref_slice %arg15[%dma_start3A_2685] : memref<256xi32, #tpu.memory_space<vmem_shared>> -> memref<16xi32, #tpu.memory_space<vmem_shared>>
        %dma_start3A_2687 = arith.constant 192 : i32
        %dma_start3A_2688 = tpu.memref_slice %arg11[%dma_start3A_2687] : memref<256xi32, #tpu.memory_space<vmem>> -> memref<16xi32, #tpu.memory_space<vmem>>
        %dma_start3A_2689 = arith.constant 192 : i32
        %dma_start3A_2690 = tpu.memref_slice %arg15[%dma_start3A_2689] : memref<256xi32, #tpu.memory_space<vmem_shared>> -> memref<16xi32, #tpu.memory_space<vmem_shared>>
        tpu.enqueue_dma source(%dma_start3A_2690 : memref<16xi32, #tpu.memory_space<vmem_shared>>) target(%dma_start3A_2688 : memref<16xi32, #tpu.memory_space<vmem>>) target_semaphore(%run_scoped3A : memref<!tpu.dma_semaphore, #tpu.memory_space<semaphore_mem>>)
        %dma_wait3A_2691 = arith.constant 192 : i32
        %dma_wait3A_2692 = tpu.memref_slice %arg11[%dma_wait3A_2691] : memref<256xi32, #tpu.memory_space<vmem>> -> memref<16xi32, #tpu.memory_space<vmem>>
        %dma_wait3A_2693 = arith.constant 192 : i32
        %dma_wait3A_2694 = tpu.memref_slice %arg15[%dma_wait3A_2693] : memref<256xi32, #tpu.memory_space<vmem_shared>> -> memref<16xi32, #tpu.memory_space<vmem_shared>>
        %dma_wait3A_2695 = arith.constant 192 : i32
        %dma_wait3A_2696 = tpu.memref_slice %arg11[%dma_wait3A_2695] : memref<256xi32, #tpu.memory_space<vmem>> -> memref<16xi32, #tpu.memory_space<vmem>>
        %dma_wait3A_2697 = arith.constant 192 : i32
        %dma_wait3A_2698 = tpu.memref_slice %arg15[%dma_wait3A_2697] : memref<256xi32, #tpu.memory_space<vmem_shared>> -> memref<16xi32, #tpu.memory_space<vmem_shared>>
        tpu.wait_dma2 semaphore(%run_scoped3A : memref<!tpu.dma_semaphore, #tpu.memory_space<semaphore_mem>>) src(%dma_wait3A_2698 : memref<16xi32, #tpu.memory_space<vmem_shared>>) dst(%dma_wait3A_2696 : memref<16xi32, #tpu.memory_space<vmem>>)
        tpu.yield
      }) : () -> ()
      "tpu.region"() ({
        %run_scoped3A = tpu.sem_alloc : memref<!tpu.dma_semaphore, #tpu.memory_space<semaphore_mem>>
        %dma_start3A_2683 = arith.constant 208 : i32
        %dma_start3A_2684 = tpu.memref_slice %arg10[%dma_start3A_2683] : memref<256xf32, #tpu.memory_space<vmem>> -> memref<16xf32, #tpu.memory_space<vmem>>
        %dma_start3A_2685 = arith.constant 208 : i32
        %dma_start3A_2686 = tpu.memref_slice %arg14[%dma_start3A_2685] : memref<256xf32, #tpu.memory_space<vmem_shared>> -> memref<16xf32, #tpu.memory_space<vmem_shared>>
        %dma_start3A_2687 = arith.constant 208 : i32
        %dma_start3A_2688 = tpu.memref_slice %arg10[%dma_start3A_2687] : memref<256xf32, #tpu.memory_space<vmem>> -> memref<16xf32, #tpu.memory_space<vmem>>
        %dma_start3A_2689 = arith.constant 208 : i32
        %dma_start3A_2690 = tpu.memref_slice %arg14[%dma_start3A_2689] : memref<256xf32, #tpu.memory_space<vmem_shared>> -> memref<16xf32, #tpu.memory_space<vmem_shared>>
        tpu.enqueue_dma source(%dma_start3A_2690 : memref<16xf32, #tpu.memory_space<vmem_shared>>) target(%dma_start3A_2688 : memref<16xf32, #tpu.memory_space<vmem>>) target_semaphore(%run_scoped3A : memref<!tpu.dma_semaphore, #tpu.memory_space<semaphore_mem>>)
        %dma_wait3A_2691 = arith.constant 208 : i32
        %dma_wait3A_2692 = tpu.memref_slice %arg10[%dma_wait3A_2691] : memref<256xf32, #tpu.memory_space<vmem>> -> memref<16xf32, #tpu.memory_space<vmem>>
        %dma_wait3A_2693 = arith.constant 208 : i32
        %dma_wait3A_2694 = tpu.memref_slice %arg14[%dma_wait3A_2693] : memref<256xf32, #tpu.memory_space<vmem_shared>> -> memref<16xf32, #tpu.memory_space<vmem_shared>>
        %dma_wait3A_2695 = arith.constant 208 : i32
        %dma_wait3A_2696 = tpu.memref_slice %arg10[%dma_wait3A_2695] : memref<256xf32, #tpu.memory_space<vmem>> -> memref<16xf32, #tpu.memory_space<vmem>>
        %dma_wait3A_2697 = arith.constant 208 : i32
        %dma_wait3A_2698 = tpu.memref_slice %arg14[%dma_wait3A_2697] : memref<256xf32, #tpu.memory_space<vmem_shared>> -> memref<16xf32, #tpu.memory_space<vmem_shared>>
        tpu.wait_dma2 semaphore(%run_scoped3A : memref<!tpu.dma_semaphore, #tpu.memory_space<semaphore_mem>>) src(%dma_wait3A_2698 : memref<16xf32, #tpu.memory_space<vmem_shared>>) dst(%dma_wait3A_2696 : memref<16xf32, #tpu.memory_space<vmem>>)
        tpu.yield
      }) : () -> ()
      "tpu.region"() ({
        %run_scoped3A = tpu.sem_alloc : memref<!tpu.dma_semaphore, #tpu.memory_space<semaphore_mem>>
        %dma_start3A_2683 = arith.constant 208 : i32
        %dma_start3A_2684 = tpu.memref_slice %arg11[%dma_start3A_2683] : memref<256xi32, #tpu.memory_space<vmem>> -> memref<16xi32, #tpu.memory_space<vmem>>
        %dma_start3A_2685 = arith.constant 208 : i32
        %dma_start3A_2686 = tpu.memref_slice %arg15[%dma_start3A_2685] : memref<256xi32, #tpu.memory_space<vmem_shared>> -> memref<16xi32, #tpu.memory_space<vmem_shared>>
        %dma_start3A_2687 = arith.constant 208 : i32
        %dma_start3A_2688 = tpu.memref_slice %arg11[%dma_start3A_2687] : memref<256xi32, #tpu.memory_space<vmem>> -> memref<16xi32, #tpu.memory_space<vmem>>
        %dma_start3A_2689 = arith.constant 208 : i32
        %dma_start3A_2690 = tpu.memref_slice %arg15[%dma_start3A_2689] : memref<256xi32, #tpu.memory_space<vmem_shared>> -> memref<16xi32, #tpu.memory_space<vmem_shared>>
        tpu.enqueue_dma source(%dma_start3A_2690 : memref<16xi32, #tpu.memory_space<vmem_shared>>) target(%dma_start3A_2688 : memref<16xi32, #tpu.memory_space<vmem>>) target_semaphore(%run_scoped3A : memref<!tpu.dma_semaphore, #tpu.memory_space<semaphore_mem>>)
        %dma_wait3A_2691 = arith.constant 208 : i32
        %dma_wait3A_2692 = tpu.memref_slice %arg11[%dma_wait3A_2691] : memref<256xi32, #tpu.memory_space<vmem>> -> memref<16xi32, #tpu.memory_space<vmem>>
        %dma_wait3A_2693 = arith.constant 208 : i32
        %dma_wait3A_2694 = tpu.memref_slice %arg15[%dma_wait3A_2693] : memref<256xi32, #tpu.memory_space<vmem_shared>> -> memref<16xi32, #tpu.memory_space<vmem_shared>>
        %dma_wait3A_2695 = arith.constant 208 : i32
        %dma_wait3A_2696 = tpu.memref_slice %arg11[%dma_wait3A_2695] : memref<256xi32, #tpu.memory_space<vmem>> -> memref<16xi32, #tpu.memory_space<vmem>>
        %dma_wait3A_2697 = arith.constant 208 : i32
        %dma_wait3A_2698 = tpu.memref_slice %arg15[%dma_wait3A_2697] : memref<256xi32, #tpu.memory_space<vmem_shared>> -> memref<16xi32, #tpu.memory_space<vmem_shared>>
        tpu.wait_dma2 semaphore(%run_scoped3A : memref<!tpu.dma_semaphore, #tpu.memory_space<semaphore_mem>>) src(%dma_wait3A_2698 : memref<16xi32, #tpu.memory_space<vmem_shared>>) dst(%dma_wait3A_2696 : memref<16xi32, #tpu.memory_space<vmem>>)
        tpu.yield
      }) : () -> ()
      "tpu.region"() ({
        %run_scoped3A = tpu.sem_alloc : memref<!tpu.dma_semaphore, #tpu.memory_space<semaphore_mem>>
        %dma_start3A_2683 = arith.constant 224 : i32
        %dma_start3A_2684 = tpu.memref_slice %arg10[%dma_start3A_2683] : memref<256xf32, #tpu.memory_space<vmem>> -> memref<16xf32, #tpu.memory_space<vmem>>
        %dma_start3A_2685 = arith.constant 224 : i32
        %dma_start3A_2686 = tpu.memref_slice %arg14[%dma_start3A_2685] : memref<256xf32, #tpu.memory_space<vmem_shared>> -> memref<16xf32, #tpu.memory_space<vmem_shared>>
        %dma_start3A_2687 = arith.constant 224 : i32
        %dma_start3A_2688 = tpu.memref_slice %arg10[%dma_start3A_2687] : memref<256xf32, #tpu.memory_space<vmem>> -> memref<16xf32, #tpu.memory_space<vmem>>
        %dma_start3A_2689 = arith.constant 224 : i32
        %dma_start3A_2690 = tpu.memref_slice %arg14[%dma_start3A_2689] : memref<256xf32, #tpu.memory_space<vmem_shared>> -> memref<16xf32, #tpu.memory_space<vmem_shared>>
        tpu.enqueue_dma source(%dma_start3A_2690 : memref<16xf32, #tpu.memory_space<vmem_shared>>) target(%dma_start3A_2688 : memref<16xf32, #tpu.memory_space<vmem>>) target_semaphore(%run_scoped3A : memref<!tpu.dma_semaphore, #tpu.memory_space<semaphore_mem>>)
        %dma_wait3A_2691 = arith.constant 224 : i32
        %dma_wait3A_2692 = tpu.memref_slice %arg10[%dma_wait3A_2691] : memref<256xf32, #tpu.memory_space<vmem>> -> memref<16xf32, #tpu.memory_space<vmem>>
        %dma_wait3A_2693 = arith.constant 224 : i32
        %dma_wait3A_2694 = tpu.memref_slice %arg14[%dma_wait3A_2693] : memref<256xf32, #tpu.memory_space<vmem_shared>> -> memref<16xf32, #tpu.memory_space<vmem_shared>>
        %dma_wait3A_2695 = arith.constant 224 : i32
        %dma_wait3A_2696 = tpu.memref_slice %arg10[%dma_wait3A_2695] : memref<256xf32, #tpu.memory_space<vmem>> -> memref<16xf32, #tpu.memory_space<vmem>>
        %dma_wait3A_2697 = arith.constant 224 : i32
        %dma_wait3A_2698 = tpu.memref_slice %arg14[%dma_wait3A_2697] : memref<256xf32, #tpu.memory_space<vmem_shared>> -> memref<16xf32, #tpu.memory_space<vmem_shared>>
        tpu.wait_dma2 semaphore(%run_scoped3A : memref<!tpu.dma_semaphore, #tpu.memory_space<semaphore_mem>>) src(%dma_wait3A_2698 : memref<16xf32, #tpu.memory_space<vmem_shared>>) dst(%dma_wait3A_2696 : memref<16xf32, #tpu.memory_space<vmem>>)
        tpu.yield
      }) : () -> ()
      "tpu.region"() ({
        %run_scoped3A = tpu.sem_alloc : memref<!tpu.dma_semaphore, #tpu.memory_space<semaphore_mem>>
        %dma_start3A_2683 = arith.constant 224 : i32
        %dma_start3A_2684 = tpu.memref_slice %arg11[%dma_start3A_2683] : memref<256xi32, #tpu.memory_space<vmem>> -> memref<16xi32, #tpu.memory_space<vmem>>
        %dma_start3A_2685 = arith.constant 224 : i32
        %dma_start3A_2686 = tpu.memref_slice %arg15[%dma_start3A_2685] : memref<256xi32, #tpu.memory_space<vmem_shared>> -> memref<16xi32, #tpu.memory_space<vmem_shared>>
        %dma_start3A_2687 = arith.constant 224 : i32
        %dma_start3A_2688 = tpu.memref_slice %arg11[%dma_start3A_2687] : memref<256xi32, #tpu.memory_space<vmem>> -> memref<16xi32, #tpu.memory_space<vmem>>
        %dma_start3A_2689 = arith.constant 224 : i32
        %dma_start3A_2690 = tpu.memref_slice %arg15[%dma_start3A_2689] : memref<256xi32, #tpu.memory_space<vmem_shared>> -> memref<16xi32, #tpu.memory_space<vmem_shared>>
        tpu.enqueue_dma source(%dma_start3A_2690 : memref<16xi32, #tpu.memory_space<vmem_shared>>) target(%dma_start3A_2688 : memref<16xi32, #tpu.memory_space<vmem>>) target_semaphore(%run_scoped3A : memref<!tpu.dma_semaphore, #tpu.memory_space<semaphore_mem>>)
        %dma_wait3A_2691 = arith.constant 224 : i32
        %dma_wait3A_2692 = tpu.memref_slice %arg11[%dma_wait3A_2691] : memref<256xi32, #tpu.memory_space<vmem>> -> memref<16xi32, #tpu.memory_space<vmem>>
        %dma_wait3A_2693 = arith.constant 224 : i32
        %dma_wait3A_2694 = tpu.memref_slice %arg15[%dma_wait3A_2693] : memref<256xi32, #tpu.memory_space<vmem_shared>> -> memref<16xi32, #tpu.memory_space<vmem_shared>>
        %dma_wait3A_2695 = arith.constant 224 : i32
        %dma_wait3A_2696 = tpu.memref_slice %arg11[%dma_wait3A_2695] : memref<256xi32, #tpu.memory_space<vmem>> -> memref<16xi32, #tpu.memory_space<vmem>>
        %dma_wait3A_2697 = arith.constant 224 : i32
        %dma_wait3A_2698 = tpu.memref_slice %arg15[%dma_wait3A_2697] : memref<256xi32, #tpu.memory_space<vmem_shared>> -> memref<16xi32, #tpu.memory_space<vmem_shared>>
        tpu.wait_dma2 semaphore(%run_scoped3A : memref<!tpu.dma_semaphore, #tpu.memory_space<semaphore_mem>>) src(%dma_wait3A_2698 : memref<16xi32, #tpu.memory_space<vmem_shared>>) dst(%dma_wait3A_2696 : memref<16xi32, #tpu.memory_space<vmem>>)
        tpu.yield
      }) : () -> ()
      "tpu.region"() ({
        %run_scoped3A = tpu.sem_alloc : memref<!tpu.dma_semaphore, #tpu.memory_space<semaphore_mem>>
        %dma_start3A_2683 = arith.constant 240 : i32
        %dma_start3A_2684 = tpu.memref_slice %arg10[%dma_start3A_2683] : memref<256xf32, #tpu.memory_space<vmem>> -> memref<16xf32, #tpu.memory_space<vmem>>
        %dma_start3A_2685 = arith.constant 240 : i32
        %dma_start3A_2686 = tpu.memref_slice %arg14[%dma_start3A_2685] : memref<256xf32, #tpu.memory_space<vmem_shared>> -> memref<16xf32, #tpu.memory_space<vmem_shared>>
        %dma_start3A_2687 = arith.constant 240 : i32
        %dma_start3A_2688 = tpu.memref_slice %arg10[%dma_start3A_2687] : memref<256xf32, #tpu.memory_space<vmem>> -> memref<16xf32, #tpu.memory_space<vmem>>
        %dma_start3A_2689 = arith.constant 240 : i32
        %dma_start3A_2690 = tpu.memref_slice %arg14[%dma_start3A_2689] : memref<256xf32, #tpu.memory_space<vmem_shared>> -> memref<16xf32, #tpu.memory_space<vmem_shared>>
        tpu.enqueue_dma source(%dma_start3A_2690 : memref<16xf32, #tpu.memory_space<vmem_shared>>) target(%dma_start3A_2688 : memref<16xf32, #tpu.memory_space<vmem>>) target_semaphore(%run_scoped3A : memref<!tpu.dma_semaphore, #tpu.memory_space<semaphore_mem>>)
        %dma_wait3A_2691 = arith.constant 240 : i32
        %dma_wait3A_2692 = tpu.memref_slice %arg10[%dma_wait3A_2691] : memref<256xf32, #tpu.memory_space<vmem>> -> memref<16xf32, #tpu.memory_space<vmem>>
        %dma_wait3A_2693 = arith.constant 240 : i32
        %dma_wait3A_2694 = tpu.memref_slice %arg14[%dma_wait3A_2693] : memref<256xf32, #tpu.memory_space<vmem_shared>> -> memref<16xf32, #tpu.memory_space<vmem_shared>>
        %dma_wait3A_2695 = arith.constant 240 : i32
        %dma_wait3A_2696 = tpu.memref_slice %arg10[%dma_wait3A_2695] : memref<256xf32, #tpu.memory_space<vmem>> -> memref<16xf32, #tpu.memory_space<vmem>>
        %dma_wait3A_2697 = arith.constant 240 : i32
        %dma_wait3A_2698 = tpu.memref_slice %arg14[%dma_wait3A_2697] : memref<256xf32, #tpu.memory_space<vmem_shared>> -> memref<16xf32, #tpu.memory_space<vmem_shared>>
        tpu.wait_dma2 semaphore(%run_scoped3A : memref<!tpu.dma_semaphore, #tpu.memory_space<semaphore_mem>>) src(%dma_wait3A_2698 : memref<16xf32, #tpu.memory_space<vmem_shared>>) dst(%dma_wait3A_2696 : memref<16xf32, #tpu.memory_space<vmem>>)
        tpu.yield
      }) : () -> ()
      "tpu.region"() ({
        %run_scoped3A = tpu.sem_alloc : memref<!tpu.dma_semaphore, #tpu.memory_space<semaphore_mem>>
        %dma_start3A_2683 = arith.constant 240 : i32
        %dma_start3A_2684 = tpu.memref_slice %arg11[%dma_start3A_2683] : memref<256xi32, #tpu.memory_space<vmem>> -> memref<16xi32, #tpu.memory_space<vmem>>
        %dma_start3A_2685 = arith.constant 240 : i32
        %dma_start3A_2686 = tpu.memref_slice %arg15[%dma_start3A_2685] : memref<256xi32, #tpu.memory_space<vmem_shared>> -> memref<16xi32, #tpu.memory_space<vmem_shared>>
        %dma_start3A_2687 = arith.constant 240 : i32
        %dma_start3A_2688 = tpu.memref_slice %arg11[%dma_start3A_2687] : memref<256xi32, #tpu.memory_space<vmem>> -> memref<16xi32, #tpu.memory_space<vmem>>
        %dma_start3A_2689 = arith.constant 240 : i32
        %dma_start3A_2690 = tpu.memref_slice %arg15[%dma_start3A_2689] : memref<256xi32, #tpu.memory_space<vmem_shared>> -> memref<16xi32, #tpu.memory_space<vmem_shared>>
        tpu.enqueue_dma source(%dma_start3A_2690 : memref<16xi32, #tpu.memory_space<vmem_shared>>) target(%dma_start3A_2688 : memref<16xi32, #tpu.memory_space<vmem>>) target_semaphore(%run_scoped3A : memref<!tpu.dma_semaphore, #tpu.memory_space<semaphore_mem>>)
        %dma_wait3A_2691 = arith.constant 240 : i32
        %dma_wait3A_2692 = tpu.memref_slice %arg11[%dma_wait3A_2691] : memref<256xi32, #tpu.memory_space<vmem>> -> memref<16xi32, #tpu.memory_space<vmem>>
        %dma_wait3A_2693 = arith.constant 240 : i32
        %dma_wait3A_2694 = tpu.memref_slice %arg15[%dma_wait3A_2693] : memref<256xi32, #tpu.memory_space<vmem_shared>> -> memref<16xi32, #tpu.memory_space<vmem_shared>>
        %dma_wait3A_2695 = arith.constant 240 : i32
        %dma_wait3A_2696 = tpu.memref_slice %arg11[%dma_wait3A_2695] : memref<256xi32, #tpu.memory_space<vmem>> -> memref<16xi32, #tpu.memory_space<vmem>>
        %dma_wait3A_2697 = arith.constant 240 : i32
        %dma_wait3A_2698 = tpu.memref_slice %arg15[%dma_wait3A_2697] : memref<256xi32, #tpu.memory_space<vmem_shared>> -> memref<16xi32, #tpu.memory_space<vmem_shared>>
        tpu.wait_dma2 semaphore(%run_scoped3A : memref<!tpu.dma_semaphore, #tpu.memory_space<semaphore_mem>>) src(%dma_wait3A_2698 : memref<16xi32, #tpu.memory_space<vmem_shared>>) dst(%dma_wait3A_2696 : memref<16xi32, #tpu.memory_space<vmem>>)
        tpu.yield
      }) : () -> ()
      %broadcast_in_dim3A = arith.constant 0xFF800000 : f32
      %broadcast_in_dim3A_12 = vector.broadcast %broadcast_in_dim3A : f32 to vector<16xf32>
      %broadcast_in_dim3A_13 = arith.constant 0 : i32
      %broadcast_in_dim3A_14 = vector.broadcast %broadcast_in_dim3A_13 : i32 to vector<16xi32>
      %broadcast_in_dim3A_15 = arith.constant 0xFF800000 : f32
      %broadcast_in_dim3A_16 = vector.broadcast %broadcast_in_dim3A_15 : f32 to vector<16xf32>
      %broadcast_in_dim3A_17 = arith.constant 0 : i32
      %broadcast_in_dim3A_18 = vector.broadcast %broadcast_in_dim3A_17 : i32 to vector<16xi32>
      %get3A = arith.constant 0 : index
      %get3A_19 = tpu.vector_load %arg10[%get3A] {strides = array<i32>} : memref<256xf32, #tpu.memory_space<vmem>>, vector<16xf32>,
      %gt3A = arith.cmpf ogt, %get3A_19, %broadcast_in_dim3A_16 : vector<16xf32>
      %select_n3A = arith.select %gt3A, %get3A_19, %broadcast_in_dim3A_16 : vector<16xi1>, vector<16xf32>
      %add3A = arith.constant 0 : i32
      %add3A_20 = vector.broadcast %add3A : i32 to vector<16xi32>
      %add3A_21 = arith.addi %iota3A, %add3A_20 : vector<16xi32>
      %select_n3A_22 = arith.select %gt3A, %add3A_21, %broadcast_in_dim3A_18 : vector<16xi1>, vector<16xi32>
      %get3A_23 = arith.constant 16 : index
      %get3A_24 = tpu.vector_load %arg10[%get3A_23] {strides = array<i32>} : memref<256xf32, #tpu.memory_space<vmem>>, vector<16xf32>,
      %gt3A_25 = arith.cmpf ogt, %get3A_24, %select_n3A : vector<16xf32>
      %select_n3A_26 = arith.select %gt3A_25, %get3A_24, %select_n3A : vector<16xi1>, vector<16xf32>
      %add3A_27 = arith.constant 16 : i32
      %add3A_28 = vector.broadcast %add3A_27 : i32 to vector<16xi32>
      %add3A_29 = arith.addi %iota3A, %add3A_28 : vector<16xi32>
      %select_n3A_30 = arith.select %gt3A_25, %add3A_29, %select_n3A_22 : vector<16xi1>, vector<16xi32>
      %get3A_31 = arith.constant 32 : index
      %get3A_32 = tpu.vector_load %arg10[%get3A_31] {strides = array<i32>} : memref<256xf32, #tpu.memory_space<vmem>>, vector<16xf32>,
      %gt3A_33 = arith.cmpf ogt, %get3A_32, %select_n3A_26 : vector<16xf32>
      %select_n3A_34 = arith.select %gt3A_33, %get3A_32, %select_n3A_26 : vector<16xi1>, vector<16xf32>
      %add3A_35 = arith.constant 32 : i32
      %add3A_36 = vector.broadcast %add3A_35 : i32 to vector<16xi32>
      %add3A_37 = arith.addi %iota3A, %add3A_36 : vector<16xi32>
      %select_n3A_38 = arith.select %gt3A_33, %add3A_37, %select_n3A_30 : vector<16xi1>, vector<16xi32>
      %get3A_39 = arith.constant 48 : index
      %get3A_40 = tpu.vector_load %arg10[%get3A_39] {strides = array<i32>} : memref<256xf32, #tpu.memory_space<vmem>>, vector<16xf32>,
      %gt3A_41 = arith.cmpf ogt, %get3A_40, %select_n3A_34 : vector<16xf32>
      %select_n3A_42 = arith.select %gt3A_41, %get3A_40, %select_n3A_34 : vector<16xi1>, vector<16xf32>
      %add3A_43 = arith.constant 48 : i32
      %add3A_44 = vector.broadcast %add3A_43 : i32 to vector<16xi32>
      %add3A_45 = arith.addi %iota3A, %add3A_44 : vector<16xi32>
      %select_n3A_46 = arith.select %gt3A_41, %add3A_45, %select_n3A_38 : vector<16xi1>, vector<16xi32>
      %get3A_47 = arith.constant 64 : index
      %get3A_48 = tpu.vector_load %arg10[%get3A_47] {strides = array<i32>} : memref<256xf32, #tpu.memory_space<vmem>>, vector<16xf32>,
      %gt3A_49 = arith.cmpf ogt, %get3A_48, %select_n3A_42 : vector<16xf32>
      %select_n3A_50 = arith.select %gt3A_49, %get3A_48, %select_n3A_42 : vector<16xi1>, vector<16xf32>
      %add3A_51 = arith.constant 64 : i32
      %add3A_52 = vector.broadcast %add3A_51 : i32 to vector<16xi32>
      %add3A_53 = arith.addi %iota3A, %add3A_52 : vector<16xi32>
      %select_n3A_54 = arith.select %gt3A_49, %add3A_53, %select_n3A_46 : vector<16xi1>, vector<16xi32>
      %get3A_55 = arith.constant 80 : index
      %get3A_56 = tpu.vector_load %arg10[%get3A_55] {strides = array<i32>} : memref<256xf32, #tpu.memory_space<vmem>>, vector<16xf32>,
      %gt3A_57 = arith.cmpf ogt, %get3A_56, %select_n3A_50 : vector<16xf32>
      %select_n3A_58 = arith.select %gt3A_57, %get3A_56, %select_n3A_50 : vector<16xi1>, vector<16xf32>
      %add3A_59 = arith.constant 80 : i32
      %add3A_60 = vector.broadcast %add3A_59 : i32 to vector<16xi32>
      %add3A_61 = arith.addi %iota3A, %add3A_60 : vector<16xi32>
      %select_n3A_62 = arith.select %gt3A_57, %add3A_61, %select_n3A_54 : vector<16xi1>, vector<16xi32>
      %get3A_63 = arith.constant 96 : index
      %get3A_64 = tpu.vector_load %arg10[%get3A_63] {strides = array<i32>} : memref<256xf32, #tpu.memory_space<vmem>>, vector<16xf32>,
      %gt3A_65 = arith.cmpf ogt, %get3A_64, %select_n3A_58 : vector<16xf32>
      %select_n3A_66 = arith.select %gt3A_65, %get3A_64, %select_n3A_58 : vector<16xi1>, vector<16xf32>
      %add3A_67 = arith.constant 96 : i32
      %add3A_68 = vector.broadcast %add3A_67 : i32 to vector<16xi32>
      %add3A_69 = arith.addi %iota3A, %add3A_68 : vector<16xi32>
      %select_n3A_70 = arith.select %gt3A_65, %add3A_69, %select_n3A_62 : vector<16xi1>, vector<16xi32>
      %get3A_71 = arith.constant 112 : index
      %get3A_72 = tpu.vector_load %arg10[%get3A_71] {strides = array<i32>} : memref<256xf32, #tpu.memory_space<vmem>>, vector<16xf32>,
      %gt3A_73 = arith.cmpf ogt, %get3A_72, %select_n3A_66 : vector<16xf32>
      %select_n3A_74 = arith.select %gt3A_73, %get3A_72, %select_n3A_66 : vector<16xi1>, vector<16xf32>
      %add3A_75 = arith.constant 112 : i32
      %add3A_76 = vector.broadcast %add3A_75 : i32 to vector<16xi32>
      %add3A_77 = arith.addi %iota3A, %add3A_76 : vector<16xi32>
      %select_n3A_78 = arith.select %gt3A_73, %add3A_77, %select_n3A_70 : vector<16xi1>, vector<16xi32>
      %get3A_79 = arith.constant 128 : index
      %get3A_80 = tpu.vector_load %arg10[%get3A_79] {strides = array<i32>} : memref<256xf32, #tpu.memory_space<vmem>>, vector<16xf32>,
      %gt3A_81 = arith.cmpf ogt, %get3A_80, %select_n3A_74 : vector<16xf32>
      %select_n3A_82 = arith.select %gt3A_81, %get3A_80, %select_n3A_74 : vector<16xi1>, vector<16xf32>
      %add3A_83 = arith.constant 128 : i32
      %add3A_84 = vector.broadcast %add3A_83 : i32 to vector<16xi32>
      %add3A_85 = arith.addi %iota3A, %add3A_84 : vector<16xi32>
      %select_n3A_86 = arith.select %gt3A_81, %add3A_85, %select_n3A_78 : vector<16xi1>, vector<16xi32>
      %get3A_87 = arith.constant 144 : index
      %get3A_88 = tpu.vector_load %arg10[%get3A_87] {strides = array<i32>} : memref<256xf32, #tpu.memory_space<vmem>>, vector<16xf32>,
      %gt3A_89 = arith.cmpf ogt, %get3A_88, %select_n3A_82 : vector<16xf32>
      %select_n3A_90 = arith.select %gt3A_89, %get3A_88, %select_n3A_82 : vector<16xi1>, vector<16xf32>
      %add3A_91 = arith.constant 144 : i32
      %add3A_92 = vector.broadcast %add3A_91 : i32 to vector<16xi32>
      %add3A_93 = arith.addi %iota3A, %add3A_92 : vector<16xi32>
      %select_n3A_94 = arith.select %gt3A_89, %add3A_93, %select_n3A_86 : vector<16xi1>, vector<16xi32>
      %get3A_95 = arith.constant 160 : index
      %get3A_96 = tpu.vector_load %arg10[%get3A_95] {strides = array<i32>} : memref<256xf32, #tpu.memory_space<vmem>>, vector<16xf32>,
      %gt3A_97 = arith.cmpf ogt, %get3A_96, %select_n3A_90 : vector<16xf32>
      %select_n3A_98 = arith.select %gt3A_97, %get3A_96, %select_n3A_90 : vector<16xi1>, vector<16xf32>
      %add3A_99 = arith.constant 160 : i32
      %add3A_100 = vector.broadcast %add3A_99 : i32 to vector<16xi32>
      %add3A_101 = arith.addi %iota3A, %add3A_100 : vector<16xi32>
      %select_n3A_102 = arith.select %gt3A_97, %add3A_101, %select_n3A_94 : vector<16xi1>, vector<16xi32>
      %get3A_103 = arith.constant 176 : index
      %get3A_104 = tpu.vector_load %arg10[%get3A_103] {strides = array<i32>} : memref<256xf32, #tpu.memory_space<vmem>>, vector<16xf32>,
      %gt3A_105 = arith.cmpf ogt, %get3A_104, %select_n3A_98 : vector<16xf32>
      %select_n3A_106 = arith.select %gt3A_105, %get3A_104, %select_n3A_98 : vector<16xi1>, vector<16xf32>
      %add3A_107 = arith.constant 176 : i32
      %add3A_108 = vector.broadcast %add3A_107 : i32 to vector<16xi32>
      %add3A_109 = arith.addi %iota3A, %add3A_108 : vector<16xi32>
      %select_n3A_110 = arith.select %gt3A_105, %add3A_109, %select_n3A_102 : vector<16xi1>, vector<16xi32>
      %get3A_111 = arith.constant 192 : index
      %get3A_112 = tpu.vector_load %arg10[%get3A_111] {strides = array<i32>} : memref<256xf32, #tpu.memory_space<vmem>>, vector<16xf32>,
      %gt3A_113 = arith.cmpf ogt, %get3A_112, %select_n3A_106 : vector<16xf32>
      %select_n3A_114 = arith.select %gt3A_113, %get3A_112, %select_n3A_106 : vector<16xi1>, vector<16xf32>
      %add3A_115 = arith.constant 192 : i32
      %add3A_116 = vector.broadcast %add3A_115 : i32 to vector<16xi32>
      %add3A_117 = arith.addi %iota3A, %add3A_116 : vector<16xi32>
      %select_n3A_118 = arith.select %gt3A_113, %add3A_117, %select_n3A_110 : vector<16xi1>, vector<16xi32>
      %get3A_119 = arith.constant 208 : index
      %get3A_120 = tpu.vector_load %arg10[%get3A_119] {strides = array<i32>} : memref<256xf32, #tpu.memory_space<vmem>>, vector<16xf32>,
      %gt3A_121 = arith.cmpf ogt, %get3A_120, %select_n3A_114 : vector<16xf32>
      %select_n3A_122 = arith.select %gt3A_121, %get3A_120, %select_n3A_114 : vector<16xi1>, vector<16xf32>
      %add3A_123 = arith.constant 208 : i32
      %add3A_124 = vector.broadcast %add3A_123 : i32 to vector<16xi32>
      %add3A_125 = arith.addi %iota3A, %add3A_124 : vector<16xi32>
      %select_n3A_126 = arith.select %gt3A_121, %add3A_125, %select_n3A_118 : vector<16xi1>, vector<16xi32>
      %get3A_127 = arith.constant 224 : index
      %get3A_128 = tpu.vector_load %arg10[%get3A_127] {strides = array<i32>} : memref<256xf32, #tpu.memory_space<vmem>>, vector<16xf32>,
      %gt3A_129 = arith.cmpf ogt, %get3A_128, %select_n3A_122 : vector<16xf32>
      %select_n3A_130 = arith.select %gt3A_129, %get3A_128, %select_n3A_122 : vector<16xi1>, vector<16xf32>
      %add3A_131 = arith.constant 224 : i32
      %add3A_132 = vector.broadcast %add3A_131 : i32 to vector<16xi32>
      %add3A_133 = arith.addi %iota3A, %add3A_132 : vector<16xi32>
      %select_n3A_134 = arith.select %gt3A_129, %add3A_133, %select_n3A_126 : vector<16xi1>, vector<16xi32>
      %get3A_135 = arith.constant 240 : index
      %get3A_136 = tpu.vector_load %arg10[%get3A_135] {strides = array<i32>} : memref<256xf32, #tpu.memory_space<vmem>>, vector<16xf32>,
      %gt3A_137 = arith.cmpf ogt, %get3A_136, %select_n3A_130 : vector<16xf32>
      %select_n3A_138 = arith.select %gt3A_137, %get3A_136, %select_n3A_130 : vector<16xi1>, vector<16xf32>
      %add3A_139 = arith.constant 240 : i32
      %add3A_140 = vector.broadcast %add3A_139 : i32 to vector<16xi32>
      %add3A_141 = arith.addi %iota3A, %add3A_140 : vector<16xi32>
      %select_n3A_142 = arith.select %gt3A_137, %add3A_141, %select_n3A_134 : vector<16xi1>, vector<16xi32>
      %iota3A_143 = tpu.iota {dimensions = array<i32: 0>} : vector<16xi32>
      %xor3A = arith.constant 1 : i32
      %xor3A_144 = vector.broadcast %xor3A : i32 to vector<16xi32>
      %xor3A_145 = arith.xori %iota3A_143, %xor3A_144 : vector<16xi32>
      %broadcast_in_dim3A_146 = vector.shape_cast %xor3A_145 : vector<16xi32> to vector<16x1xi32>
      %gather3A = vector.shape_cast %broadcast_in_dim3A_146 : vector<16x1xi32> to vector<16xi32>
      %gather3A_147 = tpu.dynamic_gather %select_n3A_138[%gather3A] in [0] : vector<16xf32>, vector<16xi32> -> vector<16xf32>
      %broadcast_in_dim3A_148 = vector.shape_cast %xor3A_145 : vector<16xi32> to vector<16x1xi32>
      %gather3A_149 = vector.shape_cast %broadcast_in_dim3A_148 : vector<16x1xi32> to vector<16xi32>
      %gather3A_150 = tpu.dynamic_gather %select_n3A_142[%gather3A_149] in [0] : vector<16xi32>, vector<16xi32> -> vector<16xi32>
      %gt3A_151 = arith.cmpf ogt, %gather3A_147, %select_n3A_138 : vector<16xf32>
      %eq3A_152 = arith.cmpf oeq, %gather3A_147, %select_n3A_138 : vector<16xf32>
      %lt3A = arith.cmpi slt, %gather3A_150, %select_n3A_142 : vector<16xi32>
      %and3A_153 = arith.andi %eq3A_152, %lt3A : vector<16xi1>
      %or3A = arith.ori %gt3A_151, %and3A_153 : vector<16xi1>
      %select_n3A_154 = arith.select %or3A, %gather3A_147, %select_n3A_138 : vector<16xi1>, vector<16xf32>
      %select_n3A_155 = arith.select %or3A, %gather3A_150, %select_n3A_142 : vector<16xi1>, vector<16xi32>
      %xor3A_156 = arith.constant 2 : i32
      %xor3A_157 = vector.broadcast %xor3A_156 : i32 to vector<16xi32>
      %xor3A_158 = arith.xori %iota3A_143, %xor3A_157 : vector<16xi32>
      %broadcast_in_dim3A_159 = vector.shape_cast %xor3A_158 : vector<16xi32> to vector<16x1xi32>
      %gather3A_160 = vector.shape_cast %broadcast_in_dim3A_159 : vector<16x1xi32> to vector<16xi32>
      %gather3A_161 = tpu.dynamic_gather %select_n3A_154[%gather3A_160] in [0] : vector<16xf32>, vector<16xi32> -> vector<16xf32>
      %broadcast_in_dim3A_162 = vector.shape_cast %xor3A_158 : vector<16xi32> to vector<16x1xi32>
      %gather3A_163 = vector.shape_cast %broadcast_in_dim3A_162 : vector<16x1xi32> to vector<16xi32>
      %gather3A_164 = tpu.dynamic_gather %select_n3A_155[%gather3A_163] in [0] : vector<16xi32>, vector<16xi32> -> vector<16xi32>
      %gt3A_165 = arith.cmpf ogt, %gather3A_161, %select_n3A_154 : vector<16xf32>
      %eq3A_166 = arith.cmpf oeq, %gather3A_161, %select_n3A_154 : vector<16xf32>
      %lt3A_167 = arith.cmpi slt, %gather3A_164, %select_n3A_155 : vector<16xi32>
      %and3A_168 = arith.andi %eq3A_166, %lt3A_167 : vector<16xi1>
      %or3A_169 = arith.ori %gt3A_165, %and3A_168 : vector<16xi1>
      %select_n3A_170 = arith.select %or3A_169, %gather3A_161, %select_n3A_154 : vector<16xi1>, vector<16xf32>
      %select_n3A_171 = arith.select %or3A_169, %gather3A_164, %select_n3A_155 : vector<16xi1>, vector<16xi32>
      %xor3A_172 = arith.constant 4 : i32
      %xor3A_173 = vector.broadcast %xor3A_172 : i32 to vector<16xi32>
      %xor3A_174 = arith.xori %iota3A_143, %xor3A_173 : vector<16xi32>
      %broadcast_in_dim3A_175 = vector.shape_cast %xor3A_174 : vector<16xi32> to vector<16x1xi32>
      %gather3A_176 = vector.shape_cast %broadcast_in_dim3A_175 : vector<16x1xi32> to vector<16xi32>
      %gather3A_177 = tpu.dynamic_gather %select_n3A_170[%gather3A_176] in [0] : vector<16xf32>, vector<16xi32> -> vector<16xf32>
      %broadcast_in_dim3A_178 = vector.shape_cast %xor3A_174 : vector<16xi32> to vector<16x1xi32>
      %gather3A_179 = vector.shape_cast %broadcast_in_dim3A_178 : vector<16x1xi32> to vector<16xi32>
      %gather3A_180 = tpu.dynamic_gather %select_n3A_171[%gather3A_179] in [0] : vector<16xi32>, vector<16xi32> -> vector<16xi32>
      %gt3A_181 = arith.cmpf ogt, %gather3A_177, %select_n3A_170 : vector<16xf32>
      %eq3A_182 = arith.cmpf oeq, %gather3A_177, %select_n3A_170 : vector<16xf32>
      %lt3A_183 = arith.cmpi slt, %gather3A_180, %select_n3A_171 : vector<16xi32>
      %and3A_184 = arith.andi %eq3A_182, %lt3A_183 : vector<16xi1>
      %or3A_185 = arith.ori %gt3A_181, %and3A_184 : vector<16xi1>
      %select_n3A_186 = arith.select %or3A_185, %gather3A_177, %select_n3A_170 : vector<16xi1>, vector<16xf32>
      %select_n3A_187 = arith.select %or3A_185, %gather3A_180, %select_n3A_171 : vector<16xi1>, vector<16xi32>
      %xor3A_188 = arith.constant 8 : i32
      %xor3A_189 = vector.broadcast %xor3A_188 : i32 to vector<16xi32>
      %xor3A_190 = arith.xori %iota3A_143, %xor3A_189 : vector<16xi32>
      %broadcast_in_dim3A_191 = vector.shape_cast %xor3A_190 : vector<16xi32> to vector<16x1xi32>
      %gather3A_192 = vector.shape_cast %broadcast_in_dim3A_191 : vector<16x1xi32> to vector<16xi32>
      %gather3A_193 = tpu.dynamic_gather %select_n3A_186[%gather3A_192] in [0] : vector<16xf32>, vector<16xi32> -> vector<16xf32>
      %broadcast_in_dim3A_194 = vector.shape_cast %xor3A_190 : vector<16xi32> to vector<16x1xi32>
      %gather3A_195 = vector.shape_cast %broadcast_in_dim3A_194 : vector<16x1xi32> to vector<16xi32>
      %gather3A_196 = tpu.dynamic_gather %select_n3A_187[%gather3A_195] in [0] : vector<16xi32>, vector<16xi32> -> vector<16xi32>
      %gt3A_197 = arith.cmpf ogt, %gather3A_193, %select_n3A_186 : vector<16xf32>
      %eq3A_198 = arith.cmpf oeq, %gather3A_193, %select_n3A_186 : vector<16xf32>
      %lt3A_199 = arith.cmpi slt, %gather3A_196, %select_n3A_187 : vector<16xi32>
      %and3A_200 = arith.andi %eq3A_198, %lt3A_199 : vector<16xi1>
      %or3A_201 = arith.ori %gt3A_197, %and3A_200 : vector<16xi1>
      %select_n3A_202 = arith.select %or3A_201, %gather3A_193, %select_n3A_186 : vector<16xi1>, vector<16xf32>
      %select_n3A_203 = arith.select %or3A_201, %gather3A_196, %select_n3A_187 : vector<16xi1>, vector<16xi32>
      %gather3A_204 = tpu.vector_load_idx %arg11[%select_n3A_203] : memref<256xi32, #tpu.memory_space<vmem>>[vector<16xi32>], vector<16xi32>,
      %jit3A = arith.constant 16 : i32
      %div3A = vector.broadcast %jit3A : i32 to vector<16xi32>
      %div3A_205 = arith.divsi %select_n3A_203, %div3A : vector<16xi32>
      %sign3A = arith.constant 0 : i32
      %sign3A_206 = vector.broadcast %sign3A : i32 to vector<16xi32>
      %sign3A_207 = arith.cmpi sgt, %select_n3A_203, %sign3A_206 : vector<16xi32>
      %sign3A_208 = arith.extui %sign3A_207 : vector<16xi1> to vector<16xi32>
      %sign3A_209 = arith.constant 0 : i32
      %sign3A_210 = vector.broadcast %sign3A_209 : i32 to vector<16xi32>
      %sign3A_211 = arith.cmpi slt, %select_n3A_203, %sign3A_210 : vector<16xi32>
      %sign3A_212 = arith.extui %sign3A_211 : vector<16xi1> to vector<16xi32>
      %sign3A_213 = arith.subi %sign3A_208, %sign3A_212 : vector<16xi32>
      %sign3A_214 = arith.constant 0 : i32
      %sign3A_215 = arith.cmpi sgt, %jit3A, %sign3A_214 : i32
      %sign3A_216 = arith.extui %sign3A_215 : i1 to i32
      %sign3A_217 = arith.constant 0 : i32
      %sign3A_218 = arith.cmpi slt, %jit3A, %sign3A_217 : i32
      %sign3A_219 = arith.extui %sign3A_218 : i1 to i32
      %sign3A_220 = arith.subi %sign3A_216, %sign3A_219 : i32
      %ne3A = vector.broadcast %sign3A_220 : i32 to vector<16xi32>
      %ne3A_221 = arith.cmpi ne, %sign3A_213, %ne3A : vector<16xi32>
      %rem3A = vector.broadcast %jit3A : i32 to vector<16xi32>
      %rem3A_222 = arith.remsi %select_n3A_203, %rem3A : vector<16xi32>
      %ne3A_223 = arith.constant 0 : i32
      %ne3A_224 = vector.broadcast %ne3A_223 : i32 to vector<16xi32>
      %ne3A_225 = arith.cmpi ne, %rem3A_222, %ne3A_224 : vector<16xi32>
      %and3A_226 = arith.andi %ne3A_221, %ne3A_225 : vector<16xi1>
      %sub3A = arith.constant 1 : i32
      %sub3A_227 = vector.broadcast %sub3A : i32 to vector<16xi32>
      %sub3A_228 = arith.subi %div3A_205, %sub3A_227 : vector<16xi32>
      %select_n3A_229 = arith.select %and3A_226, %sub3A_228, %div3A_205 : vector<16xi1>, vector<16xi32>
      %mul3A = arith.constant 6400 : i32
      %mul3A_230 = vector.broadcast %mul3A : i32 to vector<16xi32>
      %mul3A_231 = arith.muli %select_n3A_229, %mul3A_230 : vector<16xi32>
      %add3A_232 = arith.addi %gather3A_204, %mul3A_231 : vector<16xi32>
      %broadcast_in_dim3A_233 = arith.constant 0xFF800000 : f32
      %broadcast_in_dim3A_234 = vector.broadcast %broadcast_in_dim3A_233 : f32 to vector<16xf32>
      tpu.vector_store_idx %arg10[%select_n3A_203], %broadcast_in_dim3A_234 masked %eq3A_1 : memref<256xf32, #tpu.memory_space<vmem>>[vector<16xi32>], vector<16xf32>, vector<16xi1>
      %broadcast_in_dim3A_235 = arith.constant 0xFF800000 : f32
      %broadcast_in_dim3A_236 = vector.broadcast %broadcast_in_dim3A_235 : f32 to vector<16xf32>
      %broadcast_in_dim3A_237 = arith.constant 0 : i32
      %broadcast_in_dim3A_238 = vector.broadcast %broadcast_in_dim3A_237 : i32 to vector<16xi32>
      %get3A_239 = arith.constant 0 : index
      %get3A_240 = tpu.vector_load %arg10[%get3A_239] {strides = array<i32>} : memref<256xf32, #tpu.memory_space<vmem>>, vector<16xf32>,
      %gt3A_241 = arith.cmpf ogt, %get3A_240, %broadcast_in_dim3A_236 : vector<16xf32>
      %select_n3A_242 = arith.select %gt3A_241, %get3A_240, %broadcast_in_dim3A_236 : vector<16xi1>, vector<16xf32>
      %add3A_243 = arith.constant 0 : i32
      %add3A_244 = vector.broadcast %add3A_243 : i32 to vector<16xi32>
      %add3A_245 = arith.addi %iota3A, %add3A_244 : vector<16xi32>
      %select_n3A_246 = arith.select %gt3A_241, %add3A_245, %broadcast_in_dim3A_238 : vector<16xi1>, vector<16xi32>
      %get3A_247 = arith.constant 16 : index
      %get3A_248 = tpu.vector_load %arg10[%get3A_247] {strides = array<i32>} : memref<256xf32, #tpu.memory_space<vmem>>, vector<16xf32>,
      %gt3A_249 = arith.cmpf ogt, %get3A_248, %select_n3A_242 : vector<16xf32>
      %select_n3A_250 = arith.select %gt3A_249, %get3A_248, %select_n3A_242 : vector<16xi1>, vector<16xf32>
      %add3A_251 = arith.constant 16 : i32
      %add3A_252 = vector.broadcast %add3A_251 : i32 to vector<16xi32>
      %add3A_253 = arith.addi %iota3A, %add3A_252 : vector<16xi32>
      %select_n3A_254 = arith.select %gt3A_249, %add3A_253, %select_n3A_246 : vector<16xi1>, vector<16xi32>
      %get3A_255 = arith.constant 32 : index
      %get3A_256 = tpu.vector_load %arg10[%get3A_255] {strides = array<i32>} : memref<256xf32, #tpu.memory_space<vmem>>, vector<16xf32>,
      %gt3A_257 = arith.cmpf ogt, %get3A_256, %select_n3A_250 : vector<16xf32>
      %select_n3A_258 = arith.select %gt3A_257, %get3A_256, %select_n3A_250 : vector<16xi1>, vector<16xf32>
      %add3A_259 = arith.constant 32 : i32
      %add3A_260 = vector.broadcast %add3A_259 : i32 to vector<16xi32>
      %add3A_261 = arith.addi %iota3A, %add3A_260 : vector<16xi32>
      %select_n3A_262 = arith.select %gt3A_257, %add3A_261, %select_n3A_254 : vector<16xi1>, vector<16xi32>
      %get3A_263 = arith.constant 48 : index
      %get3A_264 = tpu.vector_load %arg10[%get3A_263] {strides = array<i32>} : memref<256xf32, #tpu.memory_space<vmem>>, vector<16xf32>,
      %gt3A_265 = arith.cmpf ogt, %get3A_264, %select_n3A_258 : vector<16xf32>
      %select_n3A_266 = arith.select %gt3A_265, %get3A_264, %select_n3A_258 : vector<16xi1>, vector<16xf32>
      %add3A_267 = arith.constant 48 : i32
      %add3A_268 = vector.broadcast %add3A_267 : i32 to vector<16xi32>
      %add3A_269 = arith.addi %iota3A, %add3A_268 : vector<16xi32>
      %select_n3A_270 = arith.select %gt3A_265, %add3A_269, %select_n3A_262 : vector<16xi1>, vector<16xi32>
      %get3A_271 = arith.constant 64 : index
      %get3A_272 = tpu.vector_load %arg10[%get3A_271] {strides = array<i32>} : memref<256xf32, #tpu.memory_space<vmem>>, vector<16xf32>,
      %gt3A_273 = arith.cmpf ogt, %get3A_272, %select_n3A_266 : vector<16xf32>
      %select_n3A_274 = arith.select %gt3A_273, %get3A_272, %select_n3A_266 : vector<16xi1>, vector<16xf32>
      %add3A_275 = arith.constant 64 : i32
      %add3A_276 = vector.broadcast %add3A_275 : i32 to vector<16xi32>
      %add3A_277 = arith.addi %iota3A, %add3A_276 : vector<16xi32>
      %select_n3A_278 = arith.select %gt3A_273, %add3A_277, %select_n3A_270 : vector<16xi1>, vector<16xi32>
      %get3A_279 = arith.constant 80 : index
      %get3A_280 = tpu.vector_load %arg10[%get3A_279] {strides = array<i32>} : memref<256xf32, #tpu.memory_space<vmem>>, vector<16xf32>,
      %gt3A_281 = arith.cmpf ogt, %get3A_280, %select_n3A_274 : vector<16xf32>
      %select_n3A_282 = arith.select %gt3A_281, %get3A_280, %select_n3A_274 : vector<16xi1>, vector<16xf32>
      %add3A_283 = arith.constant 80 : i32
      %add3A_284 = vector.broadcast %add3A_283 : i32 to vector<16xi32>
      %add3A_285 = arith.addi %iota3A, %add3A_284 : vector<16xi32>
      %select_n3A_286 = arith.select %gt3A_281, %add3A_285, %select_n3A_278 : vector<16xi1>, vector<16xi32>
      %get3A_287 = arith.constant 96 : index
      %get3A_288 = tpu.vector_load %arg10[%get3A_287] {strides = array<i32>} : memref<256xf32, #tpu.memory_space<vmem>>, vector<16xf32>,
      %gt3A_289 = arith.cmpf ogt, %get3A_288, %select_n3A_282 : vector<16xf32>
      %select_n3A_290 = arith.select %gt3A_289, %get3A_288, %select_n3A_282 : vector<16xi1>, vector<16xf32>
      %add3A_291 = arith.constant 96 : i32
      %add3A_292 = vector.broadcast %add3A_291 : i32 to vector<16xi32>
      %add3A_293 = arith.addi %iota3A, %add3A_292 : vector<16xi32>
      %select_n3A_294 = arith.select %gt3A_289, %add3A_293, %select_n3A_286 : vector<16xi1>, vector<16xi32>
      %get3A_295 = arith.constant 112 : index
      %get3A_296 = tpu.vector_load %arg10[%get3A_295] {strides = array<i32>} : memref<256xf32, #tpu.memory_space<vmem>>, vector<16xf32>,
      %gt3A_297 = arith.cmpf ogt, %get3A_296, %select_n3A_290 : vector<16xf32>
      %select_n3A_298 = arith.select %gt3A_297, %get3A_296, %select_n3A_290 : vector<16xi1>, vector<16xf32>
      %add3A_299 = arith.constant 112 : i32
      %add3A_300 = vector.broadcast %add3A_299 : i32 to vector<16xi32>
      %add3A_301 = arith.addi %iota3A, %add3A_300 : vector<16xi32>
      %select_n3A_302 = arith.select %gt3A_297, %add3A_301, %select_n3A_294 : vector<16xi1>, vector<16xi32>
      %get3A_303 = arith.constant 128 : index
      %get3A_304 = tpu.vector_load %arg10[%get3A_303] {strides = array<i32>} : memref<256xf32, #tpu.memory_space<vmem>>, vector<16xf32>,
      %gt3A_305 = arith.cmpf ogt, %get3A_304, %select_n3A_298 : vector<16xf32>
      %select_n3A_306 = arith.select %gt3A_305, %get3A_304, %select_n3A_298 : vector<16xi1>, vector<16xf32>
      %add3A_307 = arith.constant 128 : i32
      %add3A_308 = vector.broadcast %add3A_307 : i32 to vector<16xi32>
      %add3A_309 = arith.addi %iota3A, %add3A_308 : vector<16xi32>
      %select_n3A_310 = arith.select %gt3A_305, %add3A_309, %select_n3A_302 : vector<16xi1>, vector<16xi32>
      %get3A_311 = arith.constant 144 : index
      %get3A_312 = tpu.vector_load %arg10[%get3A_311] {strides = array<i32>} : memref<256xf32, #tpu.memory_space<vmem>>, vector<16xf32>,
      %gt3A_313 = arith.cmpf ogt, %get3A_312, %select_n3A_306 : vector<16xf32>
      %select_n3A_314 = arith.select %gt3A_313, %get3A_312, %select_n3A_306 : vector<16xi1>, vector<16xf32>
      %add3A_315 = arith.constant 144 : i32
      %add3A_316 = vector.broadcast %add3A_315 : i32 to vector<16xi32>
      %add3A_317 = arith.addi %iota3A, %add3A_316 : vector<16xi32>
      %select_n3A_318 = arith.select %gt3A_313, %add3A_317, %select_n3A_310 : vector<16xi1>, vector<16xi32>
      %get3A_319 = arith.constant 160 : index
      %get3A_320 = tpu.vector_load %arg10[%get3A_319] {strides = array<i32>} : memref<256xf32, #tpu.memory_space<vmem>>, vector<16xf32>,
      %gt3A_321 = arith.cmpf ogt, %get3A_320, %select_n3A_314 : vector<16xf32>
      %select_n3A_322 = arith.select %gt3A_321, %get3A_320, %select_n3A_314 : vector<16xi1>, vector<16xf32>
      %add3A_323 = arith.constant 160 : i32
      %add3A_324 = vector.broadcast %add3A_323 : i32 to vector<16xi32>
      %add3A_325 = arith.addi %iota3A, %add3A_324 : vector<16xi32>
      %select_n3A_326 = arith.select %gt3A_321, %add3A_325, %select_n3A_318 : vector<16xi1>, vector<16xi32>
      %get3A_327 = arith.constant 176 : index
      %get3A_328 = tpu.vector_load %arg10[%get3A_327] {strides = array<i32>} : memref<256xf32, #tpu.memory_space<vmem>>, vector<16xf32>,
      %gt3A_329 = arith.cmpf ogt, %get3A_328, %select_n3A_322 : vector<16xf32>
      %select_n3A_330 = arith.select %gt3A_329, %get3A_328, %select_n3A_322 : vector<16xi1>, vector<16xf32>
      %add3A_331 = arith.constant 176 : i32
      %add3A_332 = vector.broadcast %add3A_331 : i32 to vector<16xi32>
      %add3A_333 = arith.addi %iota3A, %add3A_332 : vector<16xi32>
      %select_n3A_334 = arith.select %gt3A_329, %add3A_333, %select_n3A_326 : vector<16xi1>, vector<16xi32>
      %get3A_335 = arith.constant 192 : index
      %get3A_336 = tpu.vector_load %arg10[%get3A_335] {strides = array<i32>} : memref<256xf32, #tpu.memory_space<vmem>>, vector<16xf32>,
      %gt3A_337 = arith.cmpf ogt, %get3A_336, %select_n3A_330 : vector<16xf32>
      %select_n3A_338 = arith.select %gt3A_337, %get3A_336, %select_n3A_330 : vector<16xi1>, vector<16xf32>
      %add3A_339 = arith.constant 192 : i32
      %add3A_340 = vector.broadcast %add3A_339 : i32 to vector<16xi32>
      %add3A_341 = arith.addi %iota3A, %add3A_340 : vector<16xi32>
      %select_n3A_342 = arith.select %gt3A_337, %add3A_341, %select_n3A_334 : vector<16xi1>, vector<16xi32>
      %get3A_343 = arith.constant 208 : index
      %get3A_344 = tpu.vector_load %arg10[%get3A_343] {strides = array<i32>} : memref<256xf32, #tpu.memory_space<vmem>>, vector<16xf32>,
      %gt3A_345 = arith.cmpf ogt, %get3A_344, %select_n3A_338 : vector<16xf32>
      %select_n3A_346 = arith.select %gt3A_345, %get3A_344, %select_n3A_338 : vector<16xi1>, vector<16xf32>
      %add3A_347 = arith.constant 208 : i32
      %add3A_348 = vector.broadcast %add3A_347 : i32 to vector<16xi32>
      %add3A_349 = arith.addi %iota3A, %add3A_348 : vector<16xi32>
      %select_n3A_350 = arith.select %gt3A_345, %add3A_349, %select_n3A_342 : vector<16xi1>, vector<16xi32>
      %get3A_351 = arith.constant 224 : index
      %get3A_352 = tpu.vector_load %arg10[%get3A_351] {strides = array<i32>} : memref<256xf32, #tpu.memory_space<vmem>>, vector<16xf32>,
      %gt3A_353 = arith.cmpf ogt, %get3A_352, %select_n3A_346 : vector<16xf32>
      %select_n3A_354 = arith.select %gt3A_353, %get3A_352, %select_n3A_346 : vector<16xi1>, vector<16xf32>
      %add3A_355 = arith.constant 224 : i32
      %add3A_356 = vector.broadcast %add3A_355 : i32 to vector<16xi32>
      %add3A_357 = arith.addi %iota3A, %add3A_356 : vector<16xi32>
      %select_n3A_358 = arith.select %gt3A_353, %add3A_357, %select_n3A_350 : vector<16xi1>, vector<16xi32>
      %get3A_359 = arith.constant 240 : index
      %get3A_360 = tpu.vector_load %arg10[%get3A_359] {strides = array<i32>} : memref<256xf32, #tpu.memory_space<vmem>>, vector<16xf32>,
      %gt3A_361 = arith.cmpf ogt, %get3A_360, %select_n3A_354 : vector<16xf32>
      %select_n3A_362 = arith.select %gt3A_361, %get3A_360, %select_n3A_354 : vector<16xi1>, vector<16xf32>
      %add3A_363 = arith.constant 240 : i32
      %add3A_364 = vector.broadcast %add3A_363 : i32 to vector<16xi32>
      %add3A_365 = arith.addi %iota3A, %add3A_364 : vector<16xi32>
      %select_n3A_366 = arith.select %gt3A_361, %add3A_365, %select_n3A_358 : vector<16xi1>, vector<16xi32>
      %iota3A_367 = tpu.iota {dimensions = array<i32: 0>} : vector<16xi32>
      %xor3A_368 = arith.constant 1 : i32
      %xor3A_369 = vector.broadcast %xor3A_368 : i32 to vector<16xi32>
      %xor3A_370 = arith.xori %iota3A_367, %xor3A_369 : vector<16xi32>
      %broadcast_in_dim3A_371 = vector.shape_cast %xor3A_370 : vector<16xi32> to vector<16x1xi32>
      %gather3A_372 = vector.shape_cast %broadcast_in_dim3A_371 : vector<16x1xi32> to vector<16xi32>
      %gather3A_373 = tpu.dynamic_gather %select_n3A_362[%gather3A_372] in [0] : vector<16xf32>, vector<16xi32> -> vector<16xf32>
      %broadcast_in_dim3A_374 = vector.shape_cast %xor3A_370 : vector<16xi32> to vector<16x1xi32>
      %gather3A_375 = vector.shape_cast %broadcast_in_dim3A_374 : vector<16x1xi32> to vector<16xi32>
      %gather3A_376 = tpu.dynamic_gather %select_n3A_366[%gather3A_375] in [0] : vector<16xi32>, vector<16xi32> -> vector<16xi32>
      %gt3A_377 = arith.cmpf ogt, %gather3A_373, %select_n3A_362 : vector<16xf32>
      %eq3A_378 = arith.cmpf oeq, %gather3A_373, %select_n3A_362 : vector<16xf32>
      %lt3A_379 = arith.cmpi slt, %gather3A_376, %select_n3A_366 : vector<16xi32>
      %and3A_380 = arith.andi %eq3A_378, %lt3A_379 : vector<16xi1>
      %or3A_381 = arith.ori %gt3A_377, %and3A_380 : vector<16xi1>
      %select_n3A_382 = arith.select %or3A_381, %gather3A_373, %select_n3A_362 : vector<16xi1>, vector<16xf32>
      %select_n3A_383 = arith.select %or3A_381, %gather3A_376, %select_n3A_366 : vector<16xi1>, vector<16xi32>
      %xor3A_384 = arith.constant 2 : i32
      %xor3A_385 = vector.broadcast %xor3A_384 : i32 to vector<16xi32>
      %xor3A_386 = arith.xori %iota3A_367, %xor3A_385 : vector<16xi32>
      %broadcast_in_dim3A_387 = vector.shape_cast %xor3A_386 : vector<16xi32> to vector<16x1xi32>
      %gather3A_388 = vector.shape_cast %broadcast_in_dim3A_387 : vector<16x1xi32> to vector<16xi32>
      %gather3A_389 = tpu.dynamic_gather %select_n3A_382[%gather3A_388] in [0] : vector<16xf32>, vector<16xi32> -> vector<16xf32>
      %broadcast_in_dim3A_390 = vector.shape_cast %xor3A_386 : vector<16xi32> to vector<16x1xi32>
      %gather3A_391 = vector.shape_cast %broadcast_in_dim3A_390 : vector<16x1xi32> to vector<16xi32>
      %gather3A_392 = tpu.dynamic_gather %select_n3A_383[%gather3A_391] in [0] : vector<16xi32>, vector<16xi32> -> vector<16xi32>
      %gt3A_393 = arith.cmpf ogt, %gather3A_389, %select_n3A_382 : vector<16xf32>
      %eq3A_394 = arith.cmpf oeq, %gather3A_389, %select_n3A_382 : vector<16xf32>
      %lt3A_395 = arith.cmpi slt, %gather3A_392, %select_n3A_383 : vector<16xi32>
      %and3A_396 = arith.andi %eq3A_394, %lt3A_395 : vector<16xi1>
      %or3A_397 = arith.ori %gt3A_393, %and3A_396 : vector<16xi1>
      %select_n3A_398 = arith.select %or3A_397, %gather3A_389, %select_n3A_382 : vector<16xi1>, vector<16xf32>
      %select_n3A_399 = arith.select %or3A_397, %gather3A_392, %select_n3A_383 : vector<16xi1>, vector<16xi32>
      %xor3A_400 = arith.constant 4 : i32
      %xor3A_401 = vector.broadcast %xor3A_400 : i32 to vector<16xi32>
      %xor3A_402 = arith.xori %iota3A_367, %xor3A_401 : vector<16xi32>
      %broadcast_in_dim3A_403 = vector.shape_cast %xor3A_402 : vector<16xi32> to vector<16x1xi32>
      %gather3A_404 = vector.shape_cast %broadcast_in_dim3A_403 : vector<16x1xi32> to vector<16xi32>
      %gather3A_405 = tpu.dynamic_gather %select_n3A_398[%gather3A_404] in [0] : vector<16xf32>, vector<16xi32> -> vector<16xf32>
      %broadcast_in_dim3A_406 = vector.shape_cast %xor3A_402 : vector<16xi32> to vector<16x1xi32>
      %gather3A_407 = vector.shape_cast %broadcast_in_dim3A_406 : vector<16x1xi32> to vector<16xi32>
      %gather3A_408 = tpu.dynamic_gather %select_n3A_399[%gather3A_407] in [0] : vector<16xi32>, vector<16xi32> -> vector<16xi32>
      %gt3A_409 = arith.cmpf ogt, %gather3A_405, %select_n3A_398 : vector<16xf32>
      %eq3A_410 = arith.cmpf oeq, %gather3A_405, %select_n3A_398 : vector<16xf32>
      %lt3A_411 = arith.cmpi slt, %gather3A_408, %select_n3A_399 : vector<16xi32>
      %and3A_412 = arith.andi %eq3A_410, %lt3A_411 : vector<16xi1>
      %or3A_413 = arith.ori %gt3A_409, %and3A_412 : vector<16xi1>
      %select_n3A_414 = arith.select %or3A_413, %gather3A_405, %select_n3A_398 : vector<16xi1>, vector<16xf32>
      %select_n3A_415 = arith.select %or3A_413, %gather3A_408, %select_n3A_399 : vector<16xi1>, vector<16xi32>
      %xor3A_416 = arith.constant 8 : i32
      %xor3A_417 = vector.broadcast %xor3A_416 : i32 to vector<16xi32>
      %xor3A_418 = arith.xori %iota3A_367, %xor3A_417 : vector<16xi32>
      %broadcast_in_dim3A_419 = vector.shape_cast %xor3A_418 : vector<16xi32> to vector<16x1xi32>
      %gather3A_420 = vector.shape_cast %broadcast_in_dim3A_419 : vector<16x1xi32> to vector<16xi32>
      %gather3A_421 = tpu.dynamic_gather %select_n3A_414[%gather3A_420] in [0] : vector<16xf32>, vector<16xi32> -> vector<16xf32>
      %broadcast_in_dim3A_422 = vector.shape_cast %xor3A_418 : vector<16xi32> to vector<16x1xi32>
      %gather3A_423 = vector.shape_cast %broadcast_in_dim3A_422 : vector<16x1xi32> to vector<16xi32>
      %gather3A_424 = tpu.dynamic_gather %select_n3A_415[%gather3A_423] in [0] : vector<16xi32>, vector<16xi32> -> vector<16xi32>
      %gt3A_425 = arith.cmpf ogt, %gather3A_421, %select_n3A_414 : vector<16xf32>
      %eq3A_426 = arith.cmpf oeq, %gather3A_421, %select_n3A_414 : vector<16xf32>
      %lt3A_427 = arith.cmpi slt, %gather3A_424, %select_n3A_415 : vector<16xi32>
      %and3A_428 = arith.andi %eq3A_426, %lt3A_427 : vector<16xi1>
      %or3A_429 = arith.ori %gt3A_425, %and3A_428 : vector<16xi1>
      %select_n3A_430 = arith.select %or3A_429, %gather3A_421, %select_n3A_414 : vector<16xi1>, vector<16xf32>
      %select_n3A_431 = arith.select %or3A_429, %gather3A_424, %select_n3A_415 : vector<16xi1>, vector<16xi32>
      %gather3A_432 = tpu.vector_load_idx %arg11[%select_n3A_431] : memref<256xi32, #tpu.memory_space<vmem>>[vector<16xi32>], vector<16xi32>,
      %jit3A_433 = arith.constant 16 : i32
      %div3A_434 = vector.broadcast %jit3A_433 : i32 to vector<16xi32>
      %div3A_435 = arith.divsi %select_n3A_431, %div3A_434 : vector<16xi32>
      %sign3A_436 = arith.constant 0 : i32
      %sign3A_437 = vector.broadcast %sign3A_436 : i32 to vector<16xi32>
      %sign3A_438 = arith.cmpi sgt, %select_n3A_431, %sign3A_437 : vector<16xi32>
      %sign3A_439 = arith.extui %sign3A_438 : vector<16xi1> to vector<16xi32>
      %sign3A_440 = arith.constant 0 : i32
      %sign3A_441 = vector.broadcast %sign3A_440 : i32 to vector<16xi32>
      %sign3A_442 = arith.cmpi slt, %select_n3A_431, %sign3A_441 : vector<16xi32>
      %sign3A_443 = arith.extui %sign3A_442 : vector<16xi1> to vector<16xi32>
      %sign3A_444 = arith.subi %sign3A_439, %sign3A_443 : vector<16xi32>
      %sign3A_445 = arith.constant 0 : i32
      %sign3A_446 = arith.cmpi sgt, %jit3A_433, %sign3A_445 : i32
      %sign3A_447 = arith.extui %sign3A_446 : i1 to i32
      %sign3A_448 = arith.constant 0 : i32
      %sign3A_449 = arith.cmpi slt, %jit3A_433, %sign3A_448 : i32
      %sign3A_450 = arith.extui %sign3A_449 : i1 to i32
      %sign3A_451 = arith.subi %sign3A_447, %sign3A_450 : i32
      %ne3A_452 = vector.broadcast %sign3A_451 : i32 to vector<16xi32>
      %ne3A_453 = arith.cmpi ne, %sign3A_444, %ne3A_452 : vector<16xi32>
      %rem3A_454 = vector.broadcast %jit3A_433 : i32 to vector<16xi32>
      %rem3A_455 = arith.remsi %select_n3A_431, %rem3A_454 : vector<16xi32>
      %ne3A_456 = arith.constant 0 : i32
      %ne3A_457 = vector.broadcast %ne3A_456 : i32 to vector<16xi32>
      %ne3A_458 = arith.cmpi ne, %rem3A_455, %ne3A_457 : vector<16xi32>
      %and3A_459 = arith.andi %ne3A_453, %ne3A_458 : vector<16xi1>
      %sub3A_460 = arith.constant 1 : i32
      %sub3A_461 = vector.broadcast %sub3A_460 : i32 to vector<16xi32>
      %sub3A_462 = arith.subi %div3A_435, %sub3A_461 : vector<16xi32>
      %select_n3A_463 = arith.select %and3A_459, %sub3A_462, %div3A_435 : vector<16xi1>, vector<16xi32>
      %mul3A_464 = arith.constant 6400 : i32
      %mul3A_465 = vector.broadcast %mul3A_464 : i32 to vector<16xi32>
      %mul3A_466 = arith.muli %select_n3A_463, %mul3A_465 : vector<16xi32>
      %add3A_467 = arith.addi %gather3A_432, %mul3A_466 : vector<16xi32>
      %eq3A_468 = arith.constant 0 : i32
      %eq3A_469 = vector.broadcast %eq3A_468 : i32 to vector<16xi32>
      %eq3A_470 = arith.cmpi eq, %iota3A, %eq3A_469 : vector<16xi32>
      %select_n3A_471 = arith.select %eq3A_470, %select_n3A_430, %broadcast_in_dim3A_12 : vector<16xi1>, vector<16xf32>
      %eq3A_472 = arith.constant 0 : i32
      %eq3A_473 = vector.broadcast %eq3A_472 : i32 to vector<16xi32>
      %eq3A_474 = arith.cmpi eq, %iota3A, %eq3A_473 : vector<16xi32>
      %select_n3A_475 = arith.select %eq3A_474, %add3A_467, %broadcast_in_dim3A_14 : vector<16xi1>, vector<16xi32>
      %broadcast_in_dim3A_476 = arith.constant 0xFF800000 : f32
      %broadcast_in_dim3A_477 = vector.broadcast %broadcast_in_dim3A_476 : f32 to vector<16xf32>
      tpu.vector_store_idx %arg10[%select_n3A_431], %broadcast_in_dim3A_477 masked %eq3A_1 : memref<256xf32, #tpu.memory_space<vmem>>[vector<16xi32>], vector<16xf32>, vector<16xi1>
      %broadcast_in_dim3A_478 = arith.constant 0xFF800000 : f32
      %broadcast_in_dim3A_479 = vector.broadcast %broadcast_in_dim3A_478 : f32 to vector<16xf32>
      %broadcast_in_dim3A_480 = arith.constant 0 : i32
      %broadcast_in_dim3A_481 = vector.broadcast %broadcast_in_dim3A_480 : i32 to vector<16xi32>
      %get3A_482 = arith.constant 0 : index
      %get3A_483 = tpu.vector_load %arg10[%get3A_482] {strides = array<i32>} : memref<256xf32, #tpu.memory_space<vmem>>, vector<16xf32>,
      %gt3A_484 = arith.cmpf ogt, %get3A_483, %broadcast_in_dim3A_479 : vector<16xf32>
      %select_n3A_485 = arith.select %gt3A_484, %get3A_483, %broadcast_in_dim3A_479 : vector<16xi1>, vector<16xf32>
      %add3A_486 = arith.constant 0 : i32
      %add3A_487 = vector.broadcast %add3A_486 : i32 to vector<16xi32>
      %add3A_488 = arith.addi %iota3A, %add3A_487 : vector<16xi32>
      %select_n3A_489 = arith.select %gt3A_484, %add3A_488, %broadcast_in_dim3A_481 : vector<16xi1>, vector<16xi32>
      %get3A_490 = arith.constant 16 : index
      %get3A_491 = tpu.vector_load %arg10[%get3A_490] {strides = array<i32>} : memref<256xf32, #tpu.memory_space<vmem>>, vector<16xf32>,
      %gt3A_492 = arith.cmpf ogt, %get3A_491, %select_n3A_485 : vector<16xf32>
      %select_n3A_493 = arith.select %gt3A_492, %get3A_491, %select_n3A_485 : vector<16xi1>, vector<16xf32>
      %add3A_494 = arith.constant 16 : i32
      %add3A_495 = vector.broadcast %add3A_494 : i32 to vector<16xi32>
      %add3A_496 = arith.addi %iota3A, %add3A_495 : vector<16xi32>
      %select_n3A_497 = arith.select %gt3A_492, %add3A_496, %select_n3A_489 : vector<16xi1>, vector<16xi32>
      %get3A_498 = arith.constant 32 : index
      %get3A_499 = tpu.vector_load %arg10[%get3A_498] {strides = array<i32>} : memref<256xf32, #tpu.memory_space<vmem>>, vector<16xf32>,
      %gt3A_500 = arith.cmpf ogt, %get3A_499, %select_n3A_493 : vector<16xf32>
      %select_n3A_501 = arith.select %gt3A_500, %get3A_499, %select_n3A_493 : vector<16xi1>, vector<16xf32>
      %add3A_502 = arith.constant 32 : i32
      %add3A_503 = vector.broadcast %add3A_502 : i32 to vector<16xi32>
      %add3A_504 = arith.addi %iota3A, %add3A_503 : vector<16xi32>
      %select_n3A_505 = arith.select %gt3A_500, %add3A_504, %select_n3A_497 : vector<16xi1>, vector<16xi32>
      %get3A_506 = arith.constant 48 : index
      %get3A_507 = tpu.vector_load %arg10[%get3A_506] {strides = array<i32>} : memref<256xf32, #tpu.memory_space<vmem>>, vector<16xf32>,
      %gt3A_508 = arith.cmpf ogt, %get3A_507, %select_n3A_501 : vector<16xf32>
      %select_n3A_509 = arith.select %gt3A_508, %get3A_507, %select_n3A_501 : vector<16xi1>, vector<16xf32>
      %add3A_510 = arith.constant 48 : i32
      %add3A_511 = vector.broadcast %add3A_510 : i32 to vector<16xi32>
      %add3A_512 = arith.addi %iota3A, %add3A_511 : vector<16xi32>
      %select_n3A_513 = arith.select %gt3A_508, %add3A_512, %select_n3A_505 : vector<16xi1>, vector<16xi32>
      %get3A_514 = arith.constant 64 : index
      %get3A_515 = tpu.vector_load %arg10[%get3A_514] {strides = array<i32>} : memref<256xf32, #tpu.memory_space<vmem>>, vector<16xf32>,
      %gt3A_516 = arith.cmpf ogt, %get3A_515, %select_n3A_509 : vector<16xf32>
      %select_n3A_517 = arith.select %gt3A_516, %get3A_515, %select_n3A_509 : vector<16xi1>, vector<16xf32>
      %add3A_518 = arith.constant 64 : i32
      %add3A_519 = vector.broadcast %add3A_518 : i32 to vector<16xi32>
      %add3A_520 = arith.addi %iota3A, %add3A_519 : vector<16xi32>
      %select_n3A_521 = arith.select %gt3A_516, %add3A_520, %select_n3A_513 : vector<16xi1>, vector<16xi32>
      %get3A_522 = arith.constant 80 : index
      %get3A_523 = tpu.vector_load %arg10[%get3A_522] {strides = array<i32>} : memref<256xf32, #tpu.memory_space<vmem>>, vector<16xf32>,
      %gt3A_524 = arith.cmpf ogt, %get3A_523, %select_n3A_517 : vector<16xf32>
      %select_n3A_525 = arith.select %gt3A_524, %get3A_523, %select_n3A_517 : vector<16xi1>, vector<16xf32>
      %add3A_526 = arith.constant 80 : i32
      %add3A_527 = vector.broadcast %add3A_526 : i32 to vector<16xi32>
      %add3A_528 = arith.addi %iota3A, %add3A_527 : vector<16xi32>
      %select_n3A_529 = arith.select %gt3A_524, %add3A_528, %select_n3A_521 : vector<16xi1>, vector<16xi32>
      %get3A_530 = arith.constant 96 : index
      %get3A_531 = tpu.vector_load %arg10[%get3A_530] {strides = array<i32>} : memref<256xf32, #tpu.memory_space<vmem>>, vector<16xf32>,
      %gt3A_532 = arith.cmpf ogt, %get3A_531, %select_n3A_525 : vector<16xf32>
      %select_n3A_533 = arith.select %gt3A_532, %get3A_531, %select_n3A_525 : vector<16xi1>, vector<16xf32>
      %add3A_534 = arith.constant 96 : i32
      %add3A_535 = vector.broadcast %add3A_534 : i32 to vector<16xi32>
      %add3A_536 = arith.addi %iota3A, %add3A_535 : vector<16xi32>
      %select_n3A_537 = arith.select %gt3A_532, %add3A_536, %select_n3A_529 : vector<16xi1>, vector<16xi32>
      %get3A_538 = arith.constant 112 : index
      %get3A_539 = tpu.vector_load %arg10[%get3A_538] {strides = array<i32>} : memref<256xf32, #tpu.memory_space<vmem>>, vector<16xf32>,
      %gt3A_540 = arith.cmpf ogt, %get3A_539, %select_n3A_533 : vector<16xf32>
      %select_n3A_541 = arith.select %gt3A_540, %get3A_539, %select_n3A_533 : vector<16xi1>, vector<16xf32>
      %add3A_542 = arith.constant 112 : i32
      %add3A_543 = vector.broadcast %add3A_542 : i32 to vector<16xi32>
      %add3A_544 = arith.addi %iota3A, %add3A_543 : vector<16xi32>
      %select_n3A_545 = arith.select %gt3A_540, %add3A_544, %select_n3A_537 : vector<16xi1>, vector<16xi32>
      %get3A_546 = arith.constant 128 : index
      %get3A_547 = tpu.vector_load %arg10[%get3A_546] {strides = array<i32>} : memref<256xf32, #tpu.memory_space<vmem>>, vector<16xf32>,
      %gt3A_548 = arith.cmpf ogt, %get3A_547, %select_n3A_541 : vector<16xf32>
      %select_n3A_549 = arith.select %gt3A_548, %get3A_547, %select_n3A_541 : vector<16xi1>, vector<16xf32>
      %add3A_550 = arith.constant 128 : i32
      %add3A_551 = vector.broadcast %add3A_550 : i32 to vector<16xi32>
      %add3A_552 = arith.addi %iota3A, %add3A_551 : vector<16xi32>
      %select_n3A_553 = arith.select %gt3A_548, %add3A_552, %select_n3A_545 : vector<16xi1>, vector<16xi32>
      %get3A_554 = arith.constant 144 : index
      %get3A_555 = tpu.vector_load %arg10[%get3A_554] {strides = array<i32>} : memref<256xf32, #tpu.memory_space<vmem>>, vector<16xf32>,
      %gt3A_556 = arith.cmpf ogt, %get3A_555, %select_n3A_549 : vector<16xf32>
      %select_n3A_557 = arith.select %gt3A_556, %get3A_555, %select_n3A_549 : vector<16xi1>, vector<16xf32>
      %add3A_558 = arith.constant 144 : i32
      %add3A_559 = vector.broadcast %add3A_558 : i32 to vector<16xi32>
      %add3A_560 = arith.addi %iota3A, %add3A_559 : vector<16xi32>
      %select_n3A_561 = arith.select %gt3A_556, %add3A_560, %select_n3A_553 : vector<16xi1>, vector<16xi32>
      %get3A_562 = arith.constant 160 : index
      %get3A_563 = tpu.vector_load %arg10[%get3A_562] {strides = array<i32>} : memref<256xf32, #tpu.memory_space<vmem>>, vector<16xf32>,
      %gt3A_564 = arith.cmpf ogt, %get3A_563, %select_n3A_557 : vector<16xf32>
      %select_n3A_565 = arith.select %gt3A_564, %get3A_563, %select_n3A_557 : vector<16xi1>, vector<16xf32>
      %add3A_566 = arith.constant 160 : i32
      %add3A_567 = vector.broadcast %add3A_566 : i32 to vector<16xi32>
      %add3A_568 = arith.addi %iota3A, %add3A_567 : vector<16xi32>
      %select_n3A_569 = arith.select %gt3A_564, %add3A_568, %select_n3A_561 : vector<16xi1>, vector<16xi32>
      %get3A_570 = arith.constant 176 : index
      %get3A_571 = tpu.vector_load %arg10[%get3A_570] {strides = array<i32>} : memref<256xf32, #tpu.memory_space<vmem>>, vector<16xf32>,
      %gt3A_572 = arith.cmpf ogt, %get3A_571, %select_n3A_565 : vector<16xf32>
      %select_n3A_573 = arith.select %gt3A_572, %get3A_571, %select_n3A_565 : vector<16xi1>, vector<16xf32>
      %add3A_574 = arith.constant 176 : i32
      %add3A_575 = vector.broadcast %add3A_574 : i32 to vector<16xi32>
      %add3A_576 = arith.addi %iota3A, %add3A_575 : vector<16xi32>
      %select_n3A_577 = arith.select %gt3A_572, %add3A_576, %select_n3A_569 : vector<16xi1>, vector<16xi32>
      %get3A_578 = arith.constant 192 : index
      %get3A_579 = tpu.vector_load %arg10[%get3A_578] {strides = array<i32>} : memref<256xf32, #tpu.memory_space<vmem>>, vector<16xf32>,
      %gt3A_580 = arith.cmpf ogt, %get3A_579, %select_n3A_573 : vector<16xf32>
      %select_n3A_581 = arith.select %gt3A_580, %get3A_579, %select_n3A_573 : vector<16xi1>, vector<16xf32>
      %add3A_582 = arith.constant 192 : i32
      %add3A_583 = vector.broadcast %add3A_582 : i32 to vector<16xi32>
      %add3A_584 = arith.addi %iota3A, %add3A_583 : vector<16xi32>
      %select_n3A_585 = arith.select %gt3A_580, %add3A_584, %select_n3A_577 : vector<16xi1>, vector<16xi32>
      %get3A_586 = arith.constant 208 : index
      %get3A_587 = tpu.vector_load %arg10[%get3A_586] {strides = array<i32>} : memref<256xf32, #tpu.memory_space<vmem>>, vector<16xf32>,
      %gt3A_588 = arith.cmpf ogt, %get3A_587, %select_n3A_581 : vector<16xf32>
      %select_n3A_589 = arith.select %gt3A_588, %get3A_587, %select_n3A_581 : vector<16xi1>, vector<16xf32>
      %add3A_590 = arith.constant 208 : i32
      %add3A_591 = vector.broadcast %add3A_590 : i32 to vector<16xi32>
      %add3A_592 = arith.addi %iota3A, %add3A_591 : vector<16xi32>
      %select_n3A_593 = arith.select %gt3A_588, %add3A_592, %select_n3A_585 : vector<16xi1>, vector<16xi32>
      %get3A_594 = arith.constant 224 : index
      %get3A_595 = tpu.vector_load %arg10[%get3A_594] {strides = array<i32>} : memref<256xf32, #tpu.memory_space<vmem>>, vector<16xf32>,
      %gt3A_596 = arith.cmpf ogt, %get3A_595, %select_n3A_589 : vector<16xf32>
      %select_n3A_597 = arith.select %gt3A_596, %get3A_595, %select_n3A_589 : vector<16xi1>, vector<16xf32>
      %add3A_598 = arith.constant 224 : i32
      %add3A_599 = vector.broadcast %add3A_598 : i32 to vector<16xi32>
      %add3A_600 = arith.addi %iota3A, %add3A_599 : vector<16xi32>
      %select_n3A_601 = arith.select %gt3A_596, %add3A_600, %select_n3A_593 : vector<16xi1>, vector<16xi32>
      %get3A_602 = arith.constant 240 : index
      %get3A_603 = tpu.vector_load %arg10[%get3A_602] {strides = array<i32>} : memref<256xf32, #tpu.memory_space<vmem>>, vector<16xf32>,
      %gt3A_604 = arith.cmpf ogt, %get3A_603, %select_n3A_597 : vector<16xf32>
      %select_n3A_605 = arith.select %gt3A_604, %get3A_603, %select_n3A_597 : vector<16xi1>, vector<16xf32>
      %add3A_606 = arith.constant 240 : i32
      %add3A_607 = vector.broadcast %add3A_606 : i32 to vector<16xi32>
      %add3A_608 = arith.addi %iota3A, %add3A_607 : vector<16xi32>
      %select_n3A_609 = arith.select %gt3A_604, %add3A_608, %select_n3A_601 : vector<16xi1>, vector<16xi32>
      %iota3A_610 = tpu.iota {dimensions = array<i32: 0>} : vector<16xi32>
      %xor3A_611 = arith.constant 1 : i32
      %xor3A_612 = vector.broadcast %xor3A_611 : i32 to vector<16xi32>
      %xor3A_613 = arith.xori %iota3A_610, %xor3A_612 : vector<16xi32>
      %broadcast_in_dim3A_614 = vector.shape_cast %xor3A_613 : vector<16xi32> to vector<16x1xi32>
      %gather3A_615 = vector.shape_cast %broadcast_in_dim3A_614 : vector<16x1xi32> to vector<16xi32>
      %gather3A_616 = tpu.dynamic_gather %select_n3A_605[%gather3A_615] in [0] : vector<16xf32>, vector<16xi32> -> vector<16xf32>
      %broadcast_in_dim3A_617 = vector.shape_cast %xor3A_613 : vector<16xi32> to vector<16x1xi32>
      %gather3A_618 = vector.shape_cast %broadcast_in_dim3A_617 : vector<16x1xi32> to vector<16xi32>
      %gather3A_619 = tpu.dynamic_gather %select_n3A_609[%gather3A_618] in [0] : vector<16xi32>, vector<16xi32> -> vector<16xi32>
      %gt3A_620 = arith.cmpf ogt, %gather3A_616, %select_n3A_605 : vector<16xf32>
      %eq3A_621 = arith.cmpf oeq, %gather3A_616, %select_n3A_605 : vector<16xf32>
      %lt3A_622 = arith.cmpi slt, %gather3A_619, %select_n3A_609 : vector<16xi32>
      %and3A_623 = arith.andi %eq3A_621, %lt3A_622 : vector<16xi1>
      %or3A_624 = arith.ori %gt3A_620, %and3A_623 : vector<16xi1>
      %select_n3A_625 = arith.select %or3A_624, %gather3A_616, %select_n3A_605 : vector<16xi1>, vector<16xf32>
      %select_n3A_626 = arith.select %or3A_624, %gather3A_619, %select_n3A_609 : vector<16xi1>, vector<16xi32>
      %xor3A_627 = arith.constant 2 : i32
      %xor3A_628 = vector.broadcast %xor3A_627 : i32 to vector<16xi32>
      %xor3A_629 = arith.xori %iota3A_610, %xor3A_628 : vector<16xi32>
      %broadcast_in_dim3A_630 = vector.shape_cast %xor3A_629 : vector<16xi32> to vector<16x1xi32>
      %gather3A_631 = vector.shape_cast %broadcast_in_dim3A_630 : vector<16x1xi32> to vector<16xi32>
      %gather3A_632 = tpu.dynamic_gather %select_n3A_625[%gather3A_631] in [0] : vector<16xf32>, vector<16xi32> -> vector<16xf32>
      %broadcast_in_dim3A_633 = vector.shape_cast %xor3A_629 : vector<16xi32> to vector<16x1xi32>
      %gather3A_634 = vector.shape_cast %broadcast_in_dim3A_633 : vector<16x1xi32> to vector<16xi32>
      %gather3A_635 = tpu.dynamic_gather %select_n3A_626[%gather3A_634] in [0] : vector<16xi32>, vector<16xi32> -> vector<16xi32>
      %gt3A_636 = arith.cmpf ogt, %gather3A_632, %select_n3A_625 : vector<16xf32>
      %eq3A_637 = arith.cmpf oeq, %gather3A_632, %select_n3A_625 : vector<16xf32>
      %lt3A_638 = arith.cmpi slt, %gather3A_635, %select_n3A_626 : vector<16xi32>
      %and3A_639 = arith.andi %eq3A_637, %lt3A_638 : vector<16xi1>
      %or3A_640 = arith.ori %gt3A_636, %and3A_639 : vector<16xi1>
      %select_n3A_641 = arith.select %or3A_640, %gather3A_632, %select_n3A_625 : vector<16xi1>, vector<16xf32>
      %select_n3A_642 = arith.select %or3A_640, %gather3A_635, %select_n3A_626 : vector<16xi1>, vector<16xi32>
      %xor3A_643 = arith.constant 4 : i32
      %xor3A_644 = vector.broadcast %xor3A_643 : i32 to vector<16xi32>
      %xor3A_645 = arith.xori %iota3A_610, %xor3A_644 : vector<16xi32>
      %broadcast_in_dim3A_646 = vector.shape_cast %xor3A_645 : vector<16xi32> to vector<16x1xi32>
      %gather3A_647 = vector.shape_cast %broadcast_in_dim3A_646 : vector<16x1xi32> to vector<16xi32>
      %gather3A_648 = tpu.dynamic_gather %select_n3A_641[%gather3A_647] in [0] : vector<16xf32>, vector<16xi32> -> vector<16xf32>
      %broadcast_in_dim3A_649 = vector.shape_cast %xor3A_645 : vector<16xi32> to vector<16x1xi32>
      %gather3A_650 = vector.shape_cast %broadcast_in_dim3A_649 : vector<16x1xi32> to vector<16xi32>
      %gather3A_651 = tpu.dynamic_gather %select_n3A_642[%gather3A_650] in [0] : vector<16xi32>, vector<16xi32> -> vector<16xi32>
      %gt3A_652 = arith.cmpf ogt, %gather3A_648, %select_n3A_641 : vector<16xf32>
      %eq3A_653 = arith.cmpf oeq, %gather3A_648, %select_n3A_641 : vector<16xf32>
      %lt3A_654 = arith.cmpi slt, %gather3A_651, %select_n3A_642 : vector<16xi32>
      %and3A_655 = arith.andi %eq3A_653, %lt3A_654 : vector<16xi1>
      %or3A_656 = arith.ori %gt3A_652, %and3A_655 : vector<16xi1>
      %select_n3A_657 = arith.select %or3A_656, %gather3A_648, %select_n3A_641 : vector<16xi1>, vector<16xf32>
      %select_n3A_658 = arith.select %or3A_656, %gather3A_651, %select_n3A_642 : vector<16xi1>, vector<16xi32>
      %xor3A_659 = arith.constant 8 : i32
      %xor3A_660 = vector.broadcast %xor3A_659 : i32 to vector<16xi32>
      %xor3A_661 = arith.xori %iota3A_610, %xor3A_660 : vector<16xi32>
      %broadcast_in_dim3A_662 = vector.shape_cast %xor3A_661 : vector<16xi32> to vector<16x1xi32>
      %gather3A_663 = vector.shape_cast %broadcast_in_dim3A_662 : vector<16x1xi32> to vector<16xi32>
      %gather3A_664 = tpu.dynamic_gather %select_n3A_657[%gather3A_663] in [0] : vector<16xf32>, vector<16xi32> -> vector<16xf32>
      %broadcast_in_dim3A_665 = vector.shape_cast %xor3A_661 : vector<16xi32> to vector<16x1xi32>
      %gather3A_666 = vector.shape_cast %broadcast_in_dim3A_665 : vector<16x1xi32> to vector<16xi32>
      %gather3A_667 = tpu.dynamic_gather %select_n3A_658[%gather3A_666] in [0] : vector<16xi32>, vector<16xi32> -> vector<16xi32>
      %gt3A_668 = arith.cmpf ogt, %gather3A_664, %select_n3A_657 : vector<16xf32>
      %eq3A_669 = arith.cmpf oeq, %gather3A_664, %select_n3A_657 : vector<16xf32>
      %lt3A_670 = arith.cmpi slt, %gather3A_667, %select_n3A_658 : vector<16xi32>
      %and3A_671 = arith.andi %eq3A_669, %lt3A_670 : vector<16xi1>
      %or3A_672 = arith.ori %gt3A_668, %and3A_671 : vector<16xi1>
      %select_n3A_673 = arith.select %or3A_672, %gather3A_664, %select_n3A_657 : vector<16xi1>, vector<16xf32>
      %select_n3A_674 = arith.select %or3A_672, %gather3A_667, %select_n3A_658 : vector<16xi1>, vector<16xi32>
      %gather3A_675 = tpu.vector_load_idx %arg11[%select_n3A_674] : memref<256xi32, #tpu.memory_space<vmem>>[vector<16xi32>], vector<16xi32>,
      %jit3A_676 = arith.constant 16 : i32
      %div3A_677 = vector.broadcast %jit3A_676 : i32 to vector<16xi32>
      %div3A_678 = arith.divsi %select_n3A_674, %div3A_677 : vector<16xi32>
      %sign3A_679 = arith.constant 0 : i32
      %sign3A_680 = vector.broadcast %sign3A_679 : i32 to vector<16xi32>
      %sign3A_681 = arith.cmpi sgt, %select_n3A_674, %sign3A_680 : vector<16xi32>
      %sign3A_682 = arith.extui %sign3A_681 : vector<16xi1> to vector<16xi32>
      %sign3A_683 = arith.constant 0 : i32
      %sign3A_684 = vector.broadcast %sign3A_683 : i32 to vector<16xi32>
      %sign3A_685 = arith.cmpi slt, %select_n3A_674, %sign3A_684 : vector<16xi32>
      %sign3A_686 = arith.extui %sign3A_685 : vector<16xi1> to vector<16xi32>
      %sign3A_687 = arith.subi %sign3A_682, %sign3A_686 : vector<16xi32>
      %sign3A_688 = arith.constant 0 : i32
      %sign3A_689 = arith.cmpi sgt, %jit3A_676, %sign3A_688 : i32
      %sign3A_690 = arith.extui %sign3A_689 : i1 to i32
      %sign3A_691 = arith.constant 0 : i32
      %sign3A_692 = arith.cmpi slt, %jit3A_676, %sign3A_691 : i32
      %sign3A_693 = arith.extui %sign3A_692 : i1 to i32
      %sign3A_694 = arith.subi %sign3A_690, %sign3A_693 : i32
      %ne3A_695 = vector.broadcast %sign3A_694 : i32 to vector<16xi32>
      %ne3A_696 = arith.cmpi ne, %sign3A_687, %ne3A_695 : vector<16xi32>
      %rem3A_697 = vector.broadcast %jit3A_676 : i32 to vector<16xi32>
      %rem3A_698 = arith.remsi %select_n3A_674, %rem3A_697 : vector<16xi32>
      %ne3A_699 = arith.constant 0 : i32
      %ne3A_700 = vector.broadcast %ne3A_699 : i32 to vector<16xi32>
      %ne3A_701 = arith.cmpi ne, %rem3A_698, %ne3A_700 : vector<16xi32>
      %and3A_702 = arith.andi %ne3A_696, %ne3A_701 : vector<16xi1>
      %sub3A_703 = arith.constant 1 : i32
      %sub3A_704 = vector.broadcast %sub3A_703 : i32 to vector<16xi32>
      %sub3A_705 = arith.subi %div3A_678, %sub3A_704 : vector<16xi32>
      %select_n3A_706 = arith.select %and3A_702, %sub3A_705, %div3A_678 : vector<16xi1>, vector<16xi32>
      %mul3A_707 = arith.constant 6400 : i32
      %mul3A_708 = vector.broadcast %mul3A_707 : i32 to vector<16xi32>
      %mul3A_709 = arith.muli %select_n3A_706, %mul3A_708 : vector<16xi32>
      %add3A_710 = arith.addi %gather3A_675, %mul3A_709 : vector<16xi32>
      %eq3A_711 = arith.constant 1 : i32
      %eq3A_712 = vector.broadcast %eq3A_711 : i32 to vector<16xi32>
      %eq3A_713 = arith.cmpi eq, %iota3A, %eq3A_712 : vector<16xi32>
      %select_n3A_714 = arith.select %eq3A_713, %select_n3A_673, %select_n3A_471 : vector<16xi1>, vector<16xf32>
      %eq3A_715 = arith.constant 1 : i32
      %eq3A_716 = vector.broadcast %eq3A_715 : i32 to vector<16xi32>
      %eq3A_717 = arith.cmpi eq, %iota3A, %eq3A_716 : vector<16xi32>
      %select_n3A_718 = arith.select %eq3A_717, %add3A_710, %select_n3A_475 : vector<16xi1>, vector<16xi32>
      %broadcast_in_dim3A_719 = arith.constant 0xFF800000 : f32
      %broadcast_in_dim3A_720 = vector.broadcast %broadcast_in_dim3A_719 : f32 to vector<16xf32>
      tpu.vector_store_idx %arg10[%select_n3A_674], %broadcast_in_dim3A_720 masked %eq3A_1 : memref<256xf32, #tpu.memory_space<vmem>>[vector<16xi32>], vector<16xf32>, vector<16xi1>
      %broadcast_in_dim3A_721 = arith.constant 0xFF800000 : f32
      %broadcast_in_dim3A_722 = vector.broadcast %broadcast_in_dim3A_721 : f32 to vector<16xf32>
      %broadcast_in_dim3A_723 = arith.constant 0 : i32
      %broadcast_in_dim3A_724 = vector.broadcast %broadcast_in_dim3A_723 : i32 to vector<16xi32>
      %get3A_725 = arith.constant 0 : index
      %get3A_726 = tpu.vector_load %arg10[%get3A_725] {strides = array<i32>} : memref<256xf32, #tpu.memory_space<vmem>>, vector<16xf32>,
      %gt3A_727 = arith.cmpf ogt, %get3A_726, %broadcast_in_dim3A_722 : vector<16xf32>
      %select_n3A_728 = arith.select %gt3A_727, %get3A_726, %broadcast_in_dim3A_722 : vector<16xi1>, vector<16xf32>
      %add3A_729 = arith.constant 0 : i32
      %add3A_730 = vector.broadcast %add3A_729 : i32 to vector<16xi32>
      %add3A_731 = arith.addi %iota3A, %add3A_730 : vector<16xi32>
      %select_n3A_732 = arith.select %gt3A_727, %add3A_731, %broadcast_in_dim3A_724 : vector<16xi1>, vector<16xi32>
      %get3A_733 = arith.constant 16 : index
      %get3A_734 = tpu.vector_load %arg10[%get3A_733] {strides = array<i32>} : memref<256xf32, #tpu.memory_space<vmem>>, vector<16xf32>,
      %gt3A_735 = arith.cmpf ogt, %get3A_734, %select_n3A_728 : vector<16xf32>
      %select_n3A_736 = arith.select %gt3A_735, %get3A_734, %select_n3A_728 : vector<16xi1>, vector<16xf32>
      %add3A_737 = arith.constant 16 : i32
      %add3A_738 = vector.broadcast %add3A_737 : i32 to vector<16xi32>
      %add3A_739 = arith.addi %iota3A, %add3A_738 : vector<16xi32>
      %select_n3A_740 = arith.select %gt3A_735, %add3A_739, %select_n3A_732 : vector<16xi1>, vector<16xi32>
      %get3A_741 = arith.constant 32 : index
      %get3A_742 = tpu.vector_load %arg10[%get3A_741] {strides = array<i32>} : memref<256xf32, #tpu.memory_space<vmem>>, vector<16xf32>,
      %gt3A_743 = arith.cmpf ogt, %get3A_742, %select_n3A_736 : vector<16xf32>
      %select_n3A_744 = arith.select %gt3A_743, %get3A_742, %select_n3A_736 : vector<16xi1>, vector<16xf32>
      %add3A_745 = arith.constant 32 : i32
      %add3A_746 = vector.broadcast %add3A_745 : i32 to vector<16xi32>
      %add3A_747 = arith.addi %iota3A, %add3A_746 : vector<16xi32>
      %select_n3A_748 = arith.select %gt3A_743, %add3A_747, %select_n3A_740 : vector<16xi1>, vector<16xi32>
      %get3A_749 = arith.constant 48 : index
      %get3A_750 = tpu.vector_load %arg10[%get3A_749] {strides = array<i32>} : memref<256xf32, #tpu.memory_space<vmem>>, vector<16xf32>,
      %gt3A_751 = arith.cmpf ogt, %get3A_750, %select_n3A_744 : vector<16xf32>
      %select_n3A_752 = arith.select %gt3A_751, %get3A_750, %select_n3A_744 : vector<16xi1>, vector<16xf32>
      %add3A_753 = arith.constant 48 : i32
      %add3A_754 = vector.broadcast %add3A_753 : i32 to vector<16xi32>
      %add3A_755 = arith.addi %iota3A, %add3A_754 : vector<16xi32>
      %select_n3A_756 = arith.select %gt3A_751, %add3A_755, %select_n3A_748 : vector<16xi1>, vector<16xi32>
      %get3A_757 = arith.constant 64 : index
      %get3A_758 = tpu.vector_load %arg10[%get3A_757] {strides = array<i32>} : memref<256xf32, #tpu.memory_space<vmem>>, vector<16xf32>,
      %gt3A_759 = arith.cmpf ogt, %get3A_758, %select_n3A_752 : vector<16xf32>
      %select_n3A_760 = arith.select %gt3A_759, %get3A_758, %select_n3A_752 : vector<16xi1>, vector<16xf32>
      %add3A_761 = arith.constant 64 : i32
      %add3A_762 = vector.broadcast %add3A_761 : i32 to vector<16xi32>
      %add3A_763 = arith.addi %iota3A, %add3A_762 : vector<16xi32>
      %select_n3A_764 = arith.select %gt3A_759, %add3A_763, %select_n3A_756 : vector<16xi1>, vector<16xi32>
      %get3A_765 = arith.constant 80 : index
      %get3A_766 = tpu.vector_load %arg10[%get3A_765] {strides = array<i32>} : memref<256xf32, #tpu.memory_space<vmem>>, vector<16xf32>,
      %gt3A_767 = arith.cmpf ogt, %get3A_766, %select_n3A_760 : vector<16xf32>
      %select_n3A_768 = arith.select %gt3A_767, %get3A_766, %select_n3A_760 : vector<16xi1>, vector<16xf32>
      %add3A_769 = arith.constant 80 : i32
      %add3A_770 = vector.broadcast %add3A_769 : i32 to vector<16xi32>
      %add3A_771 = arith.addi %iota3A, %add3A_770 : vector<16xi32>
      %select_n3A_772 = arith.select %gt3A_767, %add3A_771, %select_n3A_764 : vector<16xi1>, vector<16xi32>
      %get3A_773 = arith.constant 96 : index
      %get3A_774 = tpu.vector_load %arg10[%get3A_773] {strides = array<i32>} : memref<256xf32, #tpu.memory_space<vmem>>, vector<16xf32>,
      %gt3A_775 = arith.cmpf ogt, %get3A_774, %select_n3A_768 : vector<16xf32>
      %select_n3A_776 = arith.select %gt3A_775, %get3A_774, %select_n3A_768 : vector<16xi1>, vector<16xf32>
      %add3A_777 = arith.constant 96 : i32
      %add3A_778 = vector.broadcast %add3A_777 : i32 to vector<16xi32>
      %add3A_779 = arith.addi %iota3A, %add3A_778 : vector<16xi32>
      %select_n3A_780 = arith.select %gt3A_775, %add3A_779, %select_n3A_772 : vector<16xi1>, vector<16xi32>
      %get3A_781 = arith.constant 112 : index
      %get3A_782 = tpu.vector_load %arg10[%get3A_781] {strides = array<i32>} : memref<256xf32, #tpu.memory_space<vmem>>, vector<16xf32>,
      %gt3A_783 = arith.cmpf ogt, %get3A_782, %select_n3A_776 : vector<16xf32>
      %select_n3A_784 = arith.select %gt3A_783, %get3A_782, %select_n3A_776 : vector<16xi1>, vector<16xf32>
      %add3A_785 = arith.constant 112 : i32
      %add3A_786 = vector.broadcast %add3A_785 : i32 to vector<16xi32>
      %add3A_787 = arith.addi %iota3A, %add3A_786 : vector<16xi32>
      %select_n3A_788 = arith.select %gt3A_783, %add3A_787, %select_n3A_780 : vector<16xi1>, vector<16xi32>
      %get3A_789 = arith.constant 128 : index
      %get3A_790 = tpu.vector_load %arg10[%get3A_789] {strides = array<i32>} : memref<256xf32, #tpu.memory_space<vmem>>, vector<16xf32>,
      %gt3A_791 = arith.cmpf ogt, %get3A_790, %select_n3A_784 : vector<16xf32>
      %select_n3A_792 = arith.select %gt3A_791, %get3A_790, %select_n3A_784 : vector<16xi1>, vector<16xf32>
      %add3A_793 = arith.constant 128 : i32
      %add3A_794 = vector.broadcast %add3A_793 : i32 to vector<16xi32>
      %add3A_795 = arith.addi %iota3A, %add3A_794 : vector<16xi32>
      %select_n3A_796 = arith.select %gt3A_791, %add3A_795, %select_n3A_788 : vector<16xi1>, vector<16xi32>
      %get3A_797 = arith.constant 144 : index
      %get3A_798 = tpu.vector_load %arg10[%get3A_797] {strides = array<i32>} : memref<256xf32, #tpu.memory_space<vmem>>, vector<16xf32>,
      %gt3A_799 = arith.cmpf ogt, %get3A_798, %select_n3A_792 : vector<16xf32>
      %select_n3A_800 = arith.select %gt3A_799, %get3A_798, %select_n3A_792 : vector<16xi1>, vector<16xf32>
      %add3A_801 = arith.constant 144 : i32
      %add3A_802 = vector.broadcast %add3A_801 : i32 to vector<16xi32>
      %add3A_803 = arith.addi %iota3A, %add3A_802 : vector<16xi32>
      %select_n3A_804 = arith.select %gt3A_799, %add3A_803, %select_n3A_796 : vector<16xi1>, vector<16xi32>
      %get3A_805 = arith.constant 160 : index
      %get3A_806 = tpu.vector_load %arg10[%get3A_805] {strides = array<i32>} : memref<256xf32, #tpu.memory_space<vmem>>, vector<16xf32>,
      %gt3A_807 = arith.cmpf ogt, %get3A_806, %select_n3A_800 : vector<16xf32>
      %select_n3A_808 = arith.select %gt3A_807, %get3A_806, %select_n3A_800 : vector<16xi1>, vector<16xf32>
      %add3A_809 = arith.constant 160 : i32
      %add3A_810 = vector.broadcast %add3A_809 : i32 to vector<16xi32>
      %add3A_811 = arith.addi %iota3A, %add3A_810 : vector<16xi32>
      %select_n3A_812 = arith.select %gt3A_807, %add3A_811, %select_n3A_804 : vector<16xi1>, vector<16xi32>
      %get3A_813 = arith.constant 176 : index
      %get3A_814 = tpu.vector_load %arg10[%get3A_813] {strides = array<i32>} : memref<256xf32, #tpu.memory_space<vmem>>, vector<16xf32>,
      %gt3A_815 = arith.cmpf ogt, %get3A_814, %select_n3A_808 : vector<16xf32>
      %select_n3A_816 = arith.select %gt3A_815, %get3A_814, %select_n3A_808 : vector<16xi1>, vector<16xf32>
      %add3A_817 = arith.constant 176 : i32
      %add3A_818 = vector.broadcast %add3A_817 : i32 to vector<16xi32>
      %add3A_819 = arith.addi %iota3A, %add3A_818 : vector<16xi32>
      %select_n3A_820 = arith.select %gt3A_815, %add3A_819, %select_n3A_812 : vector<16xi1>, vector<16xi32>
      %get3A_821 = arith.constant 192 : index
      %get3A_822 = tpu.vector_load %arg10[%get3A_821] {strides = array<i32>} : memref<256xf32, #tpu.memory_space<vmem>>, vector<16xf32>,
      %gt3A_823 = arith.cmpf ogt, %get3A_822, %select_n3A_816 : vector<16xf32>
      %select_n3A_824 = arith.select %gt3A_823, %get3A_822, %select_n3A_816 : vector<16xi1>, vector<16xf32>
      %add3A_825 = arith.constant 192 : i32
      %add3A_826 = vector.broadcast %add3A_825 : i32 to vector<16xi32>
      %add3A_827 = arith.addi %iota3A, %add3A_826 : vector<16xi32>
      %select_n3A_828 = arith.select %gt3A_823, %add3A_827, %select_n3A_820 : vector<16xi1>, vector<16xi32>
      %get3A_829 = arith.constant 208 : index
      %get3A_830 = tpu.vector_load %arg10[%get3A_829] {strides = array<i32>} : memref<256xf32, #tpu.memory_space<vmem>>, vector<16xf32>,
      %gt3A_831 = arith.cmpf ogt, %get3A_830, %select_n3A_824 : vector<16xf32>
      %select_n3A_832 = arith.select %gt3A_831, %get3A_830, %select_n3A_824 : vector<16xi1>, vector<16xf32>
      %add3A_833 = arith.constant 208 : i32
      %add3A_834 = vector.broadcast %add3A_833 : i32 to vector<16xi32>
      %add3A_835 = arith.addi %iota3A, %add3A_834 : vector<16xi32>
      %select_n3A_836 = arith.select %gt3A_831, %add3A_835, %select_n3A_828 : vector<16xi1>, vector<16xi32>
      %get3A_837 = arith.constant 224 : index
      %get3A_838 = tpu.vector_load %arg10[%get3A_837] {strides = array<i32>} : memref<256xf32, #tpu.memory_space<vmem>>, vector<16xf32>,
      %gt3A_839 = arith.cmpf ogt, %get3A_838, %select_n3A_832 : vector<16xf32>
      %select_n3A_840 = arith.select %gt3A_839, %get3A_838, %select_n3A_832 : vector<16xi1>, vector<16xf32>
      %add3A_841 = arith.constant 224 : i32
      %add3A_842 = vector.broadcast %add3A_841 : i32 to vector<16xi32>
      %add3A_843 = arith.addi %iota3A, %add3A_842 : vector<16xi32>
      %select_n3A_844 = arith.select %gt3A_839, %add3A_843, %select_n3A_836 : vector<16xi1>, vector<16xi32>
      %get3A_845 = arith.constant 240 : index
      %get3A_846 = tpu.vector_load %arg10[%get3A_845] {strides = array<i32>} : memref<256xf32, #tpu.memory_space<vmem>>, vector<16xf32>,
      %gt3A_847 = arith.cmpf ogt, %get3A_846, %select_n3A_840 : vector<16xf32>
      %select_n3A_848 = arith.select %gt3A_847, %get3A_846, %select_n3A_840 : vector<16xi1>, vector<16xf32>
      %add3A_849 = arith.constant 240 : i32
      %add3A_850 = vector.broadcast %add3A_849 : i32 to vector<16xi32>
      %add3A_851 = arith.addi %iota3A, %add3A_850 : vector<16xi32>
      %select_n3A_852 = arith.select %gt3A_847, %add3A_851, %select_n3A_844 : vector<16xi1>, vector<16xi32>
      %iota3A_853 = tpu.iota {dimensions = array<i32: 0>} : vector<16xi32>
      %xor3A_854 = arith.constant 1 : i32
      %xor3A_855 = vector.broadcast %xor3A_854 : i32 to vector<16xi32>
      %xor3A_856 = arith.xori %iota3A_853, %xor3A_855 : vector<16xi32>
      %broadcast_in_dim3A_857 = vector.shape_cast %xor3A_856 : vector<16xi32> to vector<16x1xi32>
      %gather3A_858 = vector.shape_cast %broadcast_in_dim3A_857 : vector<16x1xi32> to vector<16xi32>
      %gather3A_859 = tpu.dynamic_gather %select_n3A_848[%gather3A_858] in [0] : vector<16xf32>, vector<16xi32> -> vector<16xf32>
      %broadcast_in_dim3A_860 = vector.shape_cast %xor3A_856 : vector<16xi32> to vector<16x1xi32>
      %gather3A_861 = vector.shape_cast %broadcast_in_dim3A_860 : vector<16x1xi32> to vector<16xi32>
      %gather3A_862 = tpu.dynamic_gather %select_n3A_852[%gather3A_861] in [0] : vector<16xi32>, vector<16xi32> -> vector<16xi32>
      %gt3A_863 = arith.cmpf ogt, %gather3A_859, %select_n3A_848 : vector<16xf32>
      %eq3A_864 = arith.cmpf oeq, %gather3A_859, %select_n3A_848 : vector<16xf32>
      %lt3A_865 = arith.cmpi slt, %gather3A_862, %select_n3A_852 : vector<16xi32>
      %and3A_866 = arith.andi %eq3A_864, %lt3A_865 : vector<16xi1>
      %or3A_867 = arith.ori %gt3A_863, %and3A_866 : vector<16xi1>
      %select_n3A_868 = arith.select %or3A_867, %gather3A_859, %select_n3A_848 : vector<16xi1>, vector<16xf32>
      %select_n3A_869 = arith.select %or3A_867, %gather3A_862, %select_n3A_852 : vector<16xi1>, vector<16xi32>
      %xor3A_870 = arith.constant 2 : i32
      %xor3A_871 = vector.broadcast %xor3A_870 : i32 to vector<16xi32>
      %xor3A_872 = arith.xori %iota3A_853, %xor3A_871 : vector<16xi32>
      %broadcast_in_dim3A_873 = vector.shape_cast %xor3A_872 : vector<16xi32> to vector<16x1xi32>
      %gather3A_874 = vector.shape_cast %broadcast_in_dim3A_873 : vector<16x1xi32> to vector<16xi32>
      %gather3A_875 = tpu.dynamic_gather %select_n3A_868[%gather3A_874] in [0] : vector<16xf32>, vector<16xi32> -> vector<16xf32>
      %broadcast_in_dim3A_876 = vector.shape_cast %xor3A_872 : vector<16xi32> to vector<16x1xi32>
      %gather3A_877 = vector.shape_cast %broadcast_in_dim3A_876 : vector<16x1xi32> to vector<16xi32>
      %gather3A_878 = tpu.dynamic_gather %select_n3A_869[%gather3A_877] in [0] : vector<16xi32>, vector<16xi32> -> vector<16xi32>
      %gt3A_879 = arith.cmpf ogt, %gather3A_875, %select_n3A_868 : vector<16xf32>
      %eq3A_880 = arith.cmpf oeq, %gather3A_875, %select_n3A_868 : vector<16xf32>
      %lt3A_881 = arith.cmpi slt, %gather3A_878, %select_n3A_869 : vector<16xi32>
      %and3A_882 = arith.andi %eq3A_880, %lt3A_881 : vector<16xi1>
      %or3A_883 = arith.ori %gt3A_879, %and3A_882 : vector<16xi1>
      %select_n3A_884 = arith.select %or3A_883, %gather3A_875, %select_n3A_868 : vector<16xi1>, vector<16xf32>
      %select_n3A_885 = arith.select %or3A_883, %gather3A_878, %select_n3A_869 : vector<16xi1>, vector<16xi32>
      %xor3A_886 = arith.constant 4 : i32
      %xor3A_887 = vector.broadcast %xor3A_886 : i32 to vector<16xi32>
      %xor3A_888 = arith.xori %iota3A_853, %xor3A_887 : vector<16xi32>
      %broadcast_in_dim3A_889 = vector.shape_cast %xor3A_888 : vector<16xi32> to vector<16x1xi32>
      %gather3A_890 = vector.shape_cast %broadcast_in_dim3A_889 : vector<16x1xi32> to vector<16xi32>
      %gather3A_891 = tpu.dynamic_gather %select_n3A_884[%gather3A_890] in [0] : vector<16xf32>, vector<16xi32> -> vector<16xf32>
      %broadcast_in_dim3A_892 = vector.shape_cast %xor3A_888 : vector<16xi32> to vector<16x1xi32>
      %gather3A_893 = vector.shape_cast %broadcast_in_dim3A_892 : vector<16x1xi32> to vector<16xi32>
      %gather3A_894 = tpu.dynamic_gather %select_n3A_885[%gather3A_893] in [0] : vector<16xi32>, vector<16xi32> -> vector<16xi32>
      %gt3A_895 = arith.cmpf ogt, %gather3A_891, %select_n3A_884 : vector<16xf32>
      %eq3A_896 = arith.cmpf oeq, %gather3A_891, %select_n3A_884 : vector<16xf32>
      %lt3A_897 = arith.cmpi slt, %gather3A_894, %select_n3A_885 : vector<16xi32>
      %and3A_898 = arith.andi %eq3A_896, %lt3A_897 : vector<16xi1>
      %or3A_899 = arith.ori %gt3A_895, %and3A_898 : vector<16xi1>
      %select_n3A_900 = arith.select %or3A_899, %gather3A_891, %select_n3A_884 : vector<16xi1>, vector<16xf32>
      %select_n3A_901 = arith.select %or3A_899, %gather3A_894, %select_n3A_885 : vector<16xi1>, vector<16xi32>
      %xor3A_902 = arith.constant 8 : i32
      %xor3A_903 = vector.broadcast %xor3A_902 : i32 to vector<16xi32>
      %xor3A_904 = arith.xori %iota3A_853, %xor3A_903 : vector<16xi32>
      %broadcast_in_dim3A_905 = vector.shape_cast %xor3A_904 : vector<16xi32> to vector<16x1xi32>
      %gather3A_906 = vector.shape_cast %broadcast_in_dim3A_905 : vector<16x1xi32> to vector<16xi32>
      %gather3A_907 = tpu.dynamic_gather %select_n3A_900[%gather3A_906] in [0] : vector<16xf32>, vector<16xi32> -> vector<16xf32>
      %broadcast_in_dim3A_908 = vector.shape_cast %xor3A_904 : vector<16xi32> to vector<16x1xi32>
      %gather3A_909 = vector.shape_cast %broadcast_in_dim3A_908 : vector<16x1xi32> to vector<16xi32>
      %gather3A_910 = tpu.dynamic_gather %select_n3A_901[%gather3A_909] in [0] : vector<16xi32>, vector<16xi32> -> vector<16xi32>
      %gt3A_911 = arith.cmpf ogt, %gather3A_907, %select_n3A_900 : vector<16xf32>
      %eq3A_912 = arith.cmpf oeq, %gather3A_907, %select_n3A_900 : vector<16xf32>
      %lt3A_913 = arith.cmpi slt, %gather3A_910, %select_n3A_901 : vector<16xi32>
      %and3A_914 = arith.andi %eq3A_912, %lt3A_913 : vector<16xi1>
      %or3A_915 = arith.ori %gt3A_911, %and3A_914 : vector<16xi1>
      %select_n3A_916 = arith.select %or3A_915, %gather3A_907, %select_n3A_900 : vector<16xi1>, vector<16xf32>
      %select_n3A_917 = arith.select %or3A_915, %gather3A_910, %select_n3A_901 : vector<16xi1>, vector<16xi32>
      %gather3A_918 = tpu.vector_load_idx %arg11[%select_n3A_917] : memref<256xi32, #tpu.memory_space<vmem>>[vector<16xi32>], vector<16xi32>,
      %jit3A_919 = arith.constant 16 : i32
      %div3A_920 = vector.broadcast %jit3A_919 : i32 to vector<16xi32>
      %div3A_921 = arith.divsi %select_n3A_917, %div3A_920 : vector<16xi32>
      %sign3A_922 = arith.constant 0 : i32
      %sign3A_923 = vector.broadcast %sign3A_922 : i32 to vector<16xi32>
      %sign3A_924 = arith.cmpi sgt, %select_n3A_917, %sign3A_923 : vector<16xi32>
      %sign3A_925 = arith.extui %sign3A_924 : vector<16xi1> to vector<16xi32>
      %sign3A_926 = arith.constant 0 : i32
      %sign3A_927 = vector.broadcast %sign3A_926 : i32 to vector<16xi32>
      %sign3A_928 = arith.cmpi slt, %select_n3A_917, %sign3A_927 : vector<16xi32>
      %sign3A_929 = arith.extui %sign3A_928 : vector<16xi1> to vector<16xi32>
      %sign3A_930 = arith.subi %sign3A_925, %sign3A_929 : vector<16xi32>
      %sign3A_931 = arith.constant 0 : i32
      %sign3A_932 = arith.cmpi sgt, %jit3A_919, %sign3A_931 : i32
      %sign3A_933 = arith.extui %sign3A_932 : i1 to i32
      %sign3A_934 = arith.constant 0 : i32
      %sign3A_935 = arith.cmpi slt, %jit3A_919, %sign3A_934 : i32
      %sign3A_936 = arith.extui %sign3A_935 : i1 to i32
      %sign3A_937 = arith.subi %sign3A_933, %sign3A_936 : i32
      %ne3A_938 = vector.broadcast %sign3A_937 : i32 to vector<16xi32>
      %ne3A_939 = arith.cmpi ne, %sign3A_930, %ne3A_938 : vector<16xi32>
      %rem3A_940 = vector.broadcast %jit3A_919 : i32 to vector<16xi32>
      %rem3A_941 = arith.remsi %select_n3A_917, %rem3A_940 : vector<16xi32>
      %ne3A_942 = arith.constant 0 : i32
      %ne3A_943 = vector.broadcast %ne3A_942 : i32 to vector<16xi32>
      %ne3A_944 = arith.cmpi ne, %rem3A_941, %ne3A_943 : vector<16xi32>
      %and3A_945 = arith.andi %ne3A_939, %ne3A_944 : vector<16xi1>
      %sub3A_946 = arith.constant 1 : i32
      %sub3A_947 = vector.broadcast %sub3A_946 : i32 to vector<16xi32>
      %sub3A_948 = arith.subi %div3A_921, %sub3A_947 : vector<16xi32>
      %select_n3A_949 = arith.select %and3A_945, %sub3A_948, %div3A_921 : vector<16xi1>, vector<16xi32>
      %mul3A_950 = arith.constant 6400 : i32
      %mul3A_951 = vector.broadcast %mul3A_950 : i32 to vector<16xi32>
      %mul3A_952 = arith.muli %select_n3A_949, %mul3A_951 : vector<16xi32>
      %add3A_953 = arith.addi %gather3A_918, %mul3A_952 : vector<16xi32>
      %eq3A_954 = arith.constant 2 : i32
      %eq3A_955 = vector.broadcast %eq3A_954 : i32 to vector<16xi32>
      %eq3A_956 = arith.cmpi eq, %iota3A, %eq3A_955 : vector<16xi32>
      %select_n3A_957 = arith.select %eq3A_956, %select_n3A_916, %select_n3A_714 : vector<16xi1>, vector<16xf32>
      %eq3A_958 = arith.constant 2 : i32
      %eq3A_959 = vector.broadcast %eq3A_958 : i32 to vector<16xi32>
      %eq3A_960 = arith.cmpi eq, %iota3A, %eq3A_959 : vector<16xi32>
      %select_n3A_961 = arith.select %eq3A_960, %add3A_953, %select_n3A_718 : vector<16xi1>, vector<16xi32>
      %broadcast_in_dim3A_962 = arith.constant 0xFF800000 : f32
      %broadcast_in_dim3A_963 = vector.broadcast %broadcast_in_dim3A_962 : f32 to vector<16xf32>
      tpu.vector_store_idx %arg10[%select_n3A_917], %broadcast_in_dim3A_963 masked %eq3A_1 : memref<256xf32, #tpu.memory_space<vmem>>[vector<16xi32>], vector<16xf32>, vector<16xi1>
      %broadcast_in_dim3A_964 = arith.constant 0xFF800000 : f32
      %broadcast_in_dim3A_965 = vector.broadcast %broadcast_in_dim3A_964 : f32 to vector<16xf32>
      %broadcast_in_dim3A_966 = arith.constant 0 : i32
      %broadcast_in_dim3A_967 = vector.broadcast %broadcast_in_dim3A_966 : i32 to vector<16xi32>
      %get3A_968 = arith.constant 0 : index
      %get3A_969 = tpu.vector_load %arg10[%get3A_968] {strides = array<i32>} : memref<256xf32, #tpu.memory_space<vmem>>, vector<16xf32>,
      %gt3A_970 = arith.cmpf ogt, %get3A_969, %broadcast_in_dim3A_965 : vector<16xf32>
      %select_n3A_971 = arith.select %gt3A_970, %get3A_969, %broadcast_in_dim3A_965 : vector<16xi1>, vector<16xf32>
      %add3A_972 = arith.constant 0 : i32
      %add3A_973 = vector.broadcast %add3A_972 : i32 to vector<16xi32>
      %add3A_974 = arith.addi %iota3A, %add3A_973 : vector<16xi32>
      %select_n3A_975 = arith.select %gt3A_970, %add3A_974, %broadcast_in_dim3A_967 : vector<16xi1>, vector<16xi32>
      %get3A_976 = arith.constant 16 : index
      %get3A_977 = tpu.vector_load %arg10[%get3A_976] {strides = array<i32>} : memref<256xf32, #tpu.memory_space<vmem>>, vector<16xf32>,
      %gt3A_978 = arith.cmpf ogt, %get3A_977, %select_n3A_971 : vector<16xf32>
      %select_n3A_979 = arith.select %gt3A_978, %get3A_977, %select_n3A_971 : vector<16xi1>, vector<16xf32>
      %add3A_980 = arith.constant 16 : i32
      %add3A_981 = vector.broadcast %add3A_980 : i32 to vector<16xi32>
      %add3A_982 = arith.addi %iota3A, %add3A_981 : vector<16xi32>
      %select_n3A_983 = arith.select %gt3A_978, %add3A_982, %select_n3A_975 : vector<16xi1>, vector<16xi32>
      %get3A_984 = arith.constant 32 : index
      %get3A_985 = tpu.vector_load %arg10[%get3A_984] {strides = array<i32>} : memref<256xf32, #tpu.memory_space<vmem>>, vector<16xf32>,
      %gt3A_986 = arith.cmpf ogt, %get3A_985, %select_n3A_979 : vector<16xf32>
      %select_n3A_987 = arith.select %gt3A_986, %get3A_985, %select_n3A_979 : vector<16xi1>, vector<16xf32>
      %add3A_988 = arith.constant 32 : i32
      %add3A_989 = vector.broadcast %add3A_988 : i32 to vector<16xi32>
      %add3A_990 = arith.addi %iota3A, %add3A_989 : vector<16xi32>
      %select_n3A_991 = arith.select %gt3A_986, %add3A_990, %select_n3A_983 : vector<16xi1>, vector<16xi32>
      %get3A_992 = arith.constant 48 : index
      %get3A_993 = tpu.vector_load %arg10[%get3A_992] {strides = array<i32>} : memref<256xf32, #tpu.memory_space<vmem>>, vector<16xf32>,
      %gt3A_994 = arith.cmpf ogt, %get3A_993, %select_n3A_987 : vector<16xf32>
      %select_n3A_995 = arith.select %gt3A_994, %get3A_993, %select_n3A_987 : vector<16xi1>, vector<16xf32>
      %add3A_996 = arith.constant 48 : i32
      %add3A_997 = vector.broadcast %add3A_996 : i32 to vector<16xi32>
      %add3A_998 = arith.addi %iota3A, %add3A_997 : vector<16xi32>
      %select_n3A_999 = arith.select %gt3A_994, %add3A_998, %select_n3A_991 : vector<16xi1>, vector<16xi32>
      %get3A_1000 = arith.constant 64 : index
      %get3A_1001 = tpu.vector_load %arg10[%get3A_1000] {strides = array<i32>} : memref<256xf32, #tpu.memory_space<vmem>>, vector<16xf32>,
      %gt3A_1002 = arith.cmpf ogt, %get3A_1001, %select_n3A_995 : vector<16xf32>
      %select_n3A_1003 = arith.select %gt3A_1002, %get3A_1001, %select_n3A_995 : vector<16xi1>, vector<16xf32>
      %add3A_1004 = arith.constant 64 : i32
      %add3A_1005 = vector.broadcast %add3A_1004 : i32 to vector<16xi32>
      %add3A_1006 = arith.addi %iota3A, %add3A_1005 : vector<16xi32>
      %select_n3A_1007 = arith.select %gt3A_1002, %add3A_1006, %select_n3A_999 : vector<16xi1>, vector<16xi32>
      %get3A_1008 = arith.constant 80 : index
      %get3A_1009 = tpu.vector_load %arg10[%get3A_1008] {strides = array<i32>} : memref<256xf32, #tpu.memory_space<vmem>>, vector<16xf32>,
      %gt3A_1010 = arith.cmpf ogt, %get3A_1009, %select_n3A_1003 : vector<16xf32>
      %select_n3A_1011 = arith.select %gt3A_1010, %get3A_1009, %select_n3A_1003 : vector<16xi1>, vector<16xf32>
      %add3A_1012 = arith.constant 80 : i32
      %add3A_1013 = vector.broadcast %add3A_1012 : i32 to vector<16xi32>
      %add3A_1014 = arith.addi %iota3A, %add3A_1013 : vector<16xi32>
      %select_n3A_1015 = arith.select %gt3A_1010, %add3A_1014, %select_n3A_1007 : vector<16xi1>, vector<16xi32>
      %get3A_1016 = arith.constant 96 : index
      %get3A_1017 = tpu.vector_load %arg10[%get3A_1016] {strides = array<i32>} : memref<256xf32, #tpu.memory_space<vmem>>, vector<16xf32>,
      %gt3A_1018 = arith.cmpf ogt, %get3A_1017, %select_n3A_1011 : vector<16xf32>
      %select_n3A_1019 = arith.select %gt3A_1018, %get3A_1017, %select_n3A_1011 : vector<16xi1>, vector<16xf32>
      %add3A_1020 = arith.constant 96 : i32
      %add3A_1021 = vector.broadcast %add3A_1020 : i32 to vector<16xi32>
      %add3A_1022 = arith.addi %iota3A, %add3A_1021 : vector<16xi32>
      %select_n3A_1023 = arith.select %gt3A_1018, %add3A_1022, %select_n3A_1015 : vector<16xi1>, vector<16xi32>
      %get3A_1024 = arith.constant 112 : index
      %get3A_1025 = tpu.vector_load %arg10[%get3A_1024] {strides = array<i32>} : memref<256xf32, #tpu.memory_space<vmem>>, vector<16xf32>,
      %gt3A_1026 = arith.cmpf ogt, %get3A_1025, %select_n3A_1019 : vector<16xf32>
      %select_n3A_1027 = arith.select %gt3A_1026, %get3A_1025, %select_n3A_1019 : vector<16xi1>, vector<16xf32>
      %add3A_1028 = arith.constant 112 : i32
      %add3A_1029 = vector.broadcast %add3A_1028 : i32 to vector<16xi32>
      %add3A_1030 = arith.addi %iota3A, %add3A_1029 : vector<16xi32>
      %select_n3A_1031 = arith.select %gt3A_1026, %add3A_1030, %select_n3A_1023 : vector<16xi1>, vector<16xi32>
      %get3A_1032 = arith.constant 128 : index
      %get3A_1033 = tpu.vector_load %arg10[%get3A_1032] {strides = array<i32>} : memref<256xf32, #tpu.memory_space<vmem>>, vector<16xf32>,
      %gt3A_1034 = arith.cmpf ogt, %get3A_1033, %select_n3A_1027 : vector<16xf32>
      %select_n3A_1035 = arith.select %gt3A_1034, %get3A_1033, %select_n3A_1027 : vector<16xi1>, vector<16xf32>
      %add3A_1036 = arith.constant 128 : i32
      %add3A_1037 = vector.broadcast %add3A_1036 : i32 to vector<16xi32>
      %add3A_1038 = arith.addi %iota3A, %add3A_1037 : vector<16xi32>
      %select_n3A_1039 = arith.select %gt3A_1034, %add3A_1038, %select_n3A_1031 : vector<16xi1>, vector<16xi32>
      %get3A_1040 = arith.constant 144 : index
      %get3A_1041 = tpu.vector_load %arg10[%get3A_1040] {strides = array<i32>} : memref<256xf32, #tpu.memory_space<vmem>>, vector<16xf32>,
      %gt3A_1042 = arith.cmpf ogt, %get3A_1041, %select_n3A_1035 : vector<16xf32>
      %select_n3A_1043 = arith.select %gt3A_1042, %get3A_1041, %select_n3A_1035 : vector<16xi1>, vector<16xf32>
      %add3A_1044 = arith.constant 144 : i32
      %add3A_1045 = vector.broadcast %add3A_1044 : i32 to vector<16xi32>
      %add3A_1046 = arith.addi %iota3A, %add3A_1045 : vector<16xi32>
      %select_n3A_1047 = arith.select %gt3A_1042, %add3A_1046, %select_n3A_1039 : vector<16xi1>, vector<16xi32>
      %get3A_1048 = arith.constant 160 : index
      %get3A_1049 = tpu.vector_load %arg10[%get3A_1048] {strides = array<i32>} : memref<256xf32, #tpu.memory_space<vmem>>, vector<16xf32>,
      %gt3A_1050 = arith.cmpf ogt, %get3A_1049, %select_n3A_1043 : vector<16xf32>
      %select_n3A_1051 = arith.select %gt3A_1050, %get3A_1049, %select_n3A_1043 : vector<16xi1>, vector<16xf32>
      %add3A_1052 = arith.constant 160 : i32
      %add3A_1053 = vector.broadcast %add3A_1052 : i32 to vector<16xi32>
      %add3A_1054 = arith.addi %iota3A, %add3A_1053 : vector<16xi32>
      %select_n3A_1055 = arith.select %gt3A_1050, %add3A_1054, %select_n3A_1047 : vector<16xi1>, vector<16xi32>
      %get3A_1056 = arith.constant 176 : index
      %get3A_1057 = tpu.vector_load %arg10[%get3A_1056] {strides = array<i32>} : memref<256xf32, #tpu.memory_space<vmem>>, vector<16xf32>,
      %gt3A_1058 = arith.cmpf ogt, %get3A_1057, %select_n3A_1051 : vector<16xf32>
      %select_n3A_1059 = arith.select %gt3A_1058, %get3A_1057, %select_n3A_1051 : vector<16xi1>, vector<16xf32>
      %add3A_1060 = arith.constant 176 : i32
      %add3A_1061 = vector.broadcast %add3A_1060 : i32 to vector<16xi32>
      %add3A_1062 = arith.addi %iota3A, %add3A_1061 : vector<16xi32>
      %select_n3A_1063 = arith.select %gt3A_1058, %add3A_1062, %select_n3A_1055 : vector<16xi1>, vector<16xi32>
      %get3A_1064 = arith.constant 192 : index
      %get3A_1065 = tpu.vector_load %arg10[%get3A_1064] {strides = array<i32>} : memref<256xf32, #tpu.memory_space<vmem>>, vector<16xf32>,
      %gt3A_1066 = arith.cmpf ogt, %get3A_1065, %select_n3A_1059 : vector<16xf32>
      %select_n3A_1067 = arith.select %gt3A_1066, %get3A_1065, %select_n3A_1059 : vector<16xi1>, vector<16xf32>
      %add3A_1068 = arith.constant 192 : i32
      %add3A_1069 = vector.broadcast %add3A_1068 : i32 to vector<16xi32>
      %add3A_1070 = arith.addi %iota3A, %add3A_1069 : vector<16xi32>
      %select_n3A_1071 = arith.select %gt3A_1066, %add3A_1070, %select_n3A_1063 : vector<16xi1>, vector<16xi32>
      %get3A_1072 = arith.constant 208 : index
      %get3A_1073 = tpu.vector_load %arg10[%get3A_1072] {strides = array<i32>} : memref<256xf32, #tpu.memory_space<vmem>>, vector<16xf32>,
      %gt3A_1074 = arith.cmpf ogt, %get3A_1073, %select_n3A_1067 : vector<16xf32>
      %select_n3A_1075 = arith.select %gt3A_1074, %get3A_1073, %select_n3A_1067 : vector<16xi1>, vector<16xf32>
      %add3A_1076 = arith.constant 208 : i32
      %add3A_1077 = vector.broadcast %add3A_1076 : i32 to vector<16xi32>
      %add3A_1078 = arith.addi %iota3A, %add3A_1077 : vector<16xi32>
      %select_n3A_1079 = arith.select %gt3A_1074, %add3A_1078, %select_n3A_1071 : vector<16xi1>, vector<16xi32>
      %get3A_1080 = arith.constant 224 : index
      %get3A_1081 = tpu.vector_load %arg10[%get3A_1080] {strides = array<i32>} : memref<256xf32, #tpu.memory_space<vmem>>, vector<16xf32>,
      %gt3A_1082 = arith.cmpf ogt, %get3A_1081, %select_n3A_1075 : vector<16xf32>
      %select_n3A_1083 = arith.select %gt3A_1082, %get3A_1081, %select_n3A_1075 : vector<16xi1>, vector<16xf32>
      %add3A_1084 = arith.constant 224 : i32
      %add3A_1085 = vector.broadcast %add3A_1084 : i32 to vector<16xi32>
      %add3A_1086 = arith.addi %iota3A, %add3A_1085 : vector<16xi32>
      %select_n3A_1087 = arith.select %gt3A_1082, %add3A_1086, %select_n3A_1079 : vector<16xi1>, vector<16xi32>
      %get3A_1088 = arith.constant 240 : index
      %get3A_1089 = tpu.vector_load %arg10[%get3A_1088] {strides = array<i32>} : memref<256xf32, #tpu.memory_space<vmem>>, vector<16xf32>,
      %gt3A_1090 = arith.cmpf ogt, %get3A_1089, %select_n3A_1083 : vector<16xf32>
      %select_n3A_1091 = arith.select %gt3A_1090, %get3A_1089, %select_n3A_1083 : vector<16xi1>, vector<16xf32>
      %add3A_1092 = arith.constant 240 : i32
      %add3A_1093 = vector.broadcast %add3A_1092 : i32 to vector<16xi32>
      %add3A_1094 = arith.addi %iota3A, %add3A_1093 : vector<16xi32>
      %select_n3A_1095 = arith.select %gt3A_1090, %add3A_1094, %select_n3A_1087 : vector<16xi1>, vector<16xi32>
      %iota3A_1096 = tpu.iota {dimensions = array<i32: 0>} : vector<16xi32>
      %xor3A_1097 = arith.constant 1 : i32
      %xor3A_1098 = vector.broadcast %xor3A_1097 : i32 to vector<16xi32>
      %xor3A_1099 = arith.xori %iota3A_1096, %xor3A_1098 : vector<16xi32>
      %broadcast_in_dim3A_1100 = vector.shape_cast %xor3A_1099 : vector<16xi32> to vector<16x1xi32>
      %gather3A_1101 = vector.shape_cast %broadcast_in_dim3A_1100 : vector<16x1xi32> to vector<16xi32>
      %gather3A_1102 = tpu.dynamic_gather %select_n3A_1091[%gather3A_1101] in [0] : vector<16xf32>, vector<16xi32> -> vector<16xf32>
      %broadcast_in_dim3A_1103 = vector.shape_cast %xor3A_1099 : vector<16xi32> to vector<16x1xi32>
      %gather3A_1104 = vector.shape_cast %broadcast_in_dim3A_1103 : vector<16x1xi32> to vector<16xi32>
      %gather3A_1105 = tpu.dynamic_gather %select_n3A_1095[%gather3A_1104] in [0] : vector<16xi32>, vector<16xi32> -> vector<16xi32>
      %gt3A_1106 = arith.cmpf ogt, %gather3A_1102, %select_n3A_1091 : vector<16xf32>
      %eq3A_1107 = arith.cmpf oeq, %gather3A_1102, %select_n3A_1091 : vector<16xf32>
      %lt3A_1108 = arith.cmpi slt, %gather3A_1105, %select_n3A_1095 : vector<16xi32>
      %and3A_1109 = arith.andi %eq3A_1107, %lt3A_1108 : vector<16xi1>
      %or3A_1110 = arith.ori %gt3A_1106, %and3A_1109 : vector<16xi1>
      %select_n3A_1111 = arith.select %or3A_1110, %gather3A_1102, %select_n3A_1091 : vector<16xi1>, vector<16xf32>
      %select_n3A_1112 = arith.select %or3A_1110, %gather3A_1105, %select_n3A_1095 : vector<16xi1>, vector<16xi32>
      %xor3A_1113 = arith.constant 2 : i32
      %xor3A_1114 = vector.broadcast %xor3A_1113 : i32 to vector<16xi32>
      %xor3A_1115 = arith.xori %iota3A_1096, %xor3A_1114 : vector<16xi32>
      %broadcast_in_dim3A_1116 = vector.shape_cast %xor3A_1115 : vector<16xi32> to vector<16x1xi32>
      %gather3A_1117 = vector.shape_cast %broadcast_in_dim3A_1116 : vector<16x1xi32> to vector<16xi32>
      %gather3A_1118 = tpu.dynamic_gather %select_n3A_1111[%gather3A_1117] in [0] : vector<16xf32>, vector<16xi32> -> vector<16xf32>
      %broadcast_in_dim3A_1119 = vector.shape_cast %xor3A_1115 : vector<16xi32> to vector<16x1xi32>
      %gather3A_1120 = vector.shape_cast %broadcast_in_dim3A_1119 : vector<16x1xi32> to vector<16xi32>
      %gather3A_1121 = tpu.dynamic_gather %select_n3A_1112[%gather3A_1120] in [0] : vector<16xi32>, vector<16xi32> -> vector<16xi32>
      %gt3A_1122 = arith.cmpf ogt, %gather3A_1118, %select_n3A_1111 : vector<16xf32>
      %eq3A_1123 = arith.cmpf oeq, %gather3A_1118, %select_n3A_1111 : vector<16xf32>
      %lt3A_1124 = arith.cmpi slt, %gather3A_1121, %select_n3A_1112 : vector<16xi32>
      %and3A_1125 = arith.andi %eq3A_1123, %lt3A_1124 : vector<16xi1>
      %or3A_1126 = arith.ori %gt3A_1122, %and3A_1125 : vector<16xi1>
      %select_n3A_1127 = arith.select %or3A_1126, %gather3A_1118, %select_n3A_1111 : vector<16xi1>, vector<16xf32>
      %select_n3A_1128 = arith.select %or3A_1126, %gather3A_1121, %select_n3A_1112 : vector<16xi1>, vector<16xi32>
      %xor3A_1129 = arith.constant 4 : i32
      %xor3A_1130 = vector.broadcast %xor3A_1129 : i32 to vector<16xi32>
      %xor3A_1131 = arith.xori %iota3A_1096, %xor3A_1130 : vector<16xi32>
      %broadcast_in_dim3A_1132 = vector.shape_cast %xor3A_1131 : vector<16xi32> to vector<16x1xi32>
      %gather3A_1133 = vector.shape_cast %broadcast_in_dim3A_1132 : vector<16x1xi32> to vector<16xi32>
      %gather3A_1134 = tpu.dynamic_gather %select_n3A_1127[%gather3A_1133] in [0] : vector<16xf32>, vector<16xi32> -> vector<16xf32>
      %broadcast_in_dim3A_1135 = vector.shape_cast %xor3A_1131 : vector<16xi32> to vector<16x1xi32>
      %gather3A_1136 = vector.shape_cast %broadcast_in_dim3A_1135 : vector<16x1xi32> to vector<16xi32>
      %gather3A_1137 = tpu.dynamic_gather %select_n3A_1128[%gather3A_1136] in [0] : vector<16xi32>, vector<16xi32> -> vector<16xi32>
      %gt3A_1138 = arith.cmpf ogt, %gather3A_1134, %select_n3A_1127 : vector<16xf32>
      %eq3A_1139 = arith.cmpf oeq, %gather3A_1134, %select_n3A_1127 : vector<16xf32>
      %lt3A_1140 = arith.cmpi slt, %gather3A_1137, %select_n3A_1128 : vector<16xi32>
      %and3A_1141 = arith.andi %eq3A_1139, %lt3A_1140 : vector<16xi1>
      %or3A_1142 = arith.ori %gt3A_1138, %and3A_1141 : vector<16xi1>
      %select_n3A_1143 = arith.select %or3A_1142, %gather3A_1134, %select_n3A_1127 : vector<16xi1>, vector<16xf32>
      %select_n3A_1144 = arith.select %or3A_1142, %gather3A_1137, %select_n3A_1128 : vector<16xi1>, vector<16xi32>
      %xor3A_1145 = arith.constant 8 : i32
      %xor3A_1146 = vector.broadcast %xor3A_1145 : i32 to vector<16xi32>
      %xor3A_1147 = arith.xori %iota3A_1096, %xor3A_1146 : vector<16xi32>
      %broadcast_in_dim3A_1148 = vector.shape_cast %xor3A_1147 : vector<16xi32> to vector<16x1xi32>
      %gather3A_1149 = vector.shape_cast %broadcast_in_dim3A_1148 : vector<16x1xi32> to vector<16xi32>
      %gather3A_1150 = tpu.dynamic_gather %select_n3A_1143[%gather3A_1149] in [0] : vector<16xf32>, vector<16xi32> -> vector<16xf32>
      %broadcast_in_dim3A_1151 = vector.shape_cast %xor3A_1147 : vector<16xi32> to vector<16x1xi32>
      %gather3A_1152 = vector.shape_cast %broadcast_in_dim3A_1151 : vector<16x1xi32> to vector<16xi32>
      %gather3A_1153 = tpu.dynamic_gather %select_n3A_1144[%gather3A_1152] in [0] : vector<16xi32>, vector<16xi32> -> vector<16xi32>
      %gt3A_1154 = arith.cmpf ogt, %gather3A_1150, %select_n3A_1143 : vector<16xf32>
      %eq3A_1155 = arith.cmpf oeq, %gather3A_1150, %select_n3A_1143 : vector<16xf32>
      %lt3A_1156 = arith.cmpi slt, %gather3A_1153, %select_n3A_1144 : vector<16xi32>
      %and3A_1157 = arith.andi %eq3A_1155, %lt3A_1156 : vector<16xi1>
      %or3A_1158 = arith.ori %gt3A_1154, %and3A_1157 : vector<16xi1>
      %select_n3A_1159 = arith.select %or3A_1158, %gather3A_1150, %select_n3A_1143 : vector<16xi1>, vector<16xf32>
      %select_n3A_1160 = arith.select %or3A_1158, %gather3A_1153, %select_n3A_1144 : vector<16xi1>, vector<16xi32>
      %gather3A_1161 = tpu.vector_load_idx %arg11[%select_n3A_1160] : memref<256xi32, #tpu.memory_space<vmem>>[vector<16xi32>], vector<16xi32>,
      %jit3A_1162 = arith.constant 16 : i32
      %div3A_1163 = vector.broadcast %jit3A_1162 : i32 to vector<16xi32>
      %div3A_1164 = arith.divsi %select_n3A_1160, %div3A_1163 : vector<16xi32>
      %sign3A_1165 = arith.constant 0 : i32
      %sign3A_1166 = vector.broadcast %sign3A_1165 : i32 to vector<16xi32>
      %sign3A_1167 = arith.cmpi sgt, %select_n3A_1160, %sign3A_1166 : vector<16xi32>
      %sign3A_1168 = arith.extui %sign3A_1167 : vector<16xi1> to vector<16xi32>
      %sign3A_1169 = arith.constant 0 : i32
      %sign3A_1170 = vector.broadcast %sign3A_1169 : i32 to vector<16xi32>
      %sign3A_1171 = arith.cmpi slt, %select_n3A_1160, %sign3A_1170 : vector<16xi32>
      %sign3A_1172 = arith.extui %sign3A_1171 : vector<16xi1> to vector<16xi32>
      %sign3A_1173 = arith.subi %sign3A_1168, %sign3A_1172 : vector<16xi32>
      %sign3A_1174 = arith.constant 0 : i32
      %sign3A_1175 = arith.cmpi sgt, %jit3A_1162, %sign3A_1174 : i32
      %sign3A_1176 = arith.extui %sign3A_1175 : i1 to i32
      %sign3A_1177 = arith.constant 0 : i32
      %sign3A_1178 = arith.cmpi slt, %jit3A_1162, %sign3A_1177 : i32
      %sign3A_1179 = arith.extui %sign3A_1178 : i1 to i32
      %sign3A_1180 = arith.subi %sign3A_1176, %sign3A_1179 : i32
      %ne3A_1181 = vector.broadcast %sign3A_1180 : i32 to vector<16xi32>
      %ne3A_1182 = arith.cmpi ne, %sign3A_1173, %ne3A_1181 : vector<16xi32>
      %rem3A_1183 = vector.broadcast %jit3A_1162 : i32 to vector<16xi32>
      %rem3A_1184 = arith.remsi %select_n3A_1160, %rem3A_1183 : vector<16xi32>
      %ne3A_1185 = arith.constant 0 : i32
      %ne3A_1186 = vector.broadcast %ne3A_1185 : i32 to vector<16xi32>
      %ne3A_1187 = arith.cmpi ne, %rem3A_1184, %ne3A_1186 : vector<16xi32>
      %and3A_1188 = arith.andi %ne3A_1182, %ne3A_1187 : vector<16xi1>
      %sub3A_1189 = arith.constant 1 : i32
      %sub3A_1190 = vector.broadcast %sub3A_1189 : i32 to vector<16xi32>
      %sub3A_1191 = arith.subi %div3A_1164, %sub3A_1190 : vector<16xi32>
      %select_n3A_1192 = arith.select %and3A_1188, %sub3A_1191, %div3A_1164 : vector<16xi1>, vector<16xi32>
      %mul3A_1193 = arith.constant 6400 : i32
      %mul3A_1194 = vector.broadcast %mul3A_1193 : i32 to vector<16xi32>
      %mul3A_1195 = arith.muli %select_n3A_1192, %mul3A_1194 : vector<16xi32>
      %add3A_1196 = arith.addi %gather3A_1161, %mul3A_1195 : vector<16xi32>
      %eq3A_1197 = arith.constant 3 : i32
      %eq3A_1198 = vector.broadcast %eq3A_1197 : i32 to vector<16xi32>
      %eq3A_1199 = arith.cmpi eq, %iota3A, %eq3A_1198 : vector<16xi32>
      %select_n3A_1200 = arith.select %eq3A_1199, %select_n3A_1159, %select_n3A_957 : vector<16xi1>, vector<16xf32>
      %eq3A_1201 = arith.constant 3 : i32
      %eq3A_1202 = vector.broadcast %eq3A_1201 : i32 to vector<16xi32>
      %eq3A_1203 = arith.cmpi eq, %iota3A, %eq3A_1202 : vector<16xi32>
      %select_n3A_1204 = arith.select %eq3A_1203, %add3A_1196, %select_n3A_961 : vector<16xi1>, vector<16xi32>
      %broadcast_in_dim3A_1205 = arith.constant 0xFF800000 : f32
      %broadcast_in_dim3A_1206 = vector.broadcast %broadcast_in_dim3A_1205 : f32 to vector<16xf32>
      tpu.vector_store_idx %arg10[%select_n3A_1160], %broadcast_in_dim3A_1206 masked %eq3A_1 : memref<256xf32, #tpu.memory_space<vmem>>[vector<16xi32>], vector<16xf32>, vector<16xi1>
      %broadcast_in_dim3A_1207 = arith.constant 0xFF800000 : f32
      %broadcast_in_dim3A_1208 = vector.broadcast %broadcast_in_dim3A_1207 : f32 to vector<16xf32>
      %broadcast_in_dim3A_1209 = arith.constant 0 : i32
      %broadcast_in_dim3A_1210 = vector.broadcast %broadcast_in_dim3A_1209 : i32 to vector<16xi32>
      %get3A_1211 = arith.constant 0 : index
      %get3A_1212 = tpu.vector_load %arg10[%get3A_1211] {strides = array<i32>} : memref<256xf32, #tpu.memory_space<vmem>>, vector<16xf32>,
      %gt3A_1213 = arith.cmpf ogt, %get3A_1212, %broadcast_in_dim3A_1208 : vector<16xf32>
      %select_n3A_1214 = arith.select %gt3A_1213, %get3A_1212, %broadcast_in_dim3A_1208 : vector<16xi1>, vector<16xf32>
      %add3A_1215 = arith.constant 0 : i32
      %add3A_1216 = vector.broadcast %add3A_1215 : i32 to vector<16xi32>
      %add3A_1217 = arith.addi %iota3A, %add3A_1216 : vector<16xi32>
      %select_n3A_1218 = arith.select %gt3A_1213, %add3A_1217, %broadcast_in_dim3A_1210 : vector<16xi1>, vector<16xi32>
      %get3A_1219 = arith.constant 16 : index
      %get3A_1220 = tpu.vector_load %arg10[%get3A_1219] {strides = array<i32>} : memref<256xf32, #tpu.memory_space<vmem>>, vector<16xf32>,
      %gt3A_1221 = arith.cmpf ogt, %get3A_1220, %select_n3A_1214 : vector<16xf32>
      %select_n3A_1222 = arith.select %gt3A_1221, %get3A_1220, %select_n3A_1214 : vector<16xi1>, vector<16xf32>
      %add3A_1223 = arith.constant 16 : i32
      %add3A_1224 = vector.broadcast %add3A_1223 : i32 to vector<16xi32>
      %add3A_1225 = arith.addi %iota3A, %add3A_1224 : vector<16xi32>
      %select_n3A_1226 = arith.select %gt3A_1221, %add3A_1225, %select_n3A_1218 : vector<16xi1>, vector<16xi32>
      %get3A_1227 = arith.constant 32 : index
      %get3A_1228 = tpu.vector_load %arg10[%get3A_1227] {strides = array<i32>} : memref<256xf32, #tpu.memory_space<vmem>>, vector<16xf32>,
      %gt3A_1229 = arith.cmpf ogt, %get3A_1228, %select_n3A_1222 : vector<16xf32>
      %select_n3A_1230 = arith.select %gt3A_1229, %get3A_1228, %select_n3A_1222 : vector<16xi1>, vector<16xf32>
      %add3A_1231 = arith.constant 32 : i32
      %add3A_1232 = vector.broadcast %add3A_1231 : i32 to vector<16xi32>
      %add3A_1233 = arith.addi %iota3A, %add3A_1232 : vector<16xi32>
      %select_n3A_1234 = arith.select %gt3A_1229, %add3A_1233, %select_n3A_1226 : vector<16xi1>, vector<16xi32>
      %get3A_1235 = arith.constant 48 : index
      %get3A_1236 = tpu.vector_load %arg10[%get3A_1235] {strides = array<i32>} : memref<256xf32, #tpu.memory_space<vmem>>, vector<16xf32>,
      %gt3A_1237 = arith.cmpf ogt, %get3A_1236, %select_n3A_1230 : vector<16xf32>
      %select_n3A_1238 = arith.select %gt3A_1237, %get3A_1236, %select_n3A_1230 : vector<16xi1>, vector<16xf32>
      %add3A_1239 = arith.constant 48 : i32
      %add3A_1240 = vector.broadcast %add3A_1239 : i32 to vector<16xi32>
      %add3A_1241 = arith.addi %iota3A, %add3A_1240 : vector<16xi32>
      %select_n3A_1242 = arith.select %gt3A_1237, %add3A_1241, %select_n3A_1234 : vector<16xi1>, vector<16xi32>
      %get3A_1243 = arith.constant 64 : index
      %get3A_1244 = tpu.vector_load %arg10[%get3A_1243] {strides = array<i32>} : memref<256xf32, #tpu.memory_space<vmem>>, vector<16xf32>,
      %gt3A_1245 = arith.cmpf ogt, %get3A_1244, %select_n3A_1238 : vector<16xf32>
      %select_n3A_1246 = arith.select %gt3A_1245, %get3A_1244, %select_n3A_1238 : vector<16xi1>, vector<16xf32>
      %add3A_1247 = arith.constant 64 : i32
      %add3A_1248 = vector.broadcast %add3A_1247 : i32 to vector<16xi32>
      %add3A_1249 = arith.addi %iota3A, %add3A_1248 : vector<16xi32>
      %select_n3A_1250 = arith.select %gt3A_1245, %add3A_1249, %select_n3A_1242 : vector<16xi1>, vector<16xi32>
      %get3A_1251 = arith.constant 80 : index
      %get3A_1252 = tpu.vector_load %arg10[%get3A_1251] {strides = array<i32>} : memref<256xf32, #tpu.memory_space<vmem>>, vector<16xf32>,
      %gt3A_1253 = arith.cmpf ogt, %get3A_1252, %select_n3A_1246 : vector<16xf32>
      %select_n3A_1254 = arith.select %gt3A_1253, %get3A_1252, %select_n3A_1246 : vector<16xi1>, vector<16xf32>
      %add3A_1255 = arith.constant 80 : i32
      %add3A_1256 = vector.broadcast %add3A_1255 : i32 to vector<16xi32>
      %add3A_1257 = arith.addi %iota3A, %add3A_1256 : vector<16xi32>
      %select_n3A_1258 = arith.select %gt3A_1253, %add3A_1257, %select_n3A_1250 : vector<16xi1>, vector<16xi32>
      %get3A_1259 = arith.constant 96 : index
      %get3A_1260 = tpu.vector_load %arg10[%get3A_1259] {strides = array<i32>} : memref<256xf32, #tpu.memory_space<vmem>>, vector<16xf32>,
      %gt3A_1261 = arith.cmpf ogt, %get3A_1260, %select_n3A_1254 : vector<16xf32>
      %select_n3A_1262 = arith.select %gt3A_1261, %get3A_1260, %select_n3A_1254 : vector<16xi1>, vector<16xf32>
      %add3A_1263 = arith.constant 96 : i32
      %add3A_1264 = vector.broadcast %add3A_1263 : i32 to vector<16xi32>
      %add3A_1265 = arith.addi %iota3A, %add3A_1264 : vector<16xi32>
      %select_n3A_1266 = arith.select %gt3A_1261, %add3A_1265, %select_n3A_1258 : vector<16xi1>, vector<16xi32>
      %get3A_1267 = arith.constant 112 : index
      %get3A_1268 = tpu.vector_load %arg10[%get3A_1267] {strides = array<i32>} : memref<256xf32, #tpu.memory_space<vmem>>, vector<16xf32>,
      %gt3A_1269 = arith.cmpf ogt, %get3A_1268, %select_n3A_1262 : vector<16xf32>
      %select_n3A_1270 = arith.select %gt3A_1269, %get3A_1268, %select_n3A_1262 : vector<16xi1>, vector<16xf32>
      %add3A_1271 = arith.constant 112 : i32
      %add3A_1272 = vector.broadcast %add3A_1271 : i32 to vector<16xi32>
      %add3A_1273 = arith.addi %iota3A, %add3A_1272 : vector<16xi32>
      %select_n3A_1274 = arith.select %gt3A_1269, %add3A_1273, %select_n3A_1266 : vector<16xi1>, vector<16xi32>
      %get3A_1275 = arith.constant 128 : index
      %get3A_1276 = tpu.vector_load %arg10[%get3A_1275] {strides = array<i32>} : memref<256xf32, #tpu.memory_space<vmem>>, vector<16xf32>,
      %gt3A_1277 = arith.cmpf ogt, %get3A_1276, %select_n3A_1270 : vector<16xf32>
      %select_n3A_1278 = arith.select %gt3A_1277, %get3A_1276, %select_n3A_1270 : vector<16xi1>, vector<16xf32>
      %add3A_1279 = arith.constant 128 : i32
      %add3A_1280 = vector.broadcast %add3A_1279 : i32 to vector<16xi32>
      %add3A_1281 = arith.addi %iota3A, %add3A_1280 : vector<16xi32>
      %select_n3A_1282 = arith.select %gt3A_1277, %add3A_1281, %select_n3A_1274 : vector<16xi1>, vector<16xi32>
      %get3A_1283 = arith.constant 144 : index
      %get3A_1284 = tpu.vector_load %arg10[%get3A_1283] {strides = array<i32>} : memref<256xf32, #tpu.memory_space<vmem>>, vector<16xf32>,
      %gt3A_1285 = arith.cmpf ogt, %get3A_1284, %select_n3A_1278 : vector<16xf32>
      %select_n3A_1286 = arith.select %gt3A_1285, %get3A_1284, %select_n3A_1278 : vector<16xi1>, vector<16xf32>
      %add3A_1287 = arith.constant 144 : i32
      %add3A_1288 = vector.broadcast %add3A_1287 : i32 to vector<16xi32>
      %add3A_1289 = arith.addi %iota3A, %add3A_1288 : vector<16xi32>
      %select_n3A_1290 = arith.select %gt3A_1285, %add3A_1289, %select_n3A_1282 : vector<16xi1>, vector<16xi32>
      %get3A_1291 = arith.constant 160 : index
      %get3A_1292 = tpu.vector_load %arg10[%get3A_1291] {strides = array<i32>} : memref<256xf32, #tpu.memory_space<vmem>>, vector<16xf32>,
      %gt3A_1293 = arith.cmpf ogt, %get3A_1292, %select_n3A_1286 : vector<16xf32>
      %select_n3A_1294 = arith.select %gt3A_1293, %get3A_1292, %select_n3A_1286 : vector<16xi1>, vector<16xf32>
      %add3A_1295 = arith.constant 160 : i32
      %add3A_1296 = vector.broadcast %add3A_1295 : i32 to vector<16xi32>
      %add3A_1297 = arith.addi %iota3A, %add3A_1296 : vector<16xi32>
      %select_n3A_1298 = arith.select %gt3A_1293, %add3A_1297, %select_n3A_1290 : vector<16xi1>, vector<16xi32>
      %get3A_1299 = arith.constant 176 : index
      %get3A_1300 = tpu.vector_load %arg10[%get3A_1299] {strides = array<i32>} : memref<256xf32, #tpu.memory_space<vmem>>, vector<16xf32>,
      %gt3A_1301 = arith.cmpf ogt, %get3A_1300, %select_n3A_1294 : vector<16xf32>
      %select_n3A_1302 = arith.select %gt3A_1301, %get3A_1300, %select_n3A_1294 : vector<16xi1>, vector<16xf32>
      %add3A_1303 = arith.constant 176 : i32
      %add3A_1304 = vector.broadcast %add3A_1303 : i32 to vector<16xi32>
      %add3A_1305 = arith.addi %iota3A, %add3A_1304 : vector<16xi32>
      %select_n3A_1306 = arith.select %gt3A_1301, %add3A_1305, %select_n3A_1298 : vector<16xi1>, vector<16xi32>
      %get3A_1307 = arith.constant 192 : index
      %get3A_1308 = tpu.vector_load %arg10[%get3A_1307] {strides = array<i32>} : memref<256xf32, #tpu.memory_space<vmem>>, vector<16xf32>,
      %gt3A_1309 = arith.cmpf ogt, %get3A_1308, %select_n3A_1302 : vector<16xf32>
      %select_n3A_1310 = arith.select %gt3A_1309, %get3A_1308, %select_n3A_1302 : vector<16xi1>, vector<16xf32>
      %add3A_1311 = arith.constant 192 : i32
      %add3A_1312 = vector.broadcast %add3A_1311 : i32 to vector<16xi32>
      %add3A_1313 = arith.addi %iota3A, %add3A_1312 : vector<16xi32>
      %select_n3A_1314 = arith.select %gt3A_1309, %add3A_1313, %select_n3A_1306 : vector<16xi1>, vector<16xi32>
      %get3A_1315 = arith.constant 208 : index
      %get3A_1316 = tpu.vector_load %arg10[%get3A_1315] {strides = array<i32>} : memref<256xf32, #tpu.memory_space<vmem>>, vector<16xf32>,
      %gt3A_1317 = arith.cmpf ogt, %get3A_1316, %select_n3A_1310 : vector<16xf32>
      %select_n3A_1318 = arith.select %gt3A_1317, %get3A_1316, %select_n3A_1310 : vector<16xi1>, vector<16xf32>
      %add3A_1319 = arith.constant 208 : i32
      %add3A_1320 = vector.broadcast %add3A_1319 : i32 to vector<16xi32>
      %add3A_1321 = arith.addi %iota3A, %add3A_1320 : vector<16xi32>
      %select_n3A_1322 = arith.select %gt3A_1317, %add3A_1321, %select_n3A_1314 : vector<16xi1>, vector<16xi32>
      %get3A_1323 = arith.constant 224 : index
      %get3A_1324 = tpu.vector_load %arg10[%get3A_1323] {strides = array<i32>} : memref<256xf32, #tpu.memory_space<vmem>>, vector<16xf32>,
      %gt3A_1325 = arith.cmpf ogt, %get3A_1324, %select_n3A_1318 : vector<16xf32>
      %select_n3A_1326 = arith.select %gt3A_1325, %get3A_1324, %select_n3A_1318 : vector<16xi1>, vector<16xf32>
      %add3A_1327 = arith.constant 224 : i32
      %add3A_1328 = vector.broadcast %add3A_1327 : i32 to vector<16xi32>
      %add3A_1329 = arith.addi %iota3A, %add3A_1328 : vector<16xi32>
      %select_n3A_1330 = arith.select %gt3A_1325, %add3A_1329, %select_n3A_1322 : vector<16xi1>, vector<16xi32>
      %get3A_1331 = arith.constant 240 : index
      %get3A_1332 = tpu.vector_load %arg10[%get3A_1331] {strides = array<i32>} : memref<256xf32, #tpu.memory_space<vmem>>, vector<16xf32>,
      %gt3A_1333 = arith.cmpf ogt, %get3A_1332, %select_n3A_1326 : vector<16xf32>
      %select_n3A_1334 = arith.select %gt3A_1333, %get3A_1332, %select_n3A_1326 : vector<16xi1>, vector<16xf32>
      %add3A_1335 = arith.constant 240 : i32
      %add3A_1336 = vector.broadcast %add3A_1335 : i32 to vector<16xi32>
      %add3A_1337 = arith.addi %iota3A, %add3A_1336 : vector<16xi32>
      %select_n3A_1338 = arith.select %gt3A_1333, %add3A_1337, %select_n3A_1330 : vector<16xi1>, vector<16xi32>
      %iota3A_1339 = tpu.iota {dimensions = array<i32: 0>} : vector<16xi32>
      %xor3A_1340 = arith.constant 1 : i32
      %xor3A_1341 = vector.broadcast %xor3A_1340 : i32 to vector<16xi32>
      %xor3A_1342 = arith.xori %iota3A_1339, %xor3A_1341 : vector<16xi32>
      %broadcast_in_dim3A_1343 = vector.shape_cast %xor3A_1342 : vector<16xi32> to vector<16x1xi32>
      %gather3A_1344 = vector.shape_cast %broadcast_in_dim3A_1343 : vector<16x1xi32> to vector<16xi32>
      %gather3A_1345 = tpu.dynamic_gather %select_n3A_1334[%gather3A_1344] in [0] : vector<16xf32>, vector<16xi32> -> vector<16xf32>
      %broadcast_in_dim3A_1346 = vector.shape_cast %xor3A_1342 : vector<16xi32> to vector<16x1xi32>
      %gather3A_1347 = vector.shape_cast %broadcast_in_dim3A_1346 : vector<16x1xi32> to vector<16xi32>
      %gather3A_1348 = tpu.dynamic_gather %select_n3A_1338[%gather3A_1347] in [0] : vector<16xi32>, vector<16xi32> -> vector<16xi32>
      %gt3A_1349 = arith.cmpf ogt, %gather3A_1345, %select_n3A_1334 : vector<16xf32>
      %eq3A_1350 = arith.cmpf oeq, %gather3A_1345, %select_n3A_1334 : vector<16xf32>
      %lt3A_1351 = arith.cmpi slt, %gather3A_1348, %select_n3A_1338 : vector<16xi32>
      %and3A_1352 = arith.andi %eq3A_1350, %lt3A_1351 : vector<16xi1>
      %or3A_1353 = arith.ori %gt3A_1349, %and3A_1352 : vector<16xi1>
      %select_n3A_1354 = arith.select %or3A_1353, %gather3A_1345, %select_n3A_1334 : vector<16xi1>, vector<16xf32>
      %select_n3A_1355 = arith.select %or3A_1353, %gather3A_1348, %select_n3A_1338 : vector<16xi1>, vector<16xi32>
      %xor3A_1356 = arith.constant 2 : i32
      %xor3A_1357 = vector.broadcast %xor3A_1356 : i32 to vector<16xi32>
      %xor3A_1358 = arith.xori %iota3A_1339, %xor3A_1357 : vector<16xi32>
      %broadcast_in_dim3A_1359 = vector.shape_cast %xor3A_1358 : vector<16xi32> to vector<16x1xi32>
      %gather3A_1360 = vector.shape_cast %broadcast_in_dim3A_1359 : vector<16x1xi32> to vector<16xi32>
      %gather3A_1361 = tpu.dynamic_gather %select_n3A_1354[%gather3A_1360] in [0] : vector<16xf32>, vector<16xi32> -> vector<16xf32>
      %broadcast_in_dim3A_1362 = vector.shape_cast %xor3A_1358 : vector<16xi32> to vector<16x1xi32>
      %gather3A_1363 = vector.shape_cast %broadcast_in_dim3A_1362 : vector<16x1xi32> to vector<16xi32>
      %gather3A_1364 = tpu.dynamic_gather %select_n3A_1355[%gather3A_1363] in [0] : vector<16xi32>, vector<16xi32> -> vector<16xi32>
      %gt3A_1365 = arith.cmpf ogt, %gather3A_1361, %select_n3A_1354 : vector<16xf32>
      %eq3A_1366 = arith.cmpf oeq, %gather3A_1361, %select_n3A_1354 : vector<16xf32>
      %lt3A_1367 = arith.cmpi slt, %gather3A_1364, %select_n3A_1355 : vector<16xi32>
      %and3A_1368 = arith.andi %eq3A_1366, %lt3A_1367 : vector<16xi1>
      %or3A_1369 = arith.ori %gt3A_1365, %and3A_1368 : vector<16xi1>
      %select_n3A_1370 = arith.select %or3A_1369, %gather3A_1361, %select_n3A_1354 : vector<16xi1>, vector<16xf32>
      %select_n3A_1371 = arith.select %or3A_1369, %gather3A_1364, %select_n3A_1355 : vector<16xi1>, vector<16xi32>
      %xor3A_1372 = arith.constant 4 : i32
      %xor3A_1373 = vector.broadcast %xor3A_1372 : i32 to vector<16xi32>
      %xor3A_1374 = arith.xori %iota3A_1339, %xor3A_1373 : vector<16xi32>
      %broadcast_in_dim3A_1375 = vector.shape_cast %xor3A_1374 : vector<16xi32> to vector<16x1xi32>
      %gather3A_1376 = vector.shape_cast %broadcast_in_dim3A_1375 : vector<16x1xi32> to vector<16xi32>
      %gather3A_1377 = tpu.dynamic_gather %select_n3A_1370[%gather3A_1376] in [0] : vector<16xf32>, vector<16xi32> -> vector<16xf32>
      %broadcast_in_dim3A_1378 = vector.shape_cast %xor3A_1374 : vector<16xi32> to vector<16x1xi32>
      %gather3A_1379 = vector.shape_cast %broadcast_in_dim3A_1378 : vector<16x1xi32> to vector<16xi32>
      %gather3A_1380 = tpu.dynamic_gather %select_n3A_1371[%gather3A_1379] in [0] : vector<16xi32>, vector<16xi32> -> vector<16xi32>
      %gt3A_1381 = arith.cmpf ogt, %gather3A_1377, %select_n3A_1370 : vector<16xf32>
      %eq3A_1382 = arith.cmpf oeq, %gather3A_1377, %select_n3A_1370 : vector<16xf32>
      %lt3A_1383 = arith.cmpi slt, %gather3A_1380, %select_n3A_1371 : vector<16xi32>
      %and3A_1384 = arith.andi %eq3A_1382, %lt3A_1383 : vector<16xi1>
      %or3A_1385 = arith.ori %gt3A_1381, %and3A_1384 : vector<16xi1>
      %select_n3A_1386 = arith.select %or3A_1385, %gather3A_1377, %select_n3A_1370 : vector<16xi1>, vector<16xf32>
      %select_n3A_1387 = arith.select %or3A_1385, %gather3A_1380, %select_n3A_1371 : vector<16xi1>, vector<16xi32>
      %xor3A_1388 = arith.constant 8 : i32
      %xor3A_1389 = vector.broadcast %xor3A_1388 : i32 to vector<16xi32>
      %xor3A_1390 = arith.xori %iota3A_1339, %xor3A_1389 : vector<16xi32>
      %broadcast_in_dim3A_1391 = vector.shape_cast %xor3A_1390 : vector<16xi32> to vector<16x1xi32>
      %gather3A_1392 = vector.shape_cast %broadcast_in_dim3A_1391 : vector<16x1xi32> to vector<16xi32>
      %gather3A_1393 = tpu.dynamic_gather %select_n3A_1386[%gather3A_1392] in [0] : vector<16xf32>, vector<16xi32> -> vector<16xf32>
      %broadcast_in_dim3A_1394 = vector.shape_cast %xor3A_1390 : vector<16xi32> to vector<16x1xi32>
      %gather3A_1395 = vector.shape_cast %broadcast_in_dim3A_1394 : vector<16x1xi32> to vector<16xi32>
      %gather3A_1396 = tpu.dynamic_gather %select_n3A_1387[%gather3A_1395] in [0] : vector<16xi32>, vector<16xi32> -> vector<16xi32>
      %gt3A_1397 = arith.cmpf ogt, %gather3A_1393, %select_n3A_1386 : vector<16xf32>
      %eq3A_1398 = arith.cmpf oeq, %gather3A_1393, %select_n3A_1386 : vector<16xf32>
      %lt3A_1399 = arith.cmpi slt, %gather3A_1396, %select_n3A_1387 : vector<16xi32>
      %and3A_1400 = arith.andi %eq3A_1398, %lt3A_1399 : vector<16xi1>
      %or3A_1401 = arith.ori %gt3A_1397, %and3A_1400 : vector<16xi1>
      %select_n3A_1402 = arith.select %or3A_1401, %gather3A_1393, %select_n3A_1386 : vector<16xi1>, vector<16xf32>
      %select_n3A_1403 = arith.select %or3A_1401, %gather3A_1396, %select_n3A_1387 : vector<16xi1>, vector<16xi32>
      %gather3A_1404 = tpu.vector_load_idx %arg11[%select_n3A_1403] : memref<256xi32, #tpu.memory_space<vmem>>[vector<16xi32>], vector<16xi32>,
      %jit3A_1405 = arith.constant 16 : i32
      %div3A_1406 = vector.broadcast %jit3A_1405 : i32 to vector<16xi32>
      %div3A_1407 = arith.divsi %select_n3A_1403, %div3A_1406 : vector<16xi32>
      %sign3A_1408 = arith.constant 0 : i32
      %sign3A_1409 = vector.broadcast %sign3A_1408 : i32 to vector<16xi32>
      %sign3A_1410 = arith.cmpi sgt, %select_n3A_1403, %sign3A_1409 : vector<16xi32>
      %sign3A_1411 = arith.extui %sign3A_1410 : vector<16xi1> to vector<16xi32>
      %sign3A_1412 = arith.constant 0 : i32
      %sign3A_1413 = vector.broadcast %sign3A_1412 : i32 to vector<16xi32>
      %sign3A_1414 = arith.cmpi slt, %select_n3A_1403, %sign3A_1413 : vector<16xi32>
      %sign3A_1415 = arith.extui %sign3A_1414 : vector<16xi1> to vector<16xi32>
      %sign3A_1416 = arith.subi %sign3A_1411, %sign3A_1415 : vector<16xi32>
      %sign3A_1417 = arith.constant 0 : i32
      %sign3A_1418 = arith.cmpi sgt, %jit3A_1405, %sign3A_1417 : i32
      %sign3A_1419 = arith.extui %sign3A_1418 : i1 to i32
      %sign3A_1420 = arith.constant 0 : i32
      %sign3A_1421 = arith.cmpi slt, %jit3A_1405, %sign3A_1420 : i32
      %sign3A_1422 = arith.extui %sign3A_1421 : i1 to i32
      %sign3A_1423 = arith.subi %sign3A_1419, %sign3A_1422 : i32
      %ne3A_1424 = vector.broadcast %sign3A_1423 : i32 to vector<16xi32>
      %ne3A_1425 = arith.cmpi ne, %sign3A_1416, %ne3A_1424 : vector<16xi32>
      %rem3A_1426 = vector.broadcast %jit3A_1405 : i32 to vector<16xi32>
      %rem3A_1427 = arith.remsi %select_n3A_1403, %rem3A_1426 : vector<16xi32>
      %ne3A_1428 = arith.constant 0 : i32
      %ne3A_1429 = vector.broadcast %ne3A_1428 : i32 to vector<16xi32>
      %ne3A_1430 = arith.cmpi ne, %rem3A_1427, %ne3A_1429 : vector<16xi32>
      %and3A_1431 = arith.andi %ne3A_1425, %ne3A_1430 : vector<16xi1>
      %sub3A_1432 = arith.constant 1 : i32
      %sub3A_1433 = vector.broadcast %sub3A_1432 : i32 to vector<16xi32>
      %sub3A_1434 = arith.subi %div3A_1407, %sub3A_1433 : vector<16xi32>
      %select_n3A_1435 = arith.select %and3A_1431, %sub3A_1434, %div3A_1407 : vector<16xi1>, vector<16xi32>
      %mul3A_1436 = arith.constant 6400 : i32
      %mul3A_1437 = vector.broadcast %mul3A_1436 : i32 to vector<16xi32>
      %mul3A_1438 = arith.muli %select_n3A_1435, %mul3A_1437 : vector<16xi32>
      %add3A_1439 = arith.addi %gather3A_1404, %mul3A_1438 : vector<16xi32>
      %eq3A_1440 = arith.constant 4 : i32
      %eq3A_1441 = vector.broadcast %eq3A_1440 : i32 to vector<16xi32>
      %eq3A_1442 = arith.cmpi eq, %iota3A, %eq3A_1441 : vector<16xi32>
      %select_n3A_1443 = arith.select %eq3A_1442, %select_n3A_1402, %select_n3A_1200 : vector<16xi1>, vector<16xf32>
      %eq3A_1444 = arith.constant 4 : i32
      %eq3A_1445 = vector.broadcast %eq3A_1444 : i32 to vector<16xi32>
      %eq3A_1446 = arith.cmpi eq, %iota3A, %eq3A_1445 : vector<16xi32>
      %select_n3A_1447 = arith.select %eq3A_1446, %add3A_1439, %select_n3A_1204 : vector<16xi1>, vector<16xi32>
      %broadcast_in_dim3A_1448 = arith.constant 0xFF800000 : f32
      %broadcast_in_dim3A_1449 = vector.broadcast %broadcast_in_dim3A_1448 : f32 to vector<16xf32>
      tpu.vector_store_idx %arg10[%select_n3A_1403], %broadcast_in_dim3A_1449 masked %eq3A_1 : memref<256xf32, #tpu.memory_space<vmem>>[vector<16xi32>], vector<16xf32>, vector<16xi1>
      %broadcast_in_dim3A_1450 = arith.constant 0xFF800000 : f32
      %broadcast_in_dim3A_1451 = vector.broadcast %broadcast_in_dim3A_1450 : f32 to vector<16xf32>
      %broadcast_in_dim3A_1452 = arith.constant 0 : i32
      %broadcast_in_dim3A_1453 = vector.broadcast %broadcast_in_dim3A_1452 : i32 to vector<16xi32>
      %get3A_1454 = arith.constant 0 : index
      %get3A_1455 = tpu.vector_load %arg10[%get3A_1454] {strides = array<i32>} : memref<256xf32, #tpu.memory_space<vmem>>, vector<16xf32>,
      %gt3A_1456 = arith.cmpf ogt, %get3A_1455, %broadcast_in_dim3A_1451 : vector<16xf32>
      %select_n3A_1457 = arith.select %gt3A_1456, %get3A_1455, %broadcast_in_dim3A_1451 : vector<16xi1>, vector<16xf32>
      %add3A_1458 = arith.constant 0 : i32
      %add3A_1459 = vector.broadcast %add3A_1458 : i32 to vector<16xi32>
      %add3A_1460 = arith.addi %iota3A, %add3A_1459 : vector<16xi32>
      %select_n3A_1461 = arith.select %gt3A_1456, %add3A_1460, %broadcast_in_dim3A_1453 : vector<16xi1>, vector<16xi32>
      %get3A_1462 = arith.constant 16 : index
      %get3A_1463 = tpu.vector_load %arg10[%get3A_1462] {strides = array<i32>} : memref<256xf32, #tpu.memory_space<vmem>>, vector<16xf32>,
      %gt3A_1464 = arith.cmpf ogt, %get3A_1463, %select_n3A_1457 : vector<16xf32>
      %select_n3A_1465 = arith.select %gt3A_1464, %get3A_1463, %select_n3A_1457 : vector<16xi1>, vector<16xf32>
      %add3A_1466 = arith.constant 16 : i32
      %add3A_1467 = vector.broadcast %add3A_1466 : i32 to vector<16xi32>
      %add3A_1468 = arith.addi %iota3A, %add3A_1467 : vector<16xi32>
      %select_n3A_1469 = arith.select %gt3A_1464, %add3A_1468, %select_n3A_1461 : vector<16xi1>, vector<16xi32>
      %get3A_1470 = arith.constant 32 : index
      %get3A_1471 = tpu.vector_load %arg10[%get3A_1470] {strides = array<i32>} : memref<256xf32, #tpu.memory_space<vmem>>, vector<16xf32>,
      %gt3A_1472 = arith.cmpf ogt, %get3A_1471, %select_n3A_1465 : vector<16xf32>
      %select_n3A_1473 = arith.select %gt3A_1472, %get3A_1471, %select_n3A_1465 : vector<16xi1>, vector<16xf32>
      %add3A_1474 = arith.constant 32 : i32
      %add3A_1475 = vector.broadcast %add3A_1474 : i32 to vector<16xi32>
      %add3A_1476 = arith.addi %iota3A, %add3A_1475 : vector<16xi32>
      %select_n3A_1477 = arith.select %gt3A_1472, %add3A_1476, %select_n3A_1469 : vector<16xi1>, vector<16xi32>
      %get3A_1478 = arith.constant 48 : index
      %get3A_1479 = tpu.vector_load %arg10[%get3A_1478] {strides = array<i32>} : memref<256xf32, #tpu.memory_space<vmem>>, vector<16xf32>,
      %gt3A_1480 = arith.cmpf ogt, %get3A_1479, %select_n3A_1473 : vector<16xf32>
      %select_n3A_1481 = arith.select %gt3A_1480, %get3A_1479, %select_n3A_1473 : vector<16xi1>, vector<16xf32>
      %add3A_1482 = arith.constant 48 : i32
      %add3A_1483 = vector.broadcast %add3A_1482 : i32 to vector<16xi32>
      %add3A_1484 = arith.addi %iota3A, %add3A_1483 : vector<16xi32>
      %select_n3A_1485 = arith.select %gt3A_1480, %add3A_1484, %select_n3A_1477 : vector<16xi1>, vector<16xi32>
      %get3A_1486 = arith.constant 64 : index
      %get3A_1487 = tpu.vector_load %arg10[%get3A_1486] {strides = array<i32>} : memref<256xf32, #tpu.memory_space<vmem>>, vector<16xf32>,
      %gt3A_1488 = arith.cmpf ogt, %get3A_1487, %select_n3A_1481 : vector<16xf32>
      %select_n3A_1489 = arith.select %gt3A_1488, %get3A_1487, %select_n3A_1481 : vector<16xi1>, vector<16xf32>
      %add3A_1490 = arith.constant 64 : i32
      %add3A_1491 = vector.broadcast %add3A_1490 : i32 to vector<16xi32>
      %add3A_1492 = arith.addi %iota3A, %add3A_1491 : vector<16xi32>
      %select_n3A_1493 = arith.select %gt3A_1488, %add3A_1492, %select_n3A_1485 : vector<16xi1>, vector<16xi32>
      %get3A_1494 = arith.constant 80 : index
      %get3A_1495 = tpu.vector_load %arg10[%get3A_1494] {strides = array<i32>} : memref<256xf32, #tpu.memory_space<vmem>>, vector<16xf32>,
      %gt3A_1496 = arith.cmpf ogt, %get3A_1495, %select_n3A_1489 : vector<16xf32>
      %select_n3A_1497 = arith.select %gt3A_1496, %get3A_1495, %select_n3A_1489 : vector<16xi1>, vector<16xf32>
      %add3A_1498 = arith.constant 80 : i32
      %add3A_1499 = vector.broadcast %add3A_1498 : i32 to vector<16xi32>
      %add3A_1500 = arith.addi %iota3A, %add3A_1499 : vector<16xi32>
      %select_n3A_1501 = arith.select %gt3A_1496, %add3A_1500, %select_n3A_1493 : vector<16xi1>, vector<16xi32>
      %get3A_1502 = arith.constant 96 : index
      %get3A_1503 = tpu.vector_load %arg10[%get3A_1502] {strides = array<i32>} : memref<256xf32, #tpu.memory_space<vmem>>, vector<16xf32>,
      %gt3A_1504 = arith.cmpf ogt, %get3A_1503, %select_n3A_1497 : vector<16xf32>
      %select_n3A_1505 = arith.select %gt3A_1504, %get3A_1503, %select_n3A_1497 : vector<16xi1>, vector<16xf32>
      %add3A_1506 = arith.constant 96 : i32
      %add3A_1507 = vector.broadcast %add3A_1506 : i32 to vector<16xi32>
      %add3A_1508 = arith.addi %iota3A, %add3A_1507 : vector<16xi32>
      %select_n3A_1509 = arith.select %gt3A_1504, %add3A_1508, %select_n3A_1501 : vector<16xi1>, vector<16xi32>
      %get3A_1510 = arith.constant 112 : index
      %get3A_1511 = tpu.vector_load %arg10[%get3A_1510] {strides = array<i32>} : memref<256xf32, #tpu.memory_space<vmem>>, vector<16xf32>,
      %gt3A_1512 = arith.cmpf ogt, %get3A_1511, %select_n3A_1505 : vector<16xf32>
      %select_n3A_1513 = arith.select %gt3A_1512, %get3A_1511, %select_n3A_1505 : vector<16xi1>, vector<16xf32>
      %add3A_1514 = arith.constant 112 : i32
      %add3A_1515 = vector.broadcast %add3A_1514 : i32 to vector<16xi32>
      %add3A_1516 = arith.addi %iota3A, %add3A_1515 : vector<16xi32>
      %select_n3A_1517 = arith.select %gt3A_1512, %add3A_1516, %select_n3A_1509 : vector<16xi1>, vector<16xi32>
      %get3A_1518 = arith.constant 128 : index
      %get3A_1519 = tpu.vector_load %arg10[%get3A_1518] {strides = array<i32>} : memref<256xf32, #tpu.memory_space<vmem>>, vector<16xf32>,
      %gt3A_1520 = arith.cmpf ogt, %get3A_1519, %select_n3A_1513 : vector<16xf32>
      %select_n3A_1521 = arith.select %gt3A_1520, %get3A_1519, %select_n3A_1513 : vector<16xi1>, vector<16xf32>
      %add3A_1522 = arith.constant 128 : i32
      %add3A_1523 = vector.broadcast %add3A_1522 : i32 to vector<16xi32>
      %add3A_1524 = arith.addi %iota3A, %add3A_1523 : vector<16xi32>
      %select_n3A_1525 = arith.select %gt3A_1520, %add3A_1524, %select_n3A_1517 : vector<16xi1>, vector<16xi32>
      %get3A_1526 = arith.constant 144 : index
      %get3A_1527 = tpu.vector_load %arg10[%get3A_1526] {strides = array<i32>} : memref<256xf32, #tpu.memory_space<vmem>>, vector<16xf32>,
      %gt3A_1528 = arith.cmpf ogt, %get3A_1527, %select_n3A_1521 : vector<16xf32>
      %select_n3A_1529 = arith.select %gt3A_1528, %get3A_1527, %select_n3A_1521 : vector<16xi1>, vector<16xf32>
      %add3A_1530 = arith.constant 144 : i32
      %add3A_1531 = vector.broadcast %add3A_1530 : i32 to vector<16xi32>
      %add3A_1532 = arith.addi %iota3A, %add3A_1531 : vector<16xi32>
      %select_n3A_1533 = arith.select %gt3A_1528, %add3A_1532, %select_n3A_1525 : vector<16xi1>, vector<16xi32>
      %get3A_1534 = arith.constant 160 : index
      %get3A_1535 = tpu.vector_load %arg10[%get3A_1534] {strides = array<i32>} : memref<256xf32, #tpu.memory_space<vmem>>, vector<16xf32>,
      %gt3A_1536 = arith.cmpf ogt, %get3A_1535, %select_n3A_1529 : vector<16xf32>
      %select_n3A_1537 = arith.select %gt3A_1536, %get3A_1535, %select_n3A_1529 : vector<16xi1>, vector<16xf32>
      %add3A_1538 = arith.constant 160 : i32
      %add3A_1539 = vector.broadcast %add3A_1538 : i32 to vector<16xi32>
      %add3A_1540 = arith.addi %iota3A, %add3A_1539 : vector<16xi32>
      %select_n3A_1541 = arith.select %gt3A_1536, %add3A_1540, %select_n3A_1533 : vector<16xi1>, vector<16xi32>
      %get3A_1542 = arith.constant 176 : index
      %get3A_1543 = tpu.vector_load %arg10[%get3A_1542] {strides = array<i32>} : memref<256xf32, #tpu.memory_space<vmem>>, vector<16xf32>,
      %gt3A_1544 = arith.cmpf ogt, %get3A_1543, %select_n3A_1537 : vector<16xf32>
      %select_n3A_1545 = arith.select %gt3A_1544, %get3A_1543, %select_n3A_1537 : vector<16xi1>, vector<16xf32>
      %add3A_1546 = arith.constant 176 : i32
      %add3A_1547 = vector.broadcast %add3A_1546 : i32 to vector<16xi32>
      %add3A_1548 = arith.addi %iota3A, %add3A_1547 : vector<16xi32>
      %select_n3A_1549 = arith.select %gt3A_1544, %add3A_1548, %select_n3A_1541 : vector<16xi1>, vector<16xi32>
      %get3A_1550 = arith.constant 192 : index
      %get3A_1551 = tpu.vector_load %arg10[%get3A_1550] {strides = array<i32>} : memref<256xf32, #tpu.memory_space<vmem>>, vector<16xf32>,
      %gt3A_1552 = arith.cmpf ogt, %get3A_1551, %select_n3A_1545 : vector<16xf32>
      %select_n3A_1553 = arith.select %gt3A_1552, %get3A_1551, %select_n3A_1545 : vector<16xi1>, vector<16xf32>
      %add3A_1554 = arith.constant 192 : i32
      %add3A_1555 = vector.broadcast %add3A_1554 : i32 to vector<16xi32>
      %add3A_1556 = arith.addi %iota3A, %add3A_1555 : vector<16xi32>
      %select_n3A_1557 = arith.select %gt3A_1552, %add3A_1556, %select_n3A_1549 : vector<16xi1>, vector<16xi32>
      %get3A_1558 = arith.constant 208 : index
      %get3A_1559 = tpu.vector_load %arg10[%get3A_1558] {strides = array<i32>} : memref<256xf32, #tpu.memory_space<vmem>>, vector<16xf32>,
      %gt3A_1560 = arith.cmpf ogt, %get3A_1559, %select_n3A_1553 : vector<16xf32>
      %select_n3A_1561 = arith.select %gt3A_1560, %get3A_1559, %select_n3A_1553 : vector<16xi1>, vector<16xf32>
      %add3A_1562 = arith.constant 208 : i32
      %add3A_1563 = vector.broadcast %add3A_1562 : i32 to vector<16xi32>
      %add3A_1564 = arith.addi %iota3A, %add3A_1563 : vector<16xi32>
      %select_n3A_1565 = arith.select %gt3A_1560, %add3A_1564, %select_n3A_1557 : vector<16xi1>, vector<16xi32>
      %get3A_1566 = arith.constant 224 : index
      %get3A_1567 = tpu.vector_load %arg10[%get3A_1566] {strides = array<i32>} : memref<256xf32, #tpu.memory_space<vmem>>, vector<16xf32>,
      %gt3A_1568 = arith.cmpf ogt, %get3A_1567, %select_n3A_1561 : vector<16xf32>
      %select_n3A_1569 = arith.select %gt3A_1568, %get3A_1567, %select_n3A_1561 : vector<16xi1>, vector<16xf32>
      %add3A_1570 = arith.constant 224 : i32
      %add3A_1571 = vector.broadcast %add3A_1570 : i32 to vector<16xi32>
      %add3A_1572 = arith.addi %iota3A, %add3A_1571 : vector<16xi32>
      %select_n3A_1573 = arith.select %gt3A_1568, %add3A_1572, %select_n3A_1565 : vector<16xi1>, vector<16xi32>
      %get3A_1574 = arith.constant 240 : index
      %get3A_1575 = tpu.vector_load %arg10[%get3A_1574] {strides = array<i32>} : memref<256xf32, #tpu.memory_space<vmem>>, vector<16xf32>,
      %gt3A_1576 = arith.cmpf ogt, %get3A_1575, %select_n3A_1569 : vector<16xf32>
      %select_n3A_1577 = arith.select %gt3A_1576, %get3A_1575, %select_n3A_1569 : vector<16xi1>, vector<16xf32>
      %add3A_1578 = arith.constant 240 : i32
      %add3A_1579 = vector.broadcast %add3A_1578 : i32 to vector<16xi32>
      %add3A_1580 = arith.addi %iota3A, %add3A_1579 : vector<16xi32>
      %select_n3A_1581 = arith.select %gt3A_1576, %add3A_1580, %select_n3A_1573 : vector<16xi1>, vector<16xi32>
      %iota3A_1582 = tpu.iota {dimensions = array<i32: 0>} : vector<16xi32>
      %xor3A_1583 = arith.constant 1 : i32
      %xor3A_1584 = vector.broadcast %xor3A_1583 : i32 to vector<16xi32>
      %xor3A_1585 = arith.xori %iota3A_1582, %xor3A_1584 : vector<16xi32>
      %broadcast_in_dim3A_1586 = vector.shape_cast %xor3A_1585 : vector<16xi32> to vector<16x1xi32>
      %gather3A_1587 = vector.shape_cast %broadcast_in_dim3A_1586 : vector<16x1xi32> to vector<16xi32>
      %gather3A_1588 = tpu.dynamic_gather %select_n3A_1577[%gather3A_1587] in [0] : vector<16xf32>, vector<16xi32> -> vector<16xf32>
      %broadcast_in_dim3A_1589 = vector.shape_cast %xor3A_1585 : vector<16xi32> to vector<16x1xi32>
      %gather3A_1590 = vector.shape_cast %broadcast_in_dim3A_1589 : vector<16x1xi32> to vector<16xi32>
      %gather3A_1591 = tpu.dynamic_gather %select_n3A_1581[%gather3A_1590] in [0] : vector<16xi32>, vector<16xi32> -> vector<16xi32>
      %gt3A_1592 = arith.cmpf ogt, %gather3A_1588, %select_n3A_1577 : vector<16xf32>
      %eq3A_1593 = arith.cmpf oeq, %gather3A_1588, %select_n3A_1577 : vector<16xf32>
      %lt3A_1594 = arith.cmpi slt, %gather3A_1591, %select_n3A_1581 : vector<16xi32>
      %and3A_1595 = arith.andi %eq3A_1593, %lt3A_1594 : vector<16xi1>
      %or3A_1596 = arith.ori %gt3A_1592, %and3A_1595 : vector<16xi1>
      %select_n3A_1597 = arith.select %or3A_1596, %gather3A_1588, %select_n3A_1577 : vector<16xi1>, vector<16xf32>
      %select_n3A_1598 = arith.select %or3A_1596, %gather3A_1591, %select_n3A_1581 : vector<16xi1>, vector<16xi32>
      %xor3A_1599 = arith.constant 2 : i32
      %xor3A_1600 = vector.broadcast %xor3A_1599 : i32 to vector<16xi32>
      %xor3A_1601 = arith.xori %iota3A_1582, %xor3A_1600 : vector<16xi32>
      %broadcast_in_dim3A_1602 = vector.shape_cast %xor3A_1601 : vector<16xi32> to vector<16x1xi32>
      %gather3A_1603 = vector.shape_cast %broadcast_in_dim3A_1602 : vector<16x1xi32> to vector<16xi32>
      %gather3A_1604 = tpu.dynamic_gather %select_n3A_1597[%gather3A_1603] in [0] : vector<16xf32>, vector<16xi32> -> vector<16xf32>
      %broadcast_in_dim3A_1605 = vector.shape_cast %xor3A_1601 : vector<16xi32> to vector<16x1xi32>
      %gather3A_1606 = vector.shape_cast %broadcast_in_dim3A_1605 : vector<16x1xi32> to vector<16xi32>
      %gather3A_1607 = tpu.dynamic_gather %select_n3A_1598[%gather3A_1606] in [0] : vector<16xi32>, vector<16xi32> -> vector<16xi32>
      %gt3A_1608 = arith.cmpf ogt, %gather3A_1604, %select_n3A_1597 : vector<16xf32>
      %eq3A_1609 = arith.cmpf oeq, %gather3A_1604, %select_n3A_1597 : vector<16xf32>
      %lt3A_1610 = arith.cmpi slt, %gather3A_1607, %select_n3A_1598 : vector<16xi32>
      %and3A_1611 = arith.andi %eq3A_1609, %lt3A_1610 : vector<16xi1>
      %or3A_1612 = arith.ori %gt3A_1608, %and3A_1611 : vector<16xi1>
      %select_n3A_1613 = arith.select %or3A_1612, %gather3A_1604, %select_n3A_1597 : vector<16xi1>, vector<16xf32>
      %select_n3A_1614 = arith.select %or3A_1612, %gather3A_1607, %select_n3A_1598 : vector<16xi1>, vector<16xi32>
      %xor3A_1615 = arith.constant 4 : i32
      %xor3A_1616 = vector.broadcast %xor3A_1615 : i32 to vector<16xi32>
      %xor3A_1617 = arith.xori %iota3A_1582, %xor3A_1616 : vector<16xi32>
      %broadcast_in_dim3A_1618 = vector.shape_cast %xor3A_1617 : vector<16xi32> to vector<16x1xi32>
      %gather3A_1619 = vector.shape_cast %broadcast_in_dim3A_1618 : vector<16x1xi32> to vector<16xi32>
      %gather3A_1620 = tpu.dynamic_gather %select_n3A_1613[%gather3A_1619] in [0] : vector<16xf32>, vector<16xi32> -> vector<16xf32>
      %broadcast_in_dim3A_1621 = vector.shape_cast %xor3A_1617 : vector<16xi32> to vector<16x1xi32>
      %gather3A_1622 = vector.shape_cast %broadcast_in_dim3A_1621 : vector<16x1xi32> to vector<16xi32>
      %gather3A_1623 = tpu.dynamic_gather %select_n3A_1614[%gather3A_1622] in [0] : vector<16xi32>, vector<16xi32> -> vector<16xi32>
      %gt3A_1624 = arith.cmpf ogt, %gather3A_1620, %select_n3A_1613 : vector<16xf32>
      %eq3A_1625 = arith.cmpf oeq, %gather3A_1620, %select_n3A_1613 : vector<16xf32>
      %lt3A_1626 = arith.cmpi slt, %gather3A_1623, %select_n3A_1614 : vector<16xi32>
      %and3A_1627 = arith.andi %eq3A_1625, %lt3A_1626 : vector<16xi1>
      %or3A_1628 = arith.ori %gt3A_1624, %and3A_1627 : vector<16xi1>
      %select_n3A_1629 = arith.select %or3A_1628, %gather3A_1620, %select_n3A_1613 : vector<16xi1>, vector<16xf32>
      %select_n3A_1630 = arith.select %or3A_1628, %gather3A_1623, %select_n3A_1614 : vector<16xi1>, vector<16xi32>
      %xor3A_1631 = arith.constant 8 : i32
      %xor3A_1632 = vector.broadcast %xor3A_1631 : i32 to vector<16xi32>
      %xor3A_1633 = arith.xori %iota3A_1582, %xor3A_1632 : vector<16xi32>
      %broadcast_in_dim3A_1634 = vector.shape_cast %xor3A_1633 : vector<16xi32> to vector<16x1xi32>
      %gather3A_1635 = vector.shape_cast %broadcast_in_dim3A_1634 : vector<16x1xi32> to vector<16xi32>
      %gather3A_1636 = tpu.dynamic_gather %select_n3A_1629[%gather3A_1635] in [0] : vector<16xf32>, vector<16xi32> -> vector<16xf32>
      %broadcast_in_dim3A_1637 = vector.shape_cast %xor3A_1633 : vector<16xi32> to vector<16x1xi32>
      %gather3A_1638 = vector.shape_cast %broadcast_in_dim3A_1637 : vector<16x1xi32> to vector<16xi32>
      %gather3A_1639 = tpu.dynamic_gather %select_n3A_1630[%gather3A_1638] in [0] : vector<16xi32>, vector<16xi32> -> vector<16xi32>
      %gt3A_1640 = arith.cmpf ogt, %gather3A_1636, %select_n3A_1629 : vector<16xf32>
      %eq3A_1641 = arith.cmpf oeq, %gather3A_1636, %select_n3A_1629 : vector<16xf32>
      %lt3A_1642 = arith.cmpi slt, %gather3A_1639, %select_n3A_1630 : vector<16xi32>
      %and3A_1643 = arith.andi %eq3A_1641, %lt3A_1642 : vector<16xi1>
      %or3A_1644 = arith.ori %gt3A_1640, %and3A_1643 : vector<16xi1>
      %select_n3A_1645 = arith.select %or3A_1644, %gather3A_1636, %select_n3A_1629 : vector<16xi1>, vector<16xf32>
      %select_n3A_1646 = arith.select %or3A_1644, %gather3A_1639, %select_n3A_1630 : vector<16xi1>, vector<16xi32>
      %gather3A_1647 = tpu.vector_load_idx %arg11[%select_n3A_1646] : memref<256xi32, #tpu.memory_space<vmem>>[vector<16xi32>], vector<16xi32>,
      %jit3A_1648 = arith.constant 16 : i32
      %div3A_1649 = vector.broadcast %jit3A_1648 : i32 to vector<16xi32>
      %div3A_1650 = arith.divsi %select_n3A_1646, %div3A_1649 : vector<16xi32>
      %sign3A_1651 = arith.constant 0 : i32
      %sign3A_1652 = vector.broadcast %sign3A_1651 : i32 to vector<16xi32>
      %sign3A_1653 = arith.cmpi sgt, %select_n3A_1646, %sign3A_1652 : vector<16xi32>
      %sign3A_1654 = arith.extui %sign3A_1653 : vector<16xi1> to vector<16xi32>
      %sign3A_1655 = arith.constant 0 : i32
      %sign3A_1656 = vector.broadcast %sign3A_1655 : i32 to vector<16xi32>
      %sign3A_1657 = arith.cmpi slt, %select_n3A_1646, %sign3A_1656 : vector<16xi32>
      %sign3A_1658 = arith.extui %sign3A_1657 : vector<16xi1> to vector<16xi32>
      %sign3A_1659 = arith.subi %sign3A_1654, %sign3A_1658 : vector<16xi32>
      %sign3A_1660 = arith.constant 0 : i32
      %sign3A_1661 = arith.cmpi sgt, %jit3A_1648, %sign3A_1660 : i32
      %sign3A_1662 = arith.extui %sign3A_1661 : i1 to i32
      %sign3A_1663 = arith.constant 0 : i32
      %sign3A_1664 = arith.cmpi slt, %jit3A_1648, %sign3A_1663 : i32
      %sign3A_1665 = arith.extui %sign3A_1664 : i1 to i32
      %sign3A_1666 = arith.subi %sign3A_1662, %sign3A_1665 : i32
      %ne3A_1667 = vector.broadcast %sign3A_1666 : i32 to vector<16xi32>
      %ne3A_1668 = arith.cmpi ne, %sign3A_1659, %ne3A_1667 : vector<16xi32>
      %rem3A_1669 = vector.broadcast %jit3A_1648 : i32 to vector<16xi32>
      %rem3A_1670 = arith.remsi %select_n3A_1646, %rem3A_1669 : vector<16xi32>
      %ne3A_1671 = arith.constant 0 : i32
      %ne3A_1672 = vector.broadcast %ne3A_1671 : i32 to vector<16xi32>
      %ne3A_1673 = arith.cmpi ne, %rem3A_1670, %ne3A_1672 : vector<16xi32>
      %and3A_1674 = arith.andi %ne3A_1668, %ne3A_1673 : vector<16xi1>
      %sub3A_1675 = arith.constant 1 : i32
      %sub3A_1676 = vector.broadcast %sub3A_1675 : i32 to vector<16xi32>
      %sub3A_1677 = arith.subi %div3A_1650, %sub3A_1676 : vector<16xi32>
      %select_n3A_1678 = arith.select %and3A_1674, %sub3A_1677, %div3A_1650 : vector<16xi1>, vector<16xi32>
      %mul3A_1679 = arith.constant 6400 : i32
      %mul3A_1680 = vector.broadcast %mul3A_1679 : i32 to vector<16xi32>
      %mul3A_1681 = arith.muli %select_n3A_1678, %mul3A_1680 : vector<16xi32>
      %add3A_1682 = arith.addi %gather3A_1647, %mul3A_1681 : vector<16xi32>
      %eq3A_1683 = arith.constant 5 : i32
      %eq3A_1684 = vector.broadcast %eq3A_1683 : i32 to vector<16xi32>
      %eq3A_1685 = arith.cmpi eq, %iota3A, %eq3A_1684 : vector<16xi32>
      %select_n3A_1686 = arith.select %eq3A_1685, %select_n3A_1645, %select_n3A_1443 : vector<16xi1>, vector<16xf32>
      %eq3A_1687 = arith.constant 5 : i32
      %eq3A_1688 = vector.broadcast %eq3A_1687 : i32 to vector<16xi32>
      %eq3A_1689 = arith.cmpi eq, %iota3A, %eq3A_1688 : vector<16xi32>
      %select_n3A_1690 = arith.select %eq3A_1689, %add3A_1682, %select_n3A_1447 : vector<16xi1>, vector<16xi32>
      %broadcast_in_dim3A_1691 = arith.constant 0xFF800000 : f32
      %broadcast_in_dim3A_1692 = vector.broadcast %broadcast_in_dim3A_1691 : f32 to vector<16xf32>
      tpu.vector_store_idx %arg10[%select_n3A_1646], %broadcast_in_dim3A_1692 masked %eq3A_1 : memref<256xf32, #tpu.memory_space<vmem>>[vector<16xi32>], vector<16xf32>, vector<16xi1>
      %broadcast_in_dim3A_1693 = arith.constant 0xFF800000 : f32
      %broadcast_in_dim3A_1694 = vector.broadcast %broadcast_in_dim3A_1693 : f32 to vector<16xf32>
      %broadcast_in_dim3A_1695 = arith.constant 0 : i32
      %broadcast_in_dim3A_1696 = vector.broadcast %broadcast_in_dim3A_1695 : i32 to vector<16xi32>
      %get3A_1697 = arith.constant 0 : index
      %get3A_1698 = tpu.vector_load %arg10[%get3A_1697] {strides = array<i32>} : memref<256xf32, #tpu.memory_space<vmem>>, vector<16xf32>,
      %gt3A_1699 = arith.cmpf ogt, %get3A_1698, %broadcast_in_dim3A_1694 : vector<16xf32>
      %select_n3A_1700 = arith.select %gt3A_1699, %get3A_1698, %broadcast_in_dim3A_1694 : vector<16xi1>, vector<16xf32>
      %add3A_1701 = arith.constant 0 : i32
      %add3A_1702 = vector.broadcast %add3A_1701 : i32 to vector<16xi32>
      %add3A_1703 = arith.addi %iota3A, %add3A_1702 : vector<16xi32>
      %select_n3A_1704 = arith.select %gt3A_1699, %add3A_1703, %broadcast_in_dim3A_1696 : vector<16xi1>, vector<16xi32>
      %get3A_1705 = arith.constant 16 : index
      %get3A_1706 = tpu.vector_load %arg10[%get3A_1705] {strides = array<i32>} : memref<256xf32, #tpu.memory_space<vmem>>, vector<16xf32>,
      %gt3A_1707 = arith.cmpf ogt, %get3A_1706, %select_n3A_1700 : vector<16xf32>
      %select_n3A_1708 = arith.select %gt3A_1707, %get3A_1706, %select_n3A_1700 : vector<16xi1>, vector<16xf32>
      %add3A_1709 = arith.constant 16 : i32
      %add3A_1710 = vector.broadcast %add3A_1709 : i32 to vector<16xi32>
      %add3A_1711 = arith.addi %iota3A, %add3A_1710 : vector<16xi32>
      %select_n3A_1712 = arith.select %gt3A_1707, %add3A_1711, %select_n3A_1704 : vector<16xi1>, vector<16xi32>
      %get3A_1713 = arith.constant 32 : index
      %get3A_1714 = tpu.vector_load %arg10[%get3A_1713] {strides = array<i32>} : memref<256xf32, #tpu.memory_space<vmem>>, vector<16xf32>,
      %gt3A_1715 = arith.cmpf ogt, %get3A_1714, %select_n3A_1708 : vector<16xf32>
      %select_n3A_1716 = arith.select %gt3A_1715, %get3A_1714, %select_n3A_1708 : vector<16xi1>, vector<16xf32>
      %add3A_1717 = arith.constant 32 : i32
      %add3A_1718 = vector.broadcast %add3A_1717 : i32 to vector<16xi32>
      %add3A_1719 = arith.addi %iota3A, %add3A_1718 : vector<16xi32>
      %select_n3A_1720 = arith.select %gt3A_1715, %add3A_1719, %select_n3A_1712 : vector<16xi1>, vector<16xi32>
      %get3A_1721 = arith.constant 48 : index
      %get3A_1722 = tpu.vector_load %arg10[%get3A_1721] {strides = array<i32>} : memref<256xf32, #tpu.memory_space<vmem>>, vector<16xf32>,
      %gt3A_1723 = arith.cmpf ogt, %get3A_1722, %select_n3A_1716 : vector<16xf32>
      %select_n3A_1724 = arith.select %gt3A_1723, %get3A_1722, %select_n3A_1716 : vector<16xi1>, vector<16xf32>
      %add3A_1725 = arith.constant 48 : i32
      %add3A_1726 = vector.broadcast %add3A_1725 : i32 to vector<16xi32>
      %add3A_1727 = arith.addi %iota3A, %add3A_1726 : vector<16xi32>
      %select_n3A_1728 = arith.select %gt3A_1723, %add3A_1727, %select_n3A_1720 : vector<16xi1>, vector<16xi32>
      %get3A_1729 = arith.constant 64 : index
      %get3A_1730 = tpu.vector_load %arg10[%get3A_1729] {strides = array<i32>} : memref<256xf32, #tpu.memory_space<vmem>>, vector<16xf32>,
      %gt3A_1731 = arith.cmpf ogt, %get3A_1730, %select_n3A_1724 : vector<16xf32>
      %select_n3A_1732 = arith.select %gt3A_1731, %get3A_1730, %select_n3A_1724 : vector<16xi1>, vector<16xf32>
      %add3A_1733 = arith.constant 64 : i32
      %add3A_1734 = vector.broadcast %add3A_1733 : i32 to vector<16xi32>
      %add3A_1735 = arith.addi %iota3A, %add3A_1734 : vector<16xi32>
      %select_n3A_1736 = arith.select %gt3A_1731, %add3A_1735, %select_n3A_1728 : vector<16xi1>, vector<16xi32>
      %get3A_1737 = arith.constant 80 : index
      %get3A_1738 = tpu.vector_load %arg10[%get3A_1737] {strides = array<i32>} : memref<256xf32, #tpu.memory_space<vmem>>, vector<16xf32>,
      %gt3A_1739 = arith.cmpf ogt, %get3A_1738, %select_n3A_1732 : vector<16xf32>
      %select_n3A_1740 = arith.select %gt3A_1739, %get3A_1738, %select_n3A_1732 : vector<16xi1>, vector<16xf32>
      %add3A_1741 = arith.constant 80 : i32
      %add3A_1742 = vector.broadcast %add3A_1741 : i32 to vector<16xi32>
      %add3A_1743 = arith.addi %iota3A, %add3A_1742 : vector<16xi32>
      %select_n3A_1744 = arith.select %gt3A_1739, %add3A_1743, %select_n3A_1736 : vector<16xi1>, vector<16xi32>
      %get3A_1745 = arith.constant 96 : index
      %get3A_1746 = tpu.vector_load %arg10[%get3A_1745] {strides = array<i32>} : memref<256xf32, #tpu.memory_space<vmem>>, vector<16xf32>,
      %gt3A_1747 = arith.cmpf ogt, %get3A_1746, %select_n3A_1740 : vector<16xf32>
      %select_n3A_1748 = arith.select %gt3A_1747, %get3A_1746, %select_n3A_1740 : vector<16xi1>, vector<16xf32>
      %add3A_1749 = arith.constant 96 : i32
      %add3A_1750 = vector.broadcast %add3A_1749 : i32 to vector<16xi32>
      %add3A_1751 = arith.addi %iota3A, %add3A_1750 : vector<16xi32>
      %select_n3A_1752 = arith.select %gt3A_1747, %add3A_1751, %select_n3A_1744 : vector<16xi1>, vector<16xi32>
      %get3A_1753 = arith.constant 112 : index
      %get3A_1754 = tpu.vector_load %arg10[%get3A_1753] {strides = array<i32>} : memref<256xf32, #tpu.memory_space<vmem>>, vector<16xf32>,
      %gt3A_1755 = arith.cmpf ogt, %get3A_1754, %select_n3A_1748 : vector<16xf32>
      %select_n3A_1756 = arith.select %gt3A_1755, %get3A_1754, %select_n3A_1748 : vector<16xi1>, vector<16xf32>
      %add3A_1757 = arith.constant 112 : i32
      %add3A_1758 = vector.broadcast %add3A_1757 : i32 to vector<16xi32>
      %add3A_1759 = arith.addi %iota3A, %add3A_1758 : vector<16xi32>
      %select_n3A_1760 = arith.select %gt3A_1755, %add3A_1759, %select_n3A_1752 : vector<16xi1>, vector<16xi32>
      %get3A_1761 = arith.constant 128 : index
      %get3A_1762 = tpu.vector_load %arg10[%get3A_1761] {strides = array<i32>} : memref<256xf32, #tpu.memory_space<vmem>>, vector<16xf32>,
      %gt3A_1763 = arith.cmpf ogt, %get3A_1762, %select_n3A_1756 : vector<16xf32>
      %select_n3A_1764 = arith.select %gt3A_1763, %get3A_1762, %select_n3A_1756 : vector<16xi1>, vector<16xf32>
      %add3A_1765 = arith.constant 128 : i32
      %add3A_1766 = vector.broadcast %add3A_1765 : i32 to vector<16xi32>
      %add3A_1767 = arith.addi %iota3A, %add3A_1766 : vector<16xi32>
      %select_n3A_1768 = arith.select %gt3A_1763, %add3A_1767, %select_n3A_1760 : vector<16xi1>, vector<16xi32>
      %get3A_1769 = arith.constant 144 : index
      %get3A_1770 = tpu.vector_load %arg10[%get3A_1769] {strides = array<i32>} : memref<256xf32, #tpu.memory_space<vmem>>, vector<16xf32>,
      %gt3A_1771 = arith.cmpf ogt, %get3A_1770, %select_n3A_1764 : vector<16xf32>
      %select_n3A_1772 = arith.select %gt3A_1771, %get3A_1770, %select_n3A_1764 : vector<16xi1>, vector<16xf32>
      %add3A_1773 = arith.constant 144 : i32
      %add3A_1774 = vector.broadcast %add3A_1773 : i32 to vector<16xi32>
      %add3A_1775 = arith.addi %iota3A, %add3A_1774 : vector<16xi32>
      %select_n3A_1776 = arith.select %gt3A_1771, %add3A_1775, %select_n3A_1768 : vector<16xi1>, vector<16xi32>
      %get3A_1777 = arith.constant 160 : index
      %get3A_1778 = tpu.vector_load %arg10[%get3A_1777] {strides = array<i32>} : memref<256xf32, #tpu.memory_space<vmem>>, vector<16xf32>,
      %gt3A_1779 = arith.cmpf ogt, %get3A_1778, %select_n3A_1772 : vector<16xf32>
      %select_n3A_1780 = arith.select %gt3A_1779, %get3A_1778, %select_n3A_1772 : vector<16xi1>, vector<16xf32>
      %add3A_1781 = arith.constant 160 : i32
      %add3A_1782 = vector.broadcast %add3A_1781 : i32 to vector<16xi32>
      %add3A_1783 = arith.addi %iota3A, %add3A_1782 : vector<16xi32>
      %select_n3A_1784 = arith.select %gt3A_1779, %add3A_1783, %select_n3A_1776 : vector<16xi1>, vector<16xi32>
      %get3A_1785 = arith.constant 176 : index
      %get3A_1786 = tpu.vector_load %arg10[%get3A_1785] {strides = array<i32>} : memref<256xf32, #tpu.memory_space<vmem>>, vector<16xf32>,
      %gt3A_1787 = arith.cmpf ogt, %get3A_1786, %select_n3A_1780 : vector<16xf32>
      %select_n3A_1788 = arith.select %gt3A_1787, %get3A_1786, %select_n3A_1780 : vector<16xi1>, vector<16xf32>
      %add3A_1789 = arith.constant 176 : i32
      %add3A_1790 = vector.broadcast %add3A_1789 : i32 to vector<16xi32>
      %add3A_1791 = arith.addi %iota3A, %add3A_1790 : vector<16xi32>
      %select_n3A_1792 = arith.select %gt3A_1787, %add3A_1791, %select_n3A_1784 : vector<16xi1>, vector<16xi32>
      %get3A_1793 = arith.constant 192 : index
      %get3A_1794 = tpu.vector_load %arg10[%get3A_1793] {strides = array<i32>} : memref<256xf32, #tpu.memory_space<vmem>>, vector<16xf32>,
      %gt3A_1795 = arith.cmpf ogt, %get3A_1794, %select_n3A_1788 : vector<16xf32>
      %select_n3A_1796 = arith.select %gt3A_1795, %get3A_1794, %select_n3A_1788 : vector<16xi1>, vector<16xf32>
      %add3A_1797 = arith.constant 192 : i32
      %add3A_1798 = vector.broadcast %add3A_1797 : i32 to vector<16xi32>
      %add3A_1799 = arith.addi %iota3A, %add3A_1798 : vector<16xi32>
      %select_n3A_1800 = arith.select %gt3A_1795, %add3A_1799, %select_n3A_1792 : vector<16xi1>, vector<16xi32>
      %get3A_1801 = arith.constant 208 : index
      %get3A_1802 = tpu.vector_load %arg10[%get3A_1801] {strides = array<i32>} : memref<256xf32, #tpu.memory_space<vmem>>, vector<16xf32>,
      %gt3A_1803 = arith.cmpf ogt, %get3A_1802, %select_n3A_1796 : vector<16xf32>
      %select_n3A_1804 = arith.select %gt3A_1803, %get3A_1802, %select_n3A_1796 : vector<16xi1>, vector<16xf32>
      %add3A_1805 = arith.constant 208 : i32
      %add3A_1806 = vector.broadcast %add3A_1805 : i32 to vector<16xi32>
      %add3A_1807 = arith.addi %iota3A, %add3A_1806 : vector<16xi32>
      %select_n3A_1808 = arith.select %gt3A_1803, %add3A_1807, %select_n3A_1800 : vector<16xi1>, vector<16xi32>
      %get3A_1809 = arith.constant 224 : index
      %get3A_1810 = tpu.vector_load %arg10[%get3A_1809] {strides = array<i32>} : memref<256xf32, #tpu.memory_space<vmem>>, vector<16xf32>,
      %gt3A_1811 = arith.cmpf ogt, %get3A_1810, %select_n3A_1804 : vector<16xf32>
      %select_n3A_1812 = arith.select %gt3A_1811, %get3A_1810, %select_n3A_1804 : vector<16xi1>, vector<16xf32>
      %add3A_1813 = arith.constant 224 : i32
      %add3A_1814 = vector.broadcast %add3A_1813 : i32 to vector<16xi32>
      %add3A_1815 = arith.addi %iota3A, %add3A_1814 : vector<16xi32>
      %select_n3A_1816 = arith.select %gt3A_1811, %add3A_1815, %select_n3A_1808 : vector<16xi1>, vector<16xi32>
      %get3A_1817 = arith.constant 240 : index
      %get3A_1818 = tpu.vector_load %arg10[%get3A_1817] {strides = array<i32>} : memref<256xf32, #tpu.memory_space<vmem>>, vector<16xf32>,
      %gt3A_1819 = arith.cmpf ogt, %get3A_1818, %select_n3A_1812 : vector<16xf32>
      %select_n3A_1820 = arith.select %gt3A_1819, %get3A_1818, %select_n3A_1812 : vector<16xi1>, vector<16xf32>
      %add3A_1821 = arith.constant 240 : i32
      %add3A_1822 = vector.broadcast %add3A_1821 : i32 to vector<16xi32>
      %add3A_1823 = arith.addi %iota3A, %add3A_1822 : vector<16xi32>
      %select_n3A_1824 = arith.select %gt3A_1819, %add3A_1823, %select_n3A_1816 : vector<16xi1>, vector<16xi32>
      %iota3A_1825 = tpu.iota {dimensions = array<i32: 0>} : vector<16xi32>
      %xor3A_1826 = arith.constant 1 : i32
      %xor3A_1827 = vector.broadcast %xor3A_1826 : i32 to vector<16xi32>
      %xor3A_1828 = arith.xori %iota3A_1825, %xor3A_1827 : vector<16xi32>
      %broadcast_in_dim3A_1829 = vector.shape_cast %xor3A_1828 : vector<16xi32> to vector<16x1xi32>
      %gather3A_1830 = vector.shape_cast %broadcast_in_dim3A_1829 : vector<16x1xi32> to vector<16xi32>
      %gather3A_1831 = tpu.dynamic_gather %select_n3A_1820[%gather3A_1830] in [0] : vector<16xf32>, vector<16xi32> -> vector<16xf32>
      %broadcast_in_dim3A_1832 = vector.shape_cast %xor3A_1828 : vector<16xi32> to vector<16x1xi32>
      %gather3A_1833 = vector.shape_cast %broadcast_in_dim3A_1832 : vector<16x1xi32> to vector<16xi32>
      %gather3A_1834 = tpu.dynamic_gather %select_n3A_1824[%gather3A_1833] in [0] : vector<16xi32>, vector<16xi32> -> vector<16xi32>
      %gt3A_1835 = arith.cmpf ogt, %gather3A_1831, %select_n3A_1820 : vector<16xf32>
      %eq3A_1836 = arith.cmpf oeq, %gather3A_1831, %select_n3A_1820 : vector<16xf32>
      %lt3A_1837 = arith.cmpi slt, %gather3A_1834, %select_n3A_1824 : vector<16xi32>
      %and3A_1838 = arith.andi %eq3A_1836, %lt3A_1837 : vector<16xi1>
      %or3A_1839 = arith.ori %gt3A_1835, %and3A_1838 : vector<16xi1>
      %select_n3A_1840 = arith.select %or3A_1839, %gather3A_1831, %select_n3A_1820 : vector<16xi1>, vector<16xf32>
      %select_n3A_1841 = arith.select %or3A_1839, %gather3A_1834, %select_n3A_1824 : vector<16xi1>, vector<16xi32>
      %xor3A_1842 = arith.constant 2 : i32
      %xor3A_1843 = vector.broadcast %xor3A_1842 : i32 to vector<16xi32>
      %xor3A_1844 = arith.xori %iota3A_1825, %xor3A_1843 : vector<16xi32>
      %broadcast_in_dim3A_1845 = vector.shape_cast %xor3A_1844 : vector<16xi32> to vector<16x1xi32>
      %gather3A_1846 = vector.shape_cast %broadcast_in_dim3A_1845 : vector<16x1xi32> to vector<16xi32>
      %gather3A_1847 = tpu.dynamic_gather %select_n3A_1840[%gather3A_1846] in [0] : vector<16xf32>, vector<16xi32> -> vector<16xf32>
      %broadcast_in_dim3A_1848 = vector.shape_cast %xor3A_1844 : vector<16xi32> to vector<16x1xi32>
      %gather3A_1849 = vector.shape_cast %broadcast_in_dim3A_1848 : vector<16x1xi32> to vector<16xi32>
      %gather3A_1850 = tpu.dynamic_gather %select_n3A_1841[%gather3A_1849] in [0] : vector<16xi32>, vector<16xi32> -> vector<16xi32>
      %gt3A_1851 = arith.cmpf ogt, %gather3A_1847, %select_n3A_1840 : vector<16xf32>
      %eq3A_1852 = arith.cmpf oeq, %gather3A_1847, %select_n3A_1840 : vector<16xf32>
      %lt3A_1853 = arith.cmpi slt, %gather3A_1850, %select_n3A_1841 : vector<16xi32>
      %and3A_1854 = arith.andi %eq3A_1852, %lt3A_1853 : vector<16xi1>
      %or3A_1855 = arith.ori %gt3A_1851, %and3A_1854 : vector<16xi1>
      %select_n3A_1856 = arith.select %or3A_1855, %gather3A_1847, %select_n3A_1840 : vector<16xi1>, vector<16xf32>
      %select_n3A_1857 = arith.select %or3A_1855, %gather3A_1850, %select_n3A_1841 : vector<16xi1>, vector<16xi32>
      %xor3A_1858 = arith.constant 4 : i32
      %xor3A_1859 = vector.broadcast %xor3A_1858 : i32 to vector<16xi32>
      %xor3A_1860 = arith.xori %iota3A_1825, %xor3A_1859 : vector<16xi32>
      %broadcast_in_dim3A_1861 = vector.shape_cast %xor3A_1860 : vector<16xi32> to vector<16x1xi32>
      %gather3A_1862 = vector.shape_cast %broadcast_in_dim3A_1861 : vector<16x1xi32> to vector<16xi32>
      %gather3A_1863 = tpu.dynamic_gather %select_n3A_1856[%gather3A_1862] in [0] : vector<16xf32>, vector<16xi32> -> vector<16xf32>
      %broadcast_in_dim3A_1864 = vector.shape_cast %xor3A_1860 : vector<16xi32> to vector<16x1xi32>
      %gather3A_1865 = vector.shape_cast %broadcast_in_dim3A_1864 : vector<16x1xi32> to vector<16xi32>
      %gather3A_1866 = tpu.dynamic_gather %select_n3A_1857[%gather3A_1865] in [0] : vector<16xi32>, vector<16xi32> -> vector<16xi32>
      %gt3A_1867 = arith.cmpf ogt, %gather3A_1863, %select_n3A_1856 : vector<16xf32>
      %eq3A_1868 = arith.cmpf oeq, %gather3A_1863, %select_n3A_1856 : vector<16xf32>
      %lt3A_1869 = arith.cmpi slt, %gather3A_1866, %select_n3A_1857 : vector<16xi32>
      %and3A_1870 = arith.andi %eq3A_1868, %lt3A_1869 : vector<16xi1>
      %or3A_1871 = arith.ori %gt3A_1867, %and3A_1870 : vector<16xi1>
      %select_n3A_1872 = arith.select %or3A_1871, %gather3A_1863, %select_n3A_1856 : vector<16xi1>, vector<16xf32>
      %select_n3A_1873 = arith.select %or3A_1871, %gather3A_1866, %select_n3A_1857 : vector<16xi1>, vector<16xi32>
      %xor3A_1874 = arith.constant 8 : i32
      %xor3A_1875 = vector.broadcast %xor3A_1874 : i32 to vector<16xi32>
      %xor3A_1876 = arith.xori %iota3A_1825, %xor3A_1875 : vector<16xi32>
      %broadcast_in_dim3A_1877 = vector.shape_cast %xor3A_1876 : vector<16xi32> to vector<16x1xi32>
      %gather3A_1878 = vector.shape_cast %broadcast_in_dim3A_1877 : vector<16x1xi32> to vector<16xi32>
      %gather3A_1879 = tpu.dynamic_gather %select_n3A_1872[%gather3A_1878] in [0] : vector<16xf32>, vector<16xi32> -> vector<16xf32>
      %broadcast_in_dim3A_1880 = vector.shape_cast %xor3A_1876 : vector<16xi32> to vector<16x1xi32>
      %gather3A_1881 = vector.shape_cast %broadcast_in_dim3A_1880 : vector<16x1xi32> to vector<16xi32>
      %gather3A_1882 = tpu.dynamic_gather %select_n3A_1873[%gather3A_1881] in [0] : vector<16xi32>, vector<16xi32> -> vector<16xi32>
      %gt3A_1883 = arith.cmpf ogt, %gather3A_1879, %select_n3A_1872 : vector<16xf32>
      %eq3A_1884 = arith.cmpf oeq, %gather3A_1879, %select_n3A_1872 : vector<16xf32>
      %lt3A_1885 = arith.cmpi slt, %gather3A_1882, %select_n3A_1873 : vector<16xi32>
      %and3A_1886 = arith.andi %eq3A_1884, %lt3A_1885 : vector<16xi1>
      %or3A_1887 = arith.ori %gt3A_1883, %and3A_1886 : vector<16xi1>
      %select_n3A_1888 = arith.select %or3A_1887, %gather3A_1879, %select_n3A_1872 : vector<16xi1>, vector<16xf32>
      %select_n3A_1889 = arith.select %or3A_1887, %gather3A_1882, %select_n3A_1873 : vector<16xi1>, vector<16xi32>
      %gather3A_1890 = tpu.vector_load_idx %arg11[%select_n3A_1889] : memref<256xi32, #tpu.memory_space<vmem>>[vector<16xi32>], vector<16xi32>,
      %jit3A_1891 = arith.constant 16 : i32
      %div3A_1892 = vector.broadcast %jit3A_1891 : i32 to vector<16xi32>
      %div3A_1893 = arith.divsi %select_n3A_1889, %div3A_1892 : vector<16xi32>
      %sign3A_1894 = arith.constant 0 : i32
      %sign3A_1895 = vector.broadcast %sign3A_1894 : i32 to vector<16xi32>
      %sign3A_1896 = arith.cmpi sgt, %select_n3A_1889, %sign3A_1895 : vector<16xi32>
      %sign3A_1897 = arith.extui %sign3A_1896 : vector<16xi1> to vector<16xi32>
      %sign3A_1898 = arith.constant 0 : i32
      %sign3A_1899 = vector.broadcast %sign3A_1898 : i32 to vector<16xi32>
      %sign3A_1900 = arith.cmpi slt, %select_n3A_1889, %sign3A_1899 : vector<16xi32>
      %sign3A_1901 = arith.extui %sign3A_1900 : vector<16xi1> to vector<16xi32>
      %sign3A_1902 = arith.subi %sign3A_1897, %sign3A_1901 : vector<16xi32>
      %sign3A_1903 = arith.constant 0 : i32
      %sign3A_1904 = arith.cmpi sgt, %jit3A_1891, %sign3A_1903 : i32
      %sign3A_1905 = arith.extui %sign3A_1904 : i1 to i32
      %sign3A_1906 = arith.constant 0 : i32
      %sign3A_1907 = arith.cmpi slt, %jit3A_1891, %sign3A_1906 : i32
      %sign3A_1908 = arith.extui %sign3A_1907 : i1 to i32
      %sign3A_1909 = arith.subi %sign3A_1905, %sign3A_1908 : i32
      %ne3A_1910 = vector.broadcast %sign3A_1909 : i32 to vector<16xi32>
      %ne3A_1911 = arith.cmpi ne, %sign3A_1902, %ne3A_1910 : vector<16xi32>
      %rem3A_1912 = vector.broadcast %jit3A_1891 : i32 to vector<16xi32>
      %rem3A_1913 = arith.remsi %select_n3A_1889, %rem3A_1912 : vector<16xi32>
      %ne3A_1914 = arith.constant 0 : i32
      %ne3A_1915 = vector.broadcast %ne3A_1914 : i32 to vector<16xi32>
      %ne3A_1916 = arith.cmpi ne, %rem3A_1913, %ne3A_1915 : vector<16xi32>
      %and3A_1917 = arith.andi %ne3A_1911, %ne3A_1916 : vector<16xi1>
      %sub3A_1918 = arith.constant 1 : i32
      %sub3A_1919 = vector.broadcast %sub3A_1918 : i32 to vector<16xi32>
      %sub3A_1920 = arith.subi %div3A_1893, %sub3A_1919 : vector<16xi32>
      %select_n3A_1921 = arith.select %and3A_1917, %sub3A_1920, %div3A_1893 : vector<16xi1>, vector<16xi32>
      %mul3A_1922 = arith.constant 6400 : i32
      %mul3A_1923 = vector.broadcast %mul3A_1922 : i32 to vector<16xi32>
      %mul3A_1924 = arith.muli %select_n3A_1921, %mul3A_1923 : vector<16xi32>
      %add3A_1925 = arith.addi %gather3A_1890, %mul3A_1924 : vector<16xi32>
      %eq3A_1926 = arith.constant 6 : i32
      %eq3A_1927 = vector.broadcast %eq3A_1926 : i32 to vector<16xi32>
      %eq3A_1928 = arith.cmpi eq, %iota3A, %eq3A_1927 : vector<16xi32>
      %select_n3A_1929 = arith.select %eq3A_1928, %select_n3A_1888, %select_n3A_1686 : vector<16xi1>, vector<16xf32>
      %eq3A_1930 = arith.constant 6 : i32
      %eq3A_1931 = vector.broadcast %eq3A_1930 : i32 to vector<16xi32>
      %eq3A_1932 = arith.cmpi eq, %iota3A, %eq3A_1931 : vector<16xi32>
      %select_n3A_1933 = arith.select %eq3A_1932, %add3A_1925, %select_n3A_1690 : vector<16xi1>, vector<16xi32>
      %broadcast_in_dim3A_1934 = arith.constant 0xFF800000 : f32
      %broadcast_in_dim3A_1935 = vector.broadcast %broadcast_in_dim3A_1934 : f32 to vector<16xf32>
      tpu.vector_store_idx %arg10[%select_n3A_1889], %broadcast_in_dim3A_1935 masked %eq3A_1 : memref<256xf32, #tpu.memory_space<vmem>>[vector<16xi32>], vector<16xf32>, vector<16xi1>
      %broadcast_in_dim3A_1936 = arith.constant 0xFF800000 : f32
      %broadcast_in_dim3A_1937 = vector.broadcast %broadcast_in_dim3A_1936 : f32 to vector<16xf32>
      %broadcast_in_dim3A_1938 = arith.constant 0 : i32
      %broadcast_in_dim3A_1939 = vector.broadcast %broadcast_in_dim3A_1938 : i32 to vector<16xi32>
      %get3A_1940 = arith.constant 0 : index
      %get3A_1941 = tpu.vector_load %arg10[%get3A_1940] {strides = array<i32>} : memref<256xf32, #tpu.memory_space<vmem>>, vector<16xf32>,
      %gt3A_1942 = arith.cmpf ogt, %get3A_1941, %broadcast_in_dim3A_1937 : vector<16xf32>
      %select_n3A_1943 = arith.select %gt3A_1942, %get3A_1941, %broadcast_in_dim3A_1937 : vector<16xi1>, vector<16xf32>
      %add3A_1944 = arith.constant 0 : i32
      %add3A_1945 = vector.broadcast %add3A_1944 : i32 to vector<16xi32>
      %add3A_1946 = arith.addi %iota3A, %add3A_1945 : vector<16xi32>
      %select_n3A_1947 = arith.select %gt3A_1942, %add3A_1946, %broadcast_in_dim3A_1939 : vector<16xi1>, vector<16xi32>
      %get3A_1948 = arith.constant 16 : index
      %get3A_1949 = tpu.vector_load %arg10[%get3A_1948] {strides = array<i32>} : memref<256xf32, #tpu.memory_space<vmem>>, vector<16xf32>,
      %gt3A_1950 = arith.cmpf ogt, %get3A_1949, %select_n3A_1943 : vector<16xf32>
      %select_n3A_1951 = arith.select %gt3A_1950, %get3A_1949, %select_n3A_1943 : vector<16xi1>, vector<16xf32>
      %add3A_1952 = arith.constant 16 : i32
      %add3A_1953 = vector.broadcast %add3A_1952 : i32 to vector<16xi32>
      %add3A_1954 = arith.addi %iota3A, %add3A_1953 : vector<16xi32>
      %select_n3A_1955 = arith.select %gt3A_1950, %add3A_1954, %select_n3A_1947 : vector<16xi1>, vector<16xi32>
      %get3A_1956 = arith.constant 32 : index
      %get3A_1957 = tpu.vector_load %arg10[%get3A_1956] {strides = array<i32>} : memref<256xf32, #tpu.memory_space<vmem>>, vector<16xf32>,
      %gt3A_1958 = arith.cmpf ogt, %get3A_1957, %select_n3A_1951 : vector<16xf32>
      %select_n3A_1959 = arith.select %gt3A_1958, %get3A_1957, %select_n3A_1951 : vector<16xi1>, vector<16xf32>
      %add3A_1960 = arith.constant 32 : i32
      %add3A_1961 = vector.broadcast %add3A_1960 : i32 to vector<16xi32>
      %add3A_1962 = arith.addi %iota3A, %add3A_1961 : vector<16xi32>
      %select_n3A_1963 = arith.select %gt3A_1958, %add3A_1962, %select_n3A_1955 : vector<16xi1>, vector<16xi32>
      %get3A_1964 = arith.constant 48 : index
      %get3A_1965 = tpu.vector_load %arg10[%get3A_1964] {strides = array<i32>} : memref<256xf32, #tpu.memory_space<vmem>>, vector<16xf32>,
      %gt3A_1966 = arith.cmpf ogt, %get3A_1965, %select_n3A_1959 : vector<16xf32>
      %select_n3A_1967 = arith.select %gt3A_1966, %get3A_1965, %select_n3A_1959 : vector<16xi1>, vector<16xf32>
      %add3A_1968 = arith.constant 48 : i32
      %add3A_1969 = vector.broadcast %add3A_1968 : i32 to vector<16xi32>
      %add3A_1970 = arith.addi %iota3A, %add3A_1969 : vector<16xi32>
      %select_n3A_1971 = arith.select %gt3A_1966, %add3A_1970, %select_n3A_1963 : vector<16xi1>, vector<16xi32>
      %get3A_1972 = arith.constant 64 : index
      %get3A_1973 = tpu.vector_load %arg10[%get3A_1972] {strides = array<i32>} : memref<256xf32, #tpu.memory_space<vmem>>, vector<16xf32>,
      %gt3A_1974 = arith.cmpf ogt, %get3A_1973, %select_n3A_1967 : vector<16xf32>
      %select_n3A_1975 = arith.select %gt3A_1974, %get3A_1973, %select_n3A_1967 : vector<16xi1>, vector<16xf32>
      %add3A_1976 = arith.constant 64 : i32
      %add3A_1977 = vector.broadcast %add3A_1976 : i32 to vector<16xi32>
      %add3A_1978 = arith.addi %iota3A, %add3A_1977 : vector<16xi32>
      %select_n3A_1979 = arith.select %gt3A_1974, %add3A_1978, %select_n3A_1971 : vector<16xi1>, vector<16xi32>
      %get3A_1980 = arith.constant 80 : index
      %get3A_1981 = tpu.vector_load %arg10[%get3A_1980] {strides = array<i32>} : memref<256xf32, #tpu.memory_space<vmem>>, vector<16xf32>,
      %gt3A_1982 = arith.cmpf ogt, %get3A_1981, %select_n3A_1975 : vector<16xf32>
      %select_n3A_1983 = arith.select %gt3A_1982, %get3A_1981, %select_n3A_1975 : vector<16xi1>, vector<16xf32>
      %add3A_1984 = arith.constant 80 : i32
      %add3A_1985 = vector.broadcast %add3A_1984 : i32 to vector<16xi32>
      %add3A_1986 = arith.addi %iota3A, %add3A_1985 : vector<16xi32>
      %select_n3A_1987 = arith.select %gt3A_1982, %add3A_1986, %select_n3A_1979 : vector<16xi1>, vector<16xi32>
      %get3A_1988 = arith.constant 96 : index
      %get3A_1989 = tpu.vector_load %arg10[%get3A_1988] {strides = array<i32>} : memref<256xf32, #tpu.memory_space<vmem>>, vector<16xf32>,
      %gt3A_1990 = arith.cmpf ogt, %get3A_1989, %select_n3A_1983 : vector<16xf32>
      %select_n3A_1991 = arith.select %gt3A_1990, %get3A_1989, %select_n3A_1983 : vector<16xi1>, vector<16xf32>
      %add3A_1992 = arith.constant 96 : i32
      %add3A_1993 = vector.broadcast %add3A_1992 : i32 to vector<16xi32>
      %add3A_1994 = arith.addi %iota3A, %add3A_1993 : vector<16xi32>
      %select_n3A_1995 = arith.select %gt3A_1990, %add3A_1994, %select_n3A_1987 : vector<16xi1>, vector<16xi32>
      %get3A_1996 = arith.constant 112 : index
      %get3A_1997 = tpu.vector_load %arg10[%get3A_1996] {strides = array<i32>} : memref<256xf32, #tpu.memory_space<vmem>>, vector<16xf32>,
      %gt3A_1998 = arith.cmpf ogt, %get3A_1997, %select_n3A_1991 : vector<16xf32>
      %select_n3A_1999 = arith.select %gt3A_1998, %get3A_1997, %select_n3A_1991 : vector<16xi1>, vector<16xf32>
      %add3A_2000 = arith.constant 112 : i32
      %add3A_2001 = vector.broadcast %add3A_2000 : i32 to vector<16xi32>
      %add3A_2002 = arith.addi %iota3A, %add3A_2001 : vector<16xi32>
      %select_n3A_2003 = arith.select %gt3A_1998, %add3A_2002, %select_n3A_1995 : vector<16xi1>, vector<16xi32>
      %get3A_2004 = arith.constant 128 : index
      %get3A_2005 = tpu.vector_load %arg10[%get3A_2004] {strides = array<i32>} : memref<256xf32, #tpu.memory_space<vmem>>, vector<16xf32>,
      %gt3A_2006 = arith.cmpf ogt, %get3A_2005, %select_n3A_1999 : vector<16xf32>
      %select_n3A_2007 = arith.select %gt3A_2006, %get3A_2005, %select_n3A_1999 : vector<16xi1>, vector<16xf32>
      %add3A_2008 = arith.constant 128 : i32
      %add3A_2009 = vector.broadcast %add3A_2008 : i32 to vector<16xi32>
      %add3A_2010 = arith.addi %iota3A, %add3A_2009 : vector<16xi32>
      %select_n3A_2011 = arith.select %gt3A_2006, %add3A_2010, %select_n3A_2003 : vector<16xi1>, vector<16xi32>
      %get3A_2012 = arith.constant 144 : index
      %get3A_2013 = tpu.vector_load %arg10[%get3A_2012] {strides = array<i32>} : memref<256xf32, #tpu.memory_space<vmem>>, vector<16xf32>,
      %gt3A_2014 = arith.cmpf ogt, %get3A_2013, %select_n3A_2007 : vector<16xf32>
      %select_n3A_2015 = arith.select %gt3A_2014, %get3A_2013, %select_n3A_2007 : vector<16xi1>, vector<16xf32>
      %add3A_2016 = arith.constant 144 : i32
      %add3A_2017 = vector.broadcast %add3A_2016 : i32 to vector<16xi32>
      %add3A_2018 = arith.addi %iota3A, %add3A_2017 : vector<16xi32>
      %select_n3A_2019 = arith.select %gt3A_2014, %add3A_2018, %select_n3A_2011 : vector<16xi1>, vector<16xi32>
      %get3A_2020 = arith.constant 160 : index
      %get3A_2021 = tpu.vector_load %arg10[%get3A_2020] {strides = array<i32>} : memref<256xf32, #tpu.memory_space<vmem>>, vector<16xf32>,
      %gt3A_2022 = arith.cmpf ogt, %get3A_2021, %select_n3A_2015 : vector<16xf32>
      %select_n3A_2023 = arith.select %gt3A_2022, %get3A_2021, %select_n3A_2015 : vector<16xi1>, vector<16xf32>
      %add3A_2024 = arith.constant 160 : i32
      %add3A_2025 = vector.broadcast %add3A_2024 : i32 to vector<16xi32>
      %add3A_2026 = arith.addi %iota3A, %add3A_2025 : vector<16xi32>
      %select_n3A_2027 = arith.select %gt3A_2022, %add3A_2026, %select_n3A_2019 : vector<16xi1>, vector<16xi32>
      %get3A_2028 = arith.constant 176 : index
      %get3A_2029 = tpu.vector_load %arg10[%get3A_2028] {strides = array<i32>} : memref<256xf32, #tpu.memory_space<vmem>>, vector<16xf32>,
      %gt3A_2030 = arith.cmpf ogt, %get3A_2029, %select_n3A_2023 : vector<16xf32>
      %select_n3A_2031 = arith.select %gt3A_2030, %get3A_2029, %select_n3A_2023 : vector<16xi1>, vector<16xf32>
      %add3A_2032 = arith.constant 176 : i32
      %add3A_2033 = vector.broadcast %add3A_2032 : i32 to vector<16xi32>
      %add3A_2034 = arith.addi %iota3A, %add3A_2033 : vector<16xi32>
      %select_n3A_2035 = arith.select %gt3A_2030, %add3A_2034, %select_n3A_2027 : vector<16xi1>, vector<16xi32>
      %get3A_2036 = arith.constant 192 : index
      %get3A_2037 = tpu.vector_load %arg10[%get3A_2036] {strides = array<i32>} : memref<256xf32, #tpu.memory_space<vmem>>, vector<16xf32>,
      %gt3A_2038 = arith.cmpf ogt, %get3A_2037, %select_n3A_2031 : vector<16xf32>
      %select_n3A_2039 = arith.select %gt3A_2038, %get3A_2037, %select_n3A_2031 : vector<16xi1>, vector<16xf32>
      %add3A_2040 = arith.constant 192 : i32
      %add3A_2041 = vector.broadcast %add3A_2040 : i32 to vector<16xi32>
      %add3A_2042 = arith.addi %iota3A, %add3A_2041 : vector<16xi32>
      %select_n3A_2043 = arith.select %gt3A_2038, %add3A_2042, %select_n3A_2035 : vector<16xi1>, vector<16xi32>
      %get3A_2044 = arith.constant 208 : index
      %get3A_2045 = tpu.vector_load %arg10[%get3A_2044] {strides = array<i32>} : memref<256xf32, #tpu.memory_space<vmem>>, vector<16xf32>,
      %gt3A_2046 = arith.cmpf ogt, %get3A_2045, %select_n3A_2039 : vector<16xf32>
      %select_n3A_2047 = arith.select %gt3A_2046, %get3A_2045, %select_n3A_2039 : vector<16xi1>, vector<16xf32>
      %add3A_2048 = arith.constant 208 : i32
      %add3A_2049 = vector.broadcast %add3A_2048 : i32 to vector<16xi32>
      %add3A_2050 = arith.addi %iota3A, %add3A_2049 : vector<16xi32>
      %select_n3A_2051 = arith.select %gt3A_2046, %add3A_2050, %select_n3A_2043 : vector<16xi1>, vector<16xi32>
      %get3A_2052 = arith.constant 224 : index
      %get3A_2053 = tpu.vector_load %arg10[%get3A_2052] {strides = array<i32>} : memref<256xf32, #tpu.memory_space<vmem>>, vector<16xf32>,
      %gt3A_2054 = arith.cmpf ogt, %get3A_2053, %select_n3A_2047 : vector<16xf32>
      %select_n3A_2055 = arith.select %gt3A_2054, %get3A_2053, %select_n3A_2047 : vector<16xi1>, vector<16xf32>
      %add3A_2056 = arith.constant 224 : i32
      %add3A_2057 = vector.broadcast %add3A_2056 : i32 to vector<16xi32>
      %add3A_2058 = arith.addi %iota3A, %add3A_2057 : vector<16xi32>
      %select_n3A_2059 = arith.select %gt3A_2054, %add3A_2058, %select_n3A_2051 : vector<16xi1>, vector<16xi32>
      %get3A_2060 = arith.constant 240 : index
      %get3A_2061 = tpu.vector_load %arg10[%get3A_2060] {strides = array<i32>} : memref<256xf32, #tpu.memory_space<vmem>>, vector<16xf32>,
      %gt3A_2062 = arith.cmpf ogt, %get3A_2061, %select_n3A_2055 : vector<16xf32>
      %select_n3A_2063 = arith.select %gt3A_2062, %get3A_2061, %select_n3A_2055 : vector<16xi1>, vector<16xf32>
      %add3A_2064 = arith.constant 240 : i32
      %add3A_2065 = vector.broadcast %add3A_2064 : i32 to vector<16xi32>
      %add3A_2066 = arith.addi %iota3A, %add3A_2065 : vector<16xi32>
      %select_n3A_2067 = arith.select %gt3A_2062, %add3A_2066, %select_n3A_2059 : vector<16xi1>, vector<16xi32>
      %iota3A_2068 = tpu.iota {dimensions = array<i32: 0>} : vector<16xi32>
      %xor3A_2069 = arith.constant 1 : i32
      %xor3A_2070 = vector.broadcast %xor3A_2069 : i32 to vector<16xi32>
      %xor3A_2071 = arith.xori %iota3A_2068, %xor3A_2070 : vector<16xi32>
      %broadcast_in_dim3A_2072 = vector.shape_cast %xor3A_2071 : vector<16xi32> to vector<16x1xi32>
      %gather3A_2073 = vector.shape_cast %broadcast_in_dim3A_2072 : vector<16x1xi32> to vector<16xi32>
      %gather3A_2074 = tpu.dynamic_gather %select_n3A_2063[%gather3A_2073] in [0] : vector<16xf32>, vector<16xi32> -> vector<16xf32>
      %broadcast_in_dim3A_2075 = vector.shape_cast %xor3A_2071 : vector<16xi32> to vector<16x1xi32>
      %gather3A_2076 = vector.shape_cast %broadcast_in_dim3A_2075 : vector<16x1xi32> to vector<16xi32>
      %gather3A_2077 = tpu.dynamic_gather %select_n3A_2067[%gather3A_2076] in [0] : vector<16xi32>, vector<16xi32> -> vector<16xi32>
      %gt3A_2078 = arith.cmpf ogt, %gather3A_2074, %select_n3A_2063 : vector<16xf32>
      %eq3A_2079 = arith.cmpf oeq, %gather3A_2074, %select_n3A_2063 : vector<16xf32>
      %lt3A_2080 = arith.cmpi slt, %gather3A_2077, %select_n3A_2067 : vector<16xi32>
      %and3A_2081 = arith.andi %eq3A_2079, %lt3A_2080 : vector<16xi1>
      %or3A_2082 = arith.ori %gt3A_2078, %and3A_2081 : vector<16xi1>
      %select_n3A_2083 = arith.select %or3A_2082, %gather3A_2074, %select_n3A_2063 : vector<16xi1>, vector<16xf32>
      %select_n3A_2084 = arith.select %or3A_2082, %gather3A_2077, %select_n3A_2067 : vector<16xi1>, vector<16xi32>
      %xor3A_2085 = arith.constant 2 : i32
      %xor3A_2086 = vector.broadcast %xor3A_2085 : i32 to vector<16xi32>
      %xor3A_2087 = arith.xori %iota3A_2068, %xor3A_2086 : vector<16xi32>
      %broadcast_in_dim3A_2088 = vector.shape_cast %xor3A_2087 : vector<16xi32> to vector<16x1xi32>
      %gather3A_2089 = vector.shape_cast %broadcast_in_dim3A_2088 : vector<16x1xi32> to vector<16xi32>
      %gather3A_2090 = tpu.dynamic_gather %select_n3A_2083[%gather3A_2089] in [0] : vector<16xf32>, vector<16xi32> -> vector<16xf32>
      %broadcast_in_dim3A_2091 = vector.shape_cast %xor3A_2087 : vector<16xi32> to vector<16x1xi32>
      %gather3A_2092 = vector.shape_cast %broadcast_in_dim3A_2091 : vector<16x1xi32> to vector<16xi32>
      %gather3A_2093 = tpu.dynamic_gather %select_n3A_2084[%gather3A_2092] in [0] : vector<16xi32>, vector<16xi32> -> vector<16xi32>
      %gt3A_2094 = arith.cmpf ogt, %gather3A_2090, %select_n3A_2083 : vector<16xf32>
      %eq3A_2095 = arith.cmpf oeq, %gather3A_2090, %select_n3A_2083 : vector<16xf32>
      %lt3A_2096 = arith.cmpi slt, %gather3A_2093, %select_n3A_2084 : vector<16xi32>
      %and3A_2097 = arith.andi %eq3A_2095, %lt3A_2096 : vector<16xi1>
      %or3A_2098 = arith.ori %gt3A_2094, %and3A_2097 : vector<16xi1>
      %select_n3A_2099 = arith.select %or3A_2098, %gather3A_2090, %select_n3A_2083 : vector<16xi1>, vector<16xf32>
      %select_n3A_2100 = arith.select %or3A_2098, %gather3A_2093, %select_n3A_2084 : vector<16xi1>, vector<16xi32>
      %xor3A_2101 = arith.constant 4 : i32
      %xor3A_2102 = vector.broadcast %xor3A_2101 : i32 to vector<16xi32>
      %xor3A_2103 = arith.xori %iota3A_2068, %xor3A_2102 : vector<16xi32>
      %broadcast_in_dim3A_2104 = vector.shape_cast %xor3A_2103 : vector<16xi32> to vector<16x1xi32>
      %gather3A_2105 = vector.shape_cast %broadcast_in_dim3A_2104 : vector<16x1xi32> to vector<16xi32>
      %gather3A_2106 = tpu.dynamic_gather %select_n3A_2099[%gather3A_2105] in [0] : vector<16xf32>, vector<16xi32> -> vector<16xf32>
      %broadcast_in_dim3A_2107 = vector.shape_cast %xor3A_2103 : vector<16xi32> to vector<16x1xi32>
      %gather3A_2108 = vector.shape_cast %broadcast_in_dim3A_2107 : vector<16x1xi32> to vector<16xi32>
      %gather3A_2109 = tpu.dynamic_gather %select_n3A_2100[%gather3A_2108] in [0] : vector<16xi32>, vector<16xi32> -> vector<16xi32>
      %gt3A_2110 = arith.cmpf ogt, %gather3A_2106, %select_n3A_2099 : vector<16xf32>
      %eq3A_2111 = arith.cmpf oeq, %gather3A_2106, %select_n3A_2099 : vector<16xf32>
      %lt3A_2112 = arith.cmpi slt, %gather3A_2109, %select_n3A_2100 : vector<16xi32>
      %and3A_2113 = arith.andi %eq3A_2111, %lt3A_2112 : vector<16xi1>
      %or3A_2114 = arith.ori %gt3A_2110, %and3A_2113 : vector<16xi1>
      %select_n3A_2115 = arith.select %or3A_2114, %gather3A_2106, %select_n3A_2099 : vector<16xi1>, vector<16xf32>
      %select_n3A_2116 = arith.select %or3A_2114, %gather3A_2109, %select_n3A_2100 : vector<16xi1>, vector<16xi32>
      %xor3A_2117 = arith.constant 8 : i32
      %xor3A_2118 = vector.broadcast %xor3A_2117 : i32 to vector<16xi32>
      %xor3A_2119 = arith.xori %iota3A_2068, %xor3A_2118 : vector<16xi32>
      %broadcast_in_dim3A_2120 = vector.shape_cast %xor3A_2119 : vector<16xi32> to vector<16x1xi32>
      %gather3A_2121 = vector.shape_cast %broadcast_in_dim3A_2120 : vector<16x1xi32> to vector<16xi32>
      %gather3A_2122 = tpu.dynamic_gather %select_n3A_2115[%gather3A_2121] in [0] : vector<16xf32>, vector<16xi32> -> vector<16xf32>
      %broadcast_in_dim3A_2123 = vector.shape_cast %xor3A_2119 : vector<16xi32> to vector<16x1xi32>
      %gather3A_2124 = vector.shape_cast %broadcast_in_dim3A_2123 : vector<16x1xi32> to vector<16xi32>
      %gather3A_2125 = tpu.dynamic_gather %select_n3A_2116[%gather3A_2124] in [0] : vector<16xi32>, vector<16xi32> -> vector<16xi32>
      %gt3A_2126 = arith.cmpf ogt, %gather3A_2122, %select_n3A_2115 : vector<16xf32>
      %eq3A_2127 = arith.cmpf oeq, %gather3A_2122, %select_n3A_2115 : vector<16xf32>
      %lt3A_2128 = arith.cmpi slt, %gather3A_2125, %select_n3A_2116 : vector<16xi32>
      %and3A_2129 = arith.andi %eq3A_2127, %lt3A_2128 : vector<16xi1>
      %or3A_2130 = arith.ori %gt3A_2126, %and3A_2129 : vector<16xi1>
      %select_n3A_2131 = arith.select %or3A_2130, %gather3A_2122, %select_n3A_2115 : vector<16xi1>, vector<16xf32>
      %select_n3A_2132 = arith.select %or3A_2130, %gather3A_2125, %select_n3A_2116 : vector<16xi1>, vector<16xi32>
      %gather3A_2133 = tpu.vector_load_idx %arg11[%select_n3A_2132] : memref<256xi32, #tpu.memory_space<vmem>>[vector<16xi32>], vector<16xi32>,
      %jit3A_2134 = arith.constant 16 : i32
      %div3A_2135 = vector.broadcast %jit3A_2134 : i32 to vector<16xi32>
      %div3A_2136 = arith.divsi %select_n3A_2132, %div3A_2135 : vector<16xi32>
      %sign3A_2137 = arith.constant 0 : i32
      %sign3A_2138 = vector.broadcast %sign3A_2137 : i32 to vector<16xi32>
      %sign3A_2139 = arith.cmpi sgt, %select_n3A_2132, %sign3A_2138 : vector<16xi32>
      %sign3A_2140 = arith.extui %sign3A_2139 : vector<16xi1> to vector<16xi32>
      %sign3A_2141 = arith.constant 0 : i32
      %sign3A_2142 = vector.broadcast %sign3A_2141 : i32 to vector<16xi32>
      %sign3A_2143 = arith.cmpi slt, %select_n3A_2132, %sign3A_2142 : vector<16xi32>
      %sign3A_2144 = arith.extui %sign3A_2143 : vector<16xi1> to vector<16xi32>
      %sign3A_2145 = arith.subi %sign3A_2140, %sign3A_2144 : vector<16xi32>
      %sign3A_2146 = arith.constant 0 : i32
      %sign3A_2147 = arith.cmpi sgt, %jit3A_2134, %sign3A_2146 : i32
      %sign3A_2148 = arith.extui %sign3A_2147 : i1 to i32
      %sign3A_2149 = arith.constant 0 : i32
      %sign3A_2150 = arith.cmpi slt, %jit3A_2134, %sign3A_2149 : i32
      %sign3A_2151 = arith.extui %sign3A_2150 : i1 to i32
      %sign3A_2152 = arith.subi %sign3A_2148, %sign3A_2151 : i32
      %ne3A_2153 = vector.broadcast %sign3A_2152 : i32 to vector<16xi32>
      %ne3A_2154 = arith.cmpi ne, %sign3A_2145, %ne3A_2153 : vector<16xi32>
      %rem3A_2155 = vector.broadcast %jit3A_2134 : i32 to vector<16xi32>
      %rem3A_2156 = arith.remsi %select_n3A_2132, %rem3A_2155 : vector<16xi32>
      %ne3A_2157 = arith.constant 0 : i32
      %ne3A_2158 = vector.broadcast %ne3A_2157 : i32 to vector<16xi32>
      %ne3A_2159 = arith.cmpi ne, %rem3A_2156, %ne3A_2158 : vector<16xi32>
      %and3A_2160 = arith.andi %ne3A_2154, %ne3A_2159 : vector<16xi1>
      %sub3A_2161 = arith.constant 1 : i32
      %sub3A_2162 = vector.broadcast %sub3A_2161 : i32 to vector<16xi32>
      %sub3A_2163 = arith.subi %div3A_2136, %sub3A_2162 : vector<16xi32>
      %select_n3A_2164 = arith.select %and3A_2160, %sub3A_2163, %div3A_2136 : vector<16xi1>, vector<16xi32>
      %mul3A_2165 = arith.constant 6400 : i32
      %mul3A_2166 = vector.broadcast %mul3A_2165 : i32 to vector<16xi32>
      %mul3A_2167 = arith.muli %select_n3A_2164, %mul3A_2166 : vector<16xi32>
      %add3A_2168 = arith.addi %gather3A_2133, %mul3A_2167 : vector<16xi32>
      %eq3A_2169 = arith.constant 7 : i32
      %eq3A_2170 = vector.broadcast %eq3A_2169 : i32 to vector<16xi32>
      %eq3A_2171 = arith.cmpi eq, %iota3A, %eq3A_2170 : vector<16xi32>
      %select_n3A_2172 = arith.select %eq3A_2171, %select_n3A_2131, %select_n3A_1929 : vector<16xi1>, vector<16xf32>
      %eq3A_2173 = arith.constant 7 : i32
      %eq3A_2174 = vector.broadcast %eq3A_2173 : i32 to vector<16xi32>
      %eq3A_2175 = arith.cmpi eq, %iota3A, %eq3A_2174 : vector<16xi32>
      %select_n3A_2176 = arith.select %eq3A_2175, %add3A_2168, %select_n3A_1933 : vector<16xi1>, vector<16xi32>
      %broadcast_in_dim3A_2177 = arith.constant 0xFF800000 : f32
      %broadcast_in_dim3A_2178 = vector.broadcast %broadcast_in_dim3A_2177 : f32 to vector<16xf32>
      tpu.vector_store_idx %arg10[%select_n3A_2132], %broadcast_in_dim3A_2178 masked %eq3A_1 : memref<256xf32, #tpu.memory_space<vmem>>[vector<16xi32>], vector<16xf32>, vector<16xi1>
      %broadcast_in_dim3A_2179 = arith.constant 0xFF800000 : f32
      %broadcast_in_dim3A_2180 = vector.broadcast %broadcast_in_dim3A_2179 : f32 to vector<16xf32>
      %broadcast_in_dim3A_2181 = arith.constant 0 : i32
      %broadcast_in_dim3A_2182 = vector.broadcast %broadcast_in_dim3A_2181 : i32 to vector<16xi32>
      %get3A_2183 = arith.constant 0 : index
      %get3A_2184 = tpu.vector_load %arg10[%get3A_2183] {strides = array<i32>} : memref<256xf32, #tpu.memory_space<vmem>>, vector<16xf32>,
      %gt3A_2185 = arith.cmpf ogt, %get3A_2184, %broadcast_in_dim3A_2180 : vector<16xf32>
      %select_n3A_2186 = arith.select %gt3A_2185, %get3A_2184, %broadcast_in_dim3A_2180 : vector<16xi1>, vector<16xf32>
      %add3A_2187 = arith.constant 0 : i32
      %add3A_2188 = vector.broadcast %add3A_2187 : i32 to vector<16xi32>
      %add3A_2189 = arith.addi %iota3A, %add3A_2188 : vector<16xi32>
      %select_n3A_2190 = arith.select %gt3A_2185, %add3A_2189, %broadcast_in_dim3A_2182 : vector<16xi1>, vector<16xi32>
      %get3A_2191 = arith.constant 16 : index
      %get3A_2192 = tpu.vector_load %arg10[%get3A_2191] {strides = array<i32>} : memref<256xf32, #tpu.memory_space<vmem>>, vector<16xf32>,
      %gt3A_2193 = arith.cmpf ogt, %get3A_2192, %select_n3A_2186 : vector<16xf32>
      %select_n3A_2194 = arith.select %gt3A_2193, %get3A_2192, %select_n3A_2186 : vector<16xi1>, vector<16xf32>
      %add3A_2195 = arith.constant 16 : i32
      %add3A_2196 = vector.broadcast %add3A_2195 : i32 to vector<16xi32>
      %add3A_2197 = arith.addi %iota3A, %add3A_2196 : vector<16xi32>
      %select_n3A_2198 = arith.select %gt3A_2193, %add3A_2197, %select_n3A_2190 : vector<16xi1>, vector<16xi32>
      %get3A_2199 = arith.constant 32 : index
      %get3A_2200 = tpu.vector_load %arg10[%get3A_2199] {strides = array<i32>} : memref<256xf32, #tpu.memory_space<vmem>>, vector<16xf32>,
      %gt3A_2201 = arith.cmpf ogt, %get3A_2200, %select_n3A_2194 : vector<16xf32>
      %select_n3A_2202 = arith.select %gt3A_2201, %get3A_2200, %select_n3A_2194 : vector<16xi1>, vector<16xf32>
      %add3A_2203 = arith.constant 32 : i32
      %add3A_2204 = vector.broadcast %add3A_2203 : i32 to vector<16xi32>
      %add3A_2205 = arith.addi %iota3A, %add3A_2204 : vector<16xi32>
      %select_n3A_2206 = arith.select %gt3A_2201, %add3A_2205, %select_n3A_2198 : vector<16xi1>, vector<16xi32>
      %get3A_2207 = arith.constant 48 : index
      %get3A_2208 = tpu.vector_load %arg10[%get3A_2207] {strides = array<i32>} : memref<256xf32, #tpu.memory_space<vmem>>, vector<16xf32>,
      %gt3A_2209 = arith.cmpf ogt, %get3A_2208, %select_n3A_2202 : vector<16xf32>
      %select_n3A_2210 = arith.select %gt3A_2209, %get3A_2208, %select_n3A_2202 : vector<16xi1>, vector<16xf32>
      %add3A_2211 = arith.constant 48 : i32
      %add3A_2212 = vector.broadcast %add3A_2211 : i32 to vector<16xi32>
      %add3A_2213 = arith.addi %iota3A, %add3A_2212 : vector<16xi32>
      %select_n3A_2214 = arith.select %gt3A_2209, %add3A_2213, %select_n3A_2206 : vector<16xi1>, vector<16xi32>
      %get3A_2215 = arith.constant 64 : index
      %get3A_2216 = tpu.vector_load %arg10[%get3A_2215] {strides = array<i32>} : memref<256xf32, #tpu.memory_space<vmem>>, vector<16xf32>,
      %gt3A_2217 = arith.cmpf ogt, %get3A_2216, %select_n3A_2210 : vector<16xf32>
      %select_n3A_2218 = arith.select %gt3A_2217, %get3A_2216, %select_n3A_2210 : vector<16xi1>, vector<16xf32>
      %add3A_2219 = arith.constant 64 : i32
      %add3A_2220 = vector.broadcast %add3A_2219 : i32 to vector<16xi32>
      %add3A_2221 = arith.addi %iota3A, %add3A_2220 : vector<16xi32>
      %select_n3A_2222 = arith.select %gt3A_2217, %add3A_2221, %select_n3A_2214 : vector<16xi1>, vector<16xi32>
      %get3A_2223 = arith.constant 80 : index
      %get3A_2224 = tpu.vector_load %arg10[%get3A_2223] {strides = array<i32>} : memref<256xf32, #tpu.memory_space<vmem>>, vector<16xf32>,
      %gt3A_2225 = arith.cmpf ogt, %get3A_2224, %select_n3A_2218 : vector<16xf32>
      %select_n3A_2226 = arith.select %gt3A_2225, %get3A_2224, %select_n3A_2218 : vector<16xi1>, vector<16xf32>
      %add3A_2227 = arith.constant 80 : i32
      %add3A_2228 = vector.broadcast %add3A_2227 : i32 to vector<16xi32>
      %add3A_2229 = arith.addi %iota3A, %add3A_2228 : vector<16xi32>
      %select_n3A_2230 = arith.select %gt3A_2225, %add3A_2229, %select_n3A_2222 : vector<16xi1>, vector<16xi32>
      %get3A_2231 = arith.constant 96 : index
      %get3A_2232 = tpu.vector_load %arg10[%get3A_2231] {strides = array<i32>} : memref<256xf32, #tpu.memory_space<vmem>>, vector<16xf32>,
      %gt3A_2233 = arith.cmpf ogt, %get3A_2232, %select_n3A_2226 : vector<16xf32>
      %select_n3A_2234 = arith.select %gt3A_2233, %get3A_2232, %select_n3A_2226 : vector<16xi1>, vector<16xf32>
      %add3A_2235 = arith.constant 96 : i32
      %add3A_2236 = vector.broadcast %add3A_2235 : i32 to vector<16xi32>
      %add3A_2237 = arith.addi %iota3A, %add3A_2236 : vector<16xi32>
      %select_n3A_2238 = arith.select %gt3A_2233, %add3A_2237, %select_n3A_2230 : vector<16xi1>, vector<16xi32>
      %get3A_2239 = arith.constant 112 : index
      %get3A_2240 = tpu.vector_load %arg10[%get3A_2239] {strides = array<i32>} : memref<256xf32, #tpu.memory_space<vmem>>, vector<16xf32>,
      %gt3A_2241 = arith.cmpf ogt, %get3A_2240, %select_n3A_2234 : vector<16xf32>
      %select_n3A_2242 = arith.select %gt3A_2241, %get3A_2240, %select_n3A_2234 : vector<16xi1>, vector<16xf32>
      %add3A_2243 = arith.constant 112 : i32
      %add3A_2244 = vector.broadcast %add3A_2243 : i32 to vector<16xi32>
      %add3A_2245 = arith.addi %iota3A, %add3A_2244 : vector<16xi32>
      %select_n3A_2246 = arith.select %gt3A_2241, %add3A_2245, %select_n3A_2238 : vector<16xi1>, vector<16xi32>
      %get3A_2247 = arith.constant 128 : index
      %get3A_2248 = tpu.vector_load %arg10[%get3A_2247] {strides = array<i32>} : memref<256xf32, #tpu.memory_space<vmem>>, vector<16xf32>,
      %gt3A_2249 = arith.cmpf ogt, %get3A_2248, %select_n3A_2242 : vector<16xf32>
      %select_n3A_2250 = arith.select %gt3A_2249, %get3A_2248, %select_n3A_2242 : vector<16xi1>, vector<16xf32>
      %add3A_2251 = arith.constant 128 : i32
      %add3A_2252 = vector.broadcast %add3A_2251 : i32 to vector<16xi32>
      %add3A_2253 = arith.addi %iota3A, %add3A_2252 : vector<16xi32>
      %select_n3A_2254 = arith.select %gt3A_2249, %add3A_2253, %select_n3A_2246 : vector<16xi1>, vector<16xi32>
      %get3A_2255 = arith.constant 144 : index
      %get3A_2256 = tpu.vector_load %arg10[%get3A_2255] {strides = array<i32>} : memref<256xf32, #tpu.memory_space<vmem>>, vector<16xf32>,
      %gt3A_2257 = arith.cmpf ogt, %get3A_2256, %select_n3A_2250 : vector<16xf32>
      %select_n3A_2258 = arith.select %gt3A_2257, %get3A_2256, %select_n3A_2250 : vector<16xi1>, vector<16xf32>
      %add3A_2259 = arith.constant 144 : i32
      %add3A_2260 = vector.broadcast %add3A_2259 : i32 to vector<16xi32>
      %add3A_2261 = arith.addi %iota3A, %add3A_2260 : vector<16xi32>
      %select_n3A_2262 = arith.select %gt3A_2257, %add3A_2261, %select_n3A_2254 : vector<16xi1>, vector<16xi32>
      %get3A_2263 = arith.constant 160 : index
      %get3A_2264 = tpu.vector_load %arg10[%get3A_2263] {strides = array<i32>} : memref<256xf32, #tpu.memory_space<vmem>>, vector<16xf32>,
      %gt3A_2265 = arith.cmpf ogt, %get3A_2264, %select_n3A_2258 : vector<16xf32>
      %select_n3A_2266 = arith.select %gt3A_2265, %get3A_2264, %select_n3A_2258 : vector<16xi1>, vector<16xf32>
      %add3A_2267 = arith.constant 160 : i32
      %add3A_2268 = vector.broadcast %add3A_2267 : i32 to vector<16xi32>
      %add3A_2269 = arith.addi %iota3A, %add3A_2268 : vector<16xi32>
      %select_n3A_2270 = arith.select %gt3A_2265, %add3A_2269, %select_n3A_2262 : vector<16xi1>, vector<16xi32>
      %get3A_2271 = arith.constant 176 : index
      %get3A_2272 = tpu.vector_load %arg10[%get3A_2271] {strides = array<i32>} : memref<256xf32, #tpu.memory_space<vmem>>, vector<16xf32>,
      %gt3A_2273 = arith.cmpf ogt, %get3A_2272, %select_n3A_2266 : vector<16xf32>
      %select_n3A_2274 = arith.select %gt3A_2273, %get3A_2272, %select_n3A_2266 : vector<16xi1>, vector<16xf32>
      %add3A_2275 = arith.constant 176 : i32
      %add3A_2276 = vector.broadcast %add3A_2275 : i32 to vector<16xi32>
      %add3A_2277 = arith.addi %iota3A, %add3A_2276 : vector<16xi32>
      %select_n3A_2278 = arith.select %gt3A_2273, %add3A_2277, %select_n3A_2270 : vector<16xi1>, vector<16xi32>
      %get3A_2279 = arith.constant 192 : index
      %get3A_2280 = tpu.vector_load %arg10[%get3A_2279] {strides = array<i32>} : memref<256xf32, #tpu.memory_space<vmem>>, vector<16xf32>,
      %gt3A_2281 = arith.cmpf ogt, %get3A_2280, %select_n3A_2274 : vector<16xf32>
      %select_n3A_2282 = arith.select %gt3A_2281, %get3A_2280, %select_n3A_2274 : vector<16xi1>, vector<16xf32>
      %add3A_2283 = arith.constant 192 : i32
      %add3A_2284 = vector.broadcast %add3A_2283 : i32 to vector<16xi32>
      %add3A_2285 = arith.addi %iota3A, %add3A_2284 : vector<16xi32>
      %select_n3A_2286 = arith.select %gt3A_2281, %add3A_2285, %select_n3A_2278 : vector<16xi1>, vector<16xi32>
      %get3A_2287 = arith.constant 208 : index
      %get3A_2288 = tpu.vector_load %arg10[%get3A_2287] {strides = array<i32>} : memref<256xf32, #tpu.memory_space<vmem>>, vector<16xf32>,
      %gt3A_2289 = arith.cmpf ogt, %get3A_2288, %select_n3A_2282 : vector<16xf32>
      %select_n3A_2290 = arith.select %gt3A_2289, %get3A_2288, %select_n3A_2282 : vector<16xi1>, vector<16xf32>
      %add3A_2291 = arith.constant 208 : i32
      %add3A_2292 = vector.broadcast %add3A_2291 : i32 to vector<16xi32>
      %add3A_2293 = arith.addi %iota3A, %add3A_2292 : vector<16xi32>
      %select_n3A_2294 = arith.select %gt3A_2289, %add3A_2293, %select_n3A_2286 : vector<16xi1>, vector<16xi32>
      %get3A_2295 = arith.constant 224 : index
      %get3A_2296 = tpu.vector_load %arg10[%get3A_2295] {strides = array<i32>} : memref<256xf32, #tpu.memory_space<vmem>>, vector<16xf32>,
      %gt3A_2297 = arith.cmpf ogt, %get3A_2296, %select_n3A_2290 : vector<16xf32>
      %select_n3A_2298 = arith.select %gt3A_2297, %get3A_2296, %select_n3A_2290 : vector<16xi1>, vector<16xf32>
      %add3A_2299 = arith.constant 224 : i32
      %add3A_2300 = vector.broadcast %add3A_2299 : i32 to vector<16xi32>
      %add3A_2301 = arith.addi %iota3A, %add3A_2300 : vector<16xi32>
      %select_n3A_2302 = arith.select %gt3A_2297, %add3A_2301, %select_n3A_2294 : vector<16xi1>, vector<16xi32>
      %get3A_2303 = arith.constant 240 : index
      %get3A_2304 = tpu.vector_load %arg10[%get3A_2303] {strides = array<i32>} : memref<256xf32, #tpu.memory_space<vmem>>, vector<16xf32>,
      %gt3A_2305 = arith.cmpf ogt, %get3A_2304, %select_n3A_2298 : vector<16xf32>
      %select_n3A_2306 = arith.select %gt3A_2305, %get3A_2304, %select_n3A_2298 : vector<16xi1>, vector<16xf32>
      %add3A_2307 = arith.constant 240 : i32
      %add3A_2308 = vector.broadcast %add3A_2307 : i32 to vector<16xi32>
      %add3A_2309 = arith.addi %iota3A, %add3A_2308 : vector<16xi32>
      %select_n3A_2310 = arith.select %gt3A_2305, %add3A_2309, %select_n3A_2302 : vector<16xi1>, vector<16xi32>
      %iota3A_2311 = tpu.iota {dimensions = array<i32: 0>} : vector<16xi32>
      %xor3A_2312 = arith.constant 1 : i32
      %xor3A_2313 = vector.broadcast %xor3A_2312 : i32 to vector<16xi32>
      %xor3A_2314 = arith.xori %iota3A_2311, %xor3A_2313 : vector<16xi32>
      %broadcast_in_dim3A_2315 = vector.shape_cast %xor3A_2314 : vector<16xi32> to vector<16x1xi32>
      %gather3A_2316 = vector.shape_cast %broadcast_in_dim3A_2315 : vector<16x1xi32> to vector<16xi32>
      %gather3A_2317 = tpu.dynamic_gather %select_n3A_2306[%gather3A_2316] in [0] : vector<16xf32>, vector<16xi32> -> vector<16xf32>
      %broadcast_in_dim3A_2318 = vector.shape_cast %xor3A_2314 : vector<16xi32> to vector<16x1xi32>
      %gather3A_2319 = vector.shape_cast %broadcast_in_dim3A_2318 : vector<16x1xi32> to vector<16xi32>
      %gather3A_2320 = tpu.dynamic_gather %select_n3A_2310[%gather3A_2319] in [0] : vector<16xi32>, vector<16xi32> -> vector<16xi32>
      %gt3A_2321 = arith.cmpf ogt, %gather3A_2317, %select_n3A_2306 : vector<16xf32>
      %eq3A_2322 = arith.cmpf oeq, %gather3A_2317, %select_n3A_2306 : vector<16xf32>
      %lt3A_2323 = arith.cmpi slt, %gather3A_2320, %select_n3A_2310 : vector<16xi32>
      %and3A_2324 = arith.andi %eq3A_2322, %lt3A_2323 : vector<16xi1>
      %or3A_2325 = arith.ori %gt3A_2321, %and3A_2324 : vector<16xi1>
      %select_n3A_2326 = arith.select %or3A_2325, %gather3A_2317, %select_n3A_2306 : vector<16xi1>, vector<16xf32>
      %select_n3A_2327 = arith.select %or3A_2325, %gather3A_2320, %select_n3A_2310 : vector<16xi1>, vector<16xi32>
      %xor3A_2328 = arith.constant 2 : i32
      %xor3A_2329 = vector.broadcast %xor3A_2328 : i32 to vector<16xi32>
      %xor3A_2330 = arith.xori %iota3A_2311, %xor3A_2329 : vector<16xi32>
      %broadcast_in_dim3A_2331 = vector.shape_cast %xor3A_2330 : vector<16xi32> to vector<16x1xi32>
      %gather3A_2332 = vector.shape_cast %broadcast_in_dim3A_2331 : vector<16x1xi32> to vector<16xi32>
      %gather3A_2333 = tpu.dynamic_gather %select_n3A_2326[%gather3A_2332] in [0] : vector<16xf32>, vector<16xi32> -> vector<16xf32>
      %broadcast_in_dim3A_2334 = vector.shape_cast %xor3A_2330 : vector<16xi32> to vector<16x1xi32>
      %gather3A_2335 = vector.shape_cast %broadcast_in_dim3A_2334 : vector<16x1xi32> to vector<16xi32>
      %gather3A_2336 = tpu.dynamic_gather %select_n3A_2327[%gather3A_2335] in [0] : vector<16xi32>, vector<16xi32> -> vector<16xi32>
      %gt3A_2337 = arith.cmpf ogt, %gather3A_2333, %select_n3A_2326 : vector<16xf32>
      %eq3A_2338 = arith.cmpf oeq, %gather3A_2333, %select_n3A_2326 : vector<16xf32>
      %lt3A_2339 = arith.cmpi slt, %gather3A_2336, %select_n3A_2327 : vector<16xi32>
      %and3A_2340 = arith.andi %eq3A_2338, %lt3A_2339 : vector<16xi1>
      %or3A_2341 = arith.ori %gt3A_2337, %and3A_2340 : vector<16xi1>
      %select_n3A_2342 = arith.select %or3A_2341, %gather3A_2333, %select_n3A_2326 : vector<16xi1>, vector<16xf32>
      %select_n3A_2343 = arith.select %or3A_2341, %gather3A_2336, %select_n3A_2327 : vector<16xi1>, vector<16xi32>
      %xor3A_2344 = arith.constant 4 : i32
      %xor3A_2345 = vector.broadcast %xor3A_2344 : i32 to vector<16xi32>
      %xor3A_2346 = arith.xori %iota3A_2311, %xor3A_2345 : vector<16xi32>
      %broadcast_in_dim3A_2347 = vector.shape_cast %xor3A_2346 : vector<16xi32> to vector<16x1xi32>
      %gather3A_2348 = vector.shape_cast %broadcast_in_dim3A_2347 : vector<16x1xi32> to vector<16xi32>
      %gather3A_2349 = tpu.dynamic_gather %select_n3A_2342[%gather3A_2348] in [0] : vector<16xf32>, vector<16xi32> -> vector<16xf32>
      %broadcast_in_dim3A_2350 = vector.shape_cast %xor3A_2346 : vector<16xi32> to vector<16x1xi32>
      %gather3A_2351 = vector.shape_cast %broadcast_in_dim3A_2350 : vector<16x1xi32> to vector<16xi32>
      %gather3A_2352 = tpu.dynamic_gather %select_n3A_2343[%gather3A_2351] in [0] : vector<16xi32>, vector<16xi32> -> vector<16xi32>
      %gt3A_2353 = arith.cmpf ogt, %gather3A_2349, %select_n3A_2342 : vector<16xf32>
      %eq3A_2354 = arith.cmpf oeq, %gather3A_2349, %select_n3A_2342 : vector<16xf32>
      %lt3A_2355 = arith.cmpi slt, %gather3A_2352, %select_n3A_2343 : vector<16xi32>
      %and3A_2356 = arith.andi %eq3A_2354, %lt3A_2355 : vector<16xi1>
      %or3A_2357 = arith.ori %gt3A_2353, %and3A_2356 : vector<16xi1>
      %select_n3A_2358 = arith.select %or3A_2357, %gather3A_2349, %select_n3A_2342 : vector<16xi1>, vector<16xf32>
      %select_n3A_2359 = arith.select %or3A_2357, %gather3A_2352, %select_n3A_2343 : vector<16xi1>, vector<16xi32>
      %xor3A_2360 = arith.constant 8 : i32
      %xor3A_2361 = vector.broadcast %xor3A_2360 : i32 to vector<16xi32>
      %xor3A_2362 = arith.xori %iota3A_2311, %xor3A_2361 : vector<16xi32>
      %broadcast_in_dim3A_2363 = vector.shape_cast %xor3A_2362 : vector<16xi32> to vector<16x1xi32>
      %gather3A_2364 = vector.shape_cast %broadcast_in_dim3A_2363 : vector<16x1xi32> to vector<16xi32>
      %gather3A_2365 = tpu.dynamic_gather %select_n3A_2358[%gather3A_2364] in [0] : vector<16xf32>, vector<16xi32> -> vector<16xf32>
      %broadcast_in_dim3A_2366 = vector.shape_cast %xor3A_2362 : vector<16xi32> to vector<16x1xi32>
      %gather3A_2367 = vector.shape_cast %broadcast_in_dim3A_2366 : vector<16x1xi32> to vector<16xi32>
      %gather3A_2368 = tpu.dynamic_gather %select_n3A_2359[%gather3A_2367] in [0] : vector<16xi32>, vector<16xi32> -> vector<16xi32>
      %gt3A_2369 = arith.cmpf ogt, %gather3A_2365, %select_n3A_2358 : vector<16xf32>
      %eq3A_2370 = arith.cmpf oeq, %gather3A_2365, %select_n3A_2358 : vector<16xf32>
      %lt3A_2371 = arith.cmpi slt, %gather3A_2368, %select_n3A_2359 : vector<16xi32>
      %and3A_2372 = arith.andi %eq3A_2370, %lt3A_2371 : vector<16xi1>
      %or3A_2373 = arith.ori %gt3A_2369, %and3A_2372 : vector<16xi1>
      %select_n3A_2374 = arith.select %or3A_2373, %gather3A_2365, %select_n3A_2358 : vector<16xi1>, vector<16xf32>
      %select_n3A_2375 = arith.select %or3A_2373, %gather3A_2368, %select_n3A_2359 : vector<16xi1>, vector<16xi32>
      %gather3A_2376 = tpu.vector_load_idx %arg11[%select_n3A_2375] : memref<256xi32, #tpu.memory_space<vmem>>[vector<16xi32>], vector<16xi32>,
      %jit3A_2377 = arith.constant 16 : i32
      %div3A_2378 = vector.broadcast %jit3A_2377 : i32 to vector<16xi32>
      %div3A_2379 = arith.divsi %select_n3A_2375, %div3A_2378 : vector<16xi32>
      %sign3A_2380 = arith.constant 0 : i32
      %sign3A_2381 = vector.broadcast %sign3A_2380 : i32 to vector<16xi32>
      %sign3A_2382 = arith.cmpi sgt, %select_n3A_2375, %sign3A_2381 : vector<16xi32>
      %sign3A_2383 = arith.extui %sign3A_2382 : vector<16xi1> to vector<16xi32>
      %sign3A_2384 = arith.constant 0 : i32
      %sign3A_2385 = vector.broadcast %sign3A_2384 : i32 to vector<16xi32>
      %sign3A_2386 = arith.cmpi slt, %select_n3A_2375, %sign3A_2385 : vector<16xi32>
      %sign3A_2387 = arith.extui %sign3A_2386 : vector<16xi1> to vector<16xi32>
      %sign3A_2388 = arith.subi %sign3A_2383, %sign3A_2387 : vector<16xi32>
      %sign3A_2389 = arith.constant 0 : i32
      %sign3A_2390 = arith.cmpi sgt, %jit3A_2377, %sign3A_2389 : i32
      %sign3A_2391 = arith.extui %sign3A_2390 : i1 to i32
      %sign3A_2392 = arith.constant 0 : i32
      %sign3A_2393 = arith.cmpi slt, %jit3A_2377, %sign3A_2392 : i32
      %sign3A_2394 = arith.extui %sign3A_2393 : i1 to i32
      %sign3A_2395 = arith.subi %sign3A_2391, %sign3A_2394 : i32
      %ne3A_2396 = vector.broadcast %sign3A_2395 : i32 to vector<16xi32>
      %ne3A_2397 = arith.cmpi ne, %sign3A_2388, %ne3A_2396 : vector<16xi32>
      %rem3A_2398 = vector.broadcast %jit3A_2377 : i32 to vector<16xi32>
      %rem3A_2399 = arith.remsi %select_n3A_2375, %rem3A_2398 : vector<16xi32>
      %ne3A_2400 = arith.constant 0 : i32
      %ne3A_2401 = vector.broadcast %ne3A_2400 : i32 to vector<16xi32>
      %ne3A_2402 = arith.cmpi ne, %rem3A_2399, %ne3A_2401 : vector<16xi32>
      %and3A_2403 = arith.andi %ne3A_2397, %ne3A_2402 : vector<16xi1>
      %sub3A_2404 = arith.constant 1 : i32
      %sub3A_2405 = vector.broadcast %sub3A_2404 : i32 to vector<16xi32>
      %sub3A_2406 = arith.subi %div3A_2379, %sub3A_2405 : vector<16xi32>
      %select_n3A_2407 = arith.select %and3A_2403, %sub3A_2406, %div3A_2379 : vector<16xi1>, vector<16xi32>
      %mul3A_2408 = arith.constant 6400 : i32
      %mul3A_2409 = vector.broadcast %mul3A_2408 : i32 to vector<16xi32>
      %mul3A_2410 = arith.muli %select_n3A_2407, %mul3A_2409 : vector<16xi32>
      %add3A_2411 = arith.addi %gather3A_2376, %mul3A_2410 : vector<16xi32>
      %eq3A_2412 = arith.constant 8 : i32
      %eq3A_2413 = vector.broadcast %eq3A_2412 : i32 to vector<16xi32>
      %eq3A_2414 = arith.cmpi eq, %iota3A, %eq3A_2413 : vector<16xi32>
      %select_n3A_2415 = arith.select %eq3A_2414, %select_n3A_2374, %select_n3A_2172 : vector<16xi1>, vector<16xf32>
      %eq3A_2416 = arith.constant 8 : i32
      %eq3A_2417 = vector.broadcast %eq3A_2416 : i32 to vector<16xi32>
      %eq3A_2418 = arith.cmpi eq, %iota3A, %eq3A_2417 : vector<16xi32>
      %select_n3A_2419 = arith.select %eq3A_2418, %add3A_2411, %select_n3A_2176 : vector<16xi1>, vector<16xi32>
      %broadcast_in_dim3A_2420 = arith.constant 0xFF800000 : f32
      %broadcast_in_dim3A_2421 = vector.broadcast %broadcast_in_dim3A_2420 : f32 to vector<16xf32>
      tpu.vector_store_idx %arg10[%select_n3A_2375], %broadcast_in_dim3A_2421 masked %eq3A_1 : memref<256xf32, #tpu.memory_space<vmem>>[vector<16xi32>], vector<16xf32>, vector<16xi1>
      %swap3A = arith.constant 0 : index
      %swap3A_2422 = tpu.vector_load %arg12[%swap3A] {strides = array<i32>} : memref<16xi32, #tpu.memory_space<vmem>>, vector<16xi32>,
      tpu.vector_store %arg12[%swap3A], %select_n3A_2419 {strides = array<i32>} : memref<16xi32, #tpu.memory_space<vmem>>, vector<16xi32>,
      %dma_start3A = arith.constant 0 : i32
      %dma_start3A_2423 = tpu.memref_slice %arg3[%dma_start3A] : memref<100000xi32, #tpu.memory_space<hbm>> -> memref<100000xi32, #tpu.memory_space<hbm>>
      tpu.enqueue_indirect_dma source(%dma_start3A_2423 : memref<100000xi32, #tpu.memory_space<hbm>>) target(%arg13 : memref<16xi32, #tpu.memory_space<vmem>>) offsets(%arg12 : memref<16xi32, #tpu.memory_space<vmem>>) semaphore(%arg16 : memref<!tpu.dma_semaphore, #tpu.memory_space<semaphore_mem>>)
      %dma_wait3A = arith.constant 0 : i32
      %dma_wait3A_2424 = tpu.memref_slice %arg3[%dma_wait3A] : memref<100000xi32, #tpu.memory_space<hbm>> -> memref<100000xi32, #tpu.memory_space<hbm>>
      tpu.wait_indirect_dma semaphore(%arg16 : memref<!tpu.dma_semaphore, #tpu.memory_space<semaphore_mem>>) src(%dma_wait3A_2424 : memref<100000xi32, #tpu.memory_space<hbm>>) dst(%arg13 : memref<16xi32, #tpu.memory_space<vmem>>)
      %get3A_2425 = arith.constant 0 : index
      %get3A_2426 = tpu.vector_load %arg13[%get3A_2425] {strides = array<i32>} : memref<16xi32, #tpu.memory_space<vmem>>, vector<16xi32>,
      %lt3A_2427 = arith.constant 9 : i32
      %lt3A_2428 = vector.broadcast %lt3A_2427 : i32 to vector<16xi32>
      %lt3A_2429 = arith.cmpi slt, %iota3A, %lt3A_2428 : vector<16xi32>
      %broadcast_in_dim3A_2430 = arith.constant 0 : i32
      %broadcast_in_dim3A_2431 = vector.broadcast %broadcast_in_dim3A_2430 : i32 to vector<16xi32>
      %broadcast_in_dim3A_2432 = arith.constant 0 : i32
      %broadcast_in_dim3A_2433 = vector.broadcast %broadcast_in_dim3A_2432 : i32 to vector<16xi32>
      %broadcast_in_dim3A_2434 = vector.shape_cast %broadcast_in_dim3A_2433 : vector<16xi32> to vector<16x1xi32>
      %gather3A_2435 = vector.shape_cast %broadcast_in_dim3A_2434 : vector<16x1xi32> to vector<16xi32>
      %gather3A_2436 = tpu.dynamic_gather %get3A_2426[%gather3A_2435] in [0] : vector<16xi32>, vector<16xi32> -> vector<16xi32>
      %eq3A_2437 = arith.cmpi eq, %get3A_2426, %gather3A_2436 : vector<16xi32>
      %jit3A_2438 = arith.constant 1 : i32
      %jit3A_2439 = arith.constant 0 : i32
      %broadcast_in_dim3A_2440 = vector.broadcast %jit3A_2438 : i32 to vector<16xi32>
      %broadcast_in_dim3A_2441 = vector.broadcast %jit3A_2439 : i32 to vector<16xi32>
      %select_n3A_2442 = arith.select %eq3A_2437, %broadcast_in_dim3A_2440, %broadcast_in_dim3A_2441 : vector<16xi1>, vector<16xi32>
      %add3A_2443 = arith.addi %broadcast_in_dim3A_2431, %select_n3A_2442 : vector<16xi32>
      %broadcast_in_dim3A_2444 = arith.constant 1 : i32
      %broadcast_in_dim3A_2445 = vector.broadcast %broadcast_in_dim3A_2444 : i32 to vector<16xi32>
      %broadcast_in_dim3A_2446 = vector.shape_cast %broadcast_in_dim3A_2445 : vector<16xi32> to vector<16x1xi32>
      %gather3A_2447 = vector.shape_cast %broadcast_in_dim3A_2446 : vector<16x1xi32> to vector<16xi32>
      %gather3A_2448 = tpu.dynamic_gather %get3A_2426[%gather3A_2447] in [0] : vector<16xi32>, vector<16xi32> -> vector<16xi32>
      %eq3A_2449 = arith.cmpi eq, %get3A_2426, %gather3A_2448 : vector<16xi32>
      %jit3A_2450 = arith.constant 1 : i32
      %jit3A_2451 = arith.constant 0 : i32
      %broadcast_in_dim3A_2452 = vector.broadcast %jit3A_2450 : i32 to vector<16xi32>
      %broadcast_in_dim3A_2453 = vector.broadcast %jit3A_2451 : i32 to vector<16xi32>
      %select_n3A_2454 = arith.select %eq3A_2449, %broadcast_in_dim3A_2452, %broadcast_in_dim3A_2453 : vector<16xi1>, vector<16xi32>
      %add3A_2455 = arith.addi %add3A_2443, %select_n3A_2454 : vector<16xi32>
      %broadcast_in_dim3A_2456 = arith.constant 2 : i32
      %broadcast_in_dim3A_2457 = vector.broadcast %broadcast_in_dim3A_2456 : i32 to vector<16xi32>
      %broadcast_in_dim3A_2458 = vector.shape_cast %broadcast_in_dim3A_2457 : vector<16xi32> to vector<16x1xi32>
      %gather3A_2459 = vector.shape_cast %broadcast_in_dim3A_2458 : vector<16x1xi32> to vector<16xi32>
      %gather3A_2460 = tpu.dynamic_gather %get3A_2426[%gather3A_2459] in [0] : vector<16xi32>, vector<16xi32> -> vector<16xi32>
      %eq3A_2461 = arith.cmpi eq, %get3A_2426, %gather3A_2460 : vector<16xi32>
      %jit3A_2462 = arith.constant 1 : i32
      %jit3A_2463 = arith.constant 0 : i32
      %broadcast_in_dim3A_2464 = vector.broadcast %jit3A_2462 : i32 to vector<16xi32>
      %broadcast_in_dim3A_2465 = vector.broadcast %jit3A_2463 : i32 to vector<16xi32>
      %select_n3A_2466 = arith.select %eq3A_2461, %broadcast_in_dim3A_2464, %broadcast_in_dim3A_2465 : vector<16xi1>, vector<16xi32>
      %add3A_2467 = arith.addi %add3A_2455, %select_n3A_2466 : vector<16xi32>
      %broadcast_in_dim3A_2468 = arith.constant 3 : i32
      %broadcast_in_dim3A_2469 = vector.broadcast %broadcast_in_dim3A_2468 : i32 to vector<16xi32>
      %broadcast_in_dim3A_2470 = vector.shape_cast %broadcast_in_dim3A_2469 : vector<16xi32> to vector<16x1xi32>
      %gather3A_2471 = vector.shape_cast %broadcast_in_dim3A_2470 : vector<16x1xi32> to vector<16xi32>
      %gather3A_2472 = tpu.dynamic_gather %get3A_2426[%gather3A_2471] in [0] : vector<16xi32>, vector<16xi32> -> vector<16xi32>
      %eq3A_2473 = arith.cmpi eq, %get3A_2426, %gather3A_2472 : vector<16xi32>
      %jit3A_2474 = arith.constant 1 : i32
      %jit3A_2475 = arith.constant 0 : i32
      %broadcast_in_dim3A_2476 = vector.broadcast %jit3A_2474 : i32 to vector<16xi32>
      %broadcast_in_dim3A_2477 = vector.broadcast %jit3A_2475 : i32 to vector<16xi32>
      %select_n3A_2478 = arith.select %eq3A_2473, %broadcast_in_dim3A_2476, %broadcast_in_dim3A_2477 : vector<16xi1>, vector<16xi32>
      %add3A_2479 = arith.addi %add3A_2467, %select_n3A_2478 : vector<16xi32>
      %broadcast_in_dim3A_2480 = arith.constant 4 : i32
      %broadcast_in_dim3A_2481 = vector.broadcast %broadcast_in_dim3A_2480 : i32 to vector<16xi32>
      %broadcast_in_dim3A_2482 = vector.shape_cast %broadcast_in_dim3A_2481 : vector<16xi32> to vector<16x1xi32>
      %gather3A_2483 = vector.shape_cast %broadcast_in_dim3A_2482 : vector<16x1xi32> to vector<16xi32>
      %gather3A_2484 = tpu.dynamic_gather %get3A_2426[%gather3A_2483] in [0] : vector<16xi32>, vector<16xi32> -> vector<16xi32>
      %eq3A_2485 = arith.cmpi eq, %get3A_2426, %gather3A_2484 : vector<16xi32>
      %jit3A_2486 = arith.constant 1 : i32
      %jit3A_2487 = arith.constant 0 : i32
      %broadcast_in_dim3A_2488 = vector.broadcast %jit3A_2486 : i32 to vector<16xi32>
      %broadcast_in_dim3A_2489 = vector.broadcast %jit3A_2487 : i32 to vector<16xi32>
      %select_n3A_2490 = arith.select %eq3A_2485, %broadcast_in_dim3A_2488, %broadcast_in_dim3A_2489 : vector<16xi1>, vector<16xi32>
      %add3A_2491 = arith.addi %add3A_2479, %select_n3A_2490 : vector<16xi32>
      %broadcast_in_dim3A_2492 = arith.constant 5 : i32
      %broadcast_in_dim3A_2493 = vector.broadcast %broadcast_in_dim3A_2492 : i32 to vector<16xi32>
      %broadcast_in_dim3A_2494 = vector.shape_cast %broadcast_in_dim3A_2493 : vector<16xi32> to vector<16x1xi32>
      %gather3A_2495 = vector.shape_cast %broadcast_in_dim3A_2494 : vector<16x1xi32> to vector<16xi32>
      %gather3A_2496 = tpu.dynamic_gather %get3A_2426[%gather3A_2495] in [0] : vector<16xi32>, vector<16xi32> -> vector<16xi32>
      %eq3A_2497 = arith.cmpi eq, %get3A_2426, %gather3A_2496 : vector<16xi32>
      %jit3A_2498 = arith.constant 1 : i32
      %jit3A_2499 = arith.constant 0 : i32
      %broadcast_in_dim3A_2500 = vector.broadcast %jit3A_2498 : i32 to vector<16xi32>
      %broadcast_in_dim3A_2501 = vector.broadcast %jit3A_2499 : i32 to vector<16xi32>
      %select_n3A_2502 = arith.select %eq3A_2497, %broadcast_in_dim3A_2500, %broadcast_in_dim3A_2501 : vector<16xi1>, vector<16xi32>
      %add3A_2503 = arith.addi %add3A_2491, %select_n3A_2502 : vector<16xi32>
      %broadcast_in_dim3A_2504 = arith.constant 6 : i32
      %broadcast_in_dim3A_2505 = vector.broadcast %broadcast_in_dim3A_2504 : i32 to vector<16xi32>
      %broadcast_in_dim3A_2506 = vector.shape_cast %broadcast_in_dim3A_2505 : vector<16xi32> to vector<16x1xi32>
      %gather3A_2507 = vector.shape_cast %broadcast_in_dim3A_2506 : vector<16x1xi32> to vector<16xi32>
      %gather3A_2508 = tpu.dynamic_gather %get3A_2426[%gather3A_2507] in [0] : vector<16xi32>, vector<16xi32> -> vector<16xi32>
      %eq3A_2509 = arith.cmpi eq, %get3A_2426, %gather3A_2508 : vector<16xi32>
      %jit3A_2510 = arith.constant 1 : i32
      %jit3A_2511 = arith.constant 0 : i32
      %broadcast_in_dim3A_2512 = vector.broadcast %jit3A_2510 : i32 to vector<16xi32>
      %broadcast_in_dim3A_2513 = vector.broadcast %jit3A_2511 : i32 to vector<16xi32>
      %select_n3A_2514 = arith.select %eq3A_2509, %broadcast_in_dim3A_2512, %broadcast_in_dim3A_2513 : vector<16xi1>, vector<16xi32>
      %add3A_2515 = arith.addi %add3A_2503, %select_n3A_2514 : vector<16xi32>
      %broadcast_in_dim3A_2516 = arith.constant 7 : i32
      %broadcast_in_dim3A_2517 = vector.broadcast %broadcast_in_dim3A_2516 : i32 to vector<16xi32>
      %broadcast_in_dim3A_2518 = vector.shape_cast %broadcast_in_dim3A_2517 : vector<16xi32> to vector<16x1xi32>
      %gather3A_2519 = vector.shape_cast %broadcast_in_dim3A_2518 : vector<16x1xi32> to vector<16xi32>
      %gather3A_2520 = tpu.dynamic_gather %get3A_2426[%gather3A_2519] in [0] : vector<16xi32>, vector<16xi32> -> vector<16xi32>
      %eq3A_2521 = arith.cmpi eq, %get3A_2426, %gather3A_2520 : vector<16xi32>
      %jit3A_2522 = arith.constant 1 : i32
      %jit3A_2523 = arith.constant 0 : i32
      %broadcast_in_dim3A_2524 = vector.broadcast %jit3A_2522 : i32 to vector<16xi32>
      %broadcast_in_dim3A_2525 = vector.broadcast %jit3A_2523 : i32 to vector<16xi32>
      %select_n3A_2526 = arith.select %eq3A_2521, %broadcast_in_dim3A_2524, %broadcast_in_dim3A_2525 : vector<16xi1>, vector<16xi32>
      %add3A_2527 = arith.addi %add3A_2515, %select_n3A_2526 : vector<16xi32>
      %broadcast_in_dim3A_2528 = arith.constant 8 : i32
      %broadcast_in_dim3A_2529 = vector.broadcast %broadcast_in_dim3A_2528 : i32 to vector<16xi32>
      %broadcast_in_dim3A_2530 = vector.shape_cast %broadcast_in_dim3A_2529 : vector<16xi32> to vector<16x1xi32>
      %gather3A_2531 = vector.shape_cast %broadcast_in_dim3A_2530 : vector<16x1xi32> to vector<16xi32>
      %gather3A_2532 = tpu.dynamic_gather %get3A_2426[%gather3A_2531] in [0] : vector<16xi32>, vector<16xi32> -> vector<16xi32>
      %eq3A_2533 = arith.cmpi eq, %get3A_2426, %gather3A_2532 : vector<16xi32>
      %jit3A_2534 = arith.constant 1 : i32
      %jit3A_2535 = arith.constant 0 : i32
      %broadcast_in_dim3A_2536 = vector.broadcast %jit3A_2534 : i32 to vector<16xi32>
      %broadcast_in_dim3A_2537 = vector.broadcast %jit3A_2535 : i32 to vector<16xi32>
      %select_n3A_2538 = arith.select %eq3A_2533, %broadcast_in_dim3A_2536, %broadcast_in_dim3A_2537 : vector<16xi1>, vector<16xi32>
      %add3A_2539 = arith.addi %add3A_2527, %select_n3A_2538 : vector<16xi32>
      %jit3A_2540 = arith.constant 0 : i32
      %broadcast_in_dim3A_2541 = vector.broadcast %jit3A_2540 : i32 to vector<16xi32>
      %select_n3A_2542 = arith.select %lt3A_2429, %add3A_2539, %broadcast_in_dim3A_2541 : vector<16xi1>, vector<16xi32>
      %iota3A_2543 = tpu.iota {dimensions = array<i32: 0>} : vector<16xi32>
      %xor3A_2544 = arith.constant 1 : i32
      %xor3A_2545 = vector.broadcast %xor3A_2544 : i32 to vector<16xi32>
      %xor3A_2546 = arith.xori %iota3A_2543, %xor3A_2545 : vector<16xi32>
      %broadcast_in_dim3A_2547 = vector.shape_cast %xor3A_2546 : vector<16xi32> to vector<16x1xi32>
      %gather3A_2548 = vector.shape_cast %broadcast_in_dim3A_2547 : vector<16x1xi32> to vector<16xi32>
      %gather3A_2549 = tpu.dynamic_gather %select_n3A_2542[%gather3A_2548] in [0] : vector<16xi32>, vector<16xi32> -> vector<16xi32>
      %max3A = arith.maxsi %select_n3A_2542, %gather3A_2549 : vector<16xi32>
      %xor3A_2550 = arith.constant 2 : i32
      %xor3A_2551 = vector.broadcast %xor3A_2550 : i32 to vector<16xi32>
      %xor3A_2552 = arith.xori %iota3A_2543, %xor3A_2551 : vector<16xi32>
      %broadcast_in_dim3A_2553 = vector.shape_cast %xor3A_2552 : vector<16xi32> to vector<16x1xi32>
      %gather3A_2554 = vector.shape_cast %broadcast_in_dim3A_2553 : vector<16x1xi32> to vector<16xi32>
      %gather3A_2555 = tpu.dynamic_gather %max3A[%gather3A_2554] in [0] : vector<16xi32>, vector<16xi32> -> vector<16xi32>
      %max3A_2556 = arith.maxsi %max3A, %gather3A_2555 : vector<16xi32>
      %xor3A_2557 = arith.constant 4 : i32
      %xor3A_2558 = vector.broadcast %xor3A_2557 : i32 to vector<16xi32>
      %xor3A_2559 = arith.xori %iota3A_2543, %xor3A_2558 : vector<16xi32>
      %broadcast_in_dim3A_2560 = vector.shape_cast %xor3A_2559 : vector<16xi32> to vector<16x1xi32>
      %gather3A_2561 = vector.shape_cast %broadcast_in_dim3A_2560 : vector<16x1xi32> to vector<16xi32>
      %gather3A_2562 = tpu.dynamic_gather %max3A_2556[%gather3A_2561] in [0] : vector<16xi32>, vector<16xi32> -> vector<16xi32>
      %max3A_2563 = arith.maxsi %max3A_2556, %gather3A_2562 : vector<16xi32>
      %xor3A_2564 = arith.constant 8 : i32
      %xor3A_2565 = vector.broadcast %xor3A_2564 : i32 to vector<16xi32>
      %xor3A_2566 = arith.xori %iota3A_2543, %xor3A_2565 : vector<16xi32>
      %broadcast_in_dim3A_2567 = vector.shape_cast %xor3A_2566 : vector<16xi32> to vector<16x1xi32>
      %gather3A_2568 = vector.shape_cast %broadcast_in_dim3A_2567 : vector<16x1xi32> to vector<16xi32>
      %gather3A_2569 = tpu.dynamic_gather %max3A_2563[%gather3A_2568] in [0] : vector<16xi32>, vector<16xi32> -> vector<16xi32>
      %max3A_2570 = arith.maxsi %max3A_2563, %gather3A_2569 : vector<16xi32>
      %eq3A_2571 = arith.cmpi eq, %select_n3A_2542, %max3A_2570 : vector<16xi32>
      %and3A_2572 = arith.andi %eq3A_2571, %lt3A_2429 : vector<16xi1>
      %jit3A_2573 = arith.constant 2147483647 : i32
      %broadcast_in_dim3A_2574 = vector.broadcast %jit3A_2573 : i32 to vector<16xi32>
      %select_n3A_2575 = arith.select %and3A_2572, %get3A_2426, %broadcast_in_dim3A_2574 : vector<16xi1>, vector<16xi32>
      %iota3A_2576 = tpu.iota {dimensions = array<i32: 0>} : vector<16xi32>
      %xor3A_2577 = arith.constant 1 : i32
      %xor3A_2578 = vector.broadcast %xor3A_2577 : i32 to vector<16xi32>
      %xor3A_2579 = arith.xori %iota3A_2576, %xor3A_2578 : vector<16xi32>
      %broadcast_in_dim3A_2580 = vector.shape_cast %xor3A_2579 : vector<16xi32> to vector<16x1xi32>
      %gather3A_2581 = vector.shape_cast %broadcast_in_dim3A_2580 : vector<16x1xi32> to vector<16xi32>
      %gather3A_2582 = tpu.dynamic_gather %select_n3A_2575[%gather3A_2581] in [0] : vector<16xi32>, vector<16xi32> -> vector<16xi32>
      %min3A = arith.minsi %select_n3A_2575, %gather3A_2582 : vector<16xi32>
      %xor3A_2583 = arith.constant 2 : i32
      %xor3A_2584 = vector.broadcast %xor3A_2583 : i32 to vector<16xi32>
      %xor3A_2585 = arith.xori %iota3A_2576, %xor3A_2584 : vector<16xi32>
      %broadcast_in_dim3A_2586 = vector.shape_cast %xor3A_2585 : vector<16xi32> to vector<16x1xi32>
      %gather3A_2587 = vector.shape_cast %broadcast_in_dim3A_2586 : vector<16x1xi32> to vector<16xi32>
      %gather3A_2588 = tpu.dynamic_gather %min3A[%gather3A_2587] in [0] : vector<16xi32>, vector<16xi32> -> vector<16xi32>
      %min3A_2589 = arith.minsi %min3A, %gather3A_2588 : vector<16xi32>
      %xor3A_2590 = arith.constant 4 : i32
      %xor3A_2591 = vector.broadcast %xor3A_2590 : i32 to vector<16xi32>
      %xor3A_2592 = arith.xori %iota3A_2576, %xor3A_2591 : vector<16xi32>
      %broadcast_in_dim3A_2593 = vector.shape_cast %xor3A_2592 : vector<16xi32> to vector<16x1xi32>
      %gather3A_2594 = vector.shape_cast %broadcast_in_dim3A_2593 : vector<16x1xi32> to vector<16xi32>
      %gather3A_2595 = tpu.dynamic_gather %min3A_2589[%gather3A_2594] in [0] : vector<16xi32>, vector<16xi32> -> vector<16xi32>
      %min3A_2596 = arith.minsi %min3A_2589, %gather3A_2595 : vector<16xi32>
      %xor3A_2597 = arith.constant 8 : i32
      %xor3A_2598 = vector.broadcast %xor3A_2597 : i32 to vector<16xi32>
      %xor3A_2599 = arith.xori %iota3A_2576, %xor3A_2598 : vector<16xi32>
      %broadcast_in_dim3A_2600 = vector.shape_cast %xor3A_2599 : vector<16xi32> to vector<16x1xi32>
      %gather3A_2601 = vector.shape_cast %broadcast_in_dim3A_2600 : vector<16x1xi32> to vector<16xi32>
      %gather3A_2602 = tpu.dynamic_gather %min3A_2596[%gather3A_2601] in [0] : vector<16xi32>, vector<16xi32> -> vector<16xi32>
      %min3A_2603 = arith.minsi %min3A_2596, %gather3A_2602 : vector<16xi32>
      %eq3A_2604 = arith.cmpi eq, %get3A_2426, %min3A_2603 : vector<16xi32>
      %and3A_2605 = arith.andi %eq3A_2604, %lt3A_2429 : vector<16xi1>
      %jit3A_2606 = arith.constant 2147483647 : i32
      %broadcast_in_dim3A_2607 = vector.broadcast %jit3A_2606 : i32 to vector<16xi32>
      %select_n3A_2608 = arith.select %and3A_2605, %iota3A, %broadcast_in_dim3A_2607 : vector<16xi1>, vector<16xi32>
      %iota3A_2609 = tpu.iota {dimensions = array<i32: 0>} : vector<16xi32>
      %xor3A_2610 = arith.constant 1 : i32
      %xor3A_2611 = vector.broadcast %xor3A_2610 : i32 to vector<16xi32>
      %xor3A_2612 = arith.xori %iota3A_2609, %xor3A_2611 : vector<16xi32>
      %broadcast_in_dim3A_2613 = vector.shape_cast %xor3A_2612 : vector<16xi32> to vector<16x1xi32>
      %gather3A_2614 = vector.shape_cast %broadcast_in_dim3A_2613 : vector<16x1xi32> to vector<16xi32>
      %gather3A_2615 = tpu.dynamic_gather %select_n3A_2608[%gather3A_2614] in [0] : vector<16xi32>, vector<16xi32> -> vector<16xi32>
      %min3A_2616 = arith.minsi %select_n3A_2608, %gather3A_2615 : vector<16xi32>
      %xor3A_2617 = arith.constant 2 : i32
      %xor3A_2618 = vector.broadcast %xor3A_2617 : i32 to vector<16xi32>
      %xor3A_2619 = arith.xori %iota3A_2609, %xor3A_2618 : vector<16xi32>
      %broadcast_in_dim3A_2620 = vector.shape_cast %xor3A_2619 : vector<16xi32> to vector<16x1xi32>
      %gather3A_2621 = vector.shape_cast %broadcast_in_dim3A_2620 : vector<16x1xi32> to vector<16xi32>
      %gather3A_2622 = tpu.dynamic_gather %min3A_2616[%gather3A_2621] in [0] : vector<16xi32>, vector<16xi32> -> vector<16xi32>
      %min3A_2623 = arith.minsi %min3A_2616, %gather3A_2622 : vector<16xi32>
      %xor3A_2624 = arith.constant 4 : i32
      %xor3A_2625 = vector.broadcast %xor3A_2624 : i32 to vector<16xi32>
      %xor3A_2626 = arith.xori %iota3A_2609, %xor3A_2625 : vector<16xi32>
      %broadcast_in_dim3A_2627 = vector.shape_cast %xor3A_2626 : vector<16xi32> to vector<16x1xi32>
      %gather3A_2628 = vector.shape_cast %broadcast_in_dim3A_2627 : vector<16x1xi32> to vector<16xi32>
      %gather3A_2629 = tpu.dynamic_gather %min3A_2623[%gather3A_2628] in [0] : vector<16xi32>, vector<16xi32> -> vector<16xi32>
      %min3A_2630 = arith.minsi %min3A_2623, %gather3A_2629 : vector<16xi32>
      %xor3A_2631 = arith.constant 8 : i32
      %xor3A_2632 = vector.broadcast %xor3A_2631 : i32 to vector<16xi32>
      %xor3A_2633 = arith.xori %iota3A_2609, %xor3A_2632 : vector<16xi32>
      %broadcast_in_dim3A_2634 = vector.shape_cast %xor3A_2633 : vector<16xi32> to vector<16x1xi32>
      %gather3A_2635 = vector.shape_cast %broadcast_in_dim3A_2634 : vector<16x1xi32> to vector<16xi32>
      %gather3A_2636 = tpu.dynamic_gather %min3A_2630[%gather3A_2635] in [0] : vector<16xi32>, vector<16xi32> -> vector<16xi32>
      %min3A_2637 = arith.minsi %min3A_2630, %gather3A_2636 : vector<16xi32>
      %eq3A_2638 = arith.cmpi eq, %iota3A, %min3A_2637 : vector<16xi32>
      %jit3A_2639 = arith.constant 0xFF800000 : f32
      %broadcast_in_dim3A_2640 = vector.broadcast %jit3A_2639 : f32 to vector<16xf32>
      %select_n3A_2641 = arith.select %eq3A_2638, %select_n3A_2415, %broadcast_in_dim3A_2640 : vector<16xi1>, vector<16xf32>
      %iota3A_2642 = tpu.iota {dimensions = array<i32: 0>} : vector<16xi32>
      %xor3A_2643 = arith.constant 1 : i32
      %xor3A_2644 = vector.broadcast %xor3A_2643 : i32 to vector<16xi32>
      %xor3A_2645 = arith.xori %iota3A_2642, %xor3A_2644 : vector<16xi32>
      %broadcast_in_dim3A_2646 = vector.shape_cast %xor3A_2645 : vector<16xi32> to vector<16x1xi32>
      %gather3A_2647 = vector.shape_cast %broadcast_in_dim3A_2646 : vector<16x1xi32> to vector<16xi32>
      %gather3A_2648 = tpu.dynamic_gather %select_n3A_2641[%gather3A_2647] in [0] : vector<16xf32>, vector<16xi32> -> vector<16xf32>
      %max3A_2649 = arith.maximumf %select_n3A_2641, %gather3A_2648 : vector<16xf32>
      %xor3A_2650 = arith.constant 2 : i32
      %xor3A_2651 = vector.broadcast %xor3A_2650 : i32 to vector<16xi32>
      %xor3A_2652 = arith.xori %iota3A_2642, %xor3A_2651 : vector<16xi32>
      %broadcast_in_dim3A_2653 = vector.shape_cast %xor3A_2652 : vector<16xi32> to vector<16x1xi32>
      %gather3A_2654 = vector.shape_cast %broadcast_in_dim3A_2653 : vector<16x1xi32> to vector<16xi32>
      %gather3A_2655 = tpu.dynamic_gather %max3A_2649[%gather3A_2654] in [0] : vector<16xf32>, vector<16xi32> -> vector<16xf32>
      %max3A_2656 = arith.maximumf %max3A_2649, %gather3A_2655 : vector<16xf32>
      %xor3A_2657 = arith.constant 4 : i32
      %xor3A_2658 = vector.broadcast %xor3A_2657 : i32 to vector<16xi32>
      %xor3A_2659 = arith.xori %iota3A_2642, %xor3A_2658 : vector<16xi32>
      %broadcast_in_dim3A_2660 = vector.shape_cast %xor3A_2659 : vector<16xi32> to vector<16x1xi32>
      %gather3A_2661 = vector.shape_cast %broadcast_in_dim3A_2660 : vector<16x1xi32> to vector<16xi32>
      %gather3A_2662 = tpu.dynamic_gather %max3A_2656[%gather3A_2661] in [0] : vector<16xf32>, vector<16xi32> -> vector<16xf32>
      %max3A_2663 = arith.maximumf %max3A_2656, %gather3A_2662 : vector<16xf32>
      %xor3A_2664 = arith.constant 8 : i32
      %xor3A_2665 = vector.broadcast %xor3A_2664 : i32 to vector<16xi32>
      %xor3A_2666 = arith.xori %iota3A_2642, %xor3A_2665 : vector<16xi32>
      %broadcast_in_dim3A_2667 = vector.shape_cast %xor3A_2666 : vector<16xi32> to vector<16x1xi32>
      %gather3A_2668 = vector.shape_cast %broadcast_in_dim3A_2667 : vector<16x1xi32> to vector<16xi32>
      %gather3A_2669 = tpu.dynamic_gather %max3A_2663[%gather3A_2668] in [0] : vector<16xf32>, vector<16xi32> -> vector<16xf32>
      %max3A_2670 = arith.maximumf %max3A_2663, %gather3A_2669 : vector<16xf32>
      %convert_element_type3A_2671 = arith.sitofp %max3A_2570 : vector<16xi32> to vector<16xf32>
      %div3A_2672 = arith.constant 9.000000e+00 : f32
      %div3A_2673 = vector.broadcast %div3A_2672 : f32 to vector<16xf32>
      %div3A_2674 = arith.divf %convert_element_type3A_2671, %div3A_2673 : vector<16xf32>
      %swap3A_2675 = arith.constant 0 : index
      %swap3A_2676 = tpu.vector_load %arg9[%swap3A_2675] {strides = array<i32>} : memref<16xi32, #tpu.memory_space<vmem>>, vector<16xi32>,
      tpu.vector_store %arg9[%swap3A_2675], %min3A_2603 {strides = array<i32>} : memref<16xi32, #tpu.memory_space<vmem>>, vector<16xi32>,
      %delay3A = arith.constant 200 : i32
      tpu.delay %delay3A
      "tpu.region"() ({
        %run_scoped3A = tpu.sem_alloc : memref<!tpu.dma_semaphore, #tpu.memory_space<semaphore_mem>>
        tpu.enqueue_dma source(%arg9 : memref<16xi32, #tpu.memory_space<vmem>>) target(%arg4 : memref<16xi32, #tpu.memory_space<hbm>>) target_semaphore(%run_scoped3A : memref<!tpu.dma_semaphore, #tpu.memory_space<semaphore_mem>>)
        tpu.wait_dma2 semaphore(%run_scoped3A : memref<!tpu.dma_semaphore, #tpu.memory_space<semaphore_mem>>) src(%arg9 : memref<16xi32, #tpu.memory_space<vmem>>) dst(%arg4 : memref<16xi32, #tpu.memory_space<hbm>>)
        tpu.yield
      }) : () -> ()
      %swap3A_2677 = arith.constant 0 : index
      %swap3A_2678 = tpu.vector_load %arg8[%swap3A_2677] {strides = array<i32>} : memref<16xf32, #tpu.memory_space<vmem>>, vector<16xf32>,
      tpu.vector_store %arg8[%swap3A_2677], %max3A_2670 {strides = array<i32>} : memref<16xf32, #tpu.memory_space<vmem>>, vector<16xf32>,
      %delay3A_2679 = arith.constant 200 : i32
      tpu.delay %delay3A_2679
      "tpu.region"() ({
        %run_scoped3A = tpu.sem_alloc : memref<!tpu.dma_semaphore, #tpu.memory_space<semaphore_mem>>
        tpu.enqueue_dma source(%arg8 : memref<16xf32, #tpu.memory_space<vmem>>) target(%arg5 : memref<16xf32, #tpu.memory_space<hbm>>) target_semaphore(%run_scoped3A : memref<!tpu.dma_semaphore, #tpu.memory_space<semaphore_mem>>)
        tpu.wait_dma2 semaphore(%run_scoped3A : memref<!tpu.dma_semaphore, #tpu.memory_space<semaphore_mem>>) src(%arg8 : memref<16xf32, #tpu.memory_space<vmem>>) dst(%arg5 : memref<16xf32, #tpu.memory_space<hbm>>)
        tpu.yield
      }) : () -> ()
      %swap3A_2680 = arith.constant 0 : index
      %swap3A_2681 = tpu.vector_load %arg8[%swap3A_2680] {strides = array<i32>} : memref<16xf32, #tpu.memory_space<vmem>>, vector<16xf32>,
      tpu.vector_store %arg8[%swap3A_2680], %div3A_2674 {strides = array<i32>} : memref<16xf32, #tpu.memory_space<vmem>>, vector<16xf32>,
      %delay3A_2682 = arith.constant 200 : i32
      tpu.delay %delay3A_2682
      "tpu.region"() ({
        %run_scoped3A = tpu.sem_alloc : memref<!tpu.dma_semaphore, #tpu.memory_space<semaphore_mem>>
        tpu.enqueue_dma source(%arg8 : memref<16xf32, #tpu.memory_space<vmem>>) target(%arg6 : memref<16xf32, #tpu.memory_space<hbm>>) target_semaphore(%run_scoped3A : memref<!tpu.dma_semaphore, #tpu.memory_space<semaphore_mem>>)
        tpu.wait_dma2 semaphore(%run_scoped3A : memref<!tpu.dma_semaphore, #tpu.memory_space<semaphore_mem>>) src(%arg8 : memref<16xf32, #tpu.memory_space<vmem>>) dst(%arg6 : memref<16xf32, #tpu.memory_space<hbm>>)
        tpu.yield
      }) : () -> ()
    } else {
    }
    return
  }
}

module attributes {stable_mosaic.version = 14 : i64} {
  func.func @_cos_kernel(%arg0: i32, %arg1: memref<1x128xf32, #tpu.memory_space<vmem>>, %arg2: memref<20000x128xf32, #tpu.memory_space<vmem>>, %arg3: memref<1x1x20000xf32, #tpu.memory_space<vmem>>) attributes {dimension_semantics = [#tpu.dimension_semantics<arbitrary>], iteration_bounds = array<i64: 5>, scalar_prefetch = 0 : i64, scratch_operands = 0 : i64, tpu.core_type = #tpu.core_type<tc>, window_params = [{pipeline_mode = #tpu.pipeline_mode<synchronous>, transform_indices = @transform_0, window_bounds = array<i64: 1, 128>}, {transform_indices = @transform_1, window_bounds = array<i64: 20000, 128>}, {transform_indices = @transform_2, window_bounds = array<i64: 1, 1, 20000>}]} {
    %get3A = arith.constant 0 : index
    %get3A_0 = arith.constant 0 : index
    %get3A_1 = vector.load %arg1[%get3A, %get3A_0] : memref<1x128xf32, #tpu.memory_space<vmem>>, vector<1x128xf32>
    %mul3A = arith.mulf %get3A_1, %get3A_1 : vector<1x128xf32>
    %reduce_sum3A = vector.shape_cast %mul3A : vector<1x128xf32> to vector<1x1x128xf32>
    %reduce_sum3A_2 = arith.constant dense<0.000000e+00> : vector<1xf32>
    %reduce_sum3A_3 = vector.multi_reduction <add>, %reduce_sum3A, %reduce_sum3A_2 [1, 2] : vector<1x1x128xf32> to vector<1xf32>
    %reduce_sum3A_4 = vector.shape_cast %reduce_sum3A_3 : vector<1xf32> to vector<1x1x1xf32>
    %reduce_sum3A_5 = vector.extract %reduce_sum3A_4[0, 0, 0] : f32 from vector<1x1x1xf32>
    %add3A = arith.constant 9.99999996E-13 : f32
    %add3A_6 = arith.addf %reduce_sum3A_5, %add3A : f32
    %sqrt3A = math.sqrt %add3A_6 : f32
    %div3A = vector.broadcast %sqrt3A : f32 to vector<1x128xf32>
    %div3A_7 = arith.divf %get3A_1, %div3A : vector<1x128xf32>
    %get3A_8 = arith.constant 0 : index
    %get3A_9 = arith.constant 0 : index
    %get3A_10 = vector.load %arg2[%get3A_8, %get3A_9] : memref<20000x128xf32, #tpu.memory_space<vmem>>, vector<20000x128xf32>
    %broadcast_in_dim3A = arith.constant 1.000000e+00 : f32
    %broadcast_in_dim3A_11 = vector.broadcast %broadcast_in_dim3A : f32 to vector<1x128xf32>
    %mul3A_12 = arith.mulf %get3A_10, %get3A_10 : vector<20000x128xf32>
    %dot_general3A = arith.constant dense<0.000000e+00> : vector<1x20000xf32>
    %dot_general3A_13 = tpu.matmul %broadcast_in_dim3A_11, %mul3A_12, %dot_general3A {dimension_numbers = #tpu.dot_dimension_numbers<[1], [1], [0], [0], [0, 0, 1, 0], [], []>, transpose_lhs_hint = false} : vector<1x128xf32>, vector<20000x128xf32>, vector<1x20000xf32> -> vector<1x20000xf32>
    %dot_general3A_14 = arith.constant dense<0.000000e+00> : vector<1x20000xf32>
    %dot_general3A_15 = tpu.matmul %div3A_7, %get3A_10, %dot_general3A_14 {dimension_numbers = #tpu.dot_dimension_numbers<[1], [1], [0], [0], [0, 0, 1, 0], [], []>, transpose_lhs_hint = false} : vector<1x128xf32>, vector<20000x128xf32>, vector<1x20000xf32> -> vector<1x20000xf32>
    %add3A_16 = arith.constant 9.99999996E-13 : f32
    %add3A_17 = vector.broadcast %add3A_16 : f32 to vector<1x20000xf32>
    %add3A_18 = arith.addf %dot_general3A_13, %add3A_17 : vector<1x20000xf32>
    %sqrt3A_19 = math.sqrt %add3A_18 : vector<1x20000xf32>
    %div3A_20 = arith.divf %dot_general3A_15, %sqrt3A_19 : vector<1x20000xf32>
    %broadcast_in_dim3A_21 = vector.shape_cast %div3A_20 : vector<1x20000xf32> to vector<1x1x20000xf32>
    %swap3A = arith.constant 0 : index
    %swap3A_22 = arith.constant 0 : index
    %swap3A_23 = arith.constant 0 : index
    %swap3A_24 = vector.load %arg3[%swap3A, %swap3A_22, %swap3A_23] : memref<1x1x20000xf32, #tpu.memory_space<vmem>>, vector<1x1x20000xf32>
    tpu.vector_store %arg3[%swap3A, %swap3A_22, %swap3A_23], %broadcast_in_dim3A_21 {strides = array<i32>} : memref<1x1x20000xf32, #tpu.memory_space<vmem>>, vector<1x1x20000xf32>,
    return
  }
  func.func @transform_0(%arg0: i32) -> (i32, i32) {
    %c0_i32 = arith.constant 0 : i32
    %c0_i32_0 = arith.constant 0 : i32
    %c0_i32_1 = arith.constant 0 : i32
    return %c0_i32, %c0_i32_0 : i32, i32
  }
  func.func @transform_1(%arg0: i32) -> (i32, i32) {
    %c0_i32 = arith.constant 0 : i32
    %c0_i32_0 = arith.constant 0 : i32
    return %arg0, %c0_i32 : i32, i32
  }
  func.func @transform_2(%arg0: i32) -> (i32, i32, i32) {
    %c0_i32 = arith.constant 0 : i32
    %c0_i32_0 = arith.constant 0 : i32
    %c0_i32_1 = arith.constant 0 : i32
    return %arg0, %c0_i32, %c0_i32_0 : i32, i32, i32
  }
}

</mosaic_0001>

<sc_bundles>
// kernel: kernel.4.cloned.1.call-start
scs
__scs_entry_jumppad:
0x0: {  	(pc) =	sbr.rel $0x88, $3  }
0x1: {  	(tag) =	ssettag $0x0;
	lr =	simm.s32 $0x1  }
0x2: {  	[smem:$0x3F9E] =	sst lr;
	_ =	strace $0xD0000000  }
0x3: {  	_ = 	snop  }
0x4: {  	_ = 	snop  }
0x5: {  	_ = 	snop  }
0x6: {  	_ = 	snop  }
0x7: {  	_ = 	snop  }
__scs_overlays_trampoline_lowered:
0x8: {  	[smem:$0x3FAD] =	sst s0  }
0x9: {  	[smem:$0x3FAE] =	sst s1  }
0xa: {  	[smem:$0x3FAF] =	sst s2  }
0xb: {  	[smem:$0x3FB0] =	sst s3  }
0xc: {  	[smem:$0x3FB1] =	sst s4  }
0xd: {  	[smem:$0x3FB2] =	sst s5  }
0xe: {  	[smem:$0x3FB3] =	sst s6  }
0xf: {  	[smem:$0x3FB4] =	sst s7  }
0x10: {  	[smem:$0x3FB5] =	sst s8  }
0x11: {  	[smem:$0x3FB6] =	sst s9;
	s0 =	simm.s32 @!p0 $0x0  }
0x12: {  	s1 =	sld [smem:$0x3F9C];
	s0 =	simm.s32 @p0 $0x1  }
0x13: {  	[smem:$0x3FB7] =	sst s0;
	s0 =	simm.s32 @!p1 $0x0  }
0x14: {  	s2 =	sld [smem:$0x3F9B];
	s0 =	simm.s32 @p1 $0x1  }
0x15: {  	[smem:$0x3FB8] =	sst s0;
	s0 =	simm.s32 @!p2 $0x0  }
0x16: {  	s3 =	sld [smem:$0x3FDB];
	s0 =	simm.s32 @p2 $0x1  }
0x17: {  	s4 =	simm.s32 $0x1BF5;
	[smem:$0x3FBA] =	sst s0  }
0x18: {  	s0 =	sld [smem:$0x3F9D];
	_ =	swait.ge [sflag:s4], $0x0  }
0x19: {  	s7 =	sld [smem:$0x3F9E]  }
0x1a: {  	s8 =	sadd.s32 $0xFFFFE003, lr  }
0x1b: {  	s9 =	sadd.s32 $0xFFFFFEF7, lr;
	s5 =	simm.s32 $0xFFFFFFFF;
	p2 =	slt.u32 s8, $0xFFFFF086  }
0x1c: {  	p1 =	slt.u32 s9, $0xF7A;
	s5 =	simm.s32 @!p2 $0x0  }
0x1d: {  	s5 =	simm.s32 @p1 $0x1;
	p0 =	seq.s32 s7, s2  }
0x1e: {  	s7 =	smul.u32 @!p0 $0xF7A, s2;
	p2 =	seq.s32 @!p0 s5, $0x0  }
0x1f: {  	s9 =	smul.u32 $0xF7A, s1;
	s8 =	simm.s32 @!p0 $0x1BF5;
	p2 =	por !p2, p0  }
0x20: {  	[sflag:s8] =	ssyncset.s32 @!p0 $0xFFFFF086;
	s6 =	sadd.s32 @!p0 s3, s7;
	s7 =	simm.s32 @!p0 $0x108  }
0x21: {  	s3 =	sadd.s32 s3, s9;
	s6 =	sadd.s32 @!p0 $0x88, s6;
	s7 =	simm.s32 @p2 $0x1082  }
0x22: {  	[simem:s7], [sflag:s8] =	dma.local @!p0 [hbm:s6], $0xF7A  }
0x23: {  	s9 =	sor.u32 $0xD0000000, s2;
	s6 =	simm.s32 $0x108;
	_ =	swait.ge @!p0 [sflag:s8], $0x0  }
0x24: {  	s3 =	sadd.s32 $0x88, s3;
	s6 =	simm.s32 @!p1 $0x1082;
	[sflag:s4] =	ssyncset.s32 $0xFFFFF086  }
0x25: {  	[simem:s6], [sflag:s4] =	dma.local [hbm:s3], $0xF7A  }
0x26: {  	[smem:$0x3F9E] =	sst s1;
	(tag) =	ssettag s2;
	_ =	strace s9  }
0x27: {  	s1 =	sld [smem:$0x3FAE]  }
0x28: {  	s2 =	sld [smem:$0x3FAF]  }
0x29: {  	s4 =	sld [smem:$0x3FB1]  }
0x2a: {  	p0 =	seq.s32 s5, $0x0;
	s5 =	sld [smem:$0x3FB2]  }
0x2b: {  	s6 =	sld [smem:$0x3FB3]  }
0x2c: {  	s7 =	sld [smem:$0x3FB4]  }
0x2d: {  	s3 =	simm.s32 $0x108;
	s8 =	sld [smem:$0x3FB5]  }
0x2e: {  	s3 =	simm.s32 @!p0 $0x1082;
	s9 =	sld [smem:$0x3FB6]  }
0x2f: {  	lr =	sadd.s32 s0, s3;
	s0 =	sld [smem:$0x3FAD]  }
0x30: {  	s3 =	sld [smem:$0x3FB0]  }
0x31: {  	[smem:$0x3FB9] =	sst s10  }
0x32: {  	s10 =	sld [smem:$0x3FB7];
	_ =	sdelay $0x3  }
0x33: {  	p0 =	seq.s32 s10, $0x1;
	s10 =	sld [smem:$0x3FB9];
	_ =	sdelay $0x3  }
0x34: {  	[smem:$0x3FB9] =	sst s10  }
0x35: {  	s10 =	sld [smem:$0x3FB8];
	_ =	sdelay $0x3  }
0x36: {  	p1 =	seq.s32 s10, $0x1;
	s10 =	sld [smem:$0x3FB9];
	_ =	sdelay $0x3  }
0x37: {  	[smem:$0x3FB9] =	sst s10  }
0x38: {  	s10 =	sld [smem:$0x3FBA]  }
0x39: {  	_ = 	snop;
	(pc) =	sbr.ind lr, $3  }
0x3a: {  	_ = 	snop  }
0x3b: {  	_ = 	snop  }
0x3c: {  	p2 =	seq.s32 s10, $0x1;
	s10 =	sld [smem:$0x3FB9]  }
0x3d: {  	_ =	shalt  }
0x3e: {  	_ =	shalt  }
0x3f: {  	_ =	shalt  }
0x40: {  	_ =	shalt  }
0x41: {  	_ =	shalt  }
0x42: {  	_ =	shalt  }
0x43: {  	_ =	shalt  }
0x44: {  	_ =	shalt  }
0x45: {  	_ =	shalt  }
0x46: {  	_ =	shalt  }
0x47: {  	_ =	shalt  }
0x48: {  	_ =	shalt  }
0x49: {  	_ =	shalt  }
0x4a: {  	_ =	shalt  }
0x4b: {  	_ =	shalt  }
0x4c: {  	_ =	shalt  }
0x4d: {  	_ =	shalt  }
0x4e: {  	_ =	shalt  }
0x4f: {  	_ =	shalt  }
0x50: {  	_ =	shalt  }
0x51: {  	_ =	shalt  }
0x52: {  	_ =	shalt  }
0x53: {  	_ =	shalt  }
0x54: {  	_ =	shalt  }
0x55: {  	_ =	shalt  }
0x56: {  	_ =	shalt  }
0x57: {  	_ =	shalt  }
0x58: {  	_ =	shalt  }
0x59: {  	_ =	shalt  }
0x5a: {  	_ =	shalt  }
0x5b: {  	_ =	shalt  }
0x5c: {  	_ =	shalt  }
0x5d: {  	_ =	shalt  }
0x5e: {  	_ =	shalt  }
0x5f: {  	_ =	shalt  }
0x60: {  	_ =	shalt  }
0x61: {  	_ =	shalt  }
0x62: {  	_ =	shalt  }
0x63: {  	_ =	shalt  }
0x64: {  	_ =	shalt  }
0x65: {  	_ =	shalt  }
0x66: {  	_ =	shalt  }
0x67: {  	_ =	shalt  }
0x68: {  	_ =	shalt  }
0x69: {  	_ =	shalt  }
0x6a: {  	_ =	shalt  }
0x6b: {  	_ =	shalt  }
0x6c: {  	_ =	shalt  }
0x6d: {  	_ =	shalt  }
0x6e: {  	_ =	shalt  }
0x6f: {  	_ =	shalt  }
0x70: {  	_ =	shalt  }
0x71: {  	_ =	shalt  }
0x72: {  	_ =	shalt  }
0x73: {  	_ =	shalt  }
0x74: {  	_ =	shalt  }
0x75: {  	_ =	shalt  }
0x76: {  	_ =	shalt  }
0x77: {  	_ =	shalt  }
0x78: {  	_ =	shalt  }
0x79: {  	_ =	shalt  }
0x7a: {  	_ =	shalt  }
0x7b: {  	_ =	shalt  }
0x7c: {  	_ =	shalt  }
0x7d: {  	_ =	shalt  }
0x7e: {  	_ =	shalt  }
0x7f: {  	_ =	shalt  }
0x80: {  	_ =	shalt  }
0x81: {  	_ =	shalt  }
0x82: {  	_ =	shalt  }
0x83: {  	_ =	shalt  }
0x84: {  	_ =	shalt  }
0x85: {  	_ =	shalt  }
0x86: {  	_ =	shalt  }
0x87: {  	_ =	shalt  }
.Lfunc_end0:
.L_simem_size_0:
called_computation_lowered:
.L_overlay_start_0:
0x88: {  	s2 =	sld [smem:$0x3FD9]  }
0x89: {  	s3 =	sld [smem:$0x3FFE];
	_ =	sdelay $0x1  }
0x8a: {  	s1 =	srdreg.scid  }
0x8b: {  	s0 =	sand.u32 $0x1, s1  }
0x8c: {  	s14 =	sshll.u32 s0, $0xA;
	s2 =	sadd.s32 s3, s2  }
0x8d: {  	s2 =	sadd.s32 s2, s14  }
0x8e: {  	[smem:$0x3FC5] =	sst s2  }
0x8f: {  	_ = 	snop  }
0x90: {  	s2 =	sld [smem:$0x3FD0];
	_ =	sdelay $0x2  }
0x91: {  	s4 =	simm.s32 $0xA;
	s5 =	simm.s32 $0x10;
	s15 =	sld [smem:$0x3FC7]  }
0x92: {  	[smem:s5], [sflag:s4] =	dma.local [hbm:s2], $0x1  }
0x93: {  	_ =	swait.eq [sflag:s4], $0x1  }
0x94: {  	s16 =	sld [smem:$0x10];
	[sflag:s4] =	ssyncset.done $0x0  }
0x95: {  	s17 =	sld [smem:$0x11];
	[sflag:s4] =	ssyncadd.s32 $0xFFFFFFFF  }
0x96: {  	s18 =	sld [smem:$0x12];
	(tm) =	ssettm $0x1  }
0x97: {  	s6 =	sld [smem:$0x3FFB];
	_ =	sdelay $0x3  }
0x98: {  	_ =	strace s6  }
0x99: {  	s6 =	sld [smem:$0x3FFC];
	_ =	sdelay $0x3  }
0x9a: {  	_ =	strace s6  }
0x9b: {  	s6 =	sld [smem:$0x3FFD];
	_ =	sdelay $0x3  }
0x9c: {  	_ =	strace s6  }
0x9d: {  	_ =	strace $0x8FFFFFFF  }
0x9e: {  	s19 =	sld [smem:$0x3FDB];
	_ =	sdelay $0x1  }
0x9f: {  	s7 =	simm.s32 $_scs_section_size  }
0xa0: {  	s8 =	simm.s32 $_size__tile_overlayer_lowered;
	s9 =	simm.s32 $_tile_overlayer_lowered  }
0xa1: {  	s22 =	simm.s32 $0x1BFF;
	s21 =	sshll.u32 s9, $0x1;
	s6 =	sadd.s32 s7, s19  }
0xa2: {  	s10 =	simm.s32 $0x0;
	s20 =	sshll.u32 s8, $0x1;
	s8 =	sadd.s32 s21, s6  }
0xa3: {  	[timem:s10], [sflag:s22] =	dma.local [hbm:s8], s20  }
0xa4: {  	_ =	swait.ge [sflag:s22], s20  }
0xa5: {  	s7 =	ssub.s32 $0x0, s20;
	[sflag:s22] =	ssyncset.done $0x0  }
0xa6: {  	[sflag:s22] =	ssyncadd.s32 s7;
	_ =	sdelay $0x1  }
0xa7: {  	s23 =	simm.s32 $0x1B8B  }
0xa8: {  	_ =	swait.ge [sflag:s23], $0x1  }
0xa9: {  	[sflag:s23] =	ssyncset.done $0x0  }
0xaa: {  	s25 =	simm.s32 $0x1B8E;
	s24 =	sld [smem:$0x3FFE];
	[sflag:s23] =	ssyncadd.s32 $0xFFFFFFFF  }
0xab: {  	s26 =	simm.s32 $execute0_lowered;
	[smem:$0x3FD2] =	sst s25  }
0xac: {  	s8 =	sshll.u32 s26, $0x1;
	_ =	strace $0x80000046;
	[dreg:$0x1] =	wrdreg $0xFFFFFFFF  }
0xad: {  	s28 =	simm.s32 $_size_execute0_lowered;
	s6 =	sadd.s32 s6, s8;
	[dreg:$0x0] =	wrdreg $0x0  }
0xae: {  	s8 =	sshll.u32 s28, $0x1;
	[dreg:$0x2] =	wrdreg s6  }
0xaf: {  	[dreg:$0x3] =	wrdreg s8  }
0xb0: {  	[dreg:$0x4] =	wrdreg $0xC0  }
0xb1: {  	_ =	task [dreg:s10], $0x5FFFF  }
0xb2: {  	[dreg:$0x1] =	wrdreg $0xFFFFFFFF  }
0xb3: {  	[dreg:$0x0] =	wrdreg $0x60  }
0xb4: {  	[dreg:$0x2] =	wrdreg s24  }
0xb5: {  	[dreg:$0x3] =	wrdreg s15  }
0xb6: {  	[dreg:$0x4] =	wrdreg s16  }
0xb7: {  	[dreg:$0x5] =	wrdreg s17  }
0xb8: {  	[dreg:$0x6] =	wrdreg s18  }
0xb9: {  	[dreg:$0x7] =	wrdreg $0x1D000  }
0xba: {  	[dreg:$0x8] =	wrdreg $0x1D100  }
0xbb: {  	[dreg:$0x9] =	wrdreg $0x9  }
0xbc: {  	_ =	task.clear_ibuf [dreg:s10], $0xAFFFF;
	_ =	strace $0x90000046  }
0xbd: {  	s29 =	simm.s32 $0x9;
	_ =	strace $0x80000048  }
0xbe: {  	_ =	swait.ge [sflag:s29], $0x1  }
0xbf: {  	[sflag:s29] =	ssyncadd.s32 $0xFFFFFFFF  }
0xc0: {  	_ =	strace $0x90000048  }
0xc1: {  	_ =	sfence  }
0xc2: {  	s30 =	sld [smem:$0x0];
	_ =	sdelay $0x2  }
0xc3: {  	s31 =	sshll.u32 s1, $0xD;
	s1 =	sshrl.u32 s1, $0x2  }
0xc4: {  	s3 =	sand.u32 $0x4000, s31;
	s1 =	sadd.s32 s1, s30  }
0xc5: {  	s0 =	sor.u32 s3, s0;
	s1 =	sshll.u32 s1, $0x11  }
0xc6: {  	s0 =	sor.u32 s1, s0  }
0xc7: {  	s0 =	sadd.s32 $0x8F2B, s0  }
0xc8: {  	[sflag:s0] =	ssyncadd.remote.s32 $0x1  }
0xc9: {  	_ =	sfence.sel $0xFFFF  }
0xca: {  	[dreg:$0x0] =	wrdreg $0xFFFFFFFF;
	(pc) =	sbr.abs _section_cstart, $3  }
0xcb: {  	[dreg:$0x1] =	wrdreg $0xFFFFFFFF  }
0xcc: {  	_ =	task.clear_ibuf [dreg:s10], $0x2FFFF;
	_ =	strace $0x9FFFFFFF  }
0xcd: {  	(tm) =	ssettm $0x7FFFFFFF  }
tec
execute0_lowered:
.L_overlay_start_1:
0x0: {  	(tag) =	ssettag $0x1  }
0x1: {  	s0 =	rddreg [dreg:$0x0]  }
0x2: {  	s6 =	rddreg [dreg:$0x5]  }
0x3: {  	s5 =	stileid.u32;
	s7 =	rddreg [dreg:$0x6];
	s8 =	simm.s32 $0x0  }
0x4: {  	s1 =	srdreg.scid;
	[smem:$0x7FF] =	sst s8;
	s29 =	sadd.s32 $0x10, s6  }
0x5: {  	s30 =	sadd.s32 $0x10, s7;
	_ =	strace $0x80000047;
	[dreg:$0x8] =	wrdreg s29  }
0x6: {  	s28 =	simm.s32 $0x0;
	s13 =	sadd.s32 $0x20, s7;
	[dreg:$0x9] =	wrdreg s30  }
0x7: {  	s31 =	simm.s32 $0x1C00;
	s14 =	sadd.s32 $0x30, s6;
	[dreg:$0xb] =	wrdreg s13  }
0x8: {  	s2 =	smul.u32 $0x1900, s5;
	s15 =	sadd.s32 $0x30, s7;
	[dreg:$0xc] =	wrdreg s14  }
0x9: {  	s1 =	sand.u32 $0x1, s1;
	s16 =	sadd.s32 $0x40, s6;
	[dreg:$0xd] =	wrdreg s15  }
0xa: {  	s25 =	sshll.u32 s5, $0x4;
	s17 =	sadd.s32 $0x40, s7;
	[dreg:$0xe] =	wrdreg s16  }
0xb: {  	s18 =	sadd.s32 $0x50, s6;
	s19 =	sadd.s32 $0x50, s7;
	[dreg:$0xf] =	wrdreg s17  }
0xc: {  	s20 =	sadd.s32 $0x60, s6;
	s21 =	sadd.s32 $0x60, s7;
	[dreg:$0x10] =	wrdreg s18  }
0xd: {  	p2 =	sne.s32 s5, $0xF;
	p3 =	seq.s32 s5, $0xF;
	[dreg:$0x11] =	wrdreg s19  }
0xe: {  	s22 =	sadd.s32 $0x70, s6;
	s23 =	sadd.s32 $0x70, s7;
	[dreg:$0x12] =	wrdreg s20  }
0xf: {  	s3 =	ssub.s32 $0x2, s1;
	s11 =	sadd.s32 s25, s6;
	[dreg:$0x13] =	wrdreg s21  }
0x10: {  	v0 =	vimm.s32 $0xEFCDAB89;
	v2 =	vimm.s32 $0x67452301;
	v3 =	vimm.s32 $0xDCFE98BA;
	s12 =	sadd.s32 s25, s7;
	s26 =	sor.u32 s5, s1;
	[dreg:$0x14] =	wrdreg s22  }
0x11: {  	v4 =	vimm.s32 $0x54761032;
	v5 =	vimm.s32 $0xBA98FEDC;
	p0 =	sne.s32 s1, $0x0;
	[dreg:$0x15] =	wrdreg s23;
	s29 =	sadd.s32 $0x90, s6  }
0x12: {  	v1 =	vimm.f32 $9.000000000e+00;
	v6 =	vimm.s32 $0x32107654;
	s30 =	sadd.s32 $0x90, s7;
	s1 =	sadd.s32 $0xA0, s6;
	s13 =	sadd.s32 $0xC0, s7  }
0x13: {  	v7 =	vimm.s32 $0xFEDCBA98;
	v8 =	vimm.s32 $0x76543210;
	v14 =	vimm.s32 $0x7;
	s14 =	sadd.s32 $0xD0, s6;
	s15 =	sadd.s32 $0xD0, s7;
	s16 =	sadd.s32 $0xE0, s6  }
0x14: {  	v15 =	vimm.s32 $0x8;
	v0 =	vunpack.c.l.s4.s8 v0;
	s17 =	sadd.s32 $0xE0, s7;
	s18 =	sadd.s32 $0xF0, s6;
	s19 =	sadd.s32 $0xF0, s7;
	(erf) = vrcp.f32 v1  }
0x15: {  	v2 =	vunpack.c.l.s4.s8 v2;
	v3 =	vunpack.c.l.s4.s8 v3;
	v4 =	vunpack.c.l.s4.s8 v4;
	s20 =	simm.s32 $0x2;
	s21 =	simm.s32 $0x1900;
	s22 =	simm.s32 $0x1980  }
0x16: {  	v5 =	vunpack.c.l.s4.s8 v5;
	v6 =	vunpack.c.l.s4.s8 v6;
	v7 =	vunpack.c.l.s4.s8 v7;
	s23 =	simm.s32 $0x1A00;
	s2 =	sshrl.u32 s2, $0x3;
	s4 =	sshrl.u32 s3, $0x1  }
0x17: {  	p1 =	sne.s32 s26, $0x0;
	v0 =	vunpack.c.0.s8.s32 v0;
	s26 =	sadd.s32 $0x80, s7;
	[dreg:$0x18] =	wrdreg s29;
	v2 =	vunpack.c.0.s8.s32 v2;
	v3 =	vunpack.c.0.s8.s32 v3  }
0x18: {  	[dreg:$0x19] =	wrdreg s30;
	v4 =	vunpack.c.0.s8.s32 v4;
	v5 =	vunpack.c.0.s8.s32 v5;
	v6 =	vunpack.c.0.s8.s32 v6;
	s0 =	sadd.s32 s2, s0;
	s24 =	ssub.s32 s3, s4  }
.Ltmp0:
0x19: {  	vm8 =	vcmask $0xF24;
	s4 =	sadd.s32 $0x20, s6;
	[dreg:$0x17] =	wrdreg s26;
	v1 =	vcombine.low v2, v0;
	v2 =	vunpack.c.l.s4.s8 v8;
	(pc) =	sbr.rel .LBB2_1-.Ltmp0, $4  }
0x1a: {  	s2 =	sadd.s32 $0xB0, s6;
	s3 =	sadd.s32 $0xB0, s7;
	s26 =	simm.s32 $0x1;
	v3 =	vcombine.low v4, v3;
	v4 =	vcombine.low v6, v5;
	v5 =	vunpack.c.0.s8.s32 v7  }
0x1b: {  	s9 =	sadd.s32 $0x600, s0;
	s10 =	sadd.s32 $0x7F4, s0;
	[dreg:$0xa] =	wrdreg s4;
	v0 =	vimm.f32 $-Inf;
	v6 =	vlaneseq.u32;
	v2 =	vunpack.c.0.s8.s32 v2  }
0x1c: {  	s25 =	smax.u32 s24, $0x1;
	s24 =	sadd.s32 $0x80, s6;
	s0 =	sadd.s32 $0xA0, s7;
	v8 =	vimm.s32 $0x0;
	v1 =	vand.u32 $0xF, v1;
	v5 =	vand.u32 $0xF, v5  }
0x1d: {  	s4 =	sadd.s32 $0xC0, s6;
	[dreg:$0x16] =	wrdreg s24;
	s24 =	simm.s32 $0x1B00;
	v3 =	vand.u32 $0xF, v3;
	v4 =	vand.u32 $0xF, v4;
	v5 =	vcombine.low v5, v2;
	v16 =	vpop (erf)  }
.LBB2_26:
0x1e: {  	vm3 =	vgt.f32 v45, v46;
	v44 =	vadd.s32 $0x10, v44  }
0x1f: {  	v45 =	vsel vm3, v45, v46;
	v44 =	vsel vm3, v44, v47  }
0x20: {  	v46 =	vperm.xlane v45, v1;
	v47 =	vperm.xlane v44, v1;
	_ =	sdelay $0x1  }
0x21: {  	vm3 =	veq.f32 v46, v45;
	vm15 =	vlt.s32 v47, v44  }
0x22: {  	vm5 =	vgt.f32 v46, v45;
	vm3 =	vmand vm3, vm15  }
0x23: {  	vm3 =	vmor vm5, vm3  }
0x24: {  	v45 =	vsel vm3, v46, v45;
	v44 =	vsel vm3, v47, v44  }
0x25: {  	v46 =	vperm.xlane v45, v3;
	v47 =	vperm.xlane v44, v3  }
0x26: {  	v17 =	vsel vm10, v18, v17  }
0x27: {  	v53 =	vsel vm12, v25, v24;
	vm3 =	veq.f32 v46, v45;
	vm4 =	vlt.s32 v47, v44  }
0x28: {  	v56 =	vsel vm9, v28, v27;
	vm5 =	vgt.f32 v46, v45;
	vm3 =	vmand vm3, vm4  }
0x29: {  	vm12 =	vcmask $0x328;
	v59 =	vsel vm0, v34, v33;
	vm3 =	vmor vm5, vm3  }
0x2a: {  	v60 =	vsel vm1, v36, v35;
	v45 =	vsel vm3, v46, v45;
	v44 =	vsel vm3, v47, v44  }
0x2b: {  	vm3 =	vmmov $0x1;
	v46 =	vperm.xlane v45, v4;
	v47 =	vperm.xlane v44, v4  }
0x2c: {  	v61 =	vsel vm14, v39, v38;
	v62 =	vsel vm2, v42, v41;
	v17 =	vnsel vm3, $0xFF800000, v17  }
0x2d: {  	v18 =	vnsel vm3, $0x0, v19;
	vm10 =	veq.f32 v46, v45;
	vm4 =	vlt.s32 v47, v44  }
0x2e: {  	v19 =	vsel vm11, v22, v20;
	vm5 =	vgt.f32 v46, v45;
	vm10 =	vmand vm10, vm4  }
0x2f: {  	vm14 =	vcmask $0x1F28;
	v17 =	vsel vm12, v17, v19;
	vm15 =	vmor vm5, vm10  }
0x30: {  	v18 =	vsel vm12, v18, v21;
	v54 =	vsel vm15, v46, v45;
	v55 =	vsel vm15, v47, v44  }
0x31: {  	vm4 =	vcmask $0x728;
	v57 =	vperm.xlane v54, v5;
	v58 =	vperm.xlane v55, v5  }
0x32: {  	v19 =	vsel vm13, v31, v30;
	v17 =	vsel vm4, v17, v53;
	v18 =	vsel vm4, v18, v23  }
0x33: {  	vm5 =	vcmask $0x1328;
	vm13 =	veq.f32 v57, v54;
	vm15 =	vlt.s32 v58, v55  }
0x34: {  	vm12 =	vgt.f32 v57, v54;
	vm0 =	vmand vm13, vm15;
	vm13 =	vcmask $0xB28  }
0x35: {  	vm15 =	vcmask $0xF28;
	vm0 =	vmor vm12, vm0;
	v17 =	vsel vm13, v17, v56  }
0x36: {  	v18 =	vsel vm13, v18, v26;
	v17 =	vsel vm15, v17, v19;
	v19 =	vsel vm0, v58, v55  }
0x37: {  	vm12 =	vcmask $0x1728;
	v18 =	vsel vm15, v18, v29;
	v17 =	vsel vm5, v17, v59  }
0x38: {  	vm13 =	vcmask $0x1B28;
	v18 =	vsel vm5, v18, v32;
	v17 =	vsel vm12, v17, v60  }
0x39: {  	v63 =	vsel vm0, v57, v54;
	v18 =	vsel vm12, v18, v37;
	v17 =	vsel vm13, v17, v61  }
0x3a: {  	vm15 =	vcmask $0x2328;
	v18 =	vsel vm13, v18, v40;
	v17 =	vsel vm14, v17, v62  }
0x3b: {  	v18 =	vsel vm14, v18, v43;
	v17 =	vsel vm15, v17, v63;
	[tilespmem:v19+s8+$0x0] =	vst.idx.msk $0x1, v0  }
0x3c: {  	v18 =	vsel vm15, v18, v19;
	[tilespmem:$0x1900] =	vst v17  }
0x3d: {  	[tilespmem:$0x1980] =	vst v18  }
0x3e: {  	_ =	sdelay $0x7ff  }
0x3f: {  	_ =	sdelay $0x15e  }
0x40: {  	[spmem:s11] =	stream.linear.scatter [tilespmem:s21], [sflag:$0x2], $0x10, $0x38;
	[tilespmem:$0x1D20] =	vst v63  }
0x41: {  	_ =	swait.ge [sflag:s20], $0x10  }
0x42: {  	[sflag:s20] =	ssyncset.done $0x0  }
0x43: {  	[sflag:s20] =	ssyncadd.s32 $0xFFFFFFF0  }
0x44: {  	[spmem:s12] =	stream.linear.scatter [tilespmem:s22], [sflag:$0x2], $0x10, $0x38;
	[tilespmem:$0x1D20] =	vst v63  }
0x45: {  	_ =	swait.ge [sflag:s20], $0x10  }
0x46: {  	[sflag:s20] =	ssyncset.done $0x0  }
0x47: {  	[sflag:s20] =	ssyncadd.s32 $0xFFFFFFF0  }
.LBB2_27:
.Ltmp1:
0x48: {  	(pc) =	sbr.rel @!p1 .LBB2_28-.Ltmp1, $2  }
0x49: {  	_ =	sdelay $0x1  }
0x4a: {  	[bflag:$0x0] =	sbarrier.arrive $0xFFFF;
	_ =	sdelay $0x1  }
.LBB2_29:
0x4b: {  	s28 =	sadd.s32 $0x1, s28  }
0x4c: {  	p4 =	sne.s32 s28, s25  }
.Ltmp2:
0x4d: {  	_ = 	snop;
	(pc) =	sbr.rel @!p4 .LBB2_30-.Ltmp2, $1  }
0x4e: {  	_ =	sdelay $0x3  }
.LBB2_1:
.Ltmp3:
0x4f: {  	(pc) =	sbr.rel @p0 .LBB2_27-.Ltmp3, $1  }
0x50: {  	_ =	sdelay $0x3  }
.Ltmp4:
0x51: {  	(pc) =	sbr.rel @p2 .LBB2_6-.Ltmp4, $1  }
0x52: {  	_ =	sdelay $0x3  }
0x53: {  	s29 =	simm.s32 $0x40;
	s30 =	simm.s32 $0x0  }
.LBB2_4:
0x54: {  	p4 =	sne.s32 s29, $0x2540;
	[tilespmem:s30+$0xFA0] =	vst v0;
	s30 =	smov.u32 s29;
	s29 =	sadd.s32 $0x40, s29  }
.Ltmp5:
0x55: {  	(pc) =	sbr.rel @p4 .LBB2_4-.Ltmp5, $2  }
0x56: {  	_ =	sdelay $0x2  }
0x57: {  	s30 =	sshra.s32 s30, $0x2  }
0x58: {  	[tilespmem:s30+$0xFA0] =	vst v0  }
.LBB2_6:
0x59: {  	[tilespmem:s8], [sflag:$0x2] =	stream.linear.gather [hbm4b:s9+s8], $0xFA0, $0x38;
	[tilespmem:$0x1D20] =	vst v63  }
0x5a: {  	_ =	swait.ge [sflag:s20], $0xFA0  }
0x5b: {  	[sflag:s20] =	ssyncset.done $0x0  }
0x5c: {  	s29 =	simm.s32 @!p3 $0x0;
	s30 =	simm.s32 @!p3 $0xFA0;
	[sflag:s20] =	ssyncadd.s32 $0xFFFFF060  }
0x5d: {  	[tilespmem:s30], [sflag:$0x2] =	stream.linear.gather @!p3 [hbm4b:s10+s29], $0x960, $0x38;
	[tilespmem:$0x1D20] =	vst v63  }
0x5e: {  	s29 =	simm.s32 @!p3 $0x2  }
0x5f: {  	_ =	swait.ge @!p3 [sflag:s29], $0x960  }
0x60: {  	[sflag:s29] =	ssyncset.done @!p3 $0x0  }
0x61: {  	[sflag:s29] =	ssyncadd.s32 @!p3 $0xFFFFF6A0;
	s29 =	simm.s32 $0x0  }
0x62: {  	v19 =	vld [tilespmem:s29+$0x0];
	_ =	sdelay $0x3  }
0x63: {  	v20 =	vimm.f32 $-Inf  }
0x64: {  	v21 =	vimm.s32 $0x0;
	v17 =	vlaneseq.u32;
	s5 =	simm.s32 $0x10;
	vm0 =	vgt.f32 v19, v20  }
0x65: {  	s29 =	simm.s32 $0x80;
	v18 =	vld [tilespmem:s5+$0x0];
	v19 =	vsel vm0, v19, v20;
	v20 =	vsel vm0, v17, v21  }
.LBB2_7:
0x66: {  	p4 =	sne.s32 s29, $0x63C0  }
.Ltmp6:
0x67: {  	_ = 	snop;
	(pc) =	sbr.rel @p4 .LBB2_7-.Ltmp6, $3  }
0x68: {  	_ =	sdelay $0x1  }
0x69: {  	s30 =	sshra.s32 s29, $0x2;
	s29 =	sadd.s32 $0x40, s29;
	v17 =	vadd.s32 $0x10, v17;
	vm0 =	vgt.f32 v18, v19  }
0x6a: {  	v19 =	vsel vm0, v18, v19;
	v18 =	vld [tilespmem:s30+$0x0];
	v20 =	vsel vm0, v17, v20  }
0x6b: {  	_ =	sdelay $0x3  }
0x6c: {  	v17 =	vadd.s32 $0x10, v17;
	vm0 =	vgt.f32 v18, v19  }
0x6d: {  	v18 =	vsel vm0, v18, v19;
	v17 =	vsel vm0, v17, v20  }
0x6e: {  	v19 =	vperm.xlane v18, v1;
	v20 =	vperm.xlane v17, v1;
	_ =	sdelay $0x1  }
0x6f: {  	vm5 =	veq.f32 v19, v18;
	vm1 =	vlt.s32 v20, v17  }
0x70: {  	vm2 =	vgt.f32 v19, v18;
	vm0 =	vmand vm5, vm1  }
0x71: {  	vm0 =	vmor vm2, vm0  }
0x72: {  	v18 =	vsel vm0, v19, v18;
	v17 =	vsel vm0, v20, v17  }
0x73: {  	v19 =	vperm.xlane v18, v3;
	v20 =	vperm.xlane v17, v3;
	_ =	sdelay $0x1  }
0x74: {  	vm12 =	veq.f32 v19, v18;
	vm13 =	vlt.s32 v20, v17  }
0x75: {  	vm14 =	vgt.f32 v19, v18;
	vm0 =	vmand vm12, vm13  }
0x76: {  	vm0 =	vmor vm14, vm0  }
0x77: {  	v18 =	vsel vm0, v19, v18;
	v19 =	vsel vm0, v20, v17  }
0x78: {  	v17 =	vperm.xlane v18, v4;
	v20 =	vperm.xlane v19, v4;
	_ =	sdelay $0x1  }
0x79: {  	vm15 =	veq.f32 v17, v18;
	vm4 =	vlt.s32 v20, v19  }
0x7a: {  	vm5 =	vgt.f32 v17, v18;
	vm0 =	vmand vm15, vm4  }
0x7b: {  	vm0 =	vmor vm5, vm0  }
0x7c: {  	v17 =	vsel vm0, v17, v18;
	v19 =	vsel vm0, v20, v19  }
0x7d: {  	v18 =	vperm.xlane v17, v5;
	v20 =	vperm.xlane v19, v5;
	_ =	sdelay $0x1  }
0x7e: {  	vm12 =	veq.f32 v18, v17;
	vm13 =	vlt.s32 v20, v19  }
0x7f: {  	vm14 =	vgt.f32 v18, v17;
	vm0 =	vmand vm12, vm13  }
0x80: {  	vm10 =	vmor vm14, vm0  }
0x81: {  	v19 =	vsel vm10, v20, v19;
	_ =	sdelay $0x3  }
0x82: {  	v22 =	vimm.f32 $-Inf;
	s29 =	simm.s32 $0x0  }
0x83: {  	[tilespmem:v19+s29+$0x0] =	vst.idx.msk $0x1, v22;
	s29 =	simm.s32 $0x0  }
0x84: {  	v23 =	vld [tilespmem:s29+$0x0];
	_ =	sdelay $0x4  }
0x85: {  	v24 =	vimm.s32 $0x0;
	s30 =	simm.s32 $0x10;
	v20 =	vlaneseq.u32;
	vm15 =	vgt.f32 v23, v22  }
0x86: {  	s29 =	simm.s32 $0x80;
	v21 =	vld [tilespmem:s30+$0x0];
	v22 =	vsel vm15, v23, v22;
	v23 =	vsel vm15, v20, v24  }
.LBB2_9:
0x87: {  	p4 =	sne.s32 s29, $0x63C0  }
.Ltmp7:
0x88: {  	_ = 	snop;
	(pc) =	sbr.rel @p4 .LBB2_9-.Ltmp7, $3  }
0x89: {  	_ =	sdelay $0x1  }
0x8a: {  	s30 =	sshra.s32 s29, $0x2;
	s29 =	sadd.s32 $0x40, s29;
	v20 =	vadd.s32 $0x10, v20;
	vm0 =	vgt.f32 v21, v22  }
0x8b: {  	v22 =	vsel vm0, v21, v22;
	v21 =	vld [tilespmem:s30+$0x0];
	v23 =	vsel vm0, v20, v23  }
0x8c: {  	_ =	sdelay $0x3  }
0x8d: {  	v20 =	vadd.s32 $0x10, v20;
	vm0 =	vgt.f32 v21, v22  }
0x8e: {  	v21 =	vsel vm0, v21, v22;
	v20 =	vsel vm0, v20, v23  }
0x8f: {  	v22 =	vperm.xlane v21, v1;
	v23 =	vperm.xlane v20, v1;
	_ =	sdelay $0x1  }
0x90: {  	vm5 =	veq.f32 v22, v21;
	vm1 =	vlt.s32 v23, v20  }
0x91: {  	vm2 =	vgt.f32 v22, v21;
	vm0 =	vmand vm5, vm1  }
0x92: {  	vm0 =	vmor vm2, vm0  }
0x93: {  	v21 =	vsel vm0, v22, v21;
	v20 =	vsel vm0, v23, v20  }
0x94: {  	v22 =	vperm.xlane v21, v3;
	v23 =	vperm.xlane v20, v3;
	_ =	sdelay $0x1  }
0x95: {  	vm12 =	veq.f32 v22, v21;
	vm13 =	vlt.s32 v23, v20  }
0x96: {  	vm14 =	vgt.f32 v22, v21;
	vm0 =	vmand vm12, vm13  }
0x97: {  	vm0 =	vmor vm14, vm0  }
0x98: {  	v21 =	vsel vm0, v22, v21;
	v22 =	vsel vm0, v23, v20  }
0x99: {  	v20 =	vperm.xlane v21, v4;
	v23 =	vperm.xlane v22, v4;
	_ =	sdelay $0x1  }
0x9a: {  	vm15 =	veq.f32 v20, v21;
	vm4 =	vlt.s32 v23, v22  }
0x9b: {  	vm5 =	vgt.f32 v20, v21;
	vm0 =	vmand vm15, vm4  }
0x9c: {  	vm0 =	vmor vm5, vm0  }
0x9d: {  	v20 =	vsel vm0, v20, v21;
	v21 =	vsel vm0, v23, v22  }
0x9e: {  	v22 =	vperm.xlane v20, v5;
	v23 =	vperm.xlane v21, v5;
	_ =	sdelay $0x1  }
0x9f: {  	vm12 =	veq.f32 v22, v20;
	vm13 =	vlt.s32 v23, v21  }
0xa0: {  	vm14 =	vgt.f32 v22, v20;
	vm0 =	vmand vm12, vm13  }
0xa1: {  	vm11 =	vmor vm14, vm0  }
0xa2: {  	v21 =	vsel vm11, v23, v21;
	_ =	sdelay $0x3  }
0xa3: {  	v25 =	vimm.f32 $-Inf;
	s29 =	simm.s32 $0x0  }
0xa4: {  	[tilespmem:v21+s29+$0x0] =	vst.idx.msk $0x1, v25;
	s29 =	simm.s32 $0x0  }
0xa5: {  	v26 =	vld [tilespmem:s29+$0x0];
	_ =	sdelay $0x4  }
0xa6: {  	v27 =	vimm.s32 $0x0;
	s30 =	simm.s32 $0x10;
	v23 =	vlaneseq.u32;
	vm15 =	vgt.f32 v26, v25  }
0xa7: {  	s29 =	simm.s32 $0x80;
	v24 =	vld [tilespmem:s30+$0x0];
	v25 =	vsel vm15, v26, v25;
	v26 =	vsel vm15, v23, v27  }
.LBB2_11:
0xa8: {  	p4 =	sne.s32 s29, $0x63C0  }
.Ltmp8:
0xa9: {  	_ = 	snop;
	(pc) =	sbr.rel @p4 .LBB2_11-.Ltmp8, $3  }
0xaa: {  	_ =	sdelay $0x1  }
0xab: {  	s30 =	sshra.s32 s29, $0x2;
	s29 =	sadd.s32 $0x40, s29;
	v23 =	vadd.s32 $0x10, v23;
	vm0 =	vgt.f32 v24, v25  }
0xac: {  	v25 =	vsel vm0, v24, v25;
	v24 =	vld [tilespmem:s30+$0x0];
	v26 =	vsel vm0, v23, v26  }
0xad: {  	_ =	sdelay $0x3  }
0xae: {  	v23 =	vadd.s32 $0x10, v23;
	vm0 =	vgt.f32 v24, v25  }
0xaf: {  	v24 =	vsel vm0, v24, v25;
	v23 =	vsel vm0, v23, v26  }
0xb0: {  	v25 =	vperm.xlane v24, v1;
	v26 =	vperm.xlane v23, v1;
	_ =	sdelay $0x1  }
0xb1: {  	vm4 =	veq.f32 v25, v24;
	vm1 =	vlt.s32 v26, v23  }
0xb2: {  	vm2 =	vgt.f32 v25, v24;
	vm0 =	vmand vm4, vm1  }
0xb3: {  	vm0 =	vmor vm2, vm0  }
0xb4: {  	v24 =	vsel vm0, v25, v24;
	v23 =	vsel vm0, v26, v23  }
0xb5: {  	v25 =	vperm.xlane v24, v3;
	v26 =	vperm.xlane v23, v3;
	_ =	sdelay $0x1  }
0xb6: {  	vm0 =	veq.f32 v25, v24;
	vm5 =	vlt.s32 v26, v23  }
0xb7: {  	vm4 =	vgt.f32 v25, v24;
	vm0 =	vmand vm0, vm5  }
0xb8: {  	vm0 =	vmor vm4, vm0  }
0xb9: {  	v24 =	vsel vm0, v25, v24;
	v23 =	vsel vm0, v26, v23  }
0xba: {  	v25 =	vperm.xlane v24, v4;
	v26 =	vperm.xlane v23, v4;
	_ =	sdelay $0x1  }
0xbb: {  	vm0 =	veq.f32 v25, v24;
	vm5 =	vlt.s32 v26, v23  }
0xbc: {  	vm4 =	vgt.f32 v25, v24;
	vm0 =	vmand vm0, vm5  }
0xbd: {  	vm0 =	vmor vm4, vm0  }
0xbe: {  	v24 =	vsel vm0, v25, v24;
	v23 =	vsel vm0, v26, v23  }
0xbf: {  	v25 =	vperm.xlane v24, v5;
	v26 =	vperm.xlane v23, v5;
	_ =	sdelay $0x1  }
0xc0: {  	vm0 =	veq.f32 v25, v24;
	vm5 =	vlt.s32 v26, v23  }
0xc1: {  	vm4 =	vgt.f32 v25, v24;
	vm0 =	vmand vm0, vm5  }
0xc2: {  	vm12 =	vmor vm4, vm0  }
0xc3: {  	v23 =	vsel vm12, v26, v23;
	_ =	sdelay $0x3  }
0xc4: {  	v28 =	vimm.f32 $-Inf;
	s29 =	simm.s32 $0x0  }
0xc5: {  	[tilespmem:v23+s29+$0x0] =	vst.idx.msk $0x1, v28;
	s29 =	simm.s32 $0x0  }
0xc6: {  	v29 =	vld [tilespmem:s29+$0x0];
	_ =	sdelay $0x4  }
0xc7: {  	v30 =	vimm.s32 $0x0;
	s30 =	simm.s32 $0x10;
	v26 =	vlaneseq.u32;
	vm5 =	vgt.f32 v29, v28  }
0xc8: {  	s29 =	simm.s32 $0x80;
	v27 =	vld [tilespmem:s30+$0x0];
	v28 =	vsel vm5, v29, v28;
	v29 =	vsel vm5, v26, v30  }
.LBB2_13:
0xc9: {  	p4 =	sne.s32 s29, $0x63C0  }
.Ltmp9:
0xca: {  	_ = 	snop;
	(pc) =	sbr.rel @p4 .LBB2_13-.Ltmp9, $3  }
0xcb: {  	_ =	sdelay $0x1  }
0xcc: {  	s30 =	sshra.s32 s29, $0x2;
	s29 =	sadd.s32 $0x40, s29;
	v26 =	vadd.s32 $0x10, v26;
	vm0 =	vgt.f32 v27, v28  }
0xcd: {  	v28 =	vsel vm0, v27, v28;
	v27 =	vld [tilespmem:s30+$0x0];
	v29 =	vsel vm0, v26, v29  }
0xce: {  	_ =	sdelay $0x3  }
0xcf: {  	v26 =	vadd.s32 $0x10, v26;
	vm0 =	vgt.f32 v27, v28  }
0xd0: {  	v27 =	vsel vm0, v27, v28;
	v26 =	vsel vm0, v26, v29  }
0xd1: {  	v28 =	vperm.xlane v27, v1;
	v29 =	vperm.xlane v26, v1;
	_ =	sdelay $0x1  }
0xd2: {  	vm4 =	veq.f32 v28, v27;
	vm1 =	vlt.s32 v29, v26  }
0xd3: {  	vm2 =	vgt.f32 v28, v27;
	vm0 =	vmand vm4, vm1  }
0xd4: {  	vm0 =	vmor vm2, vm0  }
0xd5: {  	v27 =	vsel vm0, v28, v27;
	v26 =	vsel vm0, v29, v26  }
0xd6: {  	v28 =	vperm.xlane v27, v3;
	v29 =	vperm.xlane v26, v3;
	_ =	sdelay $0x1  }
0xd7: {  	vm0 =	veq.f32 v28, v27;
	vm5 =	vlt.s32 v29, v26  }
0xd8: {  	vm4 =	vgt.f32 v28, v27;
	vm0 =	vmand vm0, vm5  }
0xd9: {  	vm0 =	vmor vm4, vm0  }
0xda: {  	v27 =	vsel vm0, v28, v27;
	v26 =	vsel vm0, v29, v26  }
0xdb: {  	v28 =	vperm.xlane v27, v4;
	v29 =	vperm.xlane v26, v4;
	_ =	sdelay $0x1  }
0xdc: {  	vm0 =	veq.f32 v28, v27;
	vm5 =	vlt.s32 v29, v26  }
0xdd: {  	vm4 =	vgt.f32 v28, v27;
	vm0 =	vmand vm0, vm5  }
0xde: {  	vm0 =	vmor vm4, vm0  }
0xdf: {  	v27 =	vsel vm0, v28, v27;
	v26 =	vsel vm0, v29, v26  }
0xe0: {  	v28 =	vperm.xlane v27, v5;
	v29 =	vperm.xlane v26, v5;
	_ =	sdelay $0x1  }
0xe1: {  	vm0 =	veq.f32 v28, v27;
	vm5 =	vlt.s32 v29, v26  }
0xe2: {  	vm4 =	vgt.f32 v28, v27;
	vm0 =	vmand vm0, vm5  }
0xe3: {  	vm9 =	vmor vm4, vm0  }
0xe4: {  	v26 =	vsel vm9, v29, v26;
	_ =	sdelay $0x3  }
0xe5: {  	v31 =	vimm.f32 $-Inf;
	s29 =	simm.s32 $0x0  }
0xe6: {  	[tilespmem:v26+s29+$0x0] =	vst.idx.msk $0x1, v31;
	s29 =	simm.s32 $0x0  }
0xe7: {  	v32 =	vld [tilespmem:s29+$0x0];
	_ =	sdelay $0x4  }
0xe8: {  	v33 =	vimm.s32 $0x0;
	s30 =	simm.s32 $0x10;
	v29 =	vlaneseq.u32;
	vm5 =	vgt.f32 v32, v31  }
0xe9: {  	s29 =	simm.s32 $0x80;
	v30 =	vld [tilespmem:s30+$0x0];
	v31 =	vsel vm5, v32, v31;
	v32 =	vsel vm5, v29, v33  }
.LBB2_15:
0xea: {  	p4 =	sne.s32 s29, $0x63C0  }
.Ltmp10:
0xeb: {  	_ = 	snop;
	(pc) =	sbr.rel @p4 .LBB2_15-.Ltmp10, $3  }
0xec: {  	_ =	sdelay $0x1  }
0xed: {  	s30 =	sshra.s32 s29, $0x2;
	s29 =	sadd.s32 $0x40, s29;
	v29 =	vadd.s32 $0x10, v29;
	vm0 =	vgt.f32 v30, v31  }
0xee: {  	v31 =	vsel vm0, v30, v31;
	v30 =	vld [tilespmem:s30+$0x0];
	v32 =	vsel vm0, v29, v32  }
0xef: {  	_ =	sdelay $0x3  }
0xf0: {  	v29 =	vadd.s32 $0x10, v29;
	vm0 =	vgt.f32 v30, v31  }
0xf1: {  	v30 =	vsel vm0, v30, v31;
	v29 =	vsel vm0, v29, v32  }
0xf2: {  	v31 =	vperm.xlane v30, v1;
	v32 =	vperm.xlane v29, v1;
	_ =	sdelay $0x1  }
0xf3: {  	vm4 =	veq.f32 v31, v30;
	vm1 =	vlt.s32 v32, v29  }
0xf4: {  	vm2 =	vgt.f32 v31, v30;
	vm0 =	vmand vm4, vm1  }
0xf5: {  	vm0 =	vmor vm2, vm0  }
0xf6: {  	v30 =	vsel vm0, v31, v30;
	v29 =	vsel vm0, v32, v29  }
0xf7: {  	v31 =	vperm.xlane v30, v3;
	v32 =	vperm.xlane v29, v3;
	_ =	sdelay $0x1  }
0xf8: {  	vm0 =	veq.f32 v31, v30;
	vm5 =	vlt.s32 v32, v29  }
0xf9: {  	vm4 =	vgt.f32 v31, v30;
	vm0 =	vmand vm0, vm5  }
0xfa: {  	vm0 =	vmor vm4, vm0  }
0xfb: {  	v30 =	vsel vm0, v31, v30;
	v29 =	vsel vm0, v32, v29  }
0xfc: {  	v31 =	vperm.xlane v30, v4;
	v32 =	vperm.xlane v29, v4;
	_ =	sdelay $0x1  }
0xfd: {  	vm0 =	veq.f32 v31, v30;
	vm5 =	vlt.s32 v32, v29  }
0xfe: {  	vm4 =	vgt.f32 v31, v30;
	vm0 =	vmand vm0, vm5  }
0xff: {  	vm0 =	vmor vm4, vm0  }
0x100: {  	v30 =	vsel vm0, v31, v30;
	v29 =	vsel vm0, v32, v29  }
0x101: {  	v31 =	vperm.xlane v30, v5;
	v32 =	vperm.xlane v29, v5;
	_ =	sdelay $0x1  }
0x102: {  	vm0 =	veq.f32 v31, v30;
	vm5 =	vlt.s32 v32, v29  }
0x103: {  	vm4 =	vgt.f32 v31, v30;
	vm0 =	vmand vm0, vm5  }
0x104: {  	vm13 =	vmor vm4, vm0  }
0x105: {  	v29 =	vsel vm13, v32, v29;
	_ =	sdelay $0x3  }
0x106: {  	v34 =	vimm.f32 $-Inf;
	s29 =	simm.s32 $0x0  }
0x107: {  	[tilespmem:v29+s29+$0x0] =	vst.idx.msk $0x1, v34;
	s29 =	simm.s32 $0x0  }
0x108: {  	v35 =	vld [tilespmem:s29+$0x0];
	_ =	sdelay $0x4  }
0x109: {  	v36 =	vimm.s32 $0x0;
	s30 =	simm.s32 $0x10;
	v32 =	vlaneseq.u32;
	vm5 =	vgt.f32 v35, v34  }
0x10a: {  	s29 =	simm.s32 $0x80;
	v33 =	vld [tilespmem:s30+$0x0];
	v34 =	vsel vm5, v35, v34;
	v35 =	vsel vm5, v32, v36  }
.LBB2_17:
0x10b: {  	p4 =	sne.s32 s29, $0x63C0  }
.Ltmp11:
0x10c: {  	_ = 	snop;
	(pc) =	sbr.rel @p4 .LBB2_17-.Ltmp11, $3  }
0x10d: {  	_ =	sdelay $0x1  }
0x10e: {  	s30 =	sshra.s32 s29, $0x2;
	s29 =	sadd.s32 $0x40, s29;
	v32 =	vadd.s32 $0x10, v32;
	vm0 =	vgt.f32 v33, v34  }
0x10f: {  	v34 =	vsel vm0, v33, v34;
	v33 =	vld [tilespmem:s30+$0x0];
	v35 =	vsel vm0, v32, v35  }
0x110: {  	_ =	sdelay $0x3  }
0x111: {  	v32 =	vadd.s32 $0x10, v32;
	vm0 =	vgt.f32 v33, v34  }
0x112: {  	v33 =	vsel vm0, v33, v34;
	v32 =	vsel vm0, v32, v35  }
0x113: {  	v34 =	vperm.xlane v33, v1;
	v35 =	vperm.xlane v32, v1;
	_ =	sdelay $0x1  }
0x114: {  	vm0 =	veq.f32 v34, v33;
	vm1 =	vlt.s32 v35, v32  }
0x115: {  	vm2 =	vgt.f32 v34, v33;
	vm0 =	vmand vm0, vm1  }
0x116: {  	vm0 =	vmor vm2, vm0  }
0x117: {  	v33 =	vsel vm0, v34, v33;
	v32 =	vsel vm0, v35, v32  }
0x118: {  	v34 =	vperm.xlane v33, v3;
	v35 =	vperm.xlane v32, v3;
	_ =	sdelay $0x1  }
0x119: {  	vm0 =	veq.f32 v34, v33;
	vm1 =	vlt.s32 v35, v32  }
0x11a: {  	vm2 =	vgt.f32 v34, v33;
	vm0 =	vmand vm0, vm1  }
0x11b: {  	vm0 =	vmor vm2, vm0  }
0x11c: {  	v33 =	vsel vm0, v34, v33;
	v32 =	vsel vm0, v35, v32  }
0x11d: {  	v34 =	vperm.xlane v33, v4;
	v35 =	vperm.xlane v32, v4;
	_ =	sdelay $0x1  }
0x11e: {  	vm0 =	veq.f32 v34, v33;
	vm1 =	vlt.s32 v35, v32  }
0x11f: {  	vm2 =	vgt.f32 v34, v33;
	vm0 =	vmand vm0, vm1  }
0x120: {  	vm0 =	vmor vm2, vm0  }
0x121: {  	v33 =	vsel vm0, v34, v33;
	v32 =	vsel vm0, v35, v32  }
0x122: {  	v34 =	vperm.xlane v33, v5;
	v35 =	vperm.xlane v32, v5;
	_ =	sdelay $0x1  }
0x123: {  	vm0 =	veq.f32 v34, v33;
	vm1 =	vlt.s32 v35, v32  }
0x124: {  	vm2 =	vgt.f32 v34, v33;
	vm0 =	vmand vm0, vm1  }
0x125: {  	vm0 =	vmor vm2, vm0  }
0x126: {  	v32 =	vsel vm0, v35, v32;
	_ =	sdelay $0x3  }
0x127: {  	v37 =	vimm.f32 $-Inf;
	s29 =	simm.s32 $0x0  }
0x128: {  	[tilespmem:v32+s29+$0x0] =	vst.idx.msk $0x1, v37;
	s29 =	simm.s32 $0x0  }
0x129: {  	v38 =	vld [tilespmem:s29+$0x0];
	_ =	sdelay $0x4  }
0x12a: {  	v39 =	vimm.s32 $0x0;
	s30 =	simm.s32 $0x10;
	v35 =	vlaneseq.u32;
	vm1 =	vgt.f32 v38, v37  }
0x12b: {  	s29 =	simm.s32 $0x80;
	v36 =	vld [tilespmem:s30+$0x0];
	v37 =	vsel vm1, v38, v37;
	v38 =	vsel vm1, v35, v39  }
.LBB2_19:
0x12c: {  	p4 =	sne.s32 s29, $0x63C0  }
.Ltmp12:
0x12d: {  	_ = 	snop;
	(pc) =	sbr.rel @p4 .LBB2_19-.Ltmp12, $3  }
0x12e: {  	_ =	sdelay $0x1  }
0x12f: {  	s30 =	sshra.s32 s29, $0x2;
	s29 =	sadd.s32 $0x40, s29;
	v35 =	vadd.s32 $0x10, v35;
	vm1 =	vgt.f32 v36, v37  }
0x130: {  	v37 =	vsel vm1, v36, v37;
	v36 =	vld [tilespmem:s30+$0x0];
	v38 =	vsel vm1, v35, v38  }
0x131: {  	_ =	sdelay $0x3  }
0x132: {  	v35 =	vadd.s32 $0x10, v35;
	vm1 =	vgt.f32 v36, v37  }
0x133: {  	v36 =	vsel vm1, v36, v37;
	v35 =	vsel vm1, v35, v38  }
0x134: {  	v37 =	vperm.xlane v36, v1;
	v38 =	vperm.xlane v35, v1;
	_ =	sdelay $0x1  }
0x135: {  	vm1 =	veq.f32 v37, v36;
	vm2 =	vlt.s32 v38, v35  }
0x136: {  	vm14 =	vgt.f32 v37, v36;
	vm1 =	vmand vm1, vm2  }
0x137: {  	vm1 =	vmor vm14, vm1  }
0x138: {  	v36 =	vsel vm1, v37, v36;
	v35 =	vsel vm1, v38, v35  }
0x139: {  	v37 =	vperm.xlane v36, v3;
	v38 =	vperm.xlane v35, v3;
	_ =	sdelay $0x1  }
0x13a: {  	vm1 =	veq.f32 v37, v36;
	vm2 =	vlt.s32 v38, v35  }
0x13b: {  	vm14 =	vgt.f32 v37, v36;
	vm1 =	vmand vm1, vm2  }
0x13c: {  	vm1 =	vmor vm14, vm1  }
0x13d: {  	v36 =	vsel vm1, v37, v36;
	v62 =	vsel vm1, v38, v35  }
0x13e: {  	v63 =	vperm.xlane v36, v4;
	v38 =	vperm.xlane v62, v4;
	_ =	sdelay $0x1  }
0x13f: {  	vm1 =	veq.f32 v63, v36;
	vm2 =	vlt.s32 v38, v62  }
0x140: {  	vm14 =	vgt.f32 v63, v36;
	vm1 =	vmand vm1, vm2  }
0x141: {  	vm1 =	vmor vm14, vm1  }
0x142: {  	v35 =	vsel vm1, v63, v36;
	v37 =	vsel vm1, v38, v62  }
0x143: {  	v36 =	vperm.xlane v35, v5;
	v38 =	vperm.xlane v37, v5;
	_ =	sdelay $0x1  }
0x144: {  	vm1 =	veq.f32 v36, v35;
	vm2 =	vlt.s32 v38, v37  }
0x145: {  	vm14 =	vgt.f32 v36, v35;
	vm1 =	vmand vm1, vm2  }
0x146: {  	vm1 =	vmor vm14, vm1  }
0x147: {  	v37 =	vsel vm1, v38, v37;
	_ =	sdelay $0x3  }
0x148: {  	v40 =	vimm.f32 $-Inf;
	s29 =	simm.s32 $0x0  }
0x149: {  	[tilespmem:v37+s29+$0x0] =	vst.idx.msk $0x1, v40;
	s29 =	simm.s32 $0x0  }
0x14a: {  	v41 =	vld [tilespmem:s29+$0x0];
	_ =	sdelay $0x4  }
0x14b: {  	v42 =	vimm.s32 $0x0;
	s30 =	simm.s32 $0x10;
	v38 =	vlaneseq.u32;
	vm2 =	vgt.f32 v41, v40  }
0x14c: {  	s29 =	simm.s32 $0x80;
	v39 =	vld [tilespmem:s30+$0x0];
	v40 =	vsel vm2, v41, v40;
	v41 =	vsel vm2, v38, v42  }
.LBB2_21:
0x14d: {  	p4 =	sne.s32 s29, $0x63C0  }
.Ltmp13:
0x14e: {  	_ = 	snop;
	(pc) =	sbr.rel @p4 .LBB2_21-.Ltmp13, $3  }
0x14f: {  	_ =	sdelay $0x1  }
0x150: {  	s30 =	sshra.s32 s29, $0x2;
	s29 =	sadd.s32 $0x40, s29;
	v38 =	vadd.s32 $0x10, v38;
	vm2 =	vgt.f32 v39, v40  }
0x151: {  	v40 =	vsel vm2, v39, v40;
	v39 =	vld [tilespmem:s30+$0x0];
	v41 =	vsel vm2, v38, v41  }
0x152: {  	_ =	sdelay $0x3  }
0x153: {  	v38 =	vadd.s32 $0x10, v38;
	vm2 =	vgt.f32 v39, v40  }
0x154: {  	v39 =	vsel vm2, v39, v40;
	v38 =	vsel vm2, v38, v41  }
0x155: {  	v40 =	vperm.xlane v39, v1;
	v41 =	vperm.xlane v38, v1;
	_ =	sdelay $0x1  }
0x156: {  	vm2 =	veq.f32 v40, v39;
	vm14 =	vlt.s32 v41, v38  }
0x157: {  	vm15 =	vgt.f32 v40, v39;
	vm2 =	vmand vm2, vm14  }
0x158: {  	vm2 =	vmor vm15, vm2  }
0x159: {  	v39 =	vsel vm2, v40, v39;
	v38 =	vsel vm2, v41, v38  }
0x15a: {  	v40 =	vperm.xlane v39, v3;
	v41 =	vperm.xlane v38, v3;
	_ =	sdelay $0x1  }
0x15b: {  	vm2 =	veq.f32 v40, v39;
	vm14 =	vlt.s32 v41, v38  }
0x15c: {  	vm15 =	vgt.f32 v40, v39;
	vm2 =	vmand vm2, vm14  }
0x15d: {  	vm2 =	vmor vm15, vm2  }
0x15e: {  	v39 =	vsel vm2, v40, v39;
	v62 =	vsel vm2, v41, v38  }
0x15f: {  	v63 =	vperm.xlane v39, v4;
	v41 =	vperm.xlane v62, v4;
	_ =	sdelay $0x1  }
0x160: {  	vm2 =	veq.f32 v63, v39;
	vm14 =	vlt.s32 v41, v62  }
0x161: {  	vm15 =	vgt.f32 v63, v39;
	vm2 =	vmand vm2, vm14  }
0x162: {  	vm2 =	vmor vm15, vm2  }
0x163: {  	v38 =	vsel vm2, v63, v39;
	v40 =	vsel vm2, v41, v62  }
0x164: {  	v39 =	vperm.xlane v38, v5;
	v41 =	vperm.xlane v40, v5;
	_ =	sdelay $0x1  }
0x165: {  	vm2 =	veq.f32 v39, v38;
	vm14 =	vlt.s32 v41, v40  }
0x166: {  	vm15 =	vgt.f32 v39, v38;
	vm2 =	vmand vm2, vm14  }
0x167: {  	vm14 =	vmor vm15, vm2  }
0x168: {  	v40 =	vsel vm14, v41, v40;
	_ =	sdelay $0x3  }
0x169: {  	v43 =	vimm.f32 $-Inf;
	s29 =	simm.s32 $0x0  }
0x16a: {  	[tilespmem:v40+s29+$0x0] =	vst.idx.msk $0x1, v43;
	s29 =	simm.s32 $0x0  }
0x16b: {  	v44 =	vld [tilespmem:s29+$0x0];
	_ =	sdelay $0x4  }
0x16c: {  	v45 =	vimm.s32 $0x0;
	s30 =	simm.s32 $0x10;
	v41 =	vlaneseq.u32;
	vm2 =	vgt.f32 v44, v43  }
0x16d: {  	s29 =	simm.s32 $0x80;
	v42 =	vld [tilespmem:s30+$0x0];
	v43 =	vsel vm2, v44, v43;
	v44 =	vsel vm2, v41, v45  }
.LBB2_23:
0x16e: {  	p4 =	sne.s32 s29, $0x63C0  }
.Ltmp14:
0x16f: {  	_ = 	snop;
	(pc) =	sbr.rel @p4 .LBB2_23-.Ltmp14, $3  }
0x170: {  	_ =	sdelay $0x1  }
0x171: {  	s30 =	sshra.s32 s29, $0x2;
	s29 =	sadd.s32 $0x40, s29;
	v41 =	vadd.s32 $0x10, v41;
	vm2 =	vgt.f32 v42, v43  }
0x172: {  	v43 =	vsel vm2, v42, v43;
	v42 =	vld [tilespmem:s30+$0x0];
	v44 =	vsel vm2, v41, v44  }
0x173: {  	_ =	sdelay $0x3  }
0x174: {  	v41 =	vadd.s32 $0x10, v41;
	vm2 =	vgt.f32 v42, v43  }
0x175: {  	v42 =	vsel vm2, v42, v43;
	v41 =	vsel vm2, v41, v44  }
0x176: {  	v43 =	vperm.xlane v42, v1;
	v44 =	vperm.xlane v41, v1;
	_ =	sdelay $0x1  }
0x177: {  	vm2 =	veq.f32 v43, v42;
	vm15 =	vlt.s32 v44, v41  }
0x178: {  	vm3 =	vgt.f32 v43, v42;
	vm2 =	vmand vm2, vm15  }
0x179: {  	vm2 =	vmor vm3, vm2  }
0x17a: {  	v42 =	vsel vm2, v43, v42;
	v41 =	vsel vm2, v44, v41  }
0x17b: {  	v43 =	vperm.xlane v42, v3;
	v44 =	vperm.xlane v41, v3;
	_ =	sdelay $0x1  }
0x17c: {  	vm2 =	veq.f32 v43, v42;
	vm3 =	vlt.s32 v44, v41  }
0x17d: {  	vm15 =	vgt.f32 v43, v42;
	vm2 =	vmand vm2, vm3  }
0x17e: {  	vm2 =	vmor vm15, vm2  }
0x17f: {  	v42 =	vsel vm2, v43, v42;
	v62 =	vsel vm2, v44, v41  }
0x180: {  	v63 =	vperm.xlane v42, v4;
	v44 =	vperm.xlane v62, v4;
	_ =	sdelay $0x1  }
0x181: {  	vm2 =	veq.f32 v63, v42;
	vm3 =	vlt.s32 v44, v62  }
0x182: {  	vm15 =	vgt.f32 v63, v42;
	vm2 =	vmand vm2, vm3  }
0x183: {  	vm2 =	vmor vm15, vm2  }
0x184: {  	v41 =	vsel vm2, v63, v42;
	v43 =	vsel vm2, v44, v62  }
0x185: {  	v42 =	vperm.xlane v41, v5;
	v44 =	vperm.xlane v43, v5;
	_ =	sdelay $0x1  }
0x186: {  	vm2 =	veq.f32 v42, v41;
	vm3 =	vlt.s32 v44, v43  }
0x187: {  	vm15 =	vgt.f32 v42, v41;
	vm2 =	vmand vm2, vm3  }
0x188: {  	vm2 =	vmor vm15, vm2  }
0x189: {  	v43 =	vsel vm2, v44, v43;
	_ =	sdelay $0x3  }
0x18a: {  	v46 =	vimm.f32 $-Inf;
	s29 =	simm.s32 $0x0  }
0x18b: {  	[tilespmem:v43+s29+$0x0] =	vst.idx.msk $0x1, v46;
	s29 =	simm.s32 $0x0  }
0x18c: {  	v47 =	vld [tilespmem:s29+$0x0];
	_ =	sdelay $0x4  }
0x18d: {  	v48 =	vimm.s32 $0x0;
	s30 =	simm.s32 $0x10;
	v44 =	vlaneseq.u32;
	vm3 =	vgt.f32 v47, v46  }
0x18e: {  	s29 =	simm.s32 $0x80;
	v45 =	vld [tilespmem:s30+$0x0];
	v46 =	vsel vm3, v47, v46;
	v47 =	vsel vm3, v44, v48  }
.LBB2_25:
0x18f: {  	p4 =	sne.s32 s29, $0x63C0  }
.Ltmp15:
0x190: {  	_ = 	snop;
	(pc) =	sbr.rel @p4 .LBB2_25-.Ltmp15, $3  }
0x191: {  	_ =	sdelay $0x1  }
0x192: {  	s30 =	sshra.s32 s29, $0x2;
	s29 =	sadd.s32 $0x40, s29;
	vm3 =	vgt.f32 v45, v46;
	v44 =	vadd.s32 $0x10, v44  }
0x193: {  	v46 =	vsel vm3, v45, v46;
	v45 =	vld [tilespmem:s30+$0x0];
	v47 =	vsel vm3, v44, v47  }
.Ltmp16:
0x194: {  	_ = 	snop;
	(pc) =	sbr.rel .LBB2_26-.Ltmp16, $1  }
0x195: {  	_ =	sdelay $0x3  }
.LBB2_28:
0x196: {  	[tilespmem:s23], [sflag:$0x2] =	stream.linear.gather [spmem:s6], $0x10, $0x38;
	[tilespmem:$0x1D20] =	vst v63  }
0x197: {  	_ =	swait.ge [sflag:s20], $0x10  }
0x198: {  	[sflag:s20] =	ssyncset.done $0x0  }
0x199: {  	[sflag:s20] =	ssyncadd.s32 $0xFFFFFFF0  }
0x19a: {  	[tilespmem:s24], [sflag:$0x2] =	stream.linear.gather [spmem:s7], $0x10, $0x38;
	[tilespmem:$0x1D20] =	vst v63  }
0x19b: {  	_ =	swait.ge [sflag:s20], $0x10  }
0x19c: {  	[sflag:s20] =	ssyncset.done $0x0  }
0x19d: {  	s30 =	simm.s32 $0x1A10;
	s29 =	rddreg [dreg:$0x8];
	[sflag:s20] =	ssyncadd.s32 $0xFFFFFFF0  }
0x19e: {  	[tilespmem:s30], [sflag:$0x2] =	stream.linear.gather [spmem:s29], $0x10, $0x38;
	[tilespmem:$0x1D20] =	vst v63  }
0x19f: {  	_ =	swait.ge [sflag:s20], $0x10  }
0x1a0: {  	[sflag:s20] =	ssyncset.done $0x0  }
0x1a1: {  	s5 =	simm.s32 $0x1B10;
	s29 =	rddreg [dreg:$0x9];
	[sflag:s20] =	ssyncadd.s32 $0xFFFFFFF0  }
0x1a2: {  	[tilespmem:s5], [sflag:$0x2] =	stream.linear.gather [spmem:s29], $0x10, $0x38;
	[tilespmem:$0x1D20] =	vst v63  }
0x1a3: {  	_ =	swait.ge [sflag:s20], $0x10  }
0x1a4: {  	[sflag:s20] =	ssyncset.done $0x0  }
0x1a5: {  	s5 =	simm.s32 $0x1A20;
	s29 =	rddreg [dreg:$0xa];
	[sflag:s20] =	ssyncadd.s32 $0xFFFFFFF0  }
0x1a6: {  	[tilespmem:s5], [sflag:$0x2] =	stream.linear.gather [spmem:s29], $0x10, $0x38;
	[tilespmem:$0x1D20] =	vst v63  }
0x1a7: {  	_ =	swait.ge [sflag:s20], $0x10  }
0x1a8: {  	[sflag:s20] =	ssyncset.done $0x0  }
0x1a9: {  	s5 =	simm.s32 $0x1B20;
	s29 =	rddreg [dreg:$0xb];
	[sflag:s20] =	ssyncadd.s32 $0xFFFFFFF0  }
0x1aa: {  	[tilespmem:s5], [sflag:$0x2] =	stream.linear.gather [spmem:s29], $0x10, $0x38;
	[tilespmem:$0x1D20] =	vst v63  }
0x1ab: {  	_ =	swait.ge [sflag:s20], $0x10  }
0x1ac: {  	[sflag:s20] =	ssyncset.done $0x0  }
0x1ad: {  	s5 =	simm.s32 $0x1A30;
	s29 =	rddreg [dreg:$0xc];
	[sflag:s20] =	ssyncadd.s32 $0xFFFFFFF0  }
0x1ae: {  	[tilespmem:s5], [sflag:$0x2] =	stream.linear.gather [spmem:s29], $0x10, $0x38;
	[tilespmem:$0x1D20] =	vst v63  }
0x1af: {  	_ =	swait.ge [sflag:s20], $0x10  }
0x1b0: {  	[sflag:s20] =	ssyncset.done $0x0  }
0x1b1: {  	s5 =	simm.s32 $0x1B30;
	s29 =	rddreg [dreg:$0xd];
	[sflag:s20] =	ssyncadd.s32 $0xFFFFFFF0  }
0x1b2: {  	[tilespmem:s5], [sflag:$0x2] =	stream.linear.gather [spmem:s29], $0x10, $0x38;
	[tilespmem:$0x1D20] =	vst v63  }
0x1b3: {  	_ =	swait.ge [sflag:s20], $0x10  }
0x1b4: {  	[sflag:s20] =	ssyncset.done $0x0  }
0x1b5: {  	s5 =	simm.s32 $0x1A40;
	s29 =	rddreg [dreg:$0xe];
	[sflag:s20] =	ssyncadd.s32 $0xFFFFFFF0  }
0x1b6: {  	[tilespmem:s5], [sflag:$0x2] =	stream.linear.gather [spmem:s29], $0x10, $0x38;
	[tilespmem:$0x1D20] =	vst v63  }
0x1b7: {  	_ =	swait.ge [sflag:s20], $0x10  }
0x1b8: {  	[sflag:s20] =	ssyncset.done $0x0  }
0x1b9: {  	s5 =	simm.s32 $0x1B40;
	s29 =	rddreg [dreg:$0xf];
	[sflag:s20] =	ssyncadd.s32 $0xFFFFFFF0  }
0x1ba: {  	[tilespmem:s5], [sflag:$0x2] =	stream.linear.gather [spmem:s29], $0x10, $0x38;
	[tilespmem:$0x1D20] =	vst v63  }
0x1bb: {  	_ =	swait.ge [sflag:s20], $0x10  }
0x1bc: {  	[sflag:s20] =	ssyncset.done $0x0  }
0x1bd: {  	s5 =	simm.s32 $0x1A50;
	s29 =	rddreg [dreg:$0x10];
	[sflag:s20] =	ssyncadd.s32 $0xFFFFFFF0  }
0x1be: {  	[tilespmem:s5], [sflag:$0x2] =	stream.linear.gather [spmem:s29], $0x10, $0x38;
	[tilespmem:$0x1D20] =	vst v63  }
0x1bf: {  	_ =	swait.ge [sflag:s20], $0x10  }
0x1c0: {  	[sflag:s20] =	ssyncset.done $0x0  }
0x1c1: {  	s5 =	simm.s32 $0x1B50;
	s29 =	rddreg [dreg:$0x11];
	[sflag:s20] =	ssyncadd.s32 $0xFFFFFFF0  }
0x1c2: {  	[tilespmem:s5], [sflag:$0x2] =	stream.linear.gather [spmem:s29], $0x10, $0x38;
	[tilespmem:$0x1D20] =	vst v63  }
0x1c3: {  	_ =	swait.ge [sflag:s20], $0x10  }
0x1c4: {  	[sflag:s20] =	ssyncset.done $0x0  }
0x1c5: {  	s5 =	simm.s32 $0x1A60;
	s29 =	rddreg [dreg:$0x12];
	[sflag:s20] =	ssyncadd.s32 $0xFFFFFFF0  }
0x1c6: {  	[tilespmem:s5], [sflag:$0x2] =	stream.linear.gather [spmem:s29], $0x10, $0x38;
	[tilespmem:$0x1D20] =	vst v63  }
0x1c7: {  	_ =	swait.ge [sflag:s20], $0x10  }
0x1c8: {  	[sflag:s20] =	ssyncset.done $0x0  }
0x1c9: {  	s5 =	simm.s32 $0x1B60;
	s29 =	rddreg [dreg:$0x13];
	[sflag:s20] =	ssyncadd.s32 $0xFFFFFFF0  }
0x1ca: {  	[tilespmem:s5], [sflag:$0x2] =	stream.linear.gather [spmem:s29], $0x10, $0x38;
	[tilespmem:$0x1D20] =	vst v63  }
0x1cb: {  	_ =	swait.ge [sflag:s20], $0x10  }
0x1cc: {  	[sflag:s20] =	ssyncset.done $0x0  }
0x1cd: {  	s5 =	simm.s32 $0x1A70;
	s29 =	rddreg [dreg:$0x14];
	[sflag:s20] =	ssyncadd.s32 $0xFFFFFFF0  }
0x1ce: {  	[tilespmem:s5], [sflag:$0x2] =	stream.linear.gather [spmem:s29], $0x10, $0x38;
	[tilespmem:$0x1D20] =	vst v63  }
0x1cf: {  	_ =	swait.ge [sflag:s20], $0x10  }
0x1d0: {  	[sflag:s20] =	ssyncset.done $0x0  }
0x1d1: {  	s5 =	simm.s32 $0x1B70;
	s29 =	rddreg [dreg:$0x15];
	[sflag:s20] =	ssyncadd.s32 $0xFFFFFFF0  }
0x1d2: {  	[tilespmem:s5], [sflag:$0x2] =	stream.linear.gather [spmem:s29], $0x10, $0x38;
	[tilespmem:$0x1D20] =	vst v63  }
0x1d3: {  	_ =	swait.ge [sflag:s20], $0x10  }
0x1d4: {  	[sflag:s20] =	ssyncset.done $0x0  }
0x1d5: {  	s5 =	simm.s32 $0x1A80;
	s29 =	rddreg [dreg:$0x16];
	[sflag:s20] =	ssyncadd.s32 $0xFFFFFFF0  }
0x1d6: {  	[tilespmem:s5], [sflag:$0x2] =	stream.linear.gather [spmem:s29], $0x10, $0x38;
	[tilespmem:$0x1D20] =	vst v63  }
0x1d7: {  	_ =	swait.ge [sflag:s20], $0x10  }
0x1d8: {  	[sflag:s20] =	ssyncset.done $0x0  }
0x1d9: {  	s5 =	simm.s32 $0x1B80;
	s29 =	rddreg [dreg:$0x17];
	[sflag:s20] =	ssyncadd.s32 $0xFFFFFFF0  }
0x1da: {  	[tilespmem:s5], [sflag:$0x2] =	stream.linear.gather [spmem:s29], $0x10, $0x38;
	[tilespmem:$0x1D20] =	vst v63  }
0x1db: {  	_ =	swait.ge [sflag:s20], $0x10  }
0x1dc: {  	[sflag:s20] =	ssyncset.done $0x0  }
0x1dd: {  	s29 =	simm.s32 $0x1A90;
	s5 =	rddreg [dreg:$0x18];
	[sflag:s20] =	ssyncadd.s32 $0xFFFFFFF0  }
0x1de: {  	[tilespmem:s29], [sflag:$0x2] =	stream.linear.gather [spmem:s5], $0x10, $0x38;
	[tilespmem:$0x1D20] =	vst v63  }
0x1df: {  	_ =	swait.ge [sflag:s20], $0x10  }
0x1e0: {  	[sflag:s20] =	ssyncset.done $0x0  }
0x1e1: {  	s30 =	simm.s32 $0x1B90;
	s5 =	rddreg [dreg:$0x19];
	[sflag:s20] =	ssyncadd.s32 $0xFFFFFFF0  }
0x1e2: {  	[tilespmem:s30], [sflag:$0x2] =	stream.linear.gather [spmem:s5], $0x10, $0x38;
	[tilespmem:$0x1D20] =	vst v63  }
0x1e3: {  	_ =	swait.ge [sflag:s20], $0x10  }
0x1e4: {  	[sflag:s20] =	ssyncset.done $0x0  }
0x1e5: {  	s30 =	simm.s32 $0x1AA0;
	[sflag:s20] =	ssyncadd.s32 $0xFFFFFFF0  }
0x1e6: {  	[tilespmem:s30], [sflag:$0x2] =	stream.linear.gather [spmem:s1], $0x10, $0x38;
	[tilespmem:$0x1D20] =	vst v63  }
0x1e7: {  	_ =	swait.ge [sflag:s20], $0x10  }
0x1e8: {  	[sflag:s20] =	ssyncset.done $0x0  }
0x1e9: {  	s5 =	simm.s32 $0x1BA0;
	[sflag:s20] =	ssyncadd.s32 $0xFFFFFFF0  }
0x1ea: {  	[tilespmem:s5], [sflag:$0x2] =	stream.linear.gather [spmem:s0], $0x10, $0x38;
	[tilespmem:$0x1D20] =	vst v63  }
0x1eb: {  	_ =	swait.ge [sflag:s20], $0x10  }
0x1ec: {  	[sflag:s20] =	ssyncset.done $0x0  }
0x1ed: {  	s30 =	simm.s32 $0x1AB0;
	[sflag:s20] =	ssyncadd.s32 $0xFFFFFFF0  }
0x1ee: {  	[tilespmem:s30], [sflag:$0x2] =	stream.linear.gather [spmem:s2], $0x10, $0x38;
	[tilespmem:$0x1D20] =	vst v63  }
0x1ef: {  	_ =	swait.ge [sflag:s20], $0x10  }
0x1f0: {  	[sflag:s20] =	ssyncset.done $0x0  }
0x1f1: {  	s5 =	simm.s32 $0x1BB0;
	[sflag:s20] =	ssyncadd.s32 $0xFFFFFFF0  }
0x1f2: {  	[tilespmem:s5], [sflag:$0x2] =	stream.linear.gather [spmem:s3], $0x10, $0x38;
	[tilespmem:$0x1D20] =	vst v63  }
0x1f3: {  	_ =	swait.ge [sflag:s20], $0x10  }
0x1f4: {  	[sflag:s20] =	ssyncset.done $0x0  }
0x1f5: {  	s30 =	simm.s32 $0x1AC0;
	[sflag:s20] =	ssyncadd.s32 $0xFFFFFFF0  }
0x1f6: {  	[tilespmem:s30], [sflag:$0x2] =	stream.linear.gather [spmem:s4], $0x10, $0x38;
	[tilespmem:$0x1D20] =	vst v63  }
0x1f7: {  	_ =	swait.ge [sflag:s20], $0x10  }
0x1f8: {  	[sflag:s20] =	ssyncset.done $0x0  }
0x1f9: {  	s5 =	simm.s32 $0x1BC0;
	[sflag:s20] =	ssyncadd.s32 $0xFFFFFFF0  }
0x1fa: {  	[tilespmem:s5], [sflag:$0x2] =	stream.linear.gather [spmem:s13], $0x10, $0x38;
	[tilespmem:$0x1D20] =	vst v63  }
0x1fb: {  	_ =	swait.ge [sflag:s20], $0x10  }
0x1fc: {  	[sflag:s20] =	ssyncset.done $0x0  }
0x1fd: {  	s30 =	simm.s32 $0x1AD0;
	[sflag:s20] =	ssyncadd.s32 $0xFFFFFFF0  }
0x1fe: {  	[tilespmem:s30], [sflag:$0x2] =	stream.linear.gather [spmem:s14], $0x10, $0x38;
	[tilespmem:$0x1D20] =	vst v63  }
0x1ff: {  	_ =	swait.ge [sflag:s20], $0x10  }
0x200: {  	[sflag:s20] =	ssyncset.done $0x0  }
0x201: {  	s5 =	simm.s32 $0x1BD0;
	[sflag:s20] =	ssyncadd.s32 $0xFFFFFFF0  }
0x202: {  	[tilespmem:s5], [sflag:$0x2] =	stream.linear.gather [spmem:s15], $0x10, $0x38;
	[tilespmem:$0x1D20] =	vst v63  }
0x203: {  	_ =	swait.ge [sflag:s20], $0x10  }
0x204: {  	[sflag:s20] =	ssyncset.done $0x0  }
0x205: {  	s30 =	simm.s32 $0x1AE0;
	[sflag:s20] =	ssyncadd.s32 $0xFFFFFFF0  }
0x206: {  	[tilespmem:s30], [sflag:$0x2] =	stream.linear.gather [spmem:s16], $0x10, $0x38;
	[tilespmem:$0x1D20] =	vst v63  }
0x207: {  	_ =	swait.ge [sflag:s20], $0x10  }
0x208: {  	[sflag:s20] =	ssyncset.done $0x0  }
0x209: {  	s5 =	simm.s32 $0x1BE0;
	[sflag:s20] =	ssyncadd.s32 $0xFFFFFFF0  }
0x20a: {  	[tilespmem:s5], [sflag:$0x2] =	stream.linear.gather [spmem:s17], $0x10, $0x38;
	[tilespmem:$0x1D20] =	vst v63  }
0x20b: {  	_ =	swait.ge [sflag:s20], $0x10  }
0x20c: {  	[sflag:s20] =	ssyncset.done $0x0  }
0x20d: {  	s30 =	simm.s32 $0x1AF0;
	[sflag:s20] =	ssyncadd.s32 $0xFFFFFFF0  }
0x20e: {  	[tilespmem:s30], [sflag:$0x2] =	stream.linear.gather [spmem:s18], $0x10, $0x38;
	[tilespmem:$0x1D20] =	vst v63  }
0x20f: {  	_ =	swait.ge [sflag:s20], $0x10  }
0x210: {  	[sflag:s20] =	ssyncset.done $0x0  }
0x211: {  	s5 =	simm.s32 $0x1BF0;
	[sflag:s20] =	ssyncadd.s32 $0xFFFFFFF0  }
0x212: {  	[tilespmem:s5], [sflag:$0x2] =	stream.linear.gather [spmem:s19], $0x10, $0x38;
	[tilespmem:$0x1D20] =	vst v63  }
0x213: {  	_ =	swait.ge [sflag:s20], $0x10  }
0x214: {  	[sflag:s20] =	ssyncset.done $0x0  }
0x215: {  	[sflag:s20] =	ssyncadd.s32 $0xFFFFFFF0  }
0x216: {  	v17 =	vld [tilespmem:$0x1A00];
	_ =	sdelay $0x2  }
0x217: {  	v18 =	vld [tilespmem:$0x1A10];
	_ =	sdelay $0x1  }
0x218: {  	v19 =	vld [tilespmem:$0x1A20];
	vm0 =	vlt.f32 v17, $-Inf;
	vm1 =	vgt.f32 v17, $-Inf  }
0x219: {  	vm0 =	vmor vm1, vm0  }
0x21a: {  	v20 =	vld [tilespmem:$0x1A30];
	v17 =	vnsel vm0, $0xFF800000, v17  }
0x21b: {  	vm1 =	vgt.f32 v18, v17  }
0x21c: {  	v17 =	vsel vm1, v18, v17;
	v18 =	vld [tilespmem:$0x1A40]  }
0x21d: {  	vm2 =	vgt.f32 v19, v17  }
0x21e: {  	v17 =	vsel vm2, v19, v17;
	v19 =	vld [tilespmem:$0x1A50]  }
0x21f: {  	vm3 =	vgt.f32 v20, v17  }
0x220: {  	v36 =	vld [tilespmem:$0x1A60];
	v17 =	vsel vm3, v20, v17  }
0x221: {  	vm9 =	vgt.f32 v18, v17  }
0x222: {  	v17 =	vsel vm9, v18, v17;
	v18 =	vld [tilespmem:$0x1A70]  }
0x223: {  	vm10 =	vgt.f32 v19, v17  }
0x224: {  	v17 =	vsel vm10, v19, v17;
	v19 =	vld [tilespmem:$0x1A80]  }
0x225: {  	vm11 =	vgt.f32 v36, v17  }
0x226: {  	v37 =	vld [tilespmem:$0x1A90];
	v17 =	vsel vm11, v36, v17  }
0x227: {  	vm12 =	vgt.f32 v18, v17  }
0x228: {  	v17 =	vsel vm12, v18, v17;
	v18 =	vld [tilespmem:$0x1AA0]  }
0x229: {  	v34 =	vor.u32 $0x10, v6;
	v21 =	vnsel vm0, $0x0, v6;
	vm13 =	vgt.f32 v19, v17  }
0x22a: {  	v35 =	vor.u32 $0x20, v6;
	v21 =	vsel vm1, v34, v21;
	v17 =	vsel vm13, v19, v17;
	v19 =	vld [tilespmem:$0x1AB0]  }
0x22b: {  	v31 =	vor.u32 $0x30, v6;
	v21 =	vsel vm2, v35, v21;
	vm1 =	vgt.f32 v37, v17  }
0x22c: {  	v30 =	vor.u32 $0x40, v6;
	v38 =	vld [tilespmem:$0x1AC0];
	v21 =	vsel vm3, v31, v21;
	v17 =	vsel vm1, v37, v17  }
0x22d: {  	v27 =	vor.u32 $0x50, v6;
	v21 =	vsel vm9, v30, v21;
	vm14 =	vgt.f32 v18, v17  }
0x22e: {  	v25 =	vor.u32 $0x60, v6;
	v21 =	vsel vm10, v27, v21;
	v17 =	vsel vm14, v18, v17;
	v18 =	vld [tilespmem:$0x1AD0]  }
0x22f: {  	v26 =	vor.u32 $0x70, v6;
	v21 =	vsel vm11, v25, v21;
	vm15 =	vgt.f32 v19, v17  }
0x230: {  	v28 =	vor.u32 $0x80, v6;
	v21 =	vsel vm12, v26, v21;
	v17 =	vsel vm15, v19, v17;
	v19 =	vld [tilespmem:$0x1AE0]  }
0x231: {  	v29 =	vor.u32 $0x90, v6;
	v21 =	vsel vm13, v28, v21;
	vm13 =	vgt.f32 v38, v17  }
0x232: {  	v23 =	vor.u32 $0xA0, v6;
	v32 =	vld [tilespmem:$0x1AF0];
	v21 =	vsel vm1, v29, v21;
	v17 =	vsel vm13, v38, v17  }
0x233: {  	v24 =	vor.u32 $0xB0, v6;
	v39 =	vsel vm14, v23, v21;
	vm14 =	vgt.f32 v18, v17  }
0x234: {  	v21 =	vor.u32 $0xC0, v6;
	v20 =	vsel vm15, v24, v39;
	v17 =	vsel vm14, v18, v17  }
0x235: {  	v22 =	vor.u32 $0xD0, v6;
	v18 =	vsel vm13, v21, v20;
	vm15 =	vgt.f32 v19, v17  }
0x236: {  	v20 =	vor.u32 $0xE0, v6;
	v18 =	vsel vm14, v22, v18;
	v17 =	vsel vm15, v19, v17  }
0x237: {  	v18 =	vsel vm15, v20, v18;
	v19 =	vor.u32 $0xF0, v6;
	vm4 =	vgt.f32 v32, v17  }
0x238: {  	v17 =	vsel vm4, v32, v17;
	v18 =	vsel vm4, v19, v18  }
0x239: {  	v32 =	vperm.xlane v17, v1;
	v33 =	vperm.xlane v18, v1;
	_ =	sdelay $0x1  }
0x23a: {  	vm5 =	veq.f32 v32, v17;
	vm12 =	vlt.s32 v33, v18  }
0x23b: {  	vm13 =	vgt.f32 v32, v17;
	vm0 =	vmand vm5, vm12  }
0x23c: {  	vm0 =	vmor vm13, vm0  }
0x23d: {  	v17 =	vsel vm0, v32, v17;
	v18 =	vsel vm0, v33, v18  }
0x23e: {  	v32 =	vperm.xlane v17, v3;
	v33 =	vperm.xlane v18, v3;
	_ =	sdelay $0x1  }
0x23f: {  	vm14 =	veq.f32 v32, v17;
	vm15 =	vlt.s32 v33, v18  }
0x240: {  	vm4 =	vgt.f32 v32, v17;
	vm0 =	vmand vm14, vm15  }
0x241: {  	vm0 =	vmor vm4, vm0  }
0x242: {  	v17 =	vsel vm0, v32, v17;
	v18 =	vsel vm0, v33, v18  }
0x243: {  	v32 =	vperm.xlane v17, v4;
	v33 =	vperm.xlane v18, v4;
	_ =	sdelay $0x1  }
0x244: {  	vm5 =	veq.f32 v32, v17;
	vm12 =	vlt.s32 v33, v18  }
0x245: {  	vm13 =	vgt.f32 v32, v17;
	vm0 =	vmand vm5, vm12  }
0x246: {  	vm0 =	vmor vm13, vm0  }
0x247: {  	v17 =	vsel vm0, v32, v17;
	v18 =	vsel vm0, v33, v18  }
0x248: {  	v32 =	vperm.xlane v17, v5;
	v33 =	vperm.xlane v18, v5;
	_ =	sdelay $0x1  }
0x249: {  	vm14 =	veq.f32 v32, v17;
	vm15 =	vlt.s32 v33, v18  }
0x24a: {  	vm4 =	vgt.f32 v32, v17;
	vm0 =	vmand vm14, vm15  }
0x24b: {  	vm0 =	vmor vm4, vm0  }
0x24c: {  	v17 =	vsel vm0, v33, v18;
	_ =	sdelay $0x4  }
0x24d: {  	[tilespmem:v17+s23+$0x0] =	vst.idx.msk $0x1, v0  }
0x24e: {  	v17 =	vld [tilespmem:$0x1A00];
	_ =	sdelay $0x2  }
0x24f: {  	v18 =	vld [tilespmem:$0x1A10];
	_ =	sdelay $0x1  }
0x250: {  	v40 =	vld [tilespmem:$0x1A20];
	vm5 =	vlt.f32 v17, $-Inf;
	vm12 =	vgt.f32 v17, $-Inf  }
0x251: {  	vm0 =	vmor vm12, vm5  }
0x252: {  	v41 =	vld [tilespmem:$0x1A30];
	v17 =	vnsel vm0, $0xFF800000, v17  }
0x253: {  	vm1 =	vgt.f32 v18, v17  }
0x254: {  	v17 =	vsel vm1, v18, v17;
	v18 =	vld [tilespmem:$0x1A40]  }
0x255: {  	vm2 =	vgt.f32 v40, v17  }
0x256: {  	v42 =	vld [tilespmem:$0x1A50];
	v17 =	vsel vm2, v40, v17  }
0x257: {  	vm3 =	vgt.f32 v41, v17  }
0x258: {  	v43 =	vld [tilespmem:$0x1A60];
	v17 =	vsel vm3, v41, v17  }
0x259: {  	vm9 =	vgt.f32 v18, v17  }
0x25a: {  	v17 =	vsel vm9, v18, v17;
	v18 =	vld [tilespmem:$0x1A70]  }
0x25b: {  	vm10 =	vgt.f32 v42, v17  }
0x25c: {  	v44 =	vld [tilespmem:$0x1A80];
	v17 =	vsel vm10, v42, v17  }
0x25d: {  	vm11 =	vgt.f32 v43, v17  }
0x25e: {  	v45 =	vld [tilespmem:$0x1A90];
	v17 =	vsel vm11, v43, v17  }
0x25f: {  	vm12 =	vgt.f32 v18, v17  }
0x260: {  	v17 =	vsel vm12, v18, v17;
	v18 =	vld [tilespmem:$0x1AA0]  }
0x261: {  	v36 =	vnsel vm0, $0x0, v6;
	vm0 =	vgt.f32 v44, v17  }
0x262: {  	v46 =	vld [tilespmem:$0x1AB0];
	v36 =	vsel vm1, v34, v36;
	v17 =	vsel vm0, v44, v17  }
0x263: {  	v36 =	vsel vm2, v35, v36;
	vm13 =	vgt.f32 v45, v17  }
0x264: {  	v47 =	vld [tilespmem:$0x1AC0];
	v36 =	vsel vm3, v31, v36;
	v17 =	vsel vm13, v45, v17  }
0x265: {  	v36 =	vsel vm9, v30, v36;
	vm14 =	vgt.f32 v18, v17  }
0x266: {  	v36 =	vsel vm10, v27, v36;
	v17 =	vsel vm14, v18, v17;
	v18 =	vld [tilespmem:$0x1AD0]  }
0x267: {  	v36 =	vsel vm11, v25, v36;
	vm15 =	vgt.f32 v46, v17  }
0x268: {  	v48 =	vld [tilespmem:$0x1AE0];
	v36 =	vsel vm12, v26, v36;
	v17 =	vsel vm15, v46, v17  }
0x269: {  	v36 =	vsel vm0, v28, v36;
	vm5 =	vgt.f32 v47, v17  }
0x26a: {  	v49 =	vld [tilespmem:$0x1AF0];
	v36 =	vsel vm13, v29, v36;
	v17 =	vsel vm5, v47, v17  }
0x26b: {  	v36 =	vsel vm14, v23, v36;
	vm12 =	vgt.f32 v18, v17  }
0x26c: {  	v36 =	vsel vm15, v24, v36;
	v17 =	vsel vm12, v18, v17  }
0x26d: {  	v18 =	vsel vm5, v21, v36;
	vm13 =	vgt.f32 v48, v17  }
0x26e: {  	v18 =	vsel vm12, v22, v18;
	v17 =	vsel vm13, v48, v17  }
0x26f: {  	v18 =	vsel vm13, v20, v18;
	vm14 =	vgt.f32 v49, v17  }
0x270: {  	v17 =	vsel vm14, v49, v17;
	v18 =	vsel vm14, v19, v18  }
0x271: {  	v50 =	vperm.xlane v17, v1;
	v51 =	vperm.xlane v18, v1;
	_ =	sdelay $0x1  }
0x272: {  	vm15 =	veq.f32 v50, v17;
	vm4 =	vlt.s32 v51, v18  }
0x273: {  	vm5 =	vgt.f32 v50, v17;
	vm0 =	vmand vm15, vm4  }
0x274: {  	vm0 =	vmor vm5, vm0  }
0x275: {  	v17 =	vsel vm0, v50, v17;
	v18 =	vsel vm0, v51, v18  }
0x276: {  	v32 =	vperm.xlane v17, v3;
	v33 =	vperm.xlane v18, v3;
	_ =	sdelay $0x1  }
0x277: {  	vm12 =	veq.f32 v32, v17;
	vm13 =	vlt.s32 v33, v18  }
0x278: {  	vm14 =	vgt.f32 v32, v17;
	vm0 =	vmand vm12, vm13  }
0x279: {  	vm0 =	vmor vm14, vm0  }
0x27a: {  	v17 =	vsel vm0, v32, v17;
	v18 =	vsel vm0, v33, v18  }
0x27b: {  	v32 =	vperm.xlane v17, v4;
	v33 =	vperm.xlane v18, v4;
	_ =	sdelay $0x1  }
0x27c: {  	vm15 =	veq.f32 v32, v17;
	vm4 =	vlt.s32 v33, v18  }
0x27d: {  	vm5 =	vgt.f32 v32, v17;
	vm0 =	vmand vm15, vm4  }
0x27e: {  	vm0 =	vmor vm5, vm0  }
0x27f: {  	v17 =	vsel vm0, v32, v17;
	v52 =	vsel vm0, v33, v18  }
0x280: {  	v18 =	vperm.xlane v17, v5;
	v33 =	vperm.xlane v52, v5;
	_ =	sdelay $0x1  }
0x281: {  	vm12 =	veq.f32 v18, v17;
	vm13 =	vlt.s32 v33, v52  }
0x282: {  	vm14 =	vgt.f32 v18, v17;
	vm0 =	vmand vm12, vm13  }
0x283: {  	vm0 =	vmor vm14, vm0  }
0x284: {  	v39 =	vsel vm0, v33, v52;
	_ =	sdelay $0x4  }
0x285: {  	v38 =	vld.idx.msk [tilespmem:v39+s24+$0x0], $0xffff;
	[tilespmem:v39+s23+$0x0] =	vst.idx.msk $0x1, v0  }
0x286: {  	v53 =	vld [tilespmem:$0x1A00];
	_ =	sdelay $0x2  }
0x287: {  	v54 =	vld [tilespmem:$0x1A10];
	_ =	sdelay $0x1  }
0x288: {  	v7 =	vimm.s32 $0x0;
	v55 =	vld [tilespmem:$0x1A20];
	vm15 =	vlt.f32 v53, $-Inf;
	vm4 =	vgt.f32 v53, $-Inf  }
0x289: {  	v7 =	vsel vm0, $0xFFFFFFFF, v7;
	vm0 =	vmor vm4, vm15  }
0x28a: {  	v37 =	vld [tilespmem:$0x1A30];
	v32 =	vnsel vm0, $0xFF800000, v53  }
0x28b: {  	vm1 =	vgt.f32 v54, v32  }
0x28c: {  	v56 =	vld [tilespmem:$0x1A40];
	v32 =	vsel vm1, v54, v32  }
0x28d: {  	vm2 =	vgt.f32 v55, v32  }
0x28e: {  	v57 =	vld [tilespmem:$0x1A50];
	v32 =	vsel vm2, v55, v32  }
0x28f: {  	vm3 =	vgt.f32 v37, v32  }
0x290: {  	v58 =	vld [tilespmem:$0x1A60];
	v32 =	vsel vm3, v37, v32  }
0x291: {  	vm9 =	vgt.f32 v56, v32  }
0x292: {  	v59 =	vld [tilespmem:$0x1A70];
	v32 =	vsel vm9, v56, v32  }
0x293: {  	vm11 =	vgt.f32 v57, v32  }
0x294: {  	v60 =	vld [tilespmem:$0x1A80];
	v32 =	vsel vm11, v57, v32  }
0x295: {  	vm5 =	vgt.f32 v58, v32  }
0x296: {  	v61 =	vld [tilespmem:$0x1A90];
	v32 =	vsel vm5, v58, v32  }
0x297: {  	vm13 =	vgt.f32 v59, v32  }
0x298: {  	v62 =	vld [tilespmem:$0x1AA0];
	v32 =	vsel vm13, v59, v32  }
0x299: {  	v40 =	vnsel vm0, $0x0, v6;
	vm0 =	vgt.f32 v60, v32  }
0x29a: {  	v63 =	vld [tilespmem:$0x1AB0];
	v40 =	vsel vm1, v34, v40;
	v32 =	vsel vm0, v60, v32  }
0x29b: {  	v40 =	vsel vm2, v35, v40;
	vm1 =	vgt.f32 v61, v32  }
0x29c: {  	v44 =	vld [tilespmem:$0x1AC0];
	v40 =	vsel vm3, v31, v40;
	v32 =	vsel vm1, v61, v32  }
0x29d: {  	v40 =	vsel vm9, v30, v40;
	vm14 =	vgt.f32 v62, v32  }
0x29e: {  	v45 =	vld [tilespmem:$0x1AD0];
	v40 =	vsel vm11, v27, v40;
	v32 =	vsel vm14, v62, v32  }
0x29f: {  	v40 =	vsel vm5, v25, v40;
	vm15 =	vgt.f32 v63, v32  }
0x2a0: {  	v46 =	vld [tilespmem:$0x1AE0];
	v40 =	vsel vm13, v26, v40;
	v32 =	vsel vm15, v63, v32  }
0x2a1: {  	v40 =	vsel vm0, v28, v40;
	vm4 =	vgt.f32 v44, v32  }
0x2a2: {  	v47 =	vld [tilespmem:$0x1AF0];
	v40 =	vsel vm1, v29, v40;
	v32 =	vsel vm4, v44, v32  }
0x2a3: {  	v40 =	vsel vm14, v23, v40;
	vm5 =	vgt.f32 v45, v32  }
0x2a4: {  	v40 =	vsel vm15, v24, v40;
	v32 =	vsel vm5, v45, v32  }
0x2a5: {  	v48 =	vsel vm4, v21, v40;
	vm12 =	vgt.f32 v46, v32  }
0x2a6: {  	v33 =	vsel vm5, v22, v48;
	v32 =	vsel vm12, v46, v32  }
0x2a7: {  	v33 =	vsel vm12, v20, v33;
	vm13 =	vgt.f32 v47, v32  }
0x2a8: {  	v32 =	vsel vm13, v47, v32;
	v33 =	vsel vm13, v19, v33  }
0x2a9: {  	v49 =	vperm.xlane v32, v1;
	v50 =	vperm.xlane v33, v1;
	_ =	sdelay $0x1  }
0x2aa: {  	vm14 =	veq.f32 v49, v32;
	vm15 =	vlt.s32 v50, v33  }
0x2ab: {  	vm4 =	vgt.f32 v49, v32;
	vm0 =	vmand vm14, vm15  }
0x2ac: {  	vm0 =	vmor vm4, vm0  }
0x2ad: {  	v32 =	vsel vm0, v49, v32;
	v33 =	vsel vm0, v50, v33  }
0x2ae: {  	v36 =	vperm.xlane v32, v3;
	v37 =	vperm.xlane v33, v3;
	_ =	sdelay $0x1  }
0x2af: {  	vm5 =	veq.f32 v36, v32;
	vm12 =	vlt.s32 v37, v33  }
0x2b0: {  	vm13 =	vgt.f32 v36, v32;
	vm0 =	vmand vm5, vm12  }
0x2b1: {  	vm0 =	vmor vm13, vm0  }
0x2b2: {  	v32 =	vsel vm0, v36, v32;
	v33 =	vsel vm0, v37, v33  }
0x2b3: {  	v36 =	vperm.xlane v32, v4;
	v37 =	vperm.xlane v33, v4;
	_ =	sdelay $0x1  }
0x2b4: {  	vm14 =	veq.f32 v36, v32;
	vm15 =	vlt.s32 v37, v33  }
0x2b5: {  	vm4 =	vgt.f32 v36, v32;
	vm0 =	vmand vm14, vm15  }
0x2b6: {  	vm0 =	vmor vm4, vm0  }
0x2b7: {  	v32 =	vsel vm0, v36, v32;
	v51 =	vsel vm0, v37, v33  }
0x2b8: {  	v33 =	vperm.xlane v32, v5;
	v37 =	vperm.xlane v51, v5;
	_ =	sdelay $0x1  }
0x2b9: {  	vm5 =	veq.f32 v33, v32;
	vm12 =	vlt.s32 v37, v51  }
0x2ba: {  	vm13 =	vgt.f32 v33, v32;
	vm0 =	vmand vm5, vm12  }
0x2bb: {  	vm0 =	vmor vm13, vm0  }
0x2bc: {  	v43 =	vsel vm0, v37, v51;
	_ =	sdelay $0x4  }
0x2bd: {  	v42 =	vld.idx.msk [tilespmem:v43+s24+$0x0], $0xffff;
	[tilespmem:v43+s23+$0x0] =	vst.idx.msk $0x1, v0  }
0x2be: {  	v52 =	vld [tilespmem:$0x1A00];
	_ =	sdelay $0x2  }
0x2bf: {  	v53 =	vld [tilespmem:$0x1A10];
	_ =	sdelay $0x1  }
0x2c0: {  	[tilespmem:$0x1FFC0] =	vst v7;
	v7 =	vimm.s32 $0x0;
	v54 =	vld [tilespmem:$0x1A20];
	vm14 =	vlt.f32 v52, $-Inf;
	vm15 =	vgt.f32 v52, $-Inf  }
0x2c1: {  	v7 =	vsel vm0, $0xFFFFFFFF, v7;
	vm0 =	vmor vm15, vm14  }
0x2c2: {  	v41 =	vld [tilespmem:$0x1A30];
	v36 =	vnsel vm0, $0xFF800000, v52  }
0x2c3: {  	vm1 =	vgt.f32 v53, v36  }
0x2c4: {  	v55 =	vld [tilespmem:$0x1A40];
	v36 =	vsel vm1, v53, v36  }
0x2c5: {  	vm2 =	vgt.f32 v54, v36  }
0x2c6: {  	v56 =	vld [tilespmem:$0x1A50];
	v36 =	vsel vm2, v54, v36  }
0x2c7: {  	vm3 =	vgt.f32 v41, v36  }
0x2c8: {  	v57 =	vld [tilespmem:$0x1A60];
	v36 =	vsel vm3, v41, v36  }
0x2c9: {  	vm9 =	vgt.f32 v55, v36  }
0x2ca: {  	v58 =	vld [tilespmem:$0x1A70];
	v36 =	vsel vm9, v55, v36  }
0x2cb: {  	vm4 =	vgt.f32 v56, v36  }
0x2cc: {  	v59 =	vld [tilespmem:$0x1A80];
	v36 =	vsel vm4, v56, v36  }
0x2cd: {  	vm5 =	vgt.f32 v57, v36  }
0x2ce: {  	v60 =	vld [tilespmem:$0x1A90];
	v36 =	vsel vm5, v57, v36  }
0x2cf: {  	vm14 =	vgt.f32 v58, v36  }
0x2d0: {  	v61 =	vld [tilespmem:$0x1AA0];
	v36 =	vsel vm14, v58, v36  }
0x2d1: {  	v44 =	vnsel vm0, $0x0, v6;
	vm0 =	vgt.f32 v59, v36  }
0x2d2: {  	v62 =	vld [tilespmem:$0x1AB0];
	v44 =	vsel vm1, v34, v44;
	v36 =	vsel vm0, v59, v36  }
0x2d3: {  	v44 =	vsel vm2, v35, v44;
	vm1 =	vgt.f32 v60, v36  }
0x2d4: {  	v63 =	vld [tilespmem:$0x1AC0];
	v44 =	vsel vm3, v31, v44;
	v36 =	vsel vm1, v60, v36  }
0x2d5: {  	v44 =	vsel vm9, v30, v44;
	vm2 =	vgt.f32 v61, v36  }
0x2d6: {  	v48 =	vld [tilespmem:$0x1AD0];
	v44 =	vsel vm4, v27, v44;
	v36 =	vsel vm2, v61, v36  }
0x2d7: {  	v44 =	vsel vm5, v25, v44;
	vm15 =	vgt.f32 v62, v36  }
0x2d8: {  	v49 =	vld [tilespmem:$0x1AE0];
	v44 =	vsel vm14, v26, v44;
	v36 =	vsel vm15, v62, v36  }
0x2d9: {  	v44 =	vsel vm0, v28, v44;
	vm4 =	vgt.f32 v63, v36  }
0x2da: {  	v50 =	vld [tilespmem:$0x1AF0];
	v44 =	vsel vm1, v29, v44;
	v36 =	vsel vm4, v63, v36  }
0x2db: {  	v44 =	vsel vm2, v23, v44;
	vm5 =	vgt.f32 v48, v36  }
0x2dc: {  	v44 =	vsel vm15, v24, v44;
	v36 =	vsel vm5, v48, v36  }
0x2dd: {  	v51 =	vsel vm4, v21, v44;
	vm12 =	vgt.f32 v49, v36  }
0x2de: {  	v37 =	vsel vm5, v22, v51;
	v36 =	vsel vm12, v49, v36  }
0x2df: {  	v37 =	vsel vm12, v20, v37;
	vm13 =	vgt.f32 v50, v36  }
0x2e0: {  	v36 =	vsel vm13, v50, v36;
	v37 =	vsel vm13, v19, v37  }
0x2e1: {  	v52 =	vperm.xlane v36, v1;
	v53 =	vperm.xlane v37, v1;
	_ =	sdelay $0x1  }
0x2e2: {  	vm14 =	veq.f32 v52, v36;
	vm15 =	vlt.s32 v53, v37  }
0x2e3: {  	vm4 =	vgt.f32 v52, v36;
	vm0 =	vmand vm14, vm15  }
0x2e4: {  	vm0 =	vmor vm4, vm0  }
0x2e5: {  	v36 =	vsel vm0, v52, v36;
	v37 =	vsel vm0, v53, v37  }
0x2e6: {  	v40 =	vperm.xlane v36, v3;
	v41 =	vperm.xlane v37, v3;
	_ =	sdelay $0x1  }
0x2e7: {  	vm5 =	veq.f32 v40, v36;
	vm12 =	vlt.s32 v41, v37  }
0x2e8: {  	vm13 =	vgt.f32 v40, v36;
	vm0 =	vmand vm5, vm12  }
0x2e9: {  	vm0 =	vmor vm13, vm0  }
0x2ea: {  	v36 =	vsel vm0, v40, v36;
	v37 =	vsel vm0, v41, v37  }
0x2eb: {  	v40 =	vperm.xlane v36, v4;
	v41 =	vperm.xlane v37, v4;
	_ =	sdelay $0x1  }
0x2ec: {  	vm14 =	veq.f32 v40, v36;
	vm15 =	vlt.s32 v41, v37  }
0x2ed: {  	vm4 =	vgt.f32 v40, v36;
	vm0 =	vmand vm14, vm15  }
0x2ee: {  	vm0 =	vmor vm4, vm0  }
0x2ef: {  	v36 =	vsel vm0, v40, v36;
	v54 =	vsel vm0, v41, v37  }
0x2f0: {  	v37 =	vperm.xlane v36, v5;
	v41 =	vperm.xlane v54, v5;
	_ =	sdelay $0x1  }
0x2f1: {  	vm5 =	veq.f32 v37, v36;
	vm12 =	vlt.s32 v41, v54  }
0x2f2: {  	vm13 =	vgt.f32 v37, v36;
	vm0 =	vmand vm5, vm12  }
0x2f3: {  	vm0 =	vmor vm13, vm0  }
0x2f4: {  	v47 =	vsel vm0, v41, v54;
	_ =	sdelay $0x4  }
0x2f5: {  	v44 =	vld.idx.msk [tilespmem:v47+s24+$0x0], $0xffff;
	[tilespmem:v47+s23+$0x0] =	vst.idx.msk $0x1, v0  }
0x2f6: {  	v55 =	vld [tilespmem:$0x1A00];
	_ =	sdelay $0x2  }
0x2f7: {  	v56 =	vld [tilespmem:$0x1A10];
	_ =	sdelay $0x1  }
0x2f8: {  	[tilespmem:$0x1FFD0] =	vst v7;
	v7 =	vimm.s32 $0x0;
	v45 =	vld [tilespmem:$0x1A20];
	vm14 =	vlt.f32 v55, $-Inf;
	vm15 =	vgt.f32 v55, $-Inf  }
0x2f9: {  	v7 =	vsel vm0, $0xFFFFFFFF, v7;
	vm0 =	vmor vm15, vm14  }
0x2fa: {  	v46 =	vld [tilespmem:$0x1A30];
	v40 =	vnsel vm0, $0xFF800000, v55  }
0x2fb: {  	vm1 =	vgt.f32 v56, v40  }
0x2fc: {  	v57 =	vld [tilespmem:$0x1A40];
	v40 =	vsel vm1, v56, v40  }
0x2fd: {  	vm2 =	vgt.f32 v45, v40  }
0x2fe: {  	v58 =	vld [tilespmem:$0x1A50];
	v40 =	vsel vm2, v45, v40  }
0x2ff: {  	vm3 =	vgt.f32 v46, v40  }
0x300: {  	v59 =	vld [tilespmem:$0x1A60];
	v40 =	vsel vm3, v46, v40  }
0x301: {  	vm9 =	vgt.f32 v57, v40  }
0x302: {  	v60 =	vld [tilespmem:$0x1A70];
	v40 =	vsel vm9, v57, v40  }
0x303: {  	vm4 =	vgt.f32 v58, v40  }
0x304: {  	v61 =	vld [tilespmem:$0x1A80];
	v40 =	vsel vm4, v58, v40  }
0x305: {  	vm5 =	vgt.f32 v59, v40  }
0x306: {  	v62 =	vld [tilespmem:$0x1A90];
	v40 =	vsel vm5, v59, v40  }
0x307: {  	vm15 =	vgt.f32 v60, v40  }
0x308: {  	v63 =	vld [tilespmem:$0x1AA0];
	v40 =	vsel vm15, v60, v40  }
0x309: {  	v48 =	vnsel vm0, $0x0, v6;
	vm12 =	vgt.f32 v61, v40  }
0x30a: {  	v52 =	vld [tilespmem:$0x1AB0];
	v48 =	vsel vm1, v34, v48;
	v40 =	vsel vm12, v61, v40  }
0x30b: {  	v48 =	vsel vm2, v35, v48;
	vm1 =	vgt.f32 v62, v40  }
0x30c: {  	v53 =	vld [tilespmem:$0x1AC0];
	v48 =	vsel vm3, v31, v48;
	v40 =	vsel vm1, v62, v40  }
0x30d: {  	v48 =	vsel vm9, v30, v48;
	vm2 =	vgt.f32 v63, v40  }
0x30e: {  	v54 =	vld [tilespmem:$0x1AD0];
	v48 =	vsel vm4, v27, v48;
	v40 =	vsel vm2, v63, v40  }
0x30f: {  	v48 =	vsel vm5, v25, v48;
	vm14 =	vgt.f32 v52, v40  }
0x310: {  	v55 =	vld [tilespmem:$0x1AE0];
	v48 =	vsel vm15, v26, v48;
	v40 =	vsel vm14, v52, v40  }
0x311: {  	v48 =	vsel vm12, v28, v48;
	vm12 =	vgt.f32 v53, v40  }
0x312: {  	v56 =	vld [tilespmem:$0x1AF0];
	v48 =	vsel vm1, v29, v48;
	v40 =	vsel vm12, v53, v40  }
0x313: {  	v48 =	vsel vm2, v23, v48;
	vm13 =	vgt.f32 v54, v40  }
0x314: {  	v48 =	vsel vm14, v24, v48;
	v40 =	vsel vm13, v54, v40  }
0x315: {  	v57 =	vsel vm12, v21, v48;
	vm14 =	vgt.f32 v55, v40  }
0x316: {  	v41 =	vsel vm13, v22, v57;
	v40 =	vsel vm14, v55, v40  }
0x317: {  	v41 =	vsel vm14, v20, v41;
	vm15 =	vgt.f32 v56, v40  }
0x318: {  	v40 =	vsel vm15, v56, v40;
	v41 =	vsel vm15, v19, v41  }
0x319: {  	v58 =	vperm.xlane v40, v1;
	v59 =	vperm.xlane v41, v1;
	_ =	sdelay $0x1  }
0x31a: {  	vm4 =	veq.f32 v58, v40;
	vm5 =	vlt.s32 v59, v41  }
0x31b: {  	vm12 =	vgt.f32 v58, v40;
	vm0 =	vmand vm4, vm5  }
0x31c: {  	vm0 =	vmor vm12, vm0  }
0x31d: {  	v40 =	vsel vm0, v58, v40;
	v41 =	vsel vm0, v59, v41  }
0x31e: {  	v45 =	vperm.xlane v40, v3;
	v46 =	vperm.xlane v41, v3;
	_ =	sdelay $0x1  }
0x31f: {  	vm13 =	veq.f32 v45, v40;
	vm14 =	vlt.s32 v46, v41  }
0x320: {  	vm15 =	vgt.f32 v45, v40;
	vm0 =	vmand vm13, vm14  }
0x321: {  	vm0 =	vmor vm15, vm0  }
0x322: {  	v40 =	vsel vm0, v45, v40;
	v41 =	vsel vm0, v46, v41  }
0x323: {  	v45 =	vperm.xlane v40, v4;
	v46 =	vperm.xlane v41, v4;
	_ =	sdelay $0x1  }
0x324: {  	vm4 =	veq.f32 v45, v40;
	vm5 =	vlt.s32 v46, v41  }
0x325: {  	vm12 =	vgt.f32 v45, v40;
	vm0 =	vmand vm4, vm5  }
0x326: {  	vm0 =	vmor vm12, vm0  }
0x327: {  	v40 =	vsel vm0, v45, v40;
	v60 =	vsel vm0, v46, v41  }
0x328: {  	v41 =	vperm.xlane v40, v5;
	v46 =	vperm.xlane v60, v5;
	_ =	sdelay $0x1  }
0x329: {  	vm13 =	veq.f32 v41, v40;
	vm14 =	vlt.s32 v46, v60  }
0x32a: {  	vm15 =	vgt.f32 v41, v40;
	vm0 =	vmand vm13, vm14  }
0x32b: {  	vm0 =	vmor vm15, vm0  }
0x32c: {  	v50 =	vsel vm0, v46, v60;
	_ =	sdelay $0x4  }
0x32d: {  	v48 =	vld.idx.msk [tilespmem:v50+s24+$0x0], $0xffff;
	[tilespmem:v50+s23+$0x0] =	vst.idx.msk $0x1, v0  }
0x32e: {  	v61 =	vld [tilespmem:$0x1A00];
	_ =	sdelay $0x2  }
0x32f: {  	v62 =	vld [tilespmem:$0x1A10];
	_ =	sdelay $0x1  }
0x330: {  	[tilespmem:$0x1FFE0] =	vst v7;
	v7 =	vimm.s32 $0x0;
	v49 =	vld [tilespmem:$0x1A20];
	vm4 =	vlt.f32 v61, $-Inf;
	vm5 =	vgt.f32 v61, $-Inf  }
0x331: {  	v7 =	vsel vm0, $0xFFFFFFFF, v7;
	vm0 =	vmor vm5, vm4  }
0x332: {  	v51 =	vld [tilespmem:$0x1A30];
	v45 =	vnsel vm0, $0xFF800000, v61  }
0x333: {  	vm1 =	vgt.f32 v62, v45  }
0x334: {  	v63 =	vld [tilespmem:$0x1A40];
	v45 =	vsel vm1, v62, v45  }
0x335: {  	vm2 =	vgt.f32 v49, v45  }
0x336: {  	v54 =	vld [tilespmem:$0x1A50];
	v45 =	vsel vm2, v49, v45  }
0x337: {  	vm3 =	vgt.f32 v51, v45  }
0x338: {  	v55 =	vld [tilespmem:$0x1A60];
	v45 =	vsel vm3, v51, v45  }
0x339: {  	vm9 =	vgt.f32 v63, v45  }
0x33a: {  	v56 =	vld [tilespmem:$0x1A70];
	v45 =	vsel vm9, v63, v45  }
0x33b: {  	vm14 =	vgt.f32 v54, v45  }
0x33c: {  	v57 =	vld [tilespmem:$0x1A80];
	v45 =	vsel vm14, v54, v45  }
0x33d: {  	vm15 =	vgt.f32 v55, v45  }
0x33e: {  	v58 =	vld [tilespmem:$0x1A90];
	v45 =	vsel vm15, v55, v45  }
0x33f: {  	vm4 =	vgt.f32 v56, v45  }
0x340: {  	v59 =	vld [tilespmem:$0x1AA0];
	v45 =	vsel vm4, v56, v45  }
0x341: {  	v52 =	vnsel vm0, $0x0, v6;
	vm12 =	vgt.f32 v57, v45  }
0x342: {  	v60 =	vld [tilespmem:$0x1AB0];
	v52 =	vsel vm1, v34, v52;
	v45 =	vsel vm12, v57, v45  }
0x343: {  	v52 =	vsel vm2, v35, v52;
	vm1 =	vgt.f32 v58, v45  }
0x344: {  	v61 =	vld [tilespmem:$0x1AC0];
	v52 =	vsel vm3, v31, v52;
	v45 =	vsel vm1, v58, v45  }
0x345: {  	v52 =	vsel vm9, v30, v52;
	vm13 =	vgt.f32 v59, v45  }
0x346: {  	v62 =	vld [tilespmem:$0x1AD0];
	v52 =	vsel vm14, v27, v52;
	v45 =	vsel vm13, v59, v45  }
0x347: {  	v52 =	vsel vm15, v25, v52;
	vm15 =	vgt.f32 v60, v45  }
0x348: {  	v63 =	vld [tilespmem:$0x1AE0];
	v52 =	vsel vm4, v26, v52;
	v45 =	vsel vm15, v60, v45  }
0x349: {  	v52 =	vsel vm12, v28, v52;
	vm12 =	vgt.f32 v61, v45  }
0x34a: {  	v56 =	vld [tilespmem:$0x1AF0];
	v52 =	vsel vm1, v29, v52;
	v45 =	vsel vm12, v61, v45  }
0x34b: {  	v52 =	vsel vm13, v23, v52;
	vm13 =	vgt.f32 v62, v45  }
0x34c: {  	v52 =	vsel vm15, v24, v52;
	v45 =	vsel vm13, v62, v45  }
0x34d: {  	v57 =	vsel vm12, v21, v52;
	vm14 =	vgt.f32 v63, v45  }
0x34e: {  	v46 =	vsel vm13, v22, v57;
	v45 =	vsel vm14, v63, v45  }
0x34f: {  	v46 =	vsel vm14, v20, v46;
	vm15 =	vgt.f32 v56, v45  }
0x350: {  	v45 =	vsel vm15, v56, v45;
	v46 =	vsel vm15, v19, v46  }
0x351: {  	v58 =	vperm.xlane v45, v1;
	v59 =	vperm.xlane v46, v1;
	_ =	sdelay $0x1  }
0x352: {  	vm4 =	veq.f32 v58, v45;
	vm5 =	vlt.s32 v59, v46  }
0x353: {  	vm12 =	vgt.f32 v58, v45;
	vm0 =	vmand vm4, vm5  }
0x354: {  	vm0 =	vmor vm12, vm0  }
0x355: {  	v45 =	vsel vm0, v58, v45;
	v46 =	vsel vm0, v59, v46  }
0x356: {  	v49 =	vperm.xlane v45, v3;
	v51 =	vperm.xlane v46, v3;
	_ =	sdelay $0x1  }
0x357: {  	vm13 =	veq.f32 v49, v45;
	vm14 =	vlt.s32 v51, v46  }
0x358: {  	vm15 =	vgt.f32 v49, v45;
	vm0 =	vmand vm13, vm14  }
0x359: {  	vm0 =	vmor vm15, vm0  }
0x35a: {  	v45 =	vsel vm0, v49, v45;
	v46 =	vsel vm0, v51, v46  }
0x35b: {  	v49 =	vperm.xlane v45, v4;
	v51 =	vperm.xlane v46, v4;
	_ =	sdelay $0x1  }
0x35c: {  	vm4 =	veq.f32 v49, v45;
	vm5 =	vlt.s32 v51, v46  }
0x35d: {  	vm12 =	vgt.f32 v49, v45;
	vm0 =	vmand vm4, vm5  }
0x35e: {  	vm0 =	vmor vm12, vm0  }
0x35f: {  	v45 =	vsel vm0, v49, v45;
	v60 =	vsel vm0, v51, v46  }
0x360: {  	v46 =	vperm.xlane v45, v5;
	v51 =	vperm.xlane v60, v5;
	_ =	sdelay $0x1  }
0x361: {  	vm13 =	veq.f32 v46, v45;
	vm14 =	vlt.s32 v51, v60  }
0x362: {  	vm15 =	vgt.f32 v46, v45;
	vm0 =	vmand vm13, vm14  }
0x363: {  	vm14 =	vmor vm15, vm0  }
0x364: {  	v53 =	vsel vm14, v51, v60;
	_ =	sdelay $0x4  }
0x365: {  	v52 =	vld.idx.msk [tilespmem:v53+s24+$0x0], $0xffff;
	[tilespmem:v53+s23+$0x0] =	vst.idx.msk $0x1, v0  }
0x366: {  	v61 =	vld [tilespmem:$0x1A00];
	_ =	sdelay $0x2  }
0x367: {  	v62 =	vld [tilespmem:$0x1A10];
	_ =	sdelay $0x1  }
0x368: {  	v54 =	vld [tilespmem:$0x1A20];
	vm4 =	vlt.f32 v61, $-Inf;
	vm5 =	vgt.f32 v61, $-Inf  }
0x369: {  	vm0 =	vmor vm5, vm4  }
0x36a: {  	v55 =	vld [tilespmem:$0x1A30];
	v49 =	vnsel vm0, $0xFF800000, v61  }
0x36b: {  	vm1 =	vgt.f32 v62, v49  }
0x36c: {  	v63 =	vld [tilespmem:$0x1A40];
	v49 =	vsel vm1, v62, v49  }
0x36d: {  	vm2 =	vgt.f32 v54, v49  }
0x36e: {  	v57 =	vld [tilespmem:$0x1A50];
	v49 =	vsel vm2, v54, v49  }
0x36f: {  	vm3 =	vgt.f32 v55, v49  }
0x370: {  	v58 =	vld [tilespmem:$0x1A60];
	v49 =	vsel vm3, v55, v49  }
0x371: {  	vm4 =	vgt.f32 v63, v49  }
0x372: {  	v59 =	vld [tilespmem:$0x1A70];
	v49 =	vsel vm4, v63, v49  }
0x373: {  	vm9 =	vgt.f32 v57, v49  }
0x374: {  	v60 =	vld [tilespmem:$0x1A80];
	v49 =	vsel vm9, v57, v49  }
0x375: {  	vm15 =	vgt.f32 v58, v49  }
0x376: {  	v61 =	vld [tilespmem:$0x1A90];
	v49 =	vsel vm15, v58, v49  }
0x377: {  	vm5 =	vgt.f32 v59, v49  }
0x378: {  	v62 =	vld [tilespmem:$0x1AA0];
	v49 =	vsel vm5, v59, v49  }
0x379: {  	v56 =	vnsel vm0, $0x0, v6;
	vm0 =	vgt.f32 v60, v49  }
0x37a: {  	v56 =	vsel vm1, v34, v56;
	v63 =	vld [tilespmem:$0x1AB0];
	v49 =	vsel vm0, v60, v49  }
0x37b: {  	v56 =	vsel vm2, v35, v56;
	vm1 =	vgt.f32 v61, v49  }
0x37c: {  	v56 =	vsel vm3, v31, v56;
	v60 =	vld [tilespmem:$0x1AC0];
	v49 =	vsel vm1, v61, v49  }
0x37d: {  	v56 =	vsel vm4, v30, v56;
	vm12 =	vgt.f32 v62, v49  }
0x37e: {  	v56 =	vsel vm9, v27, v56;
	v61 =	vld [tilespmem:$0x1AD0];
	v49 =	vsel vm12, v62, v49  }
0x37f: {  	v56 =	vsel vm15, v25, v56;
	vm13 =	vgt.f32 v63, v49  }
0x380: {  	v56 =	vsel vm5, v26, v56;
	v62 =	vld [tilespmem:$0x1AE0];
	v49 =	vsel vm13, v63, v49  }
0x381: {  	v56 =	vsel vm0, v28, v56;
	vm15 =	vgt.f32 v60, v49  }
0x382: {  	v56 =	vsel vm1, v29, v56;
	v63 =	vld [tilespmem:$0x1AF0];
	v49 =	vsel vm15, v60, v49  }
0x383: {  	v56 =	vsel vm12, v23, v56;
	vm4 =	vgt.f32 v61, v49  }
0x384: {  	v56 =	vsel vm13, v24, v56;
	v49 =	vsel vm4, v61, v49  }
0x385: {  	v58 =	vsel vm15, v21, v56;
	vm5 =	vgt.f32 v62, v49  }
0x386: {  	v51 =	vsel vm4, v22, v58;
	v49 =	vsel vm5, v62, v49  }
0x387: {  	v51 =	vsel vm5, v20, v51;
	vm12 =	vgt.f32 v63, v49  }
0x388: {  	v49 =	vsel vm12, v63, v49;
	v51 =	vsel vm12, v19, v51  }
0x389: {  	v59 =	vperm.xlane v49, v1;
	v60 =	vperm.xlane v51, v1;
	_ =	sdelay $0x1  }
0x38a: {  	vm13 =	veq.f32 v59, v49;
	vm15 =	vlt.s32 v60, v51  }
0x38b: {  	vm4 =	vgt.f32 v59, v49;
	vm0 =	vmand vm13, vm15  }
0x38c: {  	vm0 =	vmor vm4, vm0  }
0x38d: {  	v49 =	vsel vm0, v59, v49;
	v51 =	vsel vm0, v60, v51  }
0x38e: {  	v54 =	vperm.xlane v49, v3;
	v55 =	vperm.xlane v51, v3;
	_ =	sdelay $0x1  }
0x38f: {  	vm5 =	veq.f32 v54, v49;
	vm12 =	vlt.s32 v55, v51  }
0x390: {  	vm13 =	vgt.f32 v54, v49;
	vm0 =	vmand vm5, vm12  }
0x391: {  	vm0 =	vmor vm13, vm0  }
0x392: {  	v49 =	vsel vm0, v54, v49;
	v51 =	vsel vm0, v55, v51  }
0x393: {  	v54 =	vperm.xlane v49, v4;
	v55 =	vperm.xlane v51, v4;
	_ =	sdelay $0x1  }
0x394: {  	vm15 =	veq.f32 v54, v49;
	vm4 =	vlt.s32 v55, v51  }
0x395: {  	vm5 =	vgt.f32 v54, v49;
	vm0 =	vmand vm15, vm4  }
0x396: {  	vm0 =	vmor vm5, vm0  }
0x397: {  	v49 =	vsel vm0, v54, v49;
	v61 =	vsel vm0, v55, v51  }
0x398: {  	v51 =	vperm.xlane v49, v5;
	v55 =	vperm.xlane v61, v5;
	_ =	sdelay $0x1  }
0x399: {  	vm12 =	veq.f32 v51, v49;
	vm13 =	vlt.s32 v55, v61  }
0x39a: {  	vm15 =	vgt.f32 v51, v49;
	vm0 =	vmand vm12, vm13  }
0x39b: {  	vm15 =	vmor vm15, vm0  }
0x39c: {  	v57 =	vsel vm15, v55, v61;
	_ =	sdelay $0x4  }
0x39d: {  	v56 =	vld.idx.msk [tilespmem:v57+s24+$0x0], $0xffff;
	[tilespmem:v57+s23+$0x0] =	vst.idx.msk $0x1, v0  }
0x39e: {  	v62 =	vld [tilespmem:$0x1A00];
	_ =	sdelay $0x2  }
0x39f: {  	v63 =	vld [tilespmem:$0x1A10];
	_ =	sdelay $0x1  }
0x3a0: {  	v58 =	vld [tilespmem:$0x1A20];
	vm4 =	vlt.f32 v62, $-Inf;
	vm5 =	vgt.f32 v62, $-Inf  }
0x3a1: {  	vm0 =	vmor vm5, vm4  }
0x3a2: {  	v59 =	vld [tilespmem:$0x1A30];
	v54 =	vnsel vm0, $0xFF800000, v62  }
0x3a3: {  	vm1 =	vgt.f32 v63, v54  }
0x3a4: {  	v60 =	vld [tilespmem:$0x1A40];
	v54 =	vsel vm1, v63, v54  }
0x3a5: {  	vm2 =	vgt.f32 v58, v54  }
0x3a6: {  	v61 =	vld [tilespmem:$0x1A50];
	v54 =	vsel vm2, v58, v54  }
0x3a7: {  	vm3 =	vgt.f32 v59, v54  }
0x3a8: {  	v62 =	vld [tilespmem:$0x1A60];
	v54 =	vsel vm3, v59, v54  }
0x3a9: {  	vm12 =	vgt.f32 v60, v54  }
0x3aa: {  	v63 =	vld [tilespmem:$0x1A70];
	v54 =	vsel vm12, v60, v54  }
0x3ab: {  	vm13 =	vgt.f32 v61, v54  }
0x3ac: {  	v58 =	vld [tilespmem:$0x1A80];
	v54 =	vsel vm13, v61, v54  }
0x3ad: {  	vm9 =	vgt.f32 v62, v54  }
0x3ae: {  	v59 =	vld [tilespmem:$0x1A90];
	v54 =	vsel vm9, v62, v54  }
0x3af: {  	vm6 =	vgt.f32 v63, v54  }
0x3b0: {  	v55 =	vld [tilespmem:$0x1AA0];
	v54 =	vsel vm6, v63, v54  }
0x3b1: {  	v60 =	vnsel vm0, $0x0, v6;
	vm0 =	vgt.f32 v58, v54  }
0x3b2: {  	v60 =	vsel vm1, v34, v60;
	v54 =	vsel vm0, v58, v54;
	v58 =	vld [tilespmem:$0x1AB0]  }
0x3b3: {  	v60 =	vsel vm2, v35, v60;
	vm1 =	vgt.f32 v59, v54  }
0x3b4: {  	v60 =	vsel vm3, v31, v60;
	v54 =	vsel vm1, v59, v54;
	v59 =	vld [tilespmem:$0x1AC0]  }
0x3b5: {  	v60 =	vsel vm12, v30, v60;
	vm12 =	vgt.f32 v55, v54  }
0x3b6: {  	v60 =	vsel vm13, v27, v60;
	v54 =	vsel vm12, v55, v54;
	v55 =	vld [tilespmem:$0x1AD0]  }
0x3b7: {  	v60 =	vsel vm9, v25, v60;
	vm13 =	vgt.f32 v58, v54  }
0x3b8: {  	v60 =	vsel vm6, v26, v60;
	v54 =	vsel vm13, v58, v54;
	v58 =	vld [tilespmem:$0x1AE0]  }
0x3b9: {  	v60 =	vsel vm0, v28, v60;
	vm4 =	vgt.f32 v59, v54  }
0x3ba: {  	v60 =	vsel vm1, v29, v60;
	v54 =	vsel vm4, v59, v54;
	v59 =	vld [tilespmem:$0x1AF0]  }
0x3bb: {  	v60 =	vsel vm12, v23, v60;
	vm5 =	vgt.f32 v55, v54  }
0x3bc: {  	v60 =	vsel vm13, v24, v60;
	v54 =	vsel vm5, v55, v54  }
0x3bd: {  	v60 =	vsel vm4, v21, v60;
	vm12 =	vgt.f32 v58, v54  }
0x3be: {  	v55 =	vsel vm5, v22, v60;
	v54 =	vsel vm12, v58, v54  }
0x3bf: {  	v55 =	vsel vm12, v20, v55;
	vm13 =	vgt.f32 v59, v54  }
0x3c0: {  	v54 =	vsel vm13, v59, v54;
	v55 =	vsel vm13, v19, v55  }
0x3c1: {  	v61 =	vperm.xlane v54, v1;
	v62 =	vperm.xlane v55, v1;
	_ =	sdelay $0x1  }
0x3c2: {  	vm4 =	veq.f32 v61, v54;
	vm5 =	vlt.s32 v62, v55  }
0x3c3: {  	vm12 =	vgt.f32 v61, v54;
	vm0 =	vmand vm4, vm5  }
0x3c4: {  	vm0 =	vmor vm12, vm0  }
0x3c5: {  	v54 =	vsel vm0, v61, v54;
	v55 =	vsel vm0, v62, v55  }
0x3c6: {  	v58 =	vperm.xlane v54, v3;
	v59 =	vperm.xlane v55, v3;
	_ =	sdelay $0x1  }
0x3c7: {  	vm13 =	veq.f32 v58, v54;
	vm4 =	vlt.s32 v59, v55  }
0x3c8: {  	vm5 =	vgt.f32 v58, v54;
	vm0 =	vmand vm13, vm4  }
0x3c9: {  	vm0 =	vmor vm5, vm0  }
0x3ca: {  	v54 =	vsel vm0, v58, v54;
	v55 =	vsel vm0, v59, v55  }
0x3cb: {  	v58 =	vperm.xlane v54, v4;
	v59 =	vperm.xlane v55, v4;
	_ =	sdelay $0x1  }
0x3cc: {  	vm12 =	veq.f32 v58, v54;
	vm13 =	vlt.s32 v59, v55  }
0x3cd: {  	vm4 =	vgt.f32 v58, v54;
	vm0 =	vmand vm12, vm13  }
0x3ce: {  	vm0 =	vmor vm4, vm0  }
0x3cf: {  	v54 =	vsel vm0, v58, v54;
	v63 =	vsel vm0, v59, v55  }
0x3d0: {  	v55 =	vperm.xlane v54, v5;
	v59 =	vperm.xlane v63, v5;
	_ =	sdelay $0x1  }
0x3d1: {  	vm5 =	veq.f32 v55, v54;
	vm12 =	vlt.s32 v59, v63  }
0x3d2: {  	vm13 =	vgt.f32 v55, v54;
	vm0 =	vmand vm5, vm12  }
0x3d3: {  	vm12 =	vmor vm13, vm0  }
0x3d4: {  	v61 =	vsel vm12, v59, v63;
	_ =	sdelay $0x4  }
0x3d5: {  	v60 =	vld.idx.msk [tilespmem:v61+s24+$0x0], $0xffff;
	[tilespmem:v61+s23+$0x0] =	vst.idx.msk $0x1, v0  }
0x3d6: {  	v58 =	vld [tilespmem:$0x1A00];
	_ =	sdelay $0x2  }
0x3d7: {  	v59 =	vld [tilespmem:$0x1A10];
	_ =	sdelay $0x1  }
0x3d8: {  	v62 =	vld [tilespmem:$0x1A20];
	vm4 =	vlt.f32 v58, $-Inf;
	vm5 =	vgt.f32 v58, $-Inf  }
0x3d9: {  	vm0 =	vmor vm5, vm4  }
0x3da: {  	v63 =	vld [tilespmem:$0x1A30];
	v58 =	vnsel vm0, $0xFF800000, v58  }
0x3db: {  	vm1 =	vgt.f32 v59, v58  }
0x3dc: {  	v58 =	vsel vm1, v59, v58;
	v59 =	vld [tilespmem:$0x1A40]  }
0x3dd: {  	vm2 =	vgt.f32 v62, v58  }
0x3de: {  	v58 =	vsel vm2, v62, v58;
	v62 =	vld [tilespmem:$0x1A50]  }
0x3df: {  	vm3 =	vgt.f32 v63, v58  }
0x3e0: {  	v58 =	vsel vm3, v63, v58;
	v63 =	vld [tilespmem:$0x1A60]  }
0x3e1: {  	vm4 =	vgt.f32 v59, v58  }
0x3e2: {  	v58 =	vsel vm4, v59, v58;
	v59 =	vld [tilespmem:$0x1A70]  }
0x3e3: {  	vm5 =	vgt.f32 v62, v58  }
0x3e4: {  	v58 =	vsel vm5, v62, v58;
	v62 =	vld [tilespmem:$0x1A80]  }
0x3e5: {  	vm6 =	vgt.f32 v63, v58  }
0x3e6: {  	v58 =	vsel vm6, v63, v58;
	v63 =	vld [tilespmem:$0x1A90]  }
0x3e7: {  	vm7 =	vgt.f32 v59, v58  }
0x3e8: {  	v58 =	vsel vm7, v59, v58;
	v59 =	vld [tilespmem:$0x1AA0]  }
0x3e9: {  	[tilespmem:$0x1FFF0] =	vst v7;
	v7 =	vnsel vm0, $0x0, v6;
	vm13 =	vgt.f32 v62, v58  }
0x3ea: {  	v7 =	vsel vm1, v34, v7;
	v58 =	vsel vm13, v62, v58;
	v62 =	vld [tilespmem:$0x1AB0]  }
0x3eb: {  	v7 =	vsel vm2, v35, v7;
	vm1 =	vgt.f32 v63, v58  }
0x3ec: {  	v7 =	vsel vm3, v31, v7;
	v58 =	vsel vm1, v63, v58;
	v63 =	vld [tilespmem:$0x1AC0]  }
0x3ed: {  	v7 =	vsel vm4, v30, v7;
	vm2 =	vgt.f32 v59, v58  }
0x3ee: {  	v7 =	vsel vm5, v27, v7;
	v58 =	vsel vm2, v59, v58;
	v59 =	vld [tilespmem:$0x1AD0]  }
0x3ef: {  	v7 =	vsel vm6, v25, v7;
	vm3 =	vgt.f32 v62, v58  }
0x3f0: {  	v7 =	vsel vm7, v26, v7;
	v58 =	vsel vm3, v62, v58;
	v62 =	vld [tilespmem:$0x1AE0]  }
0x3f1: {  	v7 =	vsel vm13, v28, v7;
	vm13 =	vgt.f32 v63, v58  }
0x3f2: {  	v7 =	vsel vm1, v29, v7;
	v58 =	vsel vm13, v63, v58;
	v63 =	vld [tilespmem:$0x1AF0]  }
0x3f3: {  	v7 =	vsel vm2, v23, v7;
	vm4 =	vgt.f32 v59, v58  }
0x3f4: {  	v7 =	vsel vm3, v24, v7;
	v58 =	vsel vm4, v59, v58  }
0x3f5: {  	v7 =	vsel vm13, v21, v7;
	vm5 =	vgt.f32 v62, v58  }
0x3f6: {  	v7 =	vsel vm4, v22, v7;
	v58 =	vsel vm5, v62, v58  }
0x3f7: {  	v7 =	vsel vm5, v20, v7;
	vm13 =	vgt.f32 v63, v58  }
0x3f8: {  	v58 =	vsel vm13, v63, v58;
	v7 =	vsel vm13, v19, v7  }
0x3f9: {  	v59 =	vperm.xlane v58, v1;
	v62 =	vperm.xlane v7, v1;
	_ =	sdelay $0x1  }
0x3fa: {  	vm4 =	veq.f32 v59, v58;
	vm5 =	vlt.s32 v62, v7  }
0x3fb: {  	vm13 =	vgt.f32 v59, v58;
	vm0 =	vmand vm4, vm5  }
0x3fc: {  	vm0 =	vmor vm13, vm0  }
0x3fd: {  	v58 =	vsel vm0, v59, v58;
	v7 =	vsel vm0, v62, v7  }
0x3fe: {  	v59 =	vperm.xlane v58, v3;
	v62 =	vperm.xlane v7, v3;
	_ =	sdelay $0x1  }
0x3ff: {  	vm4 =	veq.f32 v59, v58;
	vm5 =	vlt.s32 v62, v7  }
0x400: {  	vm13 =	vgt.f32 v59, v58;
	vm0 =	vmand vm4, vm5  }
0x401: {  	vm0 =	vmor vm13, vm0  }
0x402: {  	v58 =	vsel vm0, v59, v58;
	v7 =	vsel vm0, v62, v7  }
0x403: {  	v59 =	vperm.xlane v58, v4;
	v62 =	vperm.xlane v7, v4;
	_ =	sdelay $0x1  }
0x404: {  	vm4 =	veq.f32 v59, v58;
	vm5 =	vlt.s32 v62, v7  }
0x405: {  	vm13 =	vgt.f32 v59, v58;
	vm0 =	vmand vm4, vm5  }
0x406: {  	vm0 =	vmor vm13, vm0  }
0x407: {  	v58 =	vsel vm0, v59, v58;
	v7 =	vsel vm0, v62, v7  }
0x408: {  	v59 =	vperm.xlane v58, v5;
	v62 =	vperm.xlane v7, v5;
	_ =	sdelay $0x1  }
0x409: {  	vm4 =	veq.f32 v59, v58;
	vm5 =	vlt.s32 v62, v7  }
0x40a: {  	vm13 =	vgt.f32 v59, v58;
	vm0 =	vmand vm4, vm5  }
0x40b: {  	vm9 =	vmor vm13, vm0  }
0x40c: {  	v63 =	vsel vm9, v62, v7;
	_ =	sdelay $0x4  }
0x40d: {  	v62 =	vld.idx.msk [tilespmem:v63+s24+$0x0], $0xffff;
	[tilespmem:v63+s23+$0x0] =	vst.idx.msk $0x1, v0  }
0x40e: {  	v7 =	vld [tilespmem:$0x1A00];
	_ =	sdelay $0x2  }
0x40f: {  	v9 =	vld [tilespmem:$0x1A10];
	_ =	sdelay $0x1  }
0x410: {  	v10 =	vld [tilespmem:$0x1A20];
	vm4 =	vlt.f32 v7, $-Inf;
	vm5 =	vgt.f32 v7, $-Inf  }
0x411: {  	vm1 =	vmor vm5, vm4  }
0x412: {  	v11 =	vld [tilespmem:$0x1A30];
	v7 =	vnsel vm1, $0xFF800000, v7  }
0x413: {  	v12 =	vshra.s32 v39, $0x1F;
	vm2 =	vgt.f32 v9, v7  }
0x414: {  	v12 =	vshrl.u32 v12, $0x1C;
	v7 =	vsel vm2, v9, v7;
	v9 =	vld [tilespmem:$0x1A40]  }
0x415: {  	vm10 =	vcmask $0x724;
	v12 =	vadd.s32 v12, v39;
	vm13 =	vgt.f32 v10, v7  }
0x416: {  	v12 =	vshrl.u32 v12, $0x4;
	v13 =	vnsel vm1, $0x0, v6;
	v7 =	vsel vm13, v10, v7;
	v10 =	vld [tilespmem:$0x1A50]  }
0x417: {  	vm11 =	vcmask $0xB24;
	v13 =	vsel vm2, v34, v13;
	vm1 =	vgt.f32 v11, v7  }
0x418: {  	vm2 =	vlt.s32 v39, $0x1;
	v34 =	vand.u32 $0xF, v43;
	v7 =	vsel vm1, v11, v7;
	v11 =	vld [tilespmem:$0x1A60]  }
0x419: {  	v39 =	vand.u32 $0xF, v39;
	vm4 =	vne.s32 v34, $0x0;
	vm3 =	vgt.f32 v9, v7  }
0x41a: {  	v13 =	vsel vm13, v35, v13;
	vm13 =	vne.s32 v39, $0x0;
	v7 =	vsel vm3, v9, v7;
	v9 =	vld [tilespmem:$0x1A70]  }
0x41b: {  	vm2 =	vmand vm2, vm13;
	v13 =	vsel vm1, v31, v13;
	vm1 =	vgt.f32 v10, v7  }
0x41c: {  	v39 =	vshra.s32 v43, $0x1F;
	v35 =	vsel vm2, $0xFFFFFFFF, v8;
	v7 =	vsel vm1, v10, v7;
	v10 =	vld [tilespmem:$0x1A80]  }
0x41d: {  	vm13 =	vlt.s32 v43, $0x1;
	v12 =	vadd.s32 v35, v12;
	vm2 =	vgt.f32 v11, v7  }
0x41e: {  	v13 =	vsel vm3, v30, v13;
	v30 =	vshrl.u32 v39, $0x1C;
	v7 =	vsel vm2, v11, v7;
	v11 =	vld [tilespmem:$0x1A90]  }
0x41f: {  	vm3 =	vmand vm13, vm4;
	v12 =	vmul.u32 $0x1900, v12;
	vm4 =	vgt.f32 v9, v7  }
0x420: {  	v30 =	vadd.s32 v30, v43;
	v34 =	vsel vm3, $0xFFFFFFFF, v8;
	v7 =	vsel vm4, v9, v7;
	v9 =	vld [tilespmem:$0x1AA0]  }
0x421: {  	v30 =	vshrl.u32 v30, $0x4;
	v13 =	vsel vm1, v27, v13;
	vm3 =	vgt.f32 v10, v7  }
0x422: {  	v12 =	vadd.s32 v38, v12;
	v30 =	vadd.s32 v34, v30;
	v7 =	vsel vm3, v10, v7;
	v10 =	vld [tilespmem:$0x1AB0]  }
0x423: {  	vm1 =	vmmov $0x1;
	v35 =	vmul.u32 $0x1900, v30;
	vm13 =	vgt.f32 v11, v7  }
0x424: {  	v12 =	vnsel vm1, $0x0, v12;
	v13 =	vsel vm2, v25, v13;
	v7 =	vsel vm13, v11, v7;
	v11 =	vld [tilespmem:$0x1AC0]  }
0x425: {  	v39 =	vadd.s32 v42, v35;
	v13 =	vsel vm4, v26, v13;
	vm2 =	vgt.f32 v9, v7  }
0x426: {  	v42 =	vshra.s32 v47, $0x1F;
	v13 =	vsel vm3, v28, v13;
	v7 =	vsel vm2, v9, v7;
	v9 =	vld [tilespmem:$0x1AD0]  }
0x427: {  	v43 =	vshrl.u32 v42, $0x1C;
	v13 =	vsel vm13, v29, v13;
	vm3 =	vgt.f32 v10, v7  }
0x428: {  	vm13 =	vcmask $0x324;
	v13 =	vsel vm2, v23, v13;
	v7 =	vsel vm3, v10, v7;
	v10 =	vld [tilespmem:$0x1AE0]  }
0x429: {  	v23 =	vadd.s32 v43, v47;
	v13 =	vsel vm3, v24, v13;
	vm2 =	vgt.f32 v11, v7  }
0x42a: {  	vm3 =	vlt.s32 v47, $0x1;
	v47 =	vand.u32 $0xF, v47;
	v7 =	vsel vm2, v11, v7;
	v11 =	vld [tilespmem:$0x1AF0]  }
0x42b: {  	v12 =	vsel vm13, v12, v39;
	vm5 =	vne.s32 v47, $0x0;
	vm4 =	vgt.f32 v9, v7  }
0x42c: {  	v13 =	vsel vm2, v21, v13;
	vm2 =	vmand vm3, vm5;
	v7 =	vsel vm4, v9, v7  }
0x42d: {  	v9 =	vsel vm4, v22, v13;
	v13 =	vshrl.u32 v23, $0x4;
	vm3 =	vgt.f32 v10, v7  }
0x42e: {  	v7 =	vsel vm3, v10, v7;
	v10 =	vsel vm2, $0xFFFFFFFF, v8;
	v9 =	vsel vm3, v20, v9  }
0x42f: {  	vm3 =	vlt.s32 v50, $0x1;
	v10 =	vadd.s32 v10, v13;
	vm5 =	vgt.f32 v11, v7  }
0x430: {  	v10 =	vmul.u32 $0x1900, v10;
	v7 =	vsel vm5, v11, v7;
	v9 =	vsel vm5, v19, v9  }
0x431: {  	v11 =	vand.u32 $0xF, v50;
	v13 =	vperm.xlane v7, v1;
	v19 =	vperm.xlane v9, v1  }
0x432: {  	vm5 =	vlt.s32 v53, $0x1;
	vm2 =	vne.s32 v11, $0x0;
	v11 =	vshra.s32 v50, $0x1F  }
0x433: {  	vm2 =	vmand vm3, vm2;
	vm3 =	veq.f32 v13, v7;
	vm0 =	vlt.s32 v19, v9  }
0x434: {  	v11 =	vshrl.u32 v11, $0x1C;
	vm3 =	vmand vm3, vm0;
	vm0 =	vgt.f32 v13, v7  }
0x435: {  	v10 =	vadd.s32 v44, v10;
	v11 =	vadd.s32 v11, v50;
	vm3 =	vmor vm0, vm3  }
0x436: {  	v11 =	vshrl.u32 v11, $0x4;
	v7 =	vsel vm3, v13, v7;
	v13 =	vand.u32 $0xF, v53  }
0x437: {  	v9 =	vsel vm3, v19, v9;
	v19 =	vshra.s32 v53, $0x1F;
	vm3 =	vne.s32 v13, $0x0  }
0x438: {  	v13 =	vsel vm2, $0xFFFFFFFF, v8;
	v19 =	vshrl.u32 v19, $0x1C;
	v50 =	vperm.xlane v9, v3  }
0x439: {  	v11 =	vadd.s32 v13, v11;
	v13 =	vadd.s32 v19, v53;
	vm2 =	vmand vm5, vm3  }
0x43a: {  	v53 =	vshra.s32 v63, $0x1F;
	v13 =	vshrl.u32 v13, $0x4;
	v19 =	vsel vm2, $0xFFFFFFFF, v8  }
0x43b: {  	v11 =	vmul.u32 $0x1900, v11;
	v13 =	vadd.s32 v19, v13;
	v19 =	vperm.xlane v7, v3  }
0x43c: {  	v10 =	vsel vm10, v12, v10;
	vm3 =	vlt.s32 v50, v9;
	v21 =	vshrl.u32 v53, $0x1C  }
0x43d: {  	v11 =	vadd.s32 v48, v11;
	v12 =	vmul.u32 $0x1900, v13;
	vm2 =	veq.f32 v19, v7  }
0x43e: {  	v10 =	vsel vm11, v10, v11;
	vm4 =	vgt.f32 v19, v7;
	vm2 =	vmand vm2, vm3  }
0x43f: {  	v11 =	vadd.s32 v52, v12;
	v12 =	vand.u32 $0xF, v57;
	vm2 =	vmor vm4, vm2  }
0x440: {  	v10 =	vsel vm8, v10, v11;
	v7 =	vsel vm2, v19, v7;
	v9 =	vsel vm2, v50, v9  }
0x441: {  	v11 =	vshra.s32 v57, $0x1F;
	v13 =	vperm.xlane v7, v4;
	v20 =	vperm.xlane v9, v4  }
0x442: {  	vm3 =	vne.s32 v12, $0x0;
	v11 =	vshrl.u32 v11, $0x1C;
	vm2 =	vlt.s32 v57, $0x1  }
0x443: {  	vm2 =	vmand vm2, vm3;
	vm3 =	veq.f32 v13, v7;
	vm0 =	vlt.s32 v20, v9  }
0x444: {  	v11 =	vadd.s32 v11, v57;
	vm3 =	vmand vm3, vm0;
	vm0 =	vgt.f32 v13, v7  }
0x445: {  	v11 =	vshrl.u32 v11, $0x4;
	v12 =	vsel vm2, $0xFFFFFFFF, v8;
	vm5 =	vmor vm0, vm3  }
0x446: {  	v11 =	vadd.s32 v12, v11;
	v19 =	vsel vm5, v13, v7;
	v7 =	vsel vm5, v20, v9  }
0x447: {  	v9 =	vand.u32 $0xF, v61;
	v52 =	vperm.xlane v19, v5;
	v12 =	vperm.xlane v7, v5  }
0x448: {  	vm2 =	vlt.s32 v61, $0x1;
	v11 =	vmul.u32 $0x1900, v11;
	vm3 =	vne.s32 v9, $0x0  }
0x449: {  	vm2 =	vmand vm2, vm3;
	vm3 =	veq.f32 v52, v19;
	vm0 =	vlt.s32 v12, v7  }
0x44a: {  	v13 =	vshra.s32 v61, $0x1F;
	vm3 =	vmand vm3, vm0;
	vm0 =	vgt.f32 v52, v19  }
0x44b: {  	v9 =	vshrl.u32 v13, $0x1C;
	v13 =	vsel vm2, $0xFFFFFFFF, v8;
	vm2 =	vmor vm0, vm3  }
0x44c: {  	v11 =	vadd.s32 v56, v11;
	v7 =	vsel vm2, v12, v7;
	v12 =	vand.u32 $0xF, v63  }
0x44d: {  	v9 =	vadd.s32 v9, v61;
	vm3 =	vlt.s32 v63, $0x1;
	vm0 =	vne.s32 v12, $0x0  }
0x44e: {  	v9 =	vshrl.u32 v9, $0x4;
	v12 =	vadd.s32 v21, v63;
	vm3 =	vmand vm3, vm0  }
0x44f: {  	v9 =	vadd.s32 v13, v9;
	v12 =	vshrl.u32 v12, $0x4;
	v13 =	vsel vm3, $0xFFFFFFFF, v8  }
0x450: {  	v57 =	vand.u32 $0xF, v7;
	v12 =	vadd.s32 v13, v12;
	v13 =	vshra.s32 v7, $0x1F  }
0x451: {  	vm0 =	vne.s32 v57, $0x0;
	vm3 =	vlt.s32 v7, $0x1;
	v13 =	vshrl.u32 v13, $0x1C  }
0x452: {  	vm5 =	vcmask $0x1324;
	vm3 =	vmand vm3, vm0;
	v61 =	vld.idx.msk [tilespmem:v7+s24+$0x0], $0xffff;
	v13 =	vadd.s32 v13, v7  }
0x453: {  	v9 =	vmul.u32 $0x1900, v9;
	v63 =	vsel vm3, $0xFFFFFFFF, v8;
	v13 =	vshrl.u32 v13, $0x4  }
0x454: {  	v10 =	vsel vm5, v10, v11;
	v12 =	vmul.u32 $0x1900, v12;
	v13 =	vadd.s32 v63, v13  }
0x455: {  	v9 =	vadd.s32 v60, v9;
	vm0 =	vcmask $0x1724;
	v11 =	vmul.u32 $0x1900, v13  }
0x456: {  	vm6 =	vcmask $0x1B24;
	v9 =	vsel vm0, v10, v9;
	v10 =	vadd.s32 v62, v12  }
0x457: {  	vm7 =	vcmask $0x1F24;
	v9 =	vsel vm6, v9, v10;
	v10 =	vadd.s32 v61, v11  }
0x458: {  	[tilespmem:v7+s23+$0x0] =	vst.idx.msk $0x1, v0;
	v9 =	vsel vm7, v9, v10  }
0x459: {  	s30 =	simm.s32 $0x10;
	s5 =	simm.s32 $0x1C80;
	s29 =	rddreg [dreg:$0x1];
	[tilespmem:$0x1C00] =	vst v9  }
0x45a: {  	[tilespmem:s5], [sflag:$0x1] =	stream.indirect.gather [hbm4b:s29+s30], $0x1, s31, s30, $0xb8;
	[tilespmem:$0x1D20] =	vst v63  }
0x45b: {  	_ =	swait.ge [sflag:s26], $0x10  }
0x45c: {  	[sflag:s26] =	ssyncset.done $0x0  }
0x45d: {  	[sflag:s26] =	ssyncadd.s32 $0xFFFFFFF0  }
0x45e: {  	v7 =	vld [tilespmem:$0x1C80];
	_ =	sdelay $0x4  }
0x45f: {  	v9 =	vperm.xlane v7, v8  }
0x460: {  	v10 =	vimm.s32 $0x1  }
0x461: {  	v10 =	vperm.xlane v7, v10;
	vm3 =	veq.s32 v7, v9;
	v9 =	vimm.s32 $0x2  }
0x462: {  	v9 =	vperm.xlane v7, v9  }
0x463: {  	v12 =	vimm.s32 $0x4;
	v11 =	vsel vm3, $0x1, v8;
	vm3 =	veq.s32 v7, v10  }
0x464: {  	v10 =	vsel vm3, $0x1, v8;
	vm3 =	veq.s32 v7, v9;
	v9 =	vimm.s32 $0x3  }
0x465: {  	v10 =	vadd.s32 v11, v10;
	v9 =	vperm.xlane v7, v9;
	v11 =	vsel vm3, $0x1, v8  }
0x466: {  	v12 =	vperm.xlane v7, v12;
	v10 =	vadd.s32 v11, v10;
	v11 =	vimm.s32 $0x5  }
0x467: {  	vm3 =	veq.s32 v7, v9;
	v11 =	vperm.xlane v7, v11  }
0x468: {  	v9 =	vsel vm3, $0x1, v8;
	vm3 =	veq.s32 v7, v12;
	v12 =	vimm.s32 $0x6  }
0x469: {  	v9 =	vadd.s32 v9, v10;
	v10 =	vsel vm3, $0x1, v8;
	v12 =	vperm.xlane v7, v12  }
0x46a: {  	vm3 =	veq.s32 v7, v11;
	v9 =	vadd.s32 v10, v9;
	v10 =	vperm.xlane v7, v14  }
0x46b: {  	v11 =	vsel vm3, $0x1, v8;
	vm3 =	veq.s32 v7, v12;
	v12 =	vperm.xlane v7, v15  }
0x46c: {  	v9 =	vadd.s32 v11, v9;
	v11 =	vsel vm3, $0x1, v8;
	vm3 =	veq.s32 v7, v10  }
0x46d: {  	v9 =	vadd.s32 v11, v9;
	v10 =	vsel vm3, $0x1, v8;
	vm3 =	veq.s32 v7, v12  }
0x46e: {  	v9 =	vadd.s32 v10, v9;
	v10 =	vsel vm3, $0x1, v8  }
0x46f: {  	vm3 =	vmmov $0x1ff;
	v9 =	vadd.s32 v10, v9  }
0x470: {  	v9 =	vnsel vm3, $0x0, v9  }
0x471: {  	v10 =	vperm.xlane v9, v1;
	_ =	sdelay $0x1  }
0x472: {  	vm4 =	vgt.s32 v9, v10  }
0x473: {  	v10 =	vsel vm4, v9, v10  }
0x474: {  	v11 =	vperm.xlane v10, v3;
	_ =	sdelay $0x1  }
0x475: {  	vm4 =	vgt.s32 v10, v11  }
0x476: {  	v10 =	vsel vm4, v10, v11  }
0x477: {  	v11 =	vperm.xlane v10, v4;
	_ =	sdelay $0x1  }
0x478: {  	vm4 =	vgt.s32 v10, v11  }
0x479: {  	v10 =	vsel vm4, v10, v11  }
0x47a: {  	v11 =	vperm.xlane v10, v5;
	_ =	sdelay $0x1  }
0x47b: {  	vm4 =	vgt.s32 v10, v11  }
0x47c: {  	v10 =	vsel vm4, v10, v11  }
0x47d: {  	vm4 =	veq.s32 v9, v10  }
0x47e: {  	vm3 =	vmand vm4, vm3  }
0x47f: {  	v9 =	vnsel vm3, $0x7FFFFFFF, v7  }
0x480: {  	v11 =	vperm.xlane v9, v1;
	_ =	sdelay $0x1  }
0x481: {  	vm3 =	vlt.s32 v9, v11  }
0x482: {  	v9 =	vsel vm3, v9, v11  }
0x483: {  	v11 =	vperm.xlane v9, v3;
	_ =	sdelay $0x1  }
0x484: {  	vm3 =	vlt.s32 v9, v11  }
0x485: {  	v9 =	vsel vm3, v9, v11  }
0x486: {  	v11 =	vperm.xlane v9, v4;
	_ =	sdelay $0x1  }
0x487: {  	vm3 =	vlt.s32 v9, v11  }
0x488: {  	v9 =	vsel vm3, v9, v11  }
0x489: {  	v11 =	vperm.xlane v9, v5;
	_ =	sdelay $0x1  }
0x48a: {  	vm3 =	vlt.s32 v9, v11  }
0x48b: {  	v12 =	vand.u32 $0xF, v2;
	v9 =	vsel vm3, v9, v11;
	vm3 =	vcmask $0x1F00  }
0x48c: {  	vm4 =	vcmask $0x2320;
	v11 =	vnsel vm3, $0x7FFFFFFF, v12  }
0x48d: {  	vm3 =	veq.s32 v7, v9;
	v7 =	vsel vm4, $0x8, v11  }
0x48e: {  	v7 =	vnsel vm3, $0x7FFFFFFF, v7  }
0x48f: {  	v12 =	vld [tilespmem:$0x1FFC0];
	v11 =	vperm.xlane v7, v1;
	_ =	sdelay $0x1  }
0x490: {  	vm3 =	vlt.s32 v7, v11  }
0x491: {  	v7 =	vsel vm3, v7, v11  }
0x492: {  	v11 =	vperm.xlane v7, v3  }
0x493: {  	vm4 =	vnez.u8 v12  }
0x494: {  	v12 =	vsel vm4, v18, v17;
	vm3 =	vlt.s32 v7, v11  }
0x495: {  	v7 =	vsel vm3, v7, v11;
	v11 =	vnsel vm1, $0xFF800000, v12;
	v12 =	vld [tilespmem:$0x1FFD0];
	_ =	sdelay $0x4  }
0x496: {  	vm4 =	vnez.u8 v12  }
0x497: {  	v17 =	vld [tilespmem:$0x1FFE0];
	v12 =	vsel vm4, v33, v32  }
0x498: {  	v11 =	vsel vm13, v11, v12;
	v12 =	vld [tilespmem:$0x1FFF0];
	_ =	sdelay $0x3  }
0x499: {  	v13 =	vperm.xlane v7, v4;
	vm4 =	vnez.u8 v17  }
0x49a: {  	v17 =	vsel vm4, v37, v36;
	vm4 =	vnez.u8 v12  }
0x49b: {  	vm13 =	vlt.s32 v7, v13;
	v11 =	vsel vm10, v11, v17;
	v12 =	vsel vm4, v41, v40  }
0x49c: {  	v17 =	vsel vm14, v46, v45;
	v7 =	vsel vm13, v7, v13;
	v11 =	vsel vm11, v11, v12  }
0x49d: {  	v13 =	vperm.xlane v7, v5;
	v12 =	vsel vm15, v51, v49;
	v11 =	vsel vm8, v11, v17  }
0x49e: {  	v11 =	vsel vm5, v11, v12;
	v12 =	vsel vm12, v55, v54  }
0x49f: {  	vm15 =	vlt.s32 v7, v13;
	v11 =	vsel vm0, v11, v12;
	v12 =	vsel vm9, v59, v58  }
0x4a0: {  	v7 =	vsel vm15, v7, v13;
	v11 =	vsel vm6, v11, v12;
	v12 =	vsel vm2, v52, v19  }
0x4a1: {  	vm0 =	veq.s32 v7, v6;
	v11 =	vsel vm7, v11, v12  }
0x4a2: {  	v7 =	vnsel vm0, $0xFF800000, v11  }
0x4a3: {  	v11 =	vperm.xlane v7, v1;
	_ =	sdelay $0x1  }
0x4a4: {  	v7 =	vmax.f32 v7, v11  }
0x4a5: {  	v11 =	vperm.xlane v7, v3  }
0x4a6: {  	[tilespmem:$0x1980] =	vst v9  }
0x4a7: {  	_ =	sdelay $0x7ff;
	v7 =	vmax.f32 v7, v11  }
0x4a8: {  	_ =	sdelay $0x15e;
	v9 =	vperm.xlane v7, v4  }
0x4a9: {  	s30 =	rddreg [dreg:$0x2]  }
0x4aa: {  	[hbm4b:s30+s8] =	stream.linear.scatter [tilespmem:s22], [sflag:$0x2], $0x80, $0x38;
	v7 =	vmax.f32 v7, v9;
	[tilespmem:$0x1D20] =	vst v63  }
0x4ab: {  	_ =	swait.ge [sflag:s20], $0x80;
	v9 =	vperm.xlane v7, v5  }
0x4ac: {  	[sflag:s20] =	ssyncset.done $0x0  }
0x4ad: {  	[sflag:s20] =	ssyncadd.s32 $0xFFFFFF80;
	v7 =	vmax.f32 v7, v9  }
0x4ae: {  	[tilespmem:$0x1900] =	vst v7  }
0x4af: {  	_ =	sdelay $0x7ff  }
0x4b0: {  	_ =	sdelay $0x15e  }
0x4b1: {  	s5 =	rddreg [dreg:$0x3]  }
0x4b2: {  	v7 =	vcvt.s32.f32 v10;
	[hbm4b:s5+s8] =	stream.linear.scatter [tilespmem:s21], [sflag:$0x2], $0x80, $0x38;
	[tilespmem:$0x1D20] =	vst v63  }
0x4b3: {  	_ =	swait.ge [sflag:s20], $0x80  }
0x4b4: {  	v7 =	vmul.f32 v7, v16;
	[sflag:s20] =	ssyncset.done $0x0  }
0x4b5: {  	[sflag:s20] =	ssyncadd.s32 $0xFFFFFF80  }
0x4b6: {  	[tilespmem:$0x1900] =	vst v7  }
0x4b7: {  	_ =	sdelay $0x7ff  }
0x4b8: {  	_ =	sdelay $0x15e  }
.Ltmp17:
0x4b9: {  	s30 =	rddreg [dreg:$0x4];
	(pc) =	sbr.rel .LBB2_29-.Ltmp17, $4  }
0x4ba: {  	[hbm4b:s30+s8] =	stream.linear.scatter [tilespmem:s21], [sflag:$0x2], $0x80, $0x38;
	[tilespmem:$0x1D20] =	vst v63  }
0x4bb: {  	_ =	swait.ge [sflag:s20], $0x80  }
0x4bc: {  	[sflag:s20] =	ssyncset.done $0x0  }
0x4bd: {  	[sflag:s20] =	ssyncadd.s32 $0xFFFFFF80  }
.LBB2_30:
0x4be: {  	_ =	sfence.sel $0x180000  }
0x4bf: {  	[bflag:$0x0] =	sbarrier.arrive $0xFFFF  }
0x4c0: {  	_ =	strace $0x90000047  }
0x4c1: {  	s0 =	stileid.u32;
	[bflag:$0x2] =	sbarrier.arrive $0xFFFF  }
0x4c2: {  	p0 =	sne.s32 s0, $0x0;
	s0 =	rddreg [dreg:$0x7]  }
0x4c3: {  	s0 =	sadd.s32 @!p0 $0x100000, s0  }
0x4c4: {  	[sflag:s0] =	ssyncadd.tile.s32 @!p0 $0x1;
	_ =	shalt  }
.Lfunc_end2:
_tile_overlayer_lowered:
.L_overlay_start_2:
0x4c5: {  	(tag) =	ssettag $0x2  }
0x4c6: {  	s0 =	rddreg [dreg:$0x0];
	s2 =	stileid.u32  }
0x4c7: {  	s1 =	rddreg [dreg:$0x1];
	p0 =	sne.s32 s2, $0x0  }
0x4c8: {  	s3 =	rddreg [dreg:$0x2];
	[bflag:$0x3] =	sbarrier.arrive $0xFFFF;
	s2 =	simm.s32 @!p0 $0x1C02  }
0x4c9: {  	[timem:s3], [sflag:s2] =	dma.local @!p0 [hbm:s0], s1  }
0x4ca: {  	s0 =	simm.s32 @!p0 $0x2  }
0x4cb: {  	_ =	swait.ge @!p0 [sflag:s0], s1  }
0x4cc: {  	s1 =	ssub.s32 @!p0 $0x0, s1;
	[sflag:s0] =	ssyncset.done @!p0 $0x0  }
0x4cd: {  	[sflag:s0] =	ssyncadd.s32 @!p0 s1  }
0x4ce: {  	[bflag:$0x3] =	sbarrier.arrive $0xFFFF  }
0x4cf: {  	_ =	shalt  }

</sc_bundles>
